<compile_context>
chip_gen: v7x
topology: tpu7x:2x2x1
jax: 0.10.2.dev20260603
libtpu: 0.0.44.dev20260713+nightly
codegen_flags: <defaults>
</compile_context>

<pallas_src>
import functools

import jax
import jax.numpy as jnp
from jax import lax
from jax.experimental import pallas as pl
from jax.experimental.pallas import tpu as pltpu
from jax.experimental.pallas import tpu_sc as plsc

M = 2048
NN = 16
B = 2
J = 4
ENC = 5
PK = 128

NC = 2
NS = 16
NW = NC * NS
E = M * NN
EPW = E // NW
NCHUNK = 2
CH = EPW // NCHUNK
EPT = E // NS
DEDUP_ROUNDS = 3

_GDN = lax.GatherDimensionNumbers(offset_dims=(), collapsed_slice_dims=(0,),
                                  start_index_map=(0,))


def _shuf(vec, perm):
    return lax.gather(vec, perm.reshape(16, 1), _GDN, (1,),
                      mode=lax.GatherScatterMode.PROMISE_IN_BOUNDS)


def _xlane(vec, op):
    for k in (1, 2, 4, 8):
        perm = lax.bitwise_xor(lax.iota(jnp.int32, 16), k)
        vec = op(vec, _shuf(vec, perm))
    return vec


def _make_edges():
    mesh = plsc.VectorSubcoreMesh(core_axis_name="c", subcore_axis_name="s")
    out_type = (
        jax.ShapeDtypeStruct((E,), jnp.float32),
        jax.ShapeDtypeStruct((E,), jnp.float32),
    )

    @functools.partial(
        pl.kernel, mesh=mesh, out_type=out_type,
        scratch_types=[
            pltpu.VMEM((EPW,), jnp.float32),
            pltpu.VMEM((EPW,), jnp.float32),
            pltpu.VMEM((EPW,), jnp.float32),
            pltpu.VMEM((EPW,), jnp.float32),
            pltpu.VMEM((EPW,), jnp.float32),
            pltpu.VMEM((EPW,), jnp.float32),
            pltpu.VMEM((EPW,), jnp.float32),
            pltpu.VMEM((80, 16), jnp.float32),
        ],
    )
    def edges(eh0, eh1, eh2, eh3, eh4, tab_hbm,
              a0_hbm, a1_hbm,
              ec0, ec1, ec2, ec3, ec4, a0_v, a1_v, tab_v):
        ecs = (ec0, ec1, ec2, ec3, ec4)
        ehs = (eh0, eh1, eh2, eh3, eh4)
        c = lax.axis_index("c")
        s = lax.axis_index("s")
        wid = c * NS + s
        base_a = wid * EPW

        for cc in range(ENC):
            pltpu.sync_copy(ehs[cc].at[pl.ds(base_a, EPW)], ecs[cc])
        pltpu.sync_copy(tab_hbm, tab_v)

        def grp(g, _):
            sl = pl.ds(g * 16, 16)
            emb = [ecs[cc][sl] for cc in range(ENC)]
            for l, av in ((0, a0_v), (1, a1_v)):
                off = 40 * l
                w = jnp.zeros((16,), jnp.float32)
                for j in range(J):
                    t = jnp.zeros((16,), jnp.float32)
                    for cc in range(ENC):
                        u = emb[cc] - tab_v[off + j * 5 + cc]
                        t = t + u * tab_v[off + 20 + j * 5 + cc] * u
                    w = w + jnp.exp(-0.5 * t)
                mx = _xlane(w, jnp.maximum)
                ew = jnp.exp(w - mx)
                av[sl] = ew / _xlane(ew, jnp.add)
            return 0
        lax.fori_loop(0, EPW // 16, grp, 0)
        pltpu.sync_copy(a0_v, a0_hbm.at[pl.ds(base_a, EPW)])
        pltpu.sync_copy(a1_v, a1_hbm.at[pl.ds(base_a, EPW)])

    return edges


_edges = _make_edges()


def _make_spmm(F):
    mesh = plsc.VectorSubcoreMesh(core_axis_name="c", subcore_axis_name="s")

    @functools.partial(
        pl.kernel, mesh=mesh,
        out_type=jax.ShapeDtypeStruct((NC, M, PK), jnp.float32),
        scratch_types=[
            pltpu.VMEM((EPW,), jnp.int32),
            pltpu.VMEM((CH,), jnp.int32),
            pltpu.VMEM((CH,), jnp.int32),
            pltpu.VMEM((CH,), jnp.int32),
            pltpu.VMEM((CH,), jnp.int32),
            pltpu.VMEM((EPW,), jnp.float32),
            pltpu.VMEM((EPW,), jnp.float32),
            pltpu.VMEM((EPW,), jnp.float32),
            pltpu.VMEM((CH, PK), jnp.float32),
            pltpu.VMEM_SHARED((M, PK), jnp.float32),
            pltpu.SemaphoreType.DMA,
        ],
    )
    def spmm(lidx_hbm, a_hbm, mask0_hbm, mask1_hbm, hp_hbm, zeros_hbm, out_hbm,
             idx_v, n_v0, n_v1, m_v0, m_v1, a_v, mask_v, mask2_v, rows, acc, sem):
        n_vs = (n_v0, n_v1)
        m_vs = (m_v0, m_v1)
        c = lax.axis_index("c")
        s = lax.axis_index("s")
        wid = c * NS + s
        base = wid * EPW
        rpt = M // NS

        pltpu.sync_copy(lidx_hbm.at[pl.ds(base, EPW)], idx_v)
        pltpu.sync_copy(a_hbm.at[pl.ds(base, EPW)], a_v)
        pltpu.sync_copy(mask0_hbm.at[pl.ds(base, EPW)], mask_v)
        pltpu.sync_copy(mask1_hbm.at[pl.ds(base, EPW)], mask2_v)

        def apply_mask(k, _):
            sl = pl.ds(k * 16, 16)
            a_v[sl] = a_v[sl] * (mask_v[sl] + mask2_v[sl])
            return 0
        lax.fori_loop(0, EPW // 16, apply_mask, 0)

        for ch in range(NCHUNK):
            def decomp(k, _, ch=ch):
                vec = idx_v[pl.ds(ch * CH + k * 16, 16)]
                n_vs[ch][pl.ds(k * 16, 16)] = lax.shift_right_logical(vec, 11)
                m_vs[ch][pl.ds(k * 16, 16)] = lax.bitwise_and(vec, 2047)
                return 0
            lax.fori_loop(0, CH // 16, decomp, 0)

        pltpu.sync_copy(zeros_hbm, acc.at[pl.ds(s * rpt, rpt)])
        plsc.subcore_barrier()

        for ch in range(NCHUNK):
            pltpu.async_copy(hp_hbm.at[m_vs[ch]], rows, sem).wait()

            def scale(k, _):
                av = a_v[pl.ds(ch * CH + k * 16, 16)]
                for j in range(16):
                    avj = lax.gather(
                        av, jnp.full((16, 1), j, jnp.int32),
                        lax.GatherDimensionNumbers(offset_dims=(),
                                                   collapsed_slice_dims=(0,),
                                                   start_index_map=(0,)),
                        (1,), mode=lax.GatherScatterMode.PROMISE_IN_BOUNDS)
                    i = k * 16 + j
                    for b in range(B):
                        for fc in range(F // 16):
                            sl = pl.ds(b * 64 + fc * 16, 16)
                            rows[i, sl] = rows[i, sl] * avj
                return 0
            lax.fori_loop(0, CH // 16, scale, 0)

            pltpu.sync_copy(rows, acc.at[n_vs[ch]], add=True)

        plsc.subcore_barrier()
        pltpu.sync_copy(acc.at[pl.ds(s * rpt, rpt)],
                        out_hbm.at[c].at[pl.ds(s * rpt, rpt)])

    return spmm


_spmm16 = _make_spmm(16)
_spmm32 = _make_spmm(32)


def kernel(x, pseudo, L_idx, W_edge, b_edge, W1_0, b1_0, W2_0, b2_0, gamma_0, beta_0, sigma_0, mu_0, W1_1, b1_1, W2_1, b2_1, gamma_1, beta_1, sigma_1, mu_1, fc1_W, fc1_b, fc2_W, fc2_b):
    embed = pseudo.reshape(-1, 2) @ W_edge + b_edge
    rows = []
    for sigma, mu in ((sigma_0, mu_0), (sigma_1, mu_1)):
        rows += [mu[j, cc] for j in range(J) for cc in range(ENC)]
        rows += [sigma[j, cc] for j in range(J) for cc in range(ENC)]
    tab = jnp.broadcast_to(jnp.stack(rows)[:, None], (80, 16))
    a0, a1 = _edges(embed[:, 0], embed[:, 1], embed[:, 2],
                    embed[:, 3], embed[:, 4], tab)
    eid = jnp.arange(E, dtype=jnp.int32)
    wbuf = jnp.zeros((M * M,), dtype=jnp.int32).at[L_idx].max(eid + 1)
    mask0 = (wbuf[L_idx] == eid + 1).astype(jnp.float32)
    mask1 = jnp.zeros((E,), jnp.float32)
    zeros = jnp.zeros((M // NS, PK), jnp.float32)

    layers = [(16, _spmm16, a0, W1_0, b1_0, W2_0, b2_0, gamma_0, beta_0),
              (32, _spmm32, a1, W1_1, b1_1, W2_1, b2_1, gamma_1, beta_1)]
    h = x
    for (F, spmm, a, W1, b1, W2, b2, gamma, beta) in layers:
        hp = jnp.zeros((M, PK), jnp.float32)
        hp = hp.at[:, 0:F].set(h[0]).at[:, 64:64 + F].set(h[1])
        partial = spmm(L_idx, a, mask0, mask1, hp, zeros)
        psum = partial[0] + partial[1]
        Lx = jnp.stack([psum[:, 0:F], psum[:, 64:64 + F]])
        z = Lx @ W1 + b1 + h @ W2 + b2
        mean = jnp.mean(z, axis=(0, 1))
        var = jnp.var(z, axis=(0, 1))
        z = (z - mean) / jnp.sqrt(var + 1e-5) * gamma + beta
        h = jax.nn.relu(z)
    h = h.reshape(B, -1)
    h = jax.nn.relu(h @ fc1_W + fc1_b)
    return h @ fc2_W + fc2_b

# --- scband reference (transcript-rebuilt; emitter-appended) ---
"""Pipeline reference for scband-model-80985903333896 (READ-ONLY COPY).

The authoritative reference and input builder live on the scoring server;
editing this copy changes nothing except your own understanding.
"""

import jax, jax.numpy as jnp
import numpy as np

M = 2048
NN = 16
D_IN = 16
B = 2
C = 32
J = 4
ED = 2
ENC = 5
H1 = 256
NCLS = 53
NUMLAYERS = 2


def setup_inputs(seed: int = 0):
    key = jax.random.key(seed)
    ks = jax.random.split(key, 40)
    inp = {}
    inp["x"] = jax.random.normal(ks[0], (B, M, D_IN), dtype=jnp.float32)
    inp["pseudo"] = jax.random.normal(ks[1], (M * NN, ED), dtype=jnp.float32)
    inp["L_idx"] = jax.random.randint(ks[2], (M * NN,), 0, M * M, dtype=jnp.int32)
    inp["W_edge"] = jax.random.normal(ks[3], (ED, ENC), dtype=jnp.float32) * (1.0 / np.sqrt(ED))
    inp["b_edge"] = jnp.zeros((ENC,), dtype=jnp.float32)
    dims = [D_IN, C]
    for i in range(NUMLAYERS):
        d_in = dims[i]
        base = 4 + 8 * i
        inp["W1_%d" % i] = jax.random.normal(ks[base], (d_in, C), dtype=jnp.float32) * (1.0 / np.sqrt(d_in))
        inp["b1_%d" % i] = jnp.zeros((C,), dtype=jnp.float32)
        inp["W2_%d" % i] = jax.random.normal(ks[base + 1], (d_in, C), dtype=jnp.float32) * (1.0 / np.sqrt(d_in))
        inp["b2_%d" % i] = jnp.zeros((C,), dtype=jnp.float32)
        inp["gamma_%d" % i] = jnp.ones((C,), dtype=jnp.float32)
        inp["beta_%d" % i] = jnp.zeros((C,), dtype=jnp.float32)
        inp["sigma_%d" % i] = jax.random.normal(ks[base + 2], (J, ENC), dtype=jnp.float32)
        inp["mu_%d" % i] = jax.random.normal(ks[base + 3], (J, ENC), dtype=jnp.float32)
    inp["fc1_W"] = jax.random.normal(ks[30], (M * C, H1), dtype=jnp.float32) * (1.0 / np.sqrt(M * C))
    inp["fc1_b"] = jnp.zeros((H1,), dtype=jnp.float32)
    inp["fc2_W"] = jax.random.normal(ks[31], (H1, NCLS), dtype=jnp.float32) * (1.0 / np.sqrt(H1))
    inp["fc2_b"] = jnp.zeros((NCLS,), dtype=jnp.float32)
    return inp


def _get_L(pseudo, L_idx, W_edge, b_edge, sigma, mu):
    # edge_fc: [E, ED] -> [E, ENC]
    embed = pseudo.reshape(-1, ED) @ W_edge + b_edge
    w = jnp.zeros((embed.shape[0],), dtype=embed.dtype)
    for j in range(J):
        u = embed - mu[j]
        # torch.mm(u, diag(sigma[j])) then bmm with u^T == sum(u * sigma_j * u)
        tmp = jnp.sum(u * sigma[j] * u, axis=1)
        w = w + jnp.exp(-0.5 * tmp)
    # F.softmax default dim=1 on 2D tensor [m, nn_num]
    attn = jax.nn.softmax(w.reshape(M, NN), axis=1).reshape(-1)
    # scatter-overwrite into dense flattened m*m Laplacian
    L = jnp.zeros((M * M,), dtype=attn.dtype).at[L_idx].set(attn)
    return L.reshape(M, M)


def _bn_relu(h, gamma, beta):
    # BatchNorm1d over channels of [B, C, m] (train-mode batch stats, biased var)
    mean = jnp.mean(h, axis=(0, 1))
    var = jnp.var(h, axis=(0, 1))
    h = (h - mean) / jnp.sqrt(var + 1e-5) * gamma + beta
    return jax.nn.relu(h)


def reference(x, pseudo, L_idx, W_edge, b_edge, W1_0, b1_0, W2_0, b2_0, gamma_0, beta_0, sigma_0, mu_0, W1_1, b1_1, W2_1, b2_1, gamma_1, beta_1, sigma_1, mu_1, fc1_W, fc1_b, fc2_W, fc2_b):
    layers = [(W1_0, b1_0, W2_0, b2_0, gamma_0, beta_0, sigma_0, mu_0),
              (W1_1, b1_1, W2_1, b2_1, gamma_1, beta_1, sigma_1, mu_1)]
    h = x
    for (W1, b1, W2, b2, gamma, beta, sigma, mu) in layers:
        L = _get_L(pseudo, L_idx, W_edge, b_edge, sigma, mu)
        # L expanded over batch: bmm(L, x)
        Lx = jnp.einsum('nm,bmf->bnf', L, h)
        z = Lx @ W1 + b1 + h @ W2 + b2
        h = _bn_relu(z, gamma, beta)
    h = h.reshape(B, M * C)
    h = jax.nn.relu(h @ fc1_W + fc1_b)
    return h @ fc2_W + fc2_b

if __name__ == "__main__":
    import jax
    _d = setup_inputs()
    print(jax.jit(kernel)(*tuple(_d.values())))

</pallas_src>

<mosaic_0001>
#map = affine_map<(d0, d1) -> (0)>
#map1 = affine_map<(d0, d1) -> (0, 0)>
module attributes {stable_mosaic.version = 14 : i64} {
  func.func @edges(%arg0: i32, %arg1: i32, %arg2: memref<32768xf32, #tpu.memory_space<hbm>>, %arg3: memref<32768xf32, #tpu.memory_space<hbm>>, %arg4: memref<32768xf32, #tpu.memory_space<hbm>>, %arg5: memref<32768xf32, #tpu.memory_space<hbm>>, %arg6: memref<32768xf32, #tpu.memory_space<hbm>>, %arg7: memref<80x16xf32, #tpu.memory_space<hbm>>, %arg8: memref<32768xf32, #tpu.memory_space<hbm>>, %arg9: memref<32768xf32, #tpu.memory_space<hbm>>, %arg10: memref<1024xf32, #tpu.memory_space<vmem>>, %arg11: memref<1024xf32, #tpu.memory_space<vmem>>, %arg12: memref<1024xf32, #tpu.memory_space<vmem>>, %arg13: memref<1024xf32, #tpu.memory_space<vmem>>, %arg14: memref<1024xf32, #tpu.memory_space<vmem>>, %arg15: memref<1024xf32, #tpu.memory_space<vmem>>, %arg16: memref<1024xf32, #tpu.memory_space<vmem>>, %arg17: memref<80x16xf32, #tpu.memory_space<vmem>>) attributes {dimension_semantics = [#tpu.dimension_semantics<core_parallel>, #tpu.dimension_semantics<subcore_parallel>], iteration_bounds = array<i64: 2, 16>, scalar_prefetch = 0 : i64, scratch_operands = 8 : i64, tpu.core_type = #tpu.core_type<sc_vector_subcore>, window_params = [{transform_indices = #map}, {transform_indices = #map}, {transform_indices = #map}, {transform_indices = #map}, {transform_indices = #map}, {transform_indices = #map1}, {transform_indices = #map}, {transform_indices = #map}]} {
    %mul3A = arith.constant 16 : i32
    %mul3A_0 = arith.muli %arg0, %mul3A : i32
    %add3A = arith.addi %mul3A_0, %arg1 : i32
    %mul3A_1 = arith.constant 1024 : i32
    %mul3A_2 = arith.muli %add3A, %mul3A_1 : i32
    "tpu.region"() ({
      %run_scoped3A = tpu.sem_alloc : memref<!tpu.dma_semaphore, #tpu.memory_space<semaphore_mem>>
      %dma_start3A = tpu.memref_slice %arg2[%mul3A_2] : memref<32768xf32, #tpu.memory_space<hbm>> -> memref<1024xf32, #tpu.memory_space<hbm>>
      %dma_start3A_9 = tpu.memref_slice %arg2[%mul3A_2] : memref<32768xf32, #tpu.memory_space<hbm>> -> memref<1024xf32, #tpu.memory_space<hbm>>
      tpu.enqueue_dma source(%dma_start3A_9 : memref<1024xf32, #tpu.memory_space<hbm>>) target(%arg10 : memref<1024xf32, #tpu.memory_space<vmem>>) target_semaphore(%run_scoped3A : memref<!tpu.dma_semaphore, #tpu.memory_space<semaphore_mem>>)
      %dma_wait3A = tpu.memref_slice %arg2[%mul3A_2] : memref<32768xf32, #tpu.memory_space<hbm>> -> memref<1024xf32, #tpu.memory_space<hbm>>
      %dma_wait3A_10 = tpu.memref_slice %arg2[%mul3A_2] : memref<32768xf32, #tpu.memory_space<hbm>> -> memref<1024xf32, #tpu.memory_space<hbm>>
      tpu.wait_dma2 semaphore(%run_scoped3A : memref<!tpu.dma_semaphore, #tpu.memory_space<semaphore_mem>>) src(%dma_wait3A_10 : memref<1024xf32, #tpu.memory_space<hbm>>) dst(%arg10 : memref<1024xf32, #tpu.memory_space<vmem>>)
      tpu.yield
    }) : () -> ()
    "tpu.region"() ({
      %run_scoped3A = tpu.sem_alloc : memref<!tpu.dma_semaphore, #tpu.memory_space<semaphore_mem>>
      %dma_start3A = tpu.memref_slice %arg3[%mul3A_2] : memref<32768xf32, #tpu.memory_space<hbm>> -> memref<1024xf32, #tpu.memory_space<hbm>>
      %dma_start3A_9 = tpu.memref_slice %arg3[%mul3A_2] : memref<32768xf32, #tpu.memory_space<hbm>> -> memref<1024xf32, #tpu.memory_space<hbm>>
      tpu.enqueue_dma source(%dma_start3A_9 : memref<1024xf32, #tpu.memory_space<hbm>>) target(%arg11 : memref<1024xf32, #tpu.memory_space<vmem>>) target_semaphore(%run_scoped3A : memref<!tpu.dma_semaphore, #tpu.memory_space<semaphore_mem>>)
      %dma_wait3A = tpu.memref_slice %arg3[%mul3A_2] : memref<32768xf32, #tpu.memory_space<hbm>> -> memref<1024xf32, #tpu.memory_space<hbm>>
      %dma_wait3A_10 = tpu.memref_slice %arg3[%mul3A_2] : memref<32768xf32, #tpu.memory_space<hbm>> -> memref<1024xf32, #tpu.memory_space<hbm>>
      tpu.wait_dma2 semaphore(%run_scoped3A : memref<!tpu.dma_semaphore, #tpu.memory_space<semaphore_mem>>) src(%dma_wait3A_10 : memref<1024xf32, #tpu.memory_space<hbm>>) dst(%arg11 : memref<1024xf32, #tpu.memory_space<vmem>>)
      tpu.yield
    }) : () -> ()
    "tpu.region"() ({
      %run_scoped3A = tpu.sem_alloc : memref<!tpu.dma_semaphore, #tpu.memory_space<semaphore_mem>>
      %dma_start3A = tpu.memref_slice %arg4[%mul3A_2] : memref<32768xf32, #tpu.memory_space<hbm>> -> memref<1024xf32, #tpu.memory_space<hbm>>
      %dma_start3A_9 = tpu.memref_slice %arg4[%mul3A_2] : memref<32768xf32, #tpu.memory_space<hbm>> -> memref<1024xf32, #tpu.memory_space<hbm>>
      tpu.enqueue_dma source(%dma_start3A_9 : memref<1024xf32, #tpu.memory_space<hbm>>) target(%arg12 : memref<1024xf32, #tpu.memory_space<vmem>>) target_semaphore(%run_scoped3A : memref<!tpu.dma_semaphore, #tpu.memory_space<semaphore_mem>>)
      %dma_wait3A = tpu.memref_slice %arg4[%mul3A_2] : memref<32768xf32, #tpu.memory_space<hbm>> -> memref<1024xf32, #tpu.memory_space<hbm>>
      %dma_wait3A_10 = tpu.memref_slice %arg4[%mul3A_2] : memref<32768xf32, #tpu.memory_space<hbm>> -> memref<1024xf32, #tpu.memory_space<hbm>>
      tpu.wait_dma2 semaphore(%run_scoped3A : memref<!tpu.dma_semaphore, #tpu.memory_space<semaphore_mem>>) src(%dma_wait3A_10 : memref<1024xf32, #tpu.memory_space<hbm>>) dst(%arg12 : memref<1024xf32, #tpu.memory_space<vmem>>)
      tpu.yield
    }) : () -> ()
    "tpu.region"() ({
      %run_scoped3A = tpu.sem_alloc : memref<!tpu.dma_semaphore, #tpu.memory_space<semaphore_mem>>
      %dma_start3A = tpu.memref_slice %arg5[%mul3A_2] : memref<32768xf32, #tpu.memory_space<hbm>> -> memref<1024xf32, #tpu.memory_space<hbm>>
      %dma_start3A_9 = tpu.memref_slice %arg5[%mul3A_2] : memref<32768xf32, #tpu.memory_space<hbm>> -> memref<1024xf32, #tpu.memory_space<hbm>>
      tpu.enqueue_dma source(%dma_start3A_9 : memref<1024xf32, #tpu.memory_space<hbm>>) target(%arg13 : memref<1024xf32, #tpu.memory_space<vmem>>) target_semaphore(%run_scoped3A : memref<!tpu.dma_semaphore, #tpu.memory_space<semaphore_mem>>)
      %dma_wait3A = tpu.memref_slice %arg5[%mul3A_2] : memref<32768xf32, #tpu.memory_space<hbm>> -> memref<1024xf32, #tpu.memory_space<hbm>>
      %dma_wait3A_10 = tpu.memref_slice %arg5[%mul3A_2] : memref<32768xf32, #tpu.memory_space<hbm>> -> memref<1024xf32, #tpu.memory_space<hbm>>
      tpu.wait_dma2 semaphore(%run_scoped3A : memref<!tpu.dma_semaphore, #tpu.memory_space<semaphore_mem>>) src(%dma_wait3A_10 : memref<1024xf32, #tpu.memory_space<hbm>>) dst(%arg13 : memref<1024xf32, #tpu.memory_space<vmem>>)
      tpu.yield
    }) : () -> ()
    "tpu.region"() ({
      %run_scoped3A = tpu.sem_alloc : memref<!tpu.dma_semaphore, #tpu.memory_space<semaphore_mem>>
      %dma_start3A = tpu.memref_slice %arg6[%mul3A_2] : memref<32768xf32, #tpu.memory_space<hbm>> -> memref<1024xf32, #tpu.memory_space<hbm>>
      %dma_start3A_9 = tpu.memref_slice %arg6[%mul3A_2] : memref<32768xf32, #tpu.memory_space<hbm>> -> memref<1024xf32, #tpu.memory_space<hbm>>
      tpu.enqueue_dma source(%dma_start3A_9 : memref<1024xf32, #tpu.memory_space<hbm>>) target(%arg14 : memref<1024xf32, #tpu.memory_space<vmem>>) target_semaphore(%run_scoped3A : memref<!tpu.dma_semaphore, #tpu.memory_space<semaphore_mem>>)
      %dma_wait3A = tpu.memref_slice %arg6[%mul3A_2] : memref<32768xf32, #tpu.memory_space<hbm>> -> memref<1024xf32, #tpu.memory_space<hbm>>
      %dma_wait3A_10 = tpu.memref_slice %arg6[%mul3A_2] : memref<32768xf32, #tpu.memory_space<hbm>> -> memref<1024xf32, #tpu.memory_space<hbm>>
      tpu.wait_dma2 semaphore(%run_scoped3A : memref<!tpu.dma_semaphore, #tpu.memory_space<semaphore_mem>>) src(%dma_wait3A_10 : memref<1024xf32, #tpu.memory_space<hbm>>) dst(%arg14 : memref<1024xf32, #tpu.memory_space<vmem>>)
      tpu.yield
    }) : () -> ()
    "tpu.region"() ({
      %run_scoped3A = tpu.sem_alloc : memref<!tpu.dma_semaphore, #tpu.memory_space<semaphore_mem>>
      tpu.enqueue_dma source(%arg7 : memref<80x16xf32, #tpu.memory_space<hbm>>) target(%arg17 : memref<80x16xf32, #tpu.memory_space<vmem>>) target_semaphore(%run_scoped3A : memref<!tpu.dma_semaphore, #tpu.memory_space<semaphore_mem>>)
      tpu.wait_dma2 semaphore(%run_scoped3A : memref<!tpu.dma_semaphore, #tpu.memory_space<semaphore_mem>>) src(%arg7 : memref<80x16xf32, #tpu.memory_space<hbm>>) dst(%arg17 : memref<80x16xf32, #tpu.memory_space<vmem>>)
      tpu.yield
    }) : () -> ()
    %scan3A = arith.constant 0 : i32
    %scan3A_3 = arith.constant 0 : i32
    %scan3A_4 = arith.constant 64 : i32
    %scan3A_5 = arith.addi %scan3A_3, %scan3A_4 : i32
    %scan3A_6 = arith.constant 1 : i32
    %scan3A_7 = scf.for %scan3A_9 = %scan3A_3 to %scan3A_5 step %scan3A_6 iter_args(%scan3A_10 = %scan3A) -> (i32)  : i32 {
      %mul3A_11 = arith.constant 16 : i32
      %mul3A_12 = arith.muli %scan3A_9, %mul3A_11 : i32
      %get3A = arith.index_cast %mul3A_12 : i32 to index
      %get3A_13 = tpu.vector_load %arg10[%get3A] {strides = array<i32>} : memref<1024xf32, #tpu.memory_space<vmem>>, vector<16xf32>,
      %get3A_14 = vector.shape_cast %get3A_13 : vector<16xf32> to vector<16xf32>
      %get3A_15 = arith.index_cast %mul3A_12 : i32 to index
      %get3A_16 = tpu.vector_load %arg11[%get3A_15] {strides = array<i32>} : memref<1024xf32, #tpu.memory_space<vmem>>, vector<16xf32>,
      %get3A_17 = vector.shape_cast %get3A_16 : vector<16xf32> to vector<16xf32>
      %get3A_18 = arith.index_cast %mul3A_12 : i32 to index
      %get3A_19 = tpu.vector_load %arg12[%get3A_18] {strides = array<i32>} : memref<1024xf32, #tpu.memory_space<vmem>>, vector<16xf32>,
      %get3A_20 = vector.shape_cast %get3A_19 : vector<16xf32> to vector<16xf32>
      %get3A_21 = arith.index_cast %mul3A_12 : i32 to index
      %get3A_22 = tpu.vector_load %arg13[%get3A_21] {strides = array<i32>} : memref<1024xf32, #tpu.memory_space<vmem>>, vector<16xf32>,
      %get3A_23 = vector.shape_cast %get3A_22 : vector<16xf32> to vector<16xf32>
      %get3A_24 = arith.index_cast %mul3A_12 : i32 to index
      %get3A_25 = tpu.vector_load %arg14[%get3A_24] {strides = array<i32>} : memref<1024xf32, #tpu.memory_space<vmem>>, vector<16xf32>,
      %get3A_26 = vector.shape_cast %get3A_25 : vector<16xf32> to vector<16xf32>
      %broadcast_in_dim3A = arith.constant 0.000000e+00 : f32
      %broadcast_in_dim3A_27 = vector.broadcast %broadcast_in_dim3A : f32 to vector<16xf32>
      %broadcast_in_dim3A_28 = arith.constant 0.000000e+00 : f32
      %broadcast_in_dim3A_29 = vector.broadcast %broadcast_in_dim3A_28 : f32 to vector<16xf32>
      %get3A_30 = arith.constant 0 : i32
      %get3A_31 = arith.index_cast %get3A_30 : i32 to index
      %get3A_32 = arith.constant 0 : index
      %get3A_33 = tpu.vector_load %arg17[%get3A_31, %get3A_32] {strides = array<i32>} : memref<80x16xf32, #tpu.memory_space<vmem>>, vector<1x16xf32>,
      %get3A_34 = vector.shape_cast %get3A_33 : vector<1x16xf32> to vector<16xf32>
      %sub3A = arith.subf %get3A_14, %get3A_34 : vector<16xf32>
      %get3A_35 = arith.constant 20 : i32
      %get3A_36 = arith.index_cast %get3A_35 : i32 to index
      %get3A_37 = arith.constant 0 : index
      %get3A_38 = tpu.vector_load %arg17[%get3A_36, %get3A_37] {strides = array<i32>} : memref<80x16xf32, #tpu.memory_space<vmem>>, vector<1x16xf32>,
      %get3A_39 = vector.shape_cast %get3A_38 : vector<1x16xf32> to vector<16xf32>
      %mul3A_40 = arith.mulf %sub3A, %get3A_39 : vector<16xf32>
      %mul3A_41 = arith.mulf %mul3A_40, %sub3A : vector<16xf32>
      %add3A_42 = arith.addf %broadcast_in_dim3A_29, %mul3A_41 : vector<16xf32>
      %get3A_43 = arith.constant 1 : i32
      %get3A_44 = arith.index_cast %get3A_43 : i32 to index
      %get3A_45 = arith.constant 0 : index
      %get3A_46 = tpu.vector_load %arg17[%get3A_44, %get3A_45] {strides = array<i32>} : memref<80x16xf32, #tpu.memory_space<vmem>>, vector<1x16xf32>,
      %get3A_47 = vector.shape_cast %get3A_46 : vector<1x16xf32> to vector<16xf32>
      %sub3A_48 = arith.subf %get3A_17, %get3A_47 : vector<16xf32>
      %get3A_49 = arith.constant 21 : i32
      %get3A_50 = arith.index_cast %get3A_49 : i32 to index
      %get3A_51 = arith.constant 0 : index
      %get3A_52 = tpu.vector_load %arg17[%get3A_50, %get3A_51] {strides = array<i32>} : memref<80x16xf32, #tpu.memory_space<vmem>>, vector<1x16xf32>,
      %get3A_53 = vector.shape_cast %get3A_52 : vector<1x16xf32> to vector<16xf32>
      %mul3A_54 = arith.mulf %sub3A_48, %get3A_53 : vector<16xf32>
      %mul3A_55 = arith.mulf %mul3A_54, %sub3A_48 : vector<16xf32>
      %add3A_56 = arith.addf %add3A_42, %mul3A_55 : vector<16xf32>
      %get3A_57 = arith.constant 2 : i32
      %get3A_58 = arith.index_cast %get3A_57 : i32 to index
      %get3A_59 = arith.constant 0 : index
      %get3A_60 = tpu.vector_load %arg17[%get3A_58, %get3A_59] {strides = array<i32>} : memref<80x16xf32, #tpu.memory_space<vmem>>, vector<1x16xf32>,
      %get3A_61 = vector.shape_cast %get3A_60 : vector<1x16xf32> to vector<16xf32>
      %sub3A_62 = arith.subf %get3A_20, %get3A_61 : vector<16xf32>
      %get3A_63 = arith.constant 22 : i32
      %get3A_64 = arith.index_cast %get3A_63 : i32 to index
      %get3A_65 = arith.constant 0 : index
      %get3A_66 = tpu.vector_load %arg17[%get3A_64, %get3A_65] {strides = array<i32>} : memref<80x16xf32, #tpu.memory_space<vmem>>, vector<1x16xf32>,
      %get3A_67 = vector.shape_cast %get3A_66 : vector<1x16xf32> to vector<16xf32>
      %mul3A_68 = arith.mulf %sub3A_62, %get3A_67 : vector<16xf32>
      %mul3A_69 = arith.mulf %mul3A_68, %sub3A_62 : vector<16xf32>
      %add3A_70 = arith.addf %add3A_56, %mul3A_69 : vector<16xf32>
      %get3A_71 = arith.constant 3 : i32
      %get3A_72 = arith.index_cast %get3A_71 : i32 to index
      %get3A_73 = arith.constant 0 : index
      %get3A_74 = tpu.vector_load %arg17[%get3A_72, %get3A_73] {strides = array<i32>} : memref<80x16xf32, #tpu.memory_space<vmem>>, vector<1x16xf32>,
      %get3A_75 = vector.shape_cast %get3A_74 : vector<1x16xf32> to vector<16xf32>
      %sub3A_76 = arith.subf %get3A_23, %get3A_75 : vector<16xf32>
      %get3A_77 = arith.constant 23 : i32
      %get3A_78 = arith.index_cast %get3A_77 : i32 to index
      %get3A_79 = arith.constant 0 : index
      %get3A_80 = tpu.vector_load %arg17[%get3A_78, %get3A_79] {strides = array<i32>} : memref<80x16xf32, #tpu.memory_space<vmem>>, vector<1x16xf32>,
      %get3A_81 = vector.shape_cast %get3A_80 : vector<1x16xf32> to vector<16xf32>
      %mul3A_82 = arith.mulf %sub3A_76, %get3A_81 : vector<16xf32>
      %mul3A_83 = arith.mulf %mul3A_82, %sub3A_76 : vector<16xf32>
      %add3A_84 = arith.addf %add3A_70, %mul3A_83 : vector<16xf32>
      %get3A_85 = arith.constant 4 : i32
      %get3A_86 = arith.index_cast %get3A_85 : i32 to index
      %get3A_87 = arith.constant 0 : index
      %get3A_88 = tpu.vector_load %arg17[%get3A_86, %get3A_87] {strides = array<i32>} : memref<80x16xf32, #tpu.memory_space<vmem>>, vector<1x16xf32>,
      %get3A_89 = vector.shape_cast %get3A_88 : vector<1x16xf32> to vector<16xf32>
      %sub3A_90 = arith.subf %get3A_26, %get3A_89 : vector<16xf32>
      %get3A_91 = arith.constant 24 : i32
      %get3A_92 = arith.index_cast %get3A_91 : i32 to index
      %get3A_93 = arith.constant 0 : index
      %get3A_94 = tpu.vector_load %arg17[%get3A_92, %get3A_93] {strides = array<i32>} : memref<80x16xf32, #tpu.memory_space<vmem>>, vector<1x16xf32>,
      %get3A_95 = vector.shape_cast %get3A_94 : vector<1x16xf32> to vector<16xf32>
      %mul3A_96 = arith.mulf %sub3A_90, %get3A_95 : vector<16xf32>
      %mul3A_97 = arith.mulf %mul3A_96, %sub3A_90 : vector<16xf32>
      %add3A_98 = arith.addf %add3A_84, %mul3A_97 : vector<16xf32>
      %mul3A_99 = arith.constant -5.000000e-01 : f32
      %mul3A_100 = vector.broadcast %mul3A_99 : f32 to vector<16xf32>
      %mul3A_101 = arith.mulf %mul3A_100, %add3A_98 : vector<16xf32>
      %exp3A = math.exp %mul3A_101 : vector<16xf32>
      %add3A_102 = arith.addf %broadcast_in_dim3A_27, %exp3A : vector<16xf32>
      %broadcast_in_dim3A_103 = arith.constant 0.000000e+00 : f32
      %broadcast_in_dim3A_104 = vector.broadcast %broadcast_in_dim3A_103 : f32 to vector<16xf32>
      %get3A_105 = arith.constant 5 : i32
      %get3A_106 = arith.index_cast %get3A_105 : i32 to index
      %get3A_107 = arith.constant 0 : index
      %get3A_108 = tpu.vector_load %arg17[%get3A_106, %get3A_107] {strides = array<i32>} : memref<80x16xf32, #tpu.memory_space<vmem>>, vector<1x16xf32>,
      %get3A_109 = vector.shape_cast %get3A_108 : vector<1x16xf32> to vector<16xf32>
      %sub3A_110 = arith.subf %get3A_14, %get3A_109 : vector<16xf32>
      %get3A_111 = arith.constant 25 : i32
      %get3A_112 = arith.index_cast %get3A_111 : i32 to index
      %get3A_113 = arith.constant 0 : index
      %get3A_114 = tpu.vector_load %arg17[%get3A_112, %get3A_113] {strides = array<i32>} : memref<80x16xf32, #tpu.memory_space<vmem>>, vector<1x16xf32>,
      %get3A_115 = vector.shape_cast %get3A_114 : vector<1x16xf32> to vector<16xf32>
      %mul3A_116 = arith.mulf %sub3A_110, %get3A_115 : vector<16xf32>
      %mul3A_117 = arith.mulf %mul3A_116, %sub3A_110 : vector<16xf32>
      %add3A_118 = arith.addf %broadcast_in_dim3A_104, %mul3A_117 : vector<16xf32>
      %get3A_119 = arith.constant 6 : i32
      %get3A_120 = arith.index_cast %get3A_119 : i32 to index
      %get3A_121 = arith.constant 0 : index
      %get3A_122 = tpu.vector_load %arg17[%get3A_120, %get3A_121] {strides = array<i32>} : memref<80x16xf32, #tpu.memory_space<vmem>>, vector<1x16xf32>,
      %get3A_123 = vector.shape_cast %get3A_122 : vector<1x16xf32> to vector<16xf32>
      %sub3A_124 = arith.subf %get3A_17, %get3A_123 : vector<16xf32>
      %get3A_125 = arith.constant 26 : i32
      %get3A_126 = arith.index_cast %get3A_125 : i32 to index
      %get3A_127 = arith.constant 0 : index
      %get3A_128 = tpu.vector_load %arg17[%get3A_126, %get3A_127] {strides = array<i32>} : memref<80x16xf32, #tpu.memory_space<vmem>>, vector<1x16xf32>,
      %get3A_129 = vector.shape_cast %get3A_128 : vector<1x16xf32> to vector<16xf32>
      %mul3A_130 = arith.mulf %sub3A_124, %get3A_129 : vector<16xf32>
      %mul3A_131 = arith.mulf %mul3A_130, %sub3A_124 : vector<16xf32>
      %add3A_132 = arith.addf %add3A_118, %mul3A_131 : vector<16xf32>
      %get3A_133 = arith.constant 7 : i32
      %get3A_134 = arith.index_cast %get3A_133 : i32 to index
      %get3A_135 = arith.constant 0 : index
      %get3A_136 = tpu.vector_load %arg17[%get3A_134, %get3A_135] {strides = array<i32>} : memref<80x16xf32, #tpu.memory_space<vmem>>, vector<1x16xf32>,
      %get3A_137 = vector.shape_cast %get3A_136 : vector<1x16xf32> to vector<16xf32>
      %sub3A_138 = arith.subf %get3A_20, %get3A_137 : vector<16xf32>
      %get3A_139 = arith.constant 27 : i32
      %get3A_140 = arith.index_cast %get3A_139 : i32 to index
      %get3A_141 = arith.constant 0 : index
      %get3A_142 = tpu.vector_load %arg17[%get3A_140, %get3A_141] {strides = array<i32>} : memref<80x16xf32, #tpu.memory_space<vmem>>, vector<1x16xf32>,
      %get3A_143 = vector.shape_cast %get3A_142 : vector<1x16xf32> to vector<16xf32>
      %mul3A_144 = arith.mulf %sub3A_138, %get3A_143 : vector<16xf32>
      %mul3A_145 = arith.mulf %mul3A_144, %sub3A_138 : vector<16xf32>
      %add3A_146 = arith.addf %add3A_132, %mul3A_145 : vector<16xf32>
      %get3A_147 = arith.constant 8 : i32
      %get3A_148 = arith.index_cast %get3A_147 : i32 to index
      %get3A_149 = arith.constant 0 : index
      %get3A_150 = tpu.vector_load %arg17[%get3A_148, %get3A_149] {strides = array<i32>} : memref<80x16xf32, #tpu.memory_space<vmem>>, vector<1x16xf32>,
      %get3A_151 = vector.shape_cast %get3A_150 : vector<1x16xf32> to vector<16xf32>
      %sub3A_152 = arith.subf %get3A_23, %get3A_151 : vector<16xf32>
      %get3A_153 = arith.constant 28 : i32
      %get3A_154 = arith.index_cast %get3A_153 : i32 to index
      %get3A_155 = arith.constant 0 : index
      %get3A_156 = tpu.vector_load %arg17[%get3A_154, %get3A_155] {strides = array<i32>} : memref<80x16xf32, #tpu.memory_space<vmem>>, vector<1x16xf32>,
      %get3A_157 = vector.shape_cast %get3A_156 : vector<1x16xf32> to vector<16xf32>
      %mul3A_158 = arith.mulf %sub3A_152, %get3A_157 : vector<16xf32>
      %mul3A_159 = arith.mulf %mul3A_158, %sub3A_152 : vector<16xf32>
      %add3A_160 = arith.addf %add3A_146, %mul3A_159 : vector<16xf32>
      %get3A_161 = arith.constant 9 : i32
      %get3A_162 = arith.index_cast %get3A_161 : i32 to index
      %get3A_163 = arith.constant 0 : index
      %get3A_164 = tpu.vector_load %arg17[%get3A_162, %get3A_163] {strides = array<i32>} : memref<80x16xf32, #tpu.memory_space<vmem>>, vector<1x16xf32>,
      %get3A_165 = vector.shape_cast %get3A_164 : vector<1x16xf32> to vector<16xf32>
      %sub3A_166 = arith.subf %get3A_26, %get3A_165 : vector<16xf32>
      %get3A_167 = arith.constant 29 : i32
      %get3A_168 = arith.index_cast %get3A_167 : i32 to index
      %get3A_169 = arith.constant 0 : index
      %get3A_170 = tpu.vector_load %arg17[%get3A_168, %get3A_169] {strides = array<i32>} : memref<80x16xf32, #tpu.memory_space<vmem>>, vector<1x16xf32>,
      %get3A_171 = vector.shape_cast %get3A_170 : vector<1x16xf32> to vector<16xf32>
      %mul3A_172 = arith.mulf %sub3A_166, %get3A_171 : vector<16xf32>
      %mul3A_173 = arith.mulf %mul3A_172, %sub3A_166 : vector<16xf32>
      %add3A_174 = arith.addf %add3A_160, %mul3A_173 : vector<16xf32>
      %mul3A_175 = arith.constant -5.000000e-01 : f32
      %mul3A_176 = vector.broadcast %mul3A_175 : f32 to vector<16xf32>
      %mul3A_177 = arith.mulf %mul3A_176, %add3A_174 : vector<16xf32>
      %exp3A_178 = math.exp %mul3A_177 : vector<16xf32>
      %add3A_179 = arith.addf %add3A_102, %exp3A_178 : vector<16xf32>
      %broadcast_in_dim3A_180 = arith.constant 0.000000e+00 : f32
      %broadcast_in_dim3A_181 = vector.broadcast %broadcast_in_dim3A_180 : f32 to vector<16xf32>
      %get3A_182 = arith.constant 10 : i32
      %get3A_183 = arith.index_cast %get3A_182 : i32 to index
      %get3A_184 = arith.constant 0 : index
      %get3A_185 = tpu.vector_load %arg17[%get3A_183, %get3A_184] {strides = array<i32>} : memref<80x16xf32, #tpu.memory_space<vmem>>, vector<1x16xf32>,
      %get3A_186 = vector.shape_cast %get3A_185 : vector<1x16xf32> to vector<16xf32>
      %sub3A_187 = arith.subf %get3A_14, %get3A_186 : vector<16xf32>
      %get3A_188 = arith.constant 30 : i32
      %get3A_189 = arith.index_cast %get3A_188 : i32 to index
      %get3A_190 = arith.constant 0 : index
      %get3A_191 = tpu.vector_load %arg17[%get3A_189, %get3A_190] {strides = array<i32>} : memref<80x16xf32, #tpu.memory_space<vmem>>, vector<1x16xf32>,
      %get3A_192 = vector.shape_cast %get3A_191 : vector<1x16xf32> to vector<16xf32>
      %mul3A_193 = arith.mulf %sub3A_187, %get3A_192 : vector<16xf32>
      %mul3A_194 = arith.mulf %mul3A_193, %sub3A_187 : vector<16xf32>
      %add3A_195 = arith.addf %broadcast_in_dim3A_181, %mul3A_194 : vector<16xf32>
      %get3A_196 = arith.constant 11 : i32
      %get3A_197 = arith.index_cast %get3A_196 : i32 to index
      %get3A_198 = arith.constant 0 : index
      %get3A_199 = tpu.vector_load %arg17[%get3A_197, %get3A_198] {strides = array<i32>} : memref<80x16xf32, #tpu.memory_space<vmem>>, vector<1x16xf32>,
      %get3A_200 = vector.shape_cast %get3A_199 : vector<1x16xf32> to vector<16xf32>
      %sub3A_201 = arith.subf %get3A_17, %get3A_200 : vector<16xf32>
      %get3A_202 = arith.constant 31 : i32
      %get3A_203 = arith.index_cast %get3A_202 : i32 to index
      %get3A_204 = arith.constant 0 : index
      %get3A_205 = tpu.vector_load %arg17[%get3A_203, %get3A_204] {strides = array<i32>} : memref<80x16xf32, #tpu.memory_space<vmem>>, vector<1x16xf32>,
      %get3A_206 = vector.shape_cast %get3A_205 : vector<1x16xf32> to vector<16xf32>
      %mul3A_207 = arith.mulf %sub3A_201, %get3A_206 : vector<16xf32>
      %mul3A_208 = arith.mulf %mul3A_207, %sub3A_201 : vector<16xf32>
      %add3A_209 = arith.addf %add3A_195, %mul3A_208 : vector<16xf32>
      %get3A_210 = arith.constant 12 : i32
      %get3A_211 = arith.index_cast %get3A_210 : i32 to index
      %get3A_212 = arith.constant 0 : index
      %get3A_213 = tpu.vector_load %arg17[%get3A_211, %get3A_212] {strides = array<i32>} : memref<80x16xf32, #tpu.memory_space<vmem>>, vector<1x16xf32>,
      %get3A_214 = vector.shape_cast %get3A_213 : vector<1x16xf32> to vector<16xf32>
      %sub3A_215 = arith.subf %get3A_20, %get3A_214 : vector<16xf32>
      %get3A_216 = arith.constant 32 : i32
      %get3A_217 = arith.index_cast %get3A_216 : i32 to index
      %get3A_218 = arith.constant 0 : index
      %get3A_219 = tpu.vector_load %arg17[%get3A_217, %get3A_218] {strides = array<i32>} : memref<80x16xf32, #tpu.memory_space<vmem>>, vector<1x16xf32>,
      %get3A_220 = vector.shape_cast %get3A_219 : vector<1x16xf32> to vector<16xf32>
      %mul3A_221 = arith.mulf %sub3A_215, %get3A_220 : vector<16xf32>
      %mul3A_222 = arith.mulf %mul3A_221, %sub3A_215 : vector<16xf32>
      %add3A_223 = arith.addf %add3A_209, %mul3A_222 : vector<16xf32>
      %get3A_224 = arith.constant 13 : i32
      %get3A_225 = arith.index_cast %get3A_224 : i32 to index
      %get3A_226 = arith.constant 0 : index
      %get3A_227 = tpu.vector_load %arg17[%get3A_225, %get3A_226] {strides = array<i32>} : memref<80x16xf32, #tpu.memory_space<vmem>>, vector<1x16xf32>,
      %get3A_228 = vector.shape_cast %get3A_227 : vector<1x16xf32> to vector<16xf32>
      %sub3A_229 = arith.subf %get3A_23, %get3A_228 : vector<16xf32>
      %get3A_230 = arith.constant 33 : i32
      %get3A_231 = arith.index_cast %get3A_230 : i32 to index
      %get3A_232 = arith.constant 0 : index
      %get3A_233 = tpu.vector_load %arg17[%get3A_231, %get3A_232] {strides = array<i32>} : memref<80x16xf32, #tpu.memory_space<vmem>>, vector<1x16xf32>,
      %get3A_234 = vector.shape_cast %get3A_233 : vector<1x16xf32> to vector<16xf32>
      %mul3A_235 = arith.mulf %sub3A_229, %get3A_234 : vector<16xf32>
      %mul3A_236 = arith.mulf %mul3A_235, %sub3A_229 : vector<16xf32>
      %add3A_237 = arith.addf %add3A_223, %mul3A_236 : vector<16xf32>
      %get3A_238 = arith.constant 14 : i32
      %get3A_239 = arith.index_cast %get3A_238 : i32 to index
      %get3A_240 = arith.constant 0 : index
      %get3A_241 = tpu.vector_load %arg17[%get3A_239, %get3A_240] {strides = array<i32>} : memref<80x16xf32, #tpu.memory_space<vmem>>, vector<1x16xf32>,
      %get3A_242 = vector.shape_cast %get3A_241 : vector<1x16xf32> to vector<16xf32>
      %sub3A_243 = arith.subf %get3A_26, %get3A_242 : vector<16xf32>
      %get3A_244 = arith.constant 34 : i32
      %get3A_245 = arith.index_cast %get3A_244 : i32 to index
      %get3A_246 = arith.constant 0 : index
      %get3A_247 = tpu.vector_load %arg17[%get3A_245, %get3A_246] {strides = array<i32>} : memref<80x16xf32, #tpu.memory_space<vmem>>, vector<1x16xf32>,
      %get3A_248 = vector.shape_cast %get3A_247 : vector<1x16xf32> to vector<16xf32>
      %mul3A_249 = arith.mulf %sub3A_243, %get3A_248 : vector<16xf32>
      %mul3A_250 = arith.mulf %mul3A_249, %sub3A_243 : vector<16xf32>
      %add3A_251 = arith.addf %add3A_237, %mul3A_250 : vector<16xf32>
      %mul3A_252 = arith.constant -5.000000e-01 : f32
      %mul3A_253 = vector.broadcast %mul3A_252 : f32 to vector<16xf32>
      %mul3A_254 = arith.mulf %mul3A_253, %add3A_251 : vector<16xf32>
      %exp3A_255 = math.exp %mul3A_254 : vector<16xf32>
      %add3A_256 = arith.addf %add3A_179, %exp3A_255 : vector<16xf32>
      %broadcast_in_dim3A_257 = arith.constant 0.000000e+00 : f32
      %broadcast_in_dim3A_258 = vector.broadcast %broadcast_in_dim3A_257 : f32 to vector<16xf32>
      %get3A_259 = arith.constant 15 : i32
      %get3A_260 = arith.index_cast %get3A_259 : i32 to index
      %get3A_261 = arith.constant 0 : index
      %get3A_262 = tpu.vector_load %arg17[%get3A_260, %get3A_261] {strides = array<i32>} : memref<80x16xf32, #tpu.memory_space<vmem>>, vector<1x16xf32>,
      %get3A_263 = vector.shape_cast %get3A_262 : vector<1x16xf32> to vector<16xf32>
      %sub3A_264 = arith.subf %get3A_14, %get3A_263 : vector<16xf32>
      %get3A_265 = arith.constant 35 : i32
      %get3A_266 = arith.index_cast %get3A_265 : i32 to index
      %get3A_267 = arith.constant 0 : index
      %get3A_268 = tpu.vector_load %arg17[%get3A_266, %get3A_267] {strides = array<i32>} : memref<80x16xf32, #tpu.memory_space<vmem>>, vector<1x16xf32>,
      %get3A_269 = vector.shape_cast %get3A_268 : vector<1x16xf32> to vector<16xf32>
      %mul3A_270 = arith.mulf %sub3A_264, %get3A_269 : vector<16xf32>
      %mul3A_271 = arith.mulf %mul3A_270, %sub3A_264 : vector<16xf32>
      %add3A_272 = arith.addf %broadcast_in_dim3A_258, %mul3A_271 : vector<16xf32>
      %get3A_273 = arith.constant 16 : i32
      %get3A_274 = arith.index_cast %get3A_273 : i32 to index
      %get3A_275 = arith.constant 0 : index
      %get3A_276 = tpu.vector_load %arg17[%get3A_274, %get3A_275] {strides = array<i32>} : memref<80x16xf32, #tpu.memory_space<vmem>>, vector<1x16xf32>,
      %get3A_277 = vector.shape_cast %get3A_276 : vector<1x16xf32> to vector<16xf32>
      %sub3A_278 = arith.subf %get3A_17, %get3A_277 : vector<16xf32>
      %get3A_279 = arith.constant 36 : i32
      %get3A_280 = arith.index_cast %get3A_279 : i32 to index
      %get3A_281 = arith.constant 0 : index
      %get3A_282 = tpu.vector_load %arg17[%get3A_280, %get3A_281] {strides = array<i32>} : memref<80x16xf32, #tpu.memory_space<vmem>>, vector<1x16xf32>,
      %get3A_283 = vector.shape_cast %get3A_282 : vector<1x16xf32> to vector<16xf32>
      %mul3A_284 = arith.mulf %sub3A_278, %get3A_283 : vector<16xf32>
      %mul3A_285 = arith.mulf %mul3A_284, %sub3A_278 : vector<16xf32>
      %add3A_286 = arith.addf %add3A_272, %mul3A_285 : vector<16xf32>
      %get3A_287 = arith.constant 17 : i32
      %get3A_288 = arith.index_cast %get3A_287 : i32 to index
      %get3A_289 = arith.constant 0 : index
      %get3A_290 = tpu.vector_load %arg17[%get3A_288, %get3A_289] {strides = array<i32>} : memref<80x16xf32, #tpu.memory_space<vmem>>, vector<1x16xf32>,
      %get3A_291 = vector.shape_cast %get3A_290 : vector<1x16xf32> to vector<16xf32>
      %sub3A_292 = arith.subf %get3A_20, %get3A_291 : vector<16xf32>
      %get3A_293 = arith.constant 37 : i32
      %get3A_294 = arith.index_cast %get3A_293 : i32 to index
      %get3A_295 = arith.constant 0 : index
      %get3A_296 = tpu.vector_load %arg17[%get3A_294, %get3A_295] {strides = array<i32>} : memref<80x16xf32, #tpu.memory_space<vmem>>, vector<1x16xf32>,
      %get3A_297 = vector.shape_cast %get3A_296 : vector<1x16xf32> to vector<16xf32>
      %mul3A_298 = arith.mulf %sub3A_292, %get3A_297 : vector<16xf32>
      %mul3A_299 = arith.mulf %mul3A_298, %sub3A_292 : vector<16xf32>
      %add3A_300 = arith.addf %add3A_286, %mul3A_299 : vector<16xf32>
      %get3A_301 = arith.constant 18 : i32
      %get3A_302 = arith.index_cast %get3A_301 : i32 to index
      %get3A_303 = arith.constant 0 : index
      %get3A_304 = tpu.vector_load %arg17[%get3A_302, %get3A_303] {strides = array<i32>} : memref<80x16xf32, #tpu.memory_space<vmem>>, vector<1x16xf32>,
      %get3A_305 = vector.shape_cast %get3A_304 : vector<1x16xf32> to vector<16xf32>
      %sub3A_306 = arith.subf %get3A_23, %get3A_305 : vector<16xf32>
      %get3A_307 = arith.constant 38 : i32
      %get3A_308 = arith.index_cast %get3A_307 : i32 to index
      %get3A_309 = arith.constant 0 : index
      %get3A_310 = tpu.vector_load %arg17[%get3A_308, %get3A_309] {strides = array<i32>} : memref<80x16xf32, #tpu.memory_space<vmem>>, vector<1x16xf32>,
      %get3A_311 = vector.shape_cast %get3A_310 : vector<1x16xf32> to vector<16xf32>
      %mul3A_312 = arith.mulf %sub3A_306, %get3A_311 : vector<16xf32>
      %mul3A_313 = arith.mulf %mul3A_312, %sub3A_306 : vector<16xf32>
      %add3A_314 = arith.addf %add3A_300, %mul3A_313 : vector<16xf32>
      %get3A_315 = arith.constant 19 : i32
      %get3A_316 = arith.index_cast %get3A_315 : i32 to index
      %get3A_317 = arith.constant 0 : index
      %get3A_318 = tpu.vector_load %arg17[%get3A_316, %get3A_317] {strides = array<i32>} : memref<80x16xf32, #tpu.memory_space<vmem>>, vector<1x16xf32>,
      %get3A_319 = vector.shape_cast %get3A_318 : vector<1x16xf32> to vector<16xf32>
      %sub3A_320 = arith.subf %get3A_26, %get3A_319 : vector<16xf32>
      %get3A_321 = arith.constant 39 : i32
      %get3A_322 = arith.index_cast %get3A_321 : i32 to index
      %get3A_323 = arith.constant 0 : index
      %get3A_324 = tpu.vector_load %arg17[%get3A_322, %get3A_323] {strides = array<i32>} : memref<80x16xf32, #tpu.memory_space<vmem>>, vector<1x16xf32>,
      %get3A_325 = vector.shape_cast %get3A_324 : vector<1x16xf32> to vector<16xf32>
      %mul3A_326 = arith.mulf %sub3A_320, %get3A_325 : vector<16xf32>
      %mul3A_327 = arith.mulf %mul3A_326, %sub3A_320 : vector<16xf32>
      %add3A_328 = arith.addf %add3A_314, %mul3A_327 : vector<16xf32>
      %mul3A_329 = arith.constant -5.000000e-01 : f32
      %mul3A_330 = vector.broadcast %mul3A_329 : f32 to vector<16xf32>
      %mul3A_331 = arith.mulf %mul3A_330, %add3A_328 : vector<16xf32>
      %exp3A_332 = math.exp %mul3A_331 : vector<16xf32>
      %add3A_333 = arith.addf %add3A_256, %exp3A_332 : vector<16xf32>
      %iota3A = tpu.iota {dimensions = array<i32: 0>} : vector<16xi32>
      %xor3A = arith.constant 1 : i32
      %xor3A_334 = vector.broadcast %xor3A : i32 to vector<16xi32>
      %xor3A_335 = arith.xori %iota3A, %xor3A_334 : vector<16xi32>
      %reshape3A = vector.shape_cast %xor3A_335 : vector<16xi32> to vector<16x1xi32>
      %gather3A = vector.shape_cast %reshape3A : vector<16x1xi32> to vector<16xi32>
      %gather3A_336 = tpu.dynamic_gather %add3A_333[%gather3A] in [0] : vector<16xf32>, vector<16xi32> -> vector<16xf32>
      %max3A = arith.maximumf %add3A_333, %gather3A_336 : vector<16xf32>
      %iota3A_337 = tpu.iota {dimensions = array<i32: 0>} : vector<16xi32>
      %xor3A_338 = arith.constant 2 : i32
      %xor3A_339 = vector.broadcast %xor3A_338 : i32 to vector<16xi32>
      %xor3A_340 = arith.xori %iota3A_337, %xor3A_339 : vector<16xi32>
      %reshape3A_341 = vector.shape_cast %xor3A_340 : vector<16xi32> to vector<16x1xi32>
      %gather3A_342 = vector.shape_cast %reshape3A_341 : vector<16x1xi32> to vector<16xi32>
      %gather3A_343 = tpu.dynamic_gather %max3A[%gather3A_342] in [0] : vector<16xf32>, vector<16xi32> -> vector<16xf32>
      %max3A_344 = arith.maximumf %max3A, %gather3A_343 : vector<16xf32>
      %iota3A_345 = tpu.iota {dimensions = array<i32: 0>} : vector<16xi32>
      %xor3A_346 = arith.constant 4 : i32
      %xor3A_347 = vector.broadcast %xor3A_346 : i32 to vector<16xi32>
      %xor3A_348 = arith.xori %iota3A_345, %xor3A_347 : vector<16xi32>
      %reshape3A_349 = vector.shape_cast %xor3A_348 : vector<16xi32> to vector<16x1xi32>
      %gather3A_350 = vector.shape_cast %reshape3A_349 : vector<16x1xi32> to vector<16xi32>
      %gather3A_351 = tpu.dynamic_gather %max3A_344[%gather3A_350] in [0] : vector<16xf32>, vector<16xi32> -> vector<16xf32>
      %max3A_352 = arith.maximumf %max3A_344, %gather3A_351 : vector<16xf32>
      %iota3A_353 = tpu.iota {dimensions = array<i32: 0>} : vector<16xi32>
      %xor3A_354 = arith.constant 8 : i32
      %xor3A_355 = vector.broadcast %xor3A_354 : i32 to vector<16xi32>
      %xor3A_356 = arith.xori %iota3A_353, %xor3A_355 : vector<16xi32>
      %reshape3A_357 = vector.shape_cast %xor3A_356 : vector<16xi32> to vector<16x1xi32>
      %gather3A_358 = vector.shape_cast %reshape3A_357 : vector<16x1xi32> to vector<16xi32>
      %gather3A_359 = tpu.dynamic_gather %max3A_352[%gather3A_358] in [0] : vector<16xf32>, vector<16xi32> -> vector<16xf32>
      %max3A_360 = arith.maximumf %max3A_352, %gather3A_359 : vector<16xf32>
      %sub3A_361 = arith.subf %add3A_333, %max3A_360 : vector<16xf32>
      %exp3A_362 = math.exp %sub3A_361 : vector<16xf32>
      %iota3A_363 = tpu.iota {dimensions = array<i32: 0>} : vector<16xi32>
      %xor3A_364 = arith.constant 1 : i32
      %xor3A_365 = vector.broadcast %xor3A_364 : i32 to vector<16xi32>
      %xor3A_366 = arith.xori %iota3A_363, %xor3A_365 : vector<16xi32>
      %reshape3A_367 = vector.shape_cast %xor3A_366 : vector<16xi32> to vector<16x1xi32>
      %gather3A_368 = vector.shape_cast %reshape3A_367 : vector<16x1xi32> to vector<16xi32>
      %gather3A_369 = tpu.dynamic_gather %exp3A_362[%gather3A_368] in [0] : vector<16xf32>, vector<16xi32> -> vector<16xf32>
      %add3A_370 = arith.addf %exp3A_362, %gather3A_369 : vector<16xf32>
      %iota3A_371 = tpu.iota {dimensions = array<i32: 0>} : vector<16xi32>
      %xor3A_372 = arith.constant 2 : i32
      %xor3A_373 = vector.broadcast %xor3A_372 : i32 to vector<16xi32>
      %xor3A_374 = arith.xori %iota3A_371, %xor3A_373 : vector<16xi32>
      %reshape3A_375 = vector.shape_cast %xor3A_374 : vector<16xi32> to vector<16x1xi32>
      %gather3A_376 = vector.shape_cast %reshape3A_375 : vector<16x1xi32> to vector<16xi32>
      %gather3A_377 = tpu.dynamic_gather %add3A_370[%gather3A_376] in [0] : vector<16xf32>, vector<16xi32> -> vector<16xf32>
      %add3A_378 = arith.addf %add3A_370, %gather3A_377 : vector<16xf32>
      %iota3A_379 = tpu.iota {dimensions = array<i32: 0>} : vector<16xi32>
      %xor3A_380 = arith.constant 4 : i32
      %xor3A_381 = vector.broadcast %xor3A_380 : i32 to vector<16xi32>
      %xor3A_382 = arith.xori %iota3A_379, %xor3A_381 : vector<16xi32>
      %reshape3A_383 = vector.shape_cast %xor3A_382 : vector<16xi32> to vector<16x1xi32>
      %gather3A_384 = vector.shape_cast %reshape3A_383 : vector<16x1xi32> to vector<16xi32>
      %gather3A_385 = tpu.dynamic_gather %add3A_378[%gather3A_384] in [0] : vector<16xf32>, vector<16xi32> -> vector<16xf32>
      %add3A_386 = arith.addf %add3A_378, %gather3A_385 : vector<16xf32>
      %iota3A_387 = tpu.iota {dimensions = array<i32: 0>} : vector<16xi32>
      %xor3A_388 = arith.constant 8 : i32
      %xor3A_389 = vector.broadcast %xor3A_388 : i32 to vector<16xi32>
      %xor3A_390 = arith.xori %iota3A_387, %xor3A_389 : vector<16xi32>
      %reshape3A_391 = vector.shape_cast %xor3A_390 : vector<16xi32> to vector<16x1xi32>
      %gather3A_392 = vector.shape_cast %reshape3A_391 : vector<16x1xi32> to vector<16xi32>
      %gather3A_393 = tpu.dynamic_gather %add3A_386[%gather3A_392] in [0] : vector<16xf32>, vector<16xi32> -> vector<16xf32>
      %add3A_394 = arith.addf %add3A_386, %gather3A_393 : vector<16xf32>
      %div3A = arith.divf %exp3A_362, %add3A_394 : vector<16xf32>
      %swap3A = arith.index_cast %mul3A_12 : i32 to index
      %swap3A_395 = tpu.vector_load %arg15[%swap3A] {strides = array<i32>} : memref<1024xf32, #tpu.memory_space<vmem>>, vector<16xf32>,
      %swap3A_396 = vector.shape_cast %swap3A_395 : vector<16xf32> to vector<16xf32>
      %swap3A_397 = vector.shape_cast %div3A : vector<16xf32> to vector<16xf32>
      tpu.vector_store %arg15[%swap3A], %swap3A_397 {strides = array<i32>} : memref<1024xf32, #tpu.memory_space<vmem>>, vector<16xf32>,
      %broadcast_in_dim3A_398 = arith.constant 0.000000e+00 : f32
      %broadcast_in_dim3A_399 = vector.broadcast %broadcast_in_dim3A_398 : f32 to vector<16xf32>
      %broadcast_in_dim3A_400 = arith.constant 0.000000e+00 : f32
      %broadcast_in_dim3A_401 = vector.broadcast %broadcast_in_dim3A_400 : f32 to vector<16xf32>
      %get3A_402 = arith.constant 40 : i32
      %get3A_403 = arith.index_cast %get3A_402 : i32 to index
      %get3A_404 = arith.constant 0 : index
      %get3A_405 = tpu.vector_load %arg17[%get3A_403, %get3A_404] {strides = array<i32>} : memref<80x16xf32, #tpu.memory_space<vmem>>, vector<1x16xf32>,
      %get3A_406 = vector.shape_cast %get3A_405 : vector<1x16xf32> to vector<16xf32>
      %sub3A_407 = arith.subf %get3A_14, %get3A_406 : vector<16xf32>
      %get3A_408 = arith.constant 60 : i32
      %get3A_409 = arith.index_cast %get3A_408 : i32 to index
      %get3A_410 = arith.constant 0 : index
      %get3A_411 = tpu.vector_load %arg17[%get3A_409, %get3A_410] {strides = array<i32>} : memref<80x16xf32, #tpu.memory_space<vmem>>, vector<1x16xf32>,
      %get3A_412 = vector.shape_cast %get3A_411 : vector<1x16xf32> to vector<16xf32>
      %mul3A_413 = arith.mulf %sub3A_407, %get3A_412 : vector<16xf32>
      %mul3A_414 = arith.mulf %mul3A_413, %sub3A_407 : vector<16xf32>
      %add3A_415 = arith.addf %broadcast_in_dim3A_401, %mul3A_414 : vector<16xf32>
      %get3A_416 = arith.constant 41 : i32
      %get3A_417 = arith.index_cast %get3A_416 : i32 to index
      %get3A_418 = arith.constant 0 : index
      %get3A_419 = tpu.vector_load %arg17[%get3A_417, %get3A_418] {strides = array<i32>} : memref<80x16xf32, #tpu.memory_space<vmem>>, vector<1x16xf32>,
      %get3A_420 = vector.shape_cast %get3A_419 : vector<1x16xf32> to vector<16xf32>
      %sub3A_421 = arith.subf %get3A_17, %get3A_420 : vector<16xf32>
      %get3A_422 = arith.constant 61 : i32
      %get3A_423 = arith.index_cast %get3A_422 : i32 to index
      %get3A_424 = arith.constant 0 : index
      %get3A_425 = tpu.vector_load %arg17[%get3A_423, %get3A_424] {strides = array<i32>} : memref<80x16xf32, #tpu.memory_space<vmem>>, vector<1x16xf32>,
      %get3A_426 = vector.shape_cast %get3A_425 : vector<1x16xf32> to vector<16xf32>
      %mul3A_427 = arith.mulf %sub3A_421, %get3A_426 : vector<16xf32>
      %mul3A_428 = arith.mulf %mul3A_427, %sub3A_421 : vector<16xf32>
      %add3A_429 = arith.addf %add3A_415, %mul3A_428 : vector<16xf32>
      %get3A_430 = arith.constant 42 : i32
      %get3A_431 = arith.index_cast %get3A_430 : i32 to index
      %get3A_432 = arith.constant 0 : index
      %get3A_433 = tpu.vector_load %arg17[%get3A_431, %get3A_432] {strides = array<i32>} : memref<80x16xf32, #tpu.memory_space<vmem>>, vector<1x16xf32>,
      %get3A_434 = vector.shape_cast %get3A_433 : vector<1x16xf32> to vector<16xf32>
      %sub3A_435 = arith.subf %get3A_20, %get3A_434 : vector<16xf32>
      %get3A_436 = arith.constant 62 : i32
      %get3A_437 = arith.index_cast %get3A_436 : i32 to index
      %get3A_438 = arith.constant 0 : index
      %get3A_439 = tpu.vector_load %arg17[%get3A_437, %get3A_438] {strides = array<i32>} : memref<80x16xf32, #tpu.memory_space<vmem>>, vector<1x16xf32>,
      %get3A_440 = vector.shape_cast %get3A_439 : vector<1x16xf32> to vector<16xf32>
      %mul3A_441 = arith.mulf %sub3A_435, %get3A_440 : vector<16xf32>
      %mul3A_442 = arith.mulf %mul3A_441, %sub3A_435 : vector<16xf32>
      %add3A_443 = arith.addf %add3A_429, %mul3A_442 : vector<16xf32>
      %get3A_444 = arith.constant 43 : i32
      %get3A_445 = arith.index_cast %get3A_444 : i32 to index
      %get3A_446 = arith.constant 0 : index
      %get3A_447 = tpu.vector_load %arg17[%get3A_445, %get3A_446] {strides = array<i32>} : memref<80x16xf32, #tpu.memory_space<vmem>>, vector<1x16xf32>,
      %get3A_448 = vector.shape_cast %get3A_447 : vector<1x16xf32> to vector<16xf32>
      %sub3A_449 = arith.subf %get3A_23, %get3A_448 : vector<16xf32>
      %get3A_450 = arith.constant 63 : i32
      %get3A_451 = arith.index_cast %get3A_450 : i32 to index
      %get3A_452 = arith.constant 0 : index
      %get3A_453 = tpu.vector_load %arg17[%get3A_451, %get3A_452] {strides = array<i32>} : memref<80x16xf32, #tpu.memory_space<vmem>>, vector<1x16xf32>,
      %get3A_454 = vector.shape_cast %get3A_453 : vector<1x16xf32> to vector<16xf32>
      %mul3A_455 = arith.mulf %sub3A_449, %get3A_454 : vector<16xf32>
      %mul3A_456 = arith.mulf %mul3A_455, %sub3A_449 : vector<16xf32>
      %add3A_457 = arith.addf %add3A_443, %mul3A_456 : vector<16xf32>
      %get3A_458 = arith.constant 44 : i32
      %get3A_459 = arith.index_cast %get3A_458 : i32 to index
      %get3A_460 = arith.constant 0 : index
      %get3A_461 = tpu.vector_load %arg17[%get3A_459, %get3A_460] {strides = array<i32>} : memref<80x16xf32, #tpu.memory_space<vmem>>, vector<1x16xf32>,
      %get3A_462 = vector.shape_cast %get3A_461 : vector<1x16xf32> to vector<16xf32>
      %sub3A_463 = arith.subf %get3A_26, %get3A_462 : vector<16xf32>
      %get3A_464 = arith.constant 64 : i32
      %get3A_465 = arith.index_cast %get3A_464 : i32 to index
      %get3A_466 = arith.constant 0 : index
      %get3A_467 = tpu.vector_load %arg17[%get3A_465, %get3A_466] {strides = array<i32>} : memref<80x16xf32, #tpu.memory_space<vmem>>, vector<1x16xf32>,
      %get3A_468 = vector.shape_cast %get3A_467 : vector<1x16xf32> to vector<16xf32>
      %mul3A_469 = arith.mulf %sub3A_463, %get3A_468 : vector<16xf32>
      %mul3A_470 = arith.mulf %mul3A_469, %sub3A_463 : vector<16xf32>
      %add3A_471 = arith.addf %add3A_457, %mul3A_470 : vector<16xf32>
      %mul3A_472 = arith.constant -5.000000e-01 : f32
      %mul3A_473 = vector.broadcast %mul3A_472 : f32 to vector<16xf32>
      %mul3A_474 = arith.mulf %mul3A_473, %add3A_471 : vector<16xf32>
      %exp3A_475 = math.exp %mul3A_474 : vector<16xf32>
      %add3A_476 = arith.addf %broadcast_in_dim3A_399, %exp3A_475 : vector<16xf32>
      %broadcast_in_dim3A_477 = arith.constant 0.000000e+00 : f32
      %broadcast_in_dim3A_478 = vector.broadcast %broadcast_in_dim3A_477 : f32 to vector<16xf32>
      %get3A_479 = arith.constant 45 : i32
      %get3A_480 = arith.index_cast %get3A_479 : i32 to index
      %get3A_481 = arith.constant 0 : index
      %get3A_482 = tpu.vector_load %arg17[%get3A_480, %get3A_481] {strides = array<i32>} : memref<80x16xf32, #tpu.memory_space<vmem>>, vector<1x16xf32>,
      %get3A_483 = vector.shape_cast %get3A_482 : vector<1x16xf32> to vector<16xf32>
      %sub3A_484 = arith.subf %get3A_14, %get3A_483 : vector<16xf32>
      %get3A_485 = arith.constant 65 : i32
      %get3A_486 = arith.index_cast %get3A_485 : i32 to index
      %get3A_487 = arith.constant 0 : index
      %get3A_488 = tpu.vector_load %arg17[%get3A_486, %get3A_487] {strides = array<i32>} : memref<80x16xf32, #tpu.memory_space<vmem>>, vector<1x16xf32>,
      %get3A_489 = vector.shape_cast %get3A_488 : vector<1x16xf32> to vector<16xf32>
      %mul3A_490 = arith.mulf %sub3A_484, %get3A_489 : vector<16xf32>
      %mul3A_491 = arith.mulf %mul3A_490, %sub3A_484 : vector<16xf32>
      %add3A_492 = arith.addf %broadcast_in_dim3A_478, %mul3A_491 : vector<16xf32>
      %get3A_493 = arith.constant 46 : i32
      %get3A_494 = arith.index_cast %get3A_493 : i32 to index
      %get3A_495 = arith.constant 0 : index
      %get3A_496 = tpu.vector_load %arg17[%get3A_494, %get3A_495] {strides = array<i32>} : memref<80x16xf32, #tpu.memory_space<vmem>>, vector<1x16xf32>,
      %get3A_497 = vector.shape_cast %get3A_496 : vector<1x16xf32> to vector<16xf32>
      %sub3A_498 = arith.subf %get3A_17, %get3A_497 : vector<16xf32>
      %get3A_499 = arith.constant 66 : i32
      %get3A_500 = arith.index_cast %get3A_499 : i32 to index
      %get3A_501 = arith.constant 0 : index
      %get3A_502 = tpu.vector_load %arg17[%get3A_500, %get3A_501] {strides = array<i32>} : memref<80x16xf32, #tpu.memory_space<vmem>>, vector<1x16xf32>,
      %get3A_503 = vector.shape_cast %get3A_502 : vector<1x16xf32> to vector<16xf32>
      %mul3A_504 = arith.mulf %sub3A_498, %get3A_503 : vector<16xf32>
      %mul3A_505 = arith.mulf %mul3A_504, %sub3A_498 : vector<16xf32>
      %add3A_506 = arith.addf %add3A_492, %mul3A_505 : vector<16xf32>
      %get3A_507 = arith.constant 47 : i32
      %get3A_508 = arith.index_cast %get3A_507 : i32 to index
      %get3A_509 = arith.constant 0 : index
      %get3A_510 = tpu.vector_load %arg17[%get3A_508, %get3A_509] {strides = array<i32>} : memref<80x16xf32, #tpu.memory_space<vmem>>, vector<1x16xf32>,
      %get3A_511 = vector.shape_cast %get3A_510 : vector<1x16xf32> to vector<16xf32>
      %sub3A_512 = arith.subf %get3A_20, %get3A_511 : vector<16xf32>
      %get3A_513 = arith.constant 67 : i32
      %get3A_514 = arith.index_cast %get3A_513 : i32 to index
      %get3A_515 = arith.constant 0 : index
      %get3A_516 = tpu.vector_load %arg17[%get3A_514, %get3A_515] {strides = array<i32>} : memref<80x16xf32, #tpu.memory_space<vmem>>, vector<1x16xf32>,
      %get3A_517 = vector.shape_cast %get3A_516 : vector<1x16xf32> to vector<16xf32>
      %mul3A_518 = arith.mulf %sub3A_512, %get3A_517 : vector<16xf32>
      %mul3A_519 = arith.mulf %mul3A_518, %sub3A_512 : vector<16xf32>
      %add3A_520 = arith.addf %add3A_506, %mul3A_519 : vector<16xf32>
      %get3A_521 = arith.constant 48 : i32
      %get3A_522 = arith.index_cast %get3A_521 : i32 to index
      %get3A_523 = arith.constant 0 : index
      %get3A_524 = tpu.vector_load %arg17[%get3A_522, %get3A_523] {strides = array<i32>} : memref<80x16xf32, #tpu.memory_space<vmem>>, vector<1x16xf32>,
      %get3A_525 = vector.shape_cast %get3A_524 : vector<1x16xf32> to vector<16xf32>
      %sub3A_526 = arith.subf %get3A_23, %get3A_525 : vector<16xf32>
      %get3A_527 = arith.constant 68 : i32
      %get3A_528 = arith.index_cast %get3A_527 : i32 to index
      %get3A_529 = arith.constant 0 : index
      %get3A_530 = tpu.vector_load %arg17[%get3A_528, %get3A_529] {strides = array<i32>} : memref<80x16xf32, #tpu.memory_space<vmem>>, vector<1x16xf32>,
      %get3A_531 = vector.shape_cast %get3A_530 : vector<1x16xf32> to vector<16xf32>
      %mul3A_532 = arith.mulf %sub3A_526, %get3A_531 : vector<16xf32>
      %mul3A_533 = arith.mulf %mul3A_532, %sub3A_526 : vector<16xf32>
      %add3A_534 = arith.addf %add3A_520, %mul3A_533 : vector<16xf32>
      %get3A_535 = arith.constant 49 : i32
      %get3A_536 = arith.index_cast %get3A_535 : i32 to index
      %get3A_537 = arith.constant 0 : index
      %get3A_538 = tpu.vector_load %arg17[%get3A_536, %get3A_537] {strides = array<i32>} : memref<80x16xf32, #tpu.memory_space<vmem>>, vector<1x16xf32>,
      %get3A_539 = vector.shape_cast %get3A_538 : vector<1x16xf32> to vector<16xf32>
      %sub3A_540 = arith.subf %get3A_26, %get3A_539 : vector<16xf32>
      %get3A_541 = arith.constant 69 : i32
      %get3A_542 = arith.index_cast %get3A_541 : i32 to index
      %get3A_543 = arith.constant 0 : index
      %get3A_544 = tpu.vector_load %arg17[%get3A_542, %get3A_543] {strides = array<i32>} : memref<80x16xf32, #tpu.memory_space<vmem>>, vector<1x16xf32>,
      %get3A_545 = vector.shape_cast %get3A_544 : vector<1x16xf32> to vector<16xf32>
      %mul3A_546 = arith.mulf %sub3A_540, %get3A_545 : vector<16xf32>
      %mul3A_547 = arith.mulf %mul3A_546, %sub3A_540 : vector<16xf32>
      %add3A_548 = arith.addf %add3A_534, %mul3A_547 : vector<16xf32>
      %mul3A_549 = arith.constant -5.000000e-01 : f32
      %mul3A_550 = vector.broadcast %mul3A_549 : f32 to vector<16xf32>
      %mul3A_551 = arith.mulf %mul3A_550, %add3A_548 : vector<16xf32>
      %exp3A_552 = math.exp %mul3A_551 : vector<16xf32>
      %add3A_553 = arith.addf %add3A_476, %exp3A_552 : vector<16xf32>
      %broadcast_in_dim3A_554 = arith.constant 0.000000e+00 : f32
      %broadcast_in_dim3A_555 = vector.broadcast %broadcast_in_dim3A_554 : f32 to vector<16xf32>
      %get3A_556 = arith.constant 50 : i32
      %get3A_557 = arith.index_cast %get3A_556 : i32 to index
      %get3A_558 = arith.constant 0 : index
      %get3A_559 = tpu.vector_load %arg17[%get3A_557, %get3A_558] {strides = array<i32>} : memref<80x16xf32, #tpu.memory_space<vmem>>, vector<1x16xf32>,
      %get3A_560 = vector.shape_cast %get3A_559 : vector<1x16xf32> to vector<16xf32>
      %sub3A_561 = arith.subf %get3A_14, %get3A_560 : vector<16xf32>
      %get3A_562 = arith.constant 70 : i32
      %get3A_563 = arith.index_cast %get3A_562 : i32 to index
      %get3A_564 = arith.constant 0 : index
      %get3A_565 = tpu.vector_load %arg17[%get3A_563, %get3A_564] {strides = array<i32>} : memref<80x16xf32, #tpu.memory_space<vmem>>, vector<1x16xf32>,
      %get3A_566 = vector.shape_cast %get3A_565 : vector<1x16xf32> to vector<16xf32>
      %mul3A_567 = arith.mulf %sub3A_561, %get3A_566 : vector<16xf32>
      %mul3A_568 = arith.mulf %mul3A_567, %sub3A_561 : vector<16xf32>
      %add3A_569 = arith.addf %broadcast_in_dim3A_555, %mul3A_568 : vector<16xf32>
      %get3A_570 = arith.constant 51 : i32
      %get3A_571 = arith.index_cast %get3A_570 : i32 to index
      %get3A_572 = arith.constant 0 : index
      %get3A_573 = tpu.vector_load %arg17[%get3A_571, %get3A_572] {strides = array<i32>} : memref<80x16xf32, #tpu.memory_space<vmem>>, vector<1x16xf32>,
      %get3A_574 = vector.shape_cast %get3A_573 : vector<1x16xf32> to vector<16xf32>
      %sub3A_575 = arith.subf %get3A_17, %get3A_574 : vector<16xf32>
      %get3A_576 = arith.constant 71 : i32
      %get3A_577 = arith.index_cast %get3A_576 : i32 to index
      %get3A_578 = arith.constant 0 : index
      %get3A_579 = tpu.vector_load %arg17[%get3A_577, %get3A_578] {strides = array<i32>} : memref<80x16xf32, #tpu.memory_space<vmem>>, vector<1x16xf32>,
      %get3A_580 = vector.shape_cast %get3A_579 : vector<1x16xf32> to vector<16xf32>
      %mul3A_581 = arith.mulf %sub3A_575, %get3A_580 : vector<16xf32>
      %mul3A_582 = arith.mulf %mul3A_581, %sub3A_575 : vector<16xf32>
      %add3A_583 = arith.addf %add3A_569, %mul3A_582 : vector<16xf32>
      %get3A_584 = arith.constant 52 : i32
      %get3A_585 = arith.index_cast %get3A_584 : i32 to index
      %get3A_586 = arith.constant 0 : index
      %get3A_587 = tpu.vector_load %arg17[%get3A_585, %get3A_586] {strides = array<i32>} : memref<80x16xf32, #tpu.memory_space<vmem>>, vector<1x16xf32>,
      %get3A_588 = vector.shape_cast %get3A_587 : vector<1x16xf32> to vector<16xf32>
      %sub3A_589 = arith.subf %get3A_20, %get3A_588 : vector<16xf32>
      %get3A_590 = arith.constant 72 : i32
      %get3A_591 = arith.index_cast %get3A_590 : i32 to index
      %get3A_592 = arith.constant 0 : index
      %get3A_593 = tpu.vector_load %arg17[%get3A_591, %get3A_592] {strides = array<i32>} : memref<80x16xf32, #tpu.memory_space<vmem>>, vector<1x16xf32>,
      %get3A_594 = vector.shape_cast %get3A_593 : vector<1x16xf32> to vector<16xf32>
      %mul3A_595 = arith.mulf %sub3A_589, %get3A_594 : vector<16xf32>
      %mul3A_596 = arith.mulf %mul3A_595, %sub3A_589 : vector<16xf32>
      %add3A_597 = arith.addf %add3A_583, %mul3A_596 : vector<16xf32>
      %get3A_598 = arith.constant 53 : i32
      %get3A_599 = arith.index_cast %get3A_598 : i32 to index
      %get3A_600 = arith.constant 0 : index
      %get3A_601 = tpu.vector_load %arg17[%get3A_599, %get3A_600] {strides = array<i32>} : memref<80x16xf32, #tpu.memory_space<vmem>>, vector<1x16xf32>,
      %get3A_602 = vector.shape_cast %get3A_601 : vector<1x16xf32> to vector<16xf32>
      %sub3A_603 = arith.subf %get3A_23, %get3A_602 : vector<16xf32>
      %get3A_604 = arith.constant 73 : i32
      %get3A_605 = arith.index_cast %get3A_604 : i32 to index
      %get3A_606 = arith.constant 0 : index
      %get3A_607 = tpu.vector_load %arg17[%get3A_605, %get3A_606] {strides = array<i32>} : memref<80x16xf32, #tpu.memory_space<vmem>>, vector<1x16xf32>,
      %get3A_608 = vector.shape_cast %get3A_607 : vector<1x16xf32> to vector<16xf32>
      %mul3A_609 = arith.mulf %sub3A_603, %get3A_608 : vector<16xf32>
      %mul3A_610 = arith.mulf %mul3A_609, %sub3A_603 : vector<16xf32>
      %add3A_611 = arith.addf %add3A_597, %mul3A_610 : vector<16xf32>
      %get3A_612 = arith.constant 54 : i32
      %get3A_613 = arith.index_cast %get3A_612 : i32 to index
      %get3A_614 = arith.constant 0 : index
      %get3A_615 = tpu.vector_load %arg17[%get3A_613, %get3A_614] {strides = array<i32>} : memref<80x16xf32, #tpu.memory_space<vmem>>, vector<1x16xf32>,
      %get3A_616 = vector.shape_cast %get3A_615 : vector<1x16xf32> to vector<16xf32>
      %sub3A_617 = arith.subf %get3A_26, %get3A_616 : vector<16xf32>
      %get3A_618 = arith.constant 74 : i32
      %get3A_619 = arith.index_cast %get3A_618 : i32 to index
      %get3A_620 = arith.constant 0 : index
      %get3A_621 = tpu.vector_load %arg17[%get3A_619, %get3A_620] {strides = array<i32>} : memref<80x16xf32, #tpu.memory_space<vmem>>, vector<1x16xf32>,
      %get3A_622 = vector.shape_cast %get3A_621 : vector<1x16xf32> to vector<16xf32>
      %mul3A_623 = arith.mulf %sub3A_617, %get3A_622 : vector<16xf32>
      %mul3A_624 = arith.mulf %mul3A_623, %sub3A_617 : vector<16xf32>
      %add3A_625 = arith.addf %add3A_611, %mul3A_624 : vector<16xf32>
      %mul3A_626 = arith.constant -5.000000e-01 : f32
      %mul3A_627 = vector.broadcast %mul3A_626 : f32 to vector<16xf32>
      %mul3A_628 = arith.mulf %mul3A_627, %add3A_625 : vector<16xf32>
      %exp3A_629 = math.exp %mul3A_628 : vector<16xf32>
      %add3A_630 = arith.addf %add3A_553, %exp3A_629 : vector<16xf32>
      %broadcast_in_dim3A_631 = arith.constant 0.000000e+00 : f32
      %broadcast_in_dim3A_632 = vector.broadcast %broadcast_in_dim3A_631 : f32 to vector<16xf32>
      %get3A_633 = arith.constant 55 : i32
      %get3A_634 = arith.index_cast %get3A_633 : i32 to index
      %get3A_635 = arith.constant 0 : index
      %get3A_636 = tpu.vector_load %arg17[%get3A_634, %get3A_635] {strides = array<i32>} : memref<80x16xf32, #tpu.memory_space<vmem>>, vector<1x16xf32>,
      %get3A_637 = vector.shape_cast %get3A_636 : vector<1x16xf32> to vector<16xf32>
      %sub3A_638 = arith.subf %get3A_14, %get3A_637 : vector<16xf32>
      %get3A_639 = arith.constant 75 : i32
      %get3A_640 = arith.index_cast %get3A_639 : i32 to index
      %get3A_641 = arith.constant 0 : index
      %get3A_642 = tpu.vector_load %arg17[%get3A_640, %get3A_641] {strides = array<i32>} : memref<80x16xf32, #tpu.memory_space<vmem>>, vector<1x16xf32>,
      %get3A_643 = vector.shape_cast %get3A_642 : vector<1x16xf32> to vector<16xf32>
      %mul3A_644 = arith.mulf %sub3A_638, %get3A_643 : vector<16xf32>
      %mul3A_645 = arith.mulf %mul3A_644, %sub3A_638 : vector<16xf32>
      %add3A_646 = arith.addf %broadcast_in_dim3A_632, %mul3A_645 : vector<16xf32>
      %get3A_647 = arith.constant 56 : i32
      %get3A_648 = arith.index_cast %get3A_647 : i32 to index
      %get3A_649 = arith.constant 0 : index
      %get3A_650 = tpu.vector_load %arg17[%get3A_648, %get3A_649] {strides = array<i32>} : memref<80x16xf32, #tpu.memory_space<vmem>>, vector<1x16xf32>,
      %get3A_651 = vector.shape_cast %get3A_650 : vector<1x16xf32> to vector<16xf32>
      %sub3A_652 = arith.subf %get3A_17, %get3A_651 : vector<16xf32>
      %get3A_653 = arith.constant 76 : i32
      %get3A_654 = arith.index_cast %get3A_653 : i32 to index
      %get3A_655 = arith.constant 0 : index
      %get3A_656 = tpu.vector_load %arg17[%get3A_654, %get3A_655] {strides = array<i32>} : memref<80x16xf32, #tpu.memory_space<vmem>>, vector<1x16xf32>,
      %get3A_657 = vector.shape_cast %get3A_656 : vector<1x16xf32> to vector<16xf32>
      %mul3A_658 = arith.mulf %sub3A_652, %get3A_657 : vector<16xf32>
      %mul3A_659 = arith.mulf %mul3A_658, %sub3A_652 : vector<16xf32>
      %add3A_660 = arith.addf %add3A_646, %mul3A_659 : vector<16xf32>
      %get3A_661 = arith.constant 57 : i32
      %get3A_662 = arith.index_cast %get3A_661 : i32 to index
      %get3A_663 = arith.constant 0 : index
      %get3A_664 = tpu.vector_load %arg17[%get3A_662, %get3A_663] {strides = array<i32>} : memref<80x16xf32, #tpu.memory_space<vmem>>, vector<1x16xf32>,
      %get3A_665 = vector.shape_cast %get3A_664 : vector<1x16xf32> to vector<16xf32>
      %sub3A_666 = arith.subf %get3A_20, %get3A_665 : vector<16xf32>
      %get3A_667 = arith.constant 77 : i32
      %get3A_668 = arith.index_cast %get3A_667 : i32 to index
      %get3A_669 = arith.constant 0 : index
      %get3A_670 = tpu.vector_load %arg17[%get3A_668, %get3A_669] {strides = array<i32>} : memref<80x16xf32, #tpu.memory_space<vmem>>, vector<1x16xf32>,
      %get3A_671 = vector.shape_cast %get3A_670 : vector<1x16xf32> to vector<16xf32>
      %mul3A_672 = arith.mulf %sub3A_666, %get3A_671 : vector<16xf32>
      %mul3A_673 = arith.mulf %mul3A_672, %sub3A_666 : vector<16xf32>
      %add3A_674 = arith.addf %add3A_660, %mul3A_673 : vector<16xf32>
      %get3A_675 = arith.constant 58 : i32
      %get3A_676 = arith.index_cast %get3A_675 : i32 to index
      %get3A_677 = arith.constant 0 : index
      %get3A_678 = tpu.vector_load %arg17[%get3A_676, %get3A_677] {strides = array<i32>} : memref<80x16xf32, #tpu.memory_space<vmem>>, vector<1x16xf32>,
      %get3A_679 = vector.shape_cast %get3A_678 : vector<1x16xf32> to vector<16xf32>
      %sub3A_680 = arith.subf %get3A_23, %get3A_679 : vector<16xf32>
      %get3A_681 = arith.constant 78 : i32
      %get3A_682 = arith.index_cast %get3A_681 : i32 to index
      %get3A_683 = arith.constant 0 : index
      %get3A_684 = tpu.vector_load %arg17[%get3A_682, %get3A_683] {strides = array<i32>} : memref<80x16xf32, #tpu.memory_space<vmem>>, vector<1x16xf32>,
      %get3A_685 = vector.shape_cast %get3A_684 : vector<1x16xf32> to vector<16xf32>
      %mul3A_686 = arith.mulf %sub3A_680, %get3A_685 : vector<16xf32>
      %mul3A_687 = arith.mulf %mul3A_686, %sub3A_680 : vector<16xf32>
      %add3A_688 = arith.addf %add3A_674, %mul3A_687 : vector<16xf32>
      %get3A_689 = arith.constant 59 : i32
      %get3A_690 = arith.index_cast %get3A_689 : i32 to index
      %get3A_691 = arith.constant 0 : index
      %get3A_692 = tpu.vector_load %arg17[%get3A_690, %get3A_691] {strides = array<i32>} : memref<80x16xf32, #tpu.memory_space<vmem>>, vector<1x16xf32>,
      %get3A_693 = vector.shape_cast %get3A_692 : vector<1x16xf32> to vector<16xf32>
      %sub3A_694 = arith.subf %get3A_26, %get3A_693 : vector<16xf32>
      %get3A_695 = arith.constant 79 : i32
      %get3A_696 = arith.index_cast %get3A_695 : i32 to index
      %get3A_697 = arith.constant 0 : index
      %get3A_698 = tpu.vector_load %arg17[%get3A_696, %get3A_697] {strides = array<i32>} : memref<80x16xf32, #tpu.memory_space<vmem>>, vector<1x16xf32>,
      %get3A_699 = vector.shape_cast %get3A_698 : vector<1x16xf32> to vector<16xf32>
      %mul3A_700 = arith.mulf %sub3A_694, %get3A_699 : vector<16xf32>
      %mul3A_701 = arith.mulf %mul3A_700, %sub3A_694 : vector<16xf32>
      %add3A_702 = arith.addf %add3A_688, %mul3A_701 : vector<16xf32>
      %mul3A_703 = arith.constant -5.000000e-01 : f32
      %mul3A_704 = vector.broadcast %mul3A_703 : f32 to vector<16xf32>
      %mul3A_705 = arith.mulf %mul3A_704, %add3A_702 : vector<16xf32>
      %exp3A_706 = math.exp %mul3A_705 : vector<16xf32>
      %add3A_707 = arith.addf %add3A_630, %exp3A_706 : vector<16xf32>
      %iota3A_708 = tpu.iota {dimensions = array<i32: 0>} : vector<16xi32>
      %xor3A_709 = arith.constant 1 : i32
      %xor3A_710 = vector.broadcast %xor3A_709 : i32 to vector<16xi32>
      %xor3A_711 = arith.xori %iota3A_708, %xor3A_710 : vector<16xi32>
      %reshape3A_712 = vector.shape_cast %xor3A_711 : vector<16xi32> to vector<16x1xi32>
      %gather3A_713 = vector.shape_cast %reshape3A_712 : vector<16x1xi32> to vector<16xi32>
      %gather3A_714 = tpu.dynamic_gather %add3A_707[%gather3A_713] in [0] : vector<16xf32>, vector<16xi32> -> vector<16xf32>
      %max3A_715 = arith.maximumf %add3A_707, %gather3A_714 : vector<16xf32>
      %iota3A_716 = tpu.iota {dimensions = array<i32: 0>} : vector<16xi32>
      %xor3A_717 = arith.constant 2 : i32
      %xor3A_718 = vector.broadcast %xor3A_717 : i32 to vector<16xi32>
      %xor3A_719 = arith.xori %iota3A_716, %xor3A_718 : vector<16xi32>
      %reshape3A_720 = vector.shape_cast %xor3A_719 : vector<16xi32> to vector<16x1xi32>
      %gather3A_721 = vector.shape_cast %reshape3A_720 : vector<16x1xi32> to vector<16xi32>
      %gather3A_722 = tpu.dynamic_gather %max3A_715[%gather3A_721] in [0] : vector<16xf32>, vector<16xi32> -> vector<16xf32>
      %max3A_723 = arith.maximumf %max3A_715, %gather3A_722 : vector<16xf32>
      %iota3A_724 = tpu.iota {dimensions = array<i32: 0>} : vector<16xi32>
      %xor3A_725 = arith.constant 4 : i32
      %xor3A_726 = vector.broadcast %xor3A_725 : i32 to vector<16xi32>
      %xor3A_727 = arith.xori %iota3A_724, %xor3A_726 : vector<16xi32>
      %reshape3A_728 = vector.shape_cast %xor3A_727 : vector<16xi32> to vector<16x1xi32>
      %gather3A_729 = vector.shape_cast %reshape3A_728 : vector<16x1xi32> to vector<16xi32>
      %gather3A_730 = tpu.dynamic_gather %max3A_723[%gather3A_729] in [0] : vector<16xf32>, vector<16xi32> -> vector<16xf32>
      %max3A_731 = arith.maximumf %max3A_723, %gather3A_730 : vector<16xf32>
      %iota3A_732 = tpu.iota {dimensions = array<i32: 0>} : vector<16xi32>
      %xor3A_733 = arith.constant 8 : i32
      %xor3A_734 = vector.broadcast %xor3A_733 : i32 to vector<16xi32>
      %xor3A_735 = arith.xori %iota3A_732, %xor3A_734 : vector<16xi32>
      %reshape3A_736 = vector.shape_cast %xor3A_735 : vector<16xi32> to vector<16x1xi32>
      %gather3A_737 = vector.shape_cast %reshape3A_736 : vector<16x1xi32> to vector<16xi32>
      %gather3A_738 = tpu.dynamic_gather %max3A_731[%gather3A_737] in [0] : vector<16xf32>, vector<16xi32> -> vector<16xf32>
      %max3A_739 = arith.maximumf %max3A_731, %gather3A_738 : vector<16xf32>
      %sub3A_740 = arith.subf %add3A_707, %max3A_739 : vector<16xf32>
      %exp3A_741 = math.exp %sub3A_740 : vector<16xf32>
      %iota3A_742 = tpu.iota {dimensions = array<i32: 0>} : vector<16xi32>
      %xor3A_743 = arith.constant 1 : i32
      %xor3A_744 = vector.broadcast %xor3A_743 : i32 to vector<16xi32>
      %xor3A_745 = arith.xori %iota3A_742, %xor3A_744 : vector<16xi32>
      %reshape3A_746 = vector.shape_cast %xor3A_745 : vector<16xi32> to vector<16x1xi32>
      %gather3A_747 = vector.shape_cast %reshape3A_746 : vector<16x1xi32> to vector<16xi32>
      %gather3A_748 = tpu.dynamic_gather %exp3A_741[%gather3A_747] in [0] : vector<16xf32>, vector<16xi32> -> vector<16xf32>
      %add3A_749 = arith.addf %exp3A_741, %gather3A_748 : vector<16xf32>
      %iota3A_750 = tpu.iota {dimensions = array<i32: 0>} : vector<16xi32>
      %xor3A_751 = arith.constant 2 : i32
      %xor3A_752 = vector.broadcast %xor3A_751 : i32 to vector<16xi32>
      %xor3A_753 = arith.xori %iota3A_750, %xor3A_752 : vector<16xi32>
      %reshape3A_754 = vector.shape_cast %xor3A_753 : vector<16xi32> to vector<16x1xi32>
      %gather3A_755 = vector.shape_cast %reshape3A_754 : vector<16x1xi32> to vector<16xi32>
      %gather3A_756 = tpu.dynamic_gather %add3A_749[%gather3A_755] in [0] : vector<16xf32>, vector<16xi32> -> vector<16xf32>
      %add3A_757 = arith.addf %add3A_749, %gather3A_756 : vector<16xf32>
      %iota3A_758 = tpu.iota {dimensions = array<i32: 0>} : vector<16xi32>
      %xor3A_759 = arith.constant 4 : i32
      %xor3A_760 = vector.broadcast %xor3A_759 : i32 to vector<16xi32>
      %xor3A_761 = arith.xori %iota3A_758, %xor3A_760 : vector<16xi32>
      %reshape3A_762 = vector.shape_cast %xor3A_761 : vector<16xi32> to vector<16x1xi32>
      %gather3A_763 = vector.shape_cast %reshape3A_762 : vector<16x1xi32> to vector<16xi32>
      %gather3A_764 = tpu.dynamic_gather %add3A_757[%gather3A_763] in [0] : vector<16xf32>, vector<16xi32> -> vector<16xf32>
      %add3A_765 = arith.addf %add3A_757, %gather3A_764 : vector<16xf32>
      %iota3A_766 = tpu.iota {dimensions = array<i32: 0>} : vector<16xi32>
      %xor3A_767 = arith.constant 8 : i32
      %xor3A_768 = vector.broadcast %xor3A_767 : i32 to vector<16xi32>
      %xor3A_769 = arith.xori %iota3A_766, %xor3A_768 : vector<16xi32>
      %reshape3A_770 = vector.shape_cast %xor3A_769 : vector<16xi32> to vector<16x1xi32>
      %gather3A_771 = vector.shape_cast %reshape3A_770 : vector<16x1xi32> to vector<16xi32>
      %gather3A_772 = tpu.dynamic_gather %add3A_765[%gather3A_771] in [0] : vector<16xf32>, vector<16xi32> -> vector<16xf32>
      %add3A_773 = arith.addf %add3A_765, %gather3A_772 : vector<16xf32>
      %div3A_774 = arith.divf %exp3A_741, %add3A_773 : vector<16xf32>
      %swap3A_775 = arith.index_cast %mul3A_12 : i32 to index
      %swap3A_776 = tpu.vector_load %arg16[%swap3A_775] {strides = array<i32>} : memref<1024xf32, #tpu.memory_space<vmem>>, vector<16xf32>,
      %swap3A_777 = vector.shape_cast %swap3A_776 : vector<16xf32> to vector<16xf32>
      %swap3A_778 = vector.shape_cast %div3A_774 : vector<16xf32> to vector<16xf32>
      tpu.vector_store %arg16[%swap3A_775], %swap3A_778 {strides = array<i32>} : memref<1024xf32, #tpu.memory_space<vmem>>, vector<16xf32>,
      %scan3A_779 = arith.constant 0 : i32
      scf.yield %scan3A_779 : i32
    }
    %scan3A_8 = arith.constant 64 : i32
    "tpu.region"() ({
      %run_scoped3A = tpu.sem_alloc : memref<!tpu.dma_semaphore, #tpu.memory_space<semaphore_mem>>
      %dma_start3A = tpu.memref_slice %arg8[%mul3A_2] : memref<32768xf32, #tpu.memory_space<hbm>> -> memref<1024xf32, #tpu.memory_space<hbm>>
      %dma_start3A_9 = tpu.memref_slice %arg8[%mul3A_2] : memref<32768xf32, #tpu.memory_space<hbm>> -> memref<1024xf32, #tpu.memory_space<hbm>>
      tpu.enqueue_dma source(%arg15 : memref<1024xf32, #tpu.memory_space<vmem>>) target(%dma_start3A_9 : memref<1024xf32, #tpu.memory_space<hbm>>) target_semaphore(%run_scoped3A : memref<!tpu.dma_semaphore, #tpu.memory_space<semaphore_mem>>)
      %dma_wait3A = tpu.memref_slice %arg8[%mul3A_2] : memref<32768xf32, #tpu.memory_space<hbm>> -> memref<1024xf32, #tpu.memory_space<hbm>>
      %dma_wait3A_10 = tpu.memref_slice %arg8[%mul3A_2] : memref<32768xf32, #tpu.memory_space<hbm>> -> memref<1024xf32, #tpu.memory_space<hbm>>
      tpu.wait_dma2 semaphore(%run_scoped3A : memref<!tpu.dma_semaphore, #tpu.memory_space<semaphore_mem>>) src(%arg15 : memref<1024xf32, #tpu.memory_space<vmem>>) dst(%dma_wait3A_10 : memref<1024xf32, #tpu.memory_space<hbm>>)
      tpu.yield
    }) : () -> ()
    "tpu.region"() ({
      %run_scoped3A = tpu.sem_alloc : memref<!tpu.dma_semaphore, #tpu.memory_space<semaphore_mem>>
      %dma_start3A = tpu.memref_slice %arg9[%mul3A_2] : memref<32768xf32, #tpu.memory_space<hbm>> -> memref<1024xf32, #tpu.memory_space<hbm>>
      %dma_start3A_9 = tpu.memref_slice %arg9[%mul3A_2] : memref<32768xf32, #tpu.memory_space<hbm>> -> memref<1024xf32, #tpu.memory_space<hbm>>
      tpu.enqueue_dma source(%arg16 : memref<1024xf32, #tpu.memory_space<vmem>>) target(%dma_start3A_9 : memref<1024xf32, #tpu.memory_space<hbm>>) target_semaphore(%run_scoped3A : memref<!tpu.dma_semaphore, #tpu.memory_space<semaphore_mem>>)
      %dma_wait3A = tpu.memref_slice %arg9[%mul3A_2] : memref<32768xf32, #tpu.memory_space<hbm>> -> memref<1024xf32, #tpu.memory_space<hbm>>
      %dma_wait3A_10 = tpu.memref_slice %arg9[%mul3A_2] : memref<32768xf32, #tpu.memory_space<hbm>> -> memref<1024xf32, #tpu.memory_space<hbm>>
      tpu.wait_dma2 semaphore(%run_scoped3A : memref<!tpu.dma_semaphore, #tpu.memory_space<semaphore_mem>>) src(%arg16 : memref<1024xf32, #tpu.memory_space<vmem>>) dst(%dma_wait3A_10 : memref<1024xf32, #tpu.memory_space<hbm>>)
      tpu.yield
    }) : () -> ()
    return
  }
}

#map = affine_map<(d0, d1) -> (0)>
#map1 = affine_map<(d0, d1) -> (0, 0)>
#map2 = affine_map<(d0, d1) -> (0, 0, 0)>
module attributes {stable_mosaic.version = 14 : i64} {
  func.func @spmm(%arg0: i32, %arg1: i32, %arg2: memref<32768xi32, #tpu.memory_space<hbm>>, %arg3: memref<32768xf32, #tpu.memory_space<hbm>>, %arg4: memref<32768xf32, #tpu.memory_space<hbm>>, %arg5: memref<32768xf32, #tpu.memory_space<hbm>>, %arg6: memref<2048x128xf32, #tpu.memory_space<hbm>>, %arg7: memref<128x128xf32, #tpu.memory_space<hbm>>, %arg8: memref<2x2048x128xf32, #tpu.memory_space<hbm>>, %arg9: memref<1024xi32, #tpu.memory_space<vmem>>, %arg10: memref<512xi32, #tpu.memory_space<vmem>>, %arg11: memref<512xi32, #tpu.memory_space<vmem>>, %arg12: memref<512xi32, #tpu.memory_space<vmem>>, %arg13: memref<512xi32, #tpu.memory_space<vmem>>, %arg14: memref<1024xf32, #tpu.memory_space<vmem>>, %arg15: memref<1024xf32, #tpu.memory_space<vmem>>, %arg16: memref<1024xf32, #tpu.memory_space<vmem>>, %arg17: memref<512x128xf32, #tpu.memory_space<vmem>>, %arg18: memref<2048x128xf32, #tpu.memory_space<vmem_shared>>, %arg19: memref<!tpu.dma_semaphore, #tpu.memory_space<semaphore_mem>>) attributes {dimension_semantics = [#tpu.dimension_semantics<core_parallel>, #tpu.dimension_semantics<subcore_parallel>], iteration_bounds = array<i64: 2, 16>, scalar_prefetch = 0 : i64, scratch_operands = 11 : i64, tpu.core_type = #tpu.core_type<sc_vector_subcore>, window_params = [{transform_indices = #map}, {transform_indices = #map}, {transform_indices = #map}, {transform_indices = #map}, {transform_indices = #map1}, {transform_indices = #map1}, {transform_indices = #map2}]} {
    %mul3A = arith.constant 16 : i32
    %mul3A_0 = arith.muli %arg0, %mul3A : i32
    %add3A = arith.addi %mul3A_0, %arg1 : i32
    %mul3A_1 = arith.constant 1024 : i32
    %mul3A_2 = arith.muli %add3A, %mul3A_1 : i32
    "tpu.region"() ({
      %run_scoped3A = tpu.sem_alloc : memref<!tpu.dma_semaphore, #tpu.memory_space<semaphore_mem>>
      %dma_start3A_54 = tpu.memref_slice %arg2[%mul3A_2] : memref<32768xi32, #tpu.memory_space<hbm>> -> memref<1024xi32, #tpu.memory_space<hbm>>
      %dma_start3A_55 = tpu.memref_slice %arg2[%mul3A_2] : memref<32768xi32, #tpu.memory_space<hbm>> -> memref<1024xi32, #tpu.memory_space<hbm>>
      tpu.enqueue_dma source(%dma_start3A_55 : memref<1024xi32, #tpu.memory_space<hbm>>) target(%arg9 : memref<1024xi32, #tpu.memory_space<vmem>>) target_semaphore(%run_scoped3A : memref<!tpu.dma_semaphore, #tpu.memory_space<semaphore_mem>>)
      %dma_wait3A_56 = tpu.memref_slice %arg2[%mul3A_2] : memref<32768xi32, #tpu.memory_space<hbm>> -> memref<1024xi32, #tpu.memory_space<hbm>>
      %dma_wait3A_57 = tpu.memref_slice %arg2[%mul3A_2] : memref<32768xi32, #tpu.memory_space<hbm>> -> memref<1024xi32, #tpu.memory_space<hbm>>
      tpu.wait_dma2 semaphore(%run_scoped3A : memref<!tpu.dma_semaphore, #tpu.memory_space<semaphore_mem>>) src(%dma_wait3A_57 : memref<1024xi32, #tpu.memory_space<hbm>>) dst(%arg9 : memref<1024xi32, #tpu.memory_space<vmem>>)
      tpu.yield
    }) : () -> ()
    "tpu.region"() ({
      %run_scoped3A = tpu.sem_alloc : memref<!tpu.dma_semaphore, #tpu.memory_space<semaphore_mem>>
      %dma_start3A_54 = tpu.memref_slice %arg3[%mul3A_2] : memref<32768xf32, #tpu.memory_space<hbm>> -> memref<1024xf32, #tpu.memory_space<hbm>>
      %dma_start3A_55 = tpu.memref_slice %arg3[%mul3A_2] : memref<32768xf32, #tpu.memory_space<hbm>> -> memref<1024xf32, #tpu.memory_space<hbm>>
      tpu.enqueue_dma source(%dma_start3A_55 : memref<1024xf32, #tpu.memory_space<hbm>>) target(%arg14 : memref<1024xf32, #tpu.memory_space<vmem>>) target_semaphore(%run_scoped3A : memref<!tpu.dma_semaphore, #tpu.memory_space<semaphore_mem>>)
      %dma_wait3A_56 = tpu.memref_slice %arg3[%mul3A_2] : memref<32768xf32, #tpu.memory_space<hbm>> -> memref<1024xf32, #tpu.memory_space<hbm>>
      %dma_wait3A_57 = tpu.memref_slice %arg3[%mul3A_2] : memref<32768xf32, #tpu.memory_space<hbm>> -> memref<1024xf32, #tpu.memory_space<hbm>>
      tpu.wait_dma2 semaphore(%run_scoped3A : memref<!tpu.dma_semaphore, #tpu.memory_space<semaphore_mem>>) src(%dma_wait3A_57 : memref<1024xf32, #tpu.memory_space<hbm>>) dst(%arg14 : memref<1024xf32, #tpu.memory_space<vmem>>)
      tpu.yield
    }) : () -> ()
    "tpu.region"() ({
      %run_scoped3A = tpu.sem_alloc : memref<!tpu.dma_semaphore, #tpu.memory_space<semaphore_mem>>
      %dma_start3A_54 = tpu.memref_slice %arg4[%mul3A_2] : memref<32768xf32, #tpu.memory_space<hbm>> -> memref<1024xf32, #tpu.memory_space<hbm>>
      %dma_start3A_55 = tpu.memref_slice %arg4[%mul3A_2] : memref<32768xf32, #tpu.memory_space<hbm>> -> memref<1024xf32, #tpu.memory_space<hbm>>
      tpu.enqueue_dma source(%dma_start3A_55 : memref<1024xf32, #tpu.memory_space<hbm>>) target(%arg15 : memref<1024xf32, #tpu.memory_space<vmem>>) target_semaphore(%run_scoped3A : memref<!tpu.dma_semaphore, #tpu.memory_space<semaphore_mem>>)
      %dma_wait3A_56 = tpu.memref_slice %arg4[%mul3A_2] : memref<32768xf32, #tpu.memory_space<hbm>> -> memref<1024xf32, #tpu.memory_space<hbm>>
      %dma_wait3A_57 = tpu.memref_slice %arg4[%mul3A_2] : memref<32768xf32, #tpu.memory_space<hbm>> -> memref<1024xf32, #tpu.memory_space<hbm>>
      tpu.wait_dma2 semaphore(%run_scoped3A : memref<!tpu.dma_semaphore, #tpu.memory_space<semaphore_mem>>) src(%dma_wait3A_57 : memref<1024xf32, #tpu.memory_space<hbm>>) dst(%arg15 : memref<1024xf32, #tpu.memory_space<vmem>>)
      tpu.yield
    }) : () -> ()
    "tpu.region"() ({
      %run_scoped3A = tpu.sem_alloc : memref<!tpu.dma_semaphore, #tpu.memory_space<semaphore_mem>>
      %dma_start3A_54 = tpu.memref_slice %arg5[%mul3A_2] : memref<32768xf32, #tpu.memory_space<hbm>> -> memref<1024xf32, #tpu.memory_space<hbm>>
      %dma_start3A_55 = tpu.memref_slice %arg5[%mul3A_2] : memref<32768xf32, #tpu.memory_space<hbm>> -> memref<1024xf32, #tpu.memory_space<hbm>>
      tpu.enqueue_dma source(%dma_start3A_55 : memref<1024xf32, #tpu.memory_space<hbm>>) target(%arg16 : memref<1024xf32, #tpu.memory_space<vmem>>) target_semaphore(%run_scoped3A : memref<!tpu.dma_semaphore, #tpu.memory_space<semaphore_mem>>)
      %dma_wait3A_56 = tpu.memref_slice %arg5[%mul3A_2] : memref<32768xf32, #tpu.memory_space<hbm>> -> memref<1024xf32, #tpu.memory_space<hbm>>
      %dma_wait3A_57 = tpu.memref_slice %arg5[%mul3A_2] : memref<32768xf32, #tpu.memory_space<hbm>> -> memref<1024xf32, #tpu.memory_space<hbm>>
      tpu.wait_dma2 semaphore(%run_scoped3A : memref<!tpu.dma_semaphore, #tpu.memory_space<semaphore_mem>>) src(%dma_wait3A_57 : memref<1024xf32, #tpu.memory_space<hbm>>) dst(%arg16 : memref<1024xf32, #tpu.memory_space<vmem>>)
      tpu.yield
    }) : () -> ()
    %scan3A = arith.constant 0 : i32
    %scan3A_3 = arith.constant 0 : i32
    %scan3A_4 = arith.constant 64 : i32
    %scan3A_5 = arith.addi %scan3A_3, %scan3A_4 : i32
    %scan3A_6 = arith.constant 1 : i32
    %scan3A_7 = scf.for %scan3A_54 = %scan3A_3 to %scan3A_5 step %scan3A_6 iter_args(%scan3A_55 = %scan3A) -> (i32)  : i32 {
      %mul3A_56 = arith.constant 16 : i32
      %mul3A_57 = arith.muli %scan3A_54, %mul3A_56 : i32
      %get3A = arith.index_cast %mul3A_57 : i32 to index
      %get3A_58 = tpu.vector_load %arg14[%get3A] {strides = array<i32>} : memref<1024xf32, #tpu.memory_space<vmem>>, vector<16xf32>,
      %get3A_59 = vector.shape_cast %get3A_58 : vector<16xf32> to vector<16xf32>
      %get3A_60 = arith.index_cast %mul3A_57 : i32 to index
      %get3A_61 = tpu.vector_load %arg15[%get3A_60] {strides = array<i32>} : memref<1024xf32, #tpu.memory_space<vmem>>, vector<16xf32>,
      %get3A_62 = vector.shape_cast %get3A_61 : vector<16xf32> to vector<16xf32>
      %get3A_63 = arith.index_cast %mul3A_57 : i32 to index
      %get3A_64 = tpu.vector_load %arg16[%get3A_63] {strides = array<i32>} : memref<1024xf32, #tpu.memory_space<vmem>>, vector<16xf32>,
      %get3A_65 = vector.shape_cast %get3A_64 : vector<16xf32> to vector<16xf32>
      %add3A_66 = arith.addf %get3A_62, %get3A_65 : vector<16xf32>
      %mul3A_67 = arith.mulf %get3A_59, %add3A_66 : vector<16xf32>
      %swap3A = arith.index_cast %mul3A_57 : i32 to index
      %swap3A_68 = tpu.vector_load %arg14[%swap3A] {strides = array<i32>} : memref<1024xf32, #tpu.memory_space<vmem>>, vector<16xf32>,
      %swap3A_69 = vector.shape_cast %swap3A_68 : vector<16xf32> to vector<16xf32>
      %swap3A_70 = vector.shape_cast %mul3A_67 : vector<16xf32> to vector<16xf32>
      tpu.vector_store %arg14[%swap3A], %swap3A_70 {strides = array<i32>} : memref<1024xf32, #tpu.memory_space<vmem>>, vector<16xf32>,
      %scan3A_71 = arith.constant 0 : i32
      scf.yield %scan3A_71 : i32
    }
    %scan3A_8 = arith.constant 64 : i32
    %scan3A_9 = arith.constant 0 : i32
    %scan3A_10 = arith.constant 0 : i32
    %scan3A_11 = arith.constant 32 : i32
    %scan3A_12 = arith.addi %scan3A_10, %scan3A_11 : i32
    %scan3A_13 = arith.constant 1 : i32
    %scan3A_14 = scf.for %scan3A_54 = %scan3A_10 to %scan3A_12 step %scan3A_13 iter_args(%scan3A_55 = %scan3A_9) -> (i32)  : i32 {
      %mul3A_56 = arith.constant 16 : i32
      %mul3A_57 = arith.muli %scan3A_54, %mul3A_56 : i32
      %add3A_58 = arith.constant 0 : i32
      %add3A_59 = arith.addi %add3A_58, %mul3A_57 : i32
      %get3A = arith.index_cast %add3A_59 : i32 to index
      %get3A_60 = tpu.vector_load %arg9[%get3A] {strides = array<i32>} : memref<1024xi32, #tpu.memory_space<vmem>>, vector<16xi32>,
      %get3A_61 = vector.shape_cast %get3A_60 : vector<16xi32> to vector<16xi32>
      %shift_right_logical3A = arith.constant 11 : i32
      %shift_right_logical3A_62 = vector.broadcast %shift_right_logical3A : i32 to vector<16xi32>
      %shift_right_logical3A_63 = arith.shrui %get3A_61, %shift_right_logical3A_62 : vector<16xi32>
      %mul3A_64 = arith.constant 16 : i32
      %mul3A_65 = arith.muli %scan3A_54, %mul3A_64 : i32
      %swap3A = arith.index_cast %mul3A_65 : i32 to index
      %swap3A_66 = tpu.vector_load %arg10[%swap3A] {strides = array<i32>} : memref<512xi32, #tpu.memory_space<vmem>>, vector<16xi32>,
      %swap3A_67 = vector.shape_cast %swap3A_66 : vector<16xi32> to vector<16xi32>
      %swap3A_68 = vector.shape_cast %shift_right_logical3A_63 : vector<16xi32> to vector<16xi32>
      tpu.vector_store %arg10[%swap3A], %swap3A_68 {strides = array<i32>} : memref<512xi32, #tpu.memory_space<vmem>>, vector<16xi32>,
      %and3A = arith.constant 2047 : i32
      %and3A_69 = vector.broadcast %and3A : i32 to vector<16xi32>
      %and3A_70 = arith.andi %get3A_61, %and3A_69 : vector<16xi32>
      %mul3A_71 = arith.constant 16 : i32
      %mul3A_72 = arith.muli %scan3A_54, %mul3A_71 : i32
      %swap3A_73 = arith.index_cast %mul3A_72 : i32 to index
      %swap3A_74 = tpu.vector_load %arg12[%swap3A_73] {strides = array<i32>} : memref<512xi32, #tpu.memory_space<vmem>>, vector<16xi32>,
      %swap3A_75 = vector.shape_cast %swap3A_74 : vector<16xi32> to vector<16xi32>
      %swap3A_76 = vector.shape_cast %and3A_70 : vector<16xi32> to vector<16xi32>
      tpu.vector_store %arg12[%swap3A_73], %swap3A_76 {strides = array<i32>} : memref<512xi32, #tpu.memory_space<vmem>>, vector<16xi32>,
      %scan3A_77 = arith.constant 0 : i32
      scf.yield %scan3A_77 : i32
    }
    %scan3A_15 = arith.constant 32 : i32
    %scan3A_16 = arith.constant 0 : i32
    %scan3A_17 = arith.constant 0 : i32
    %scan3A_18 = arith.constant 32 : i32
    %scan3A_19 = arith.addi %scan3A_17, %scan3A_18 : i32
    %scan3A_20 = arith.constant 1 : i32
    %scan3A_21 = scf.for %scan3A_54 = %scan3A_17 to %scan3A_19 step %scan3A_20 iter_args(%scan3A_55 = %scan3A_16) -> (i32)  : i32 {
      %mul3A_56 = arith.constant 16 : i32
      %mul3A_57 = arith.muli %scan3A_54, %mul3A_56 : i32
      %add3A_58 = arith.constant 512 : i32
      %add3A_59 = arith.addi %add3A_58, %mul3A_57 : i32
      %get3A = arith.index_cast %add3A_59 : i32 to index
      %get3A_60 = tpu.vector_load %arg9[%get3A] {strides = array<i32>} : memref<1024xi32, #tpu.memory_space<vmem>>, vector<16xi32>,
      %get3A_61 = vector.shape_cast %get3A_60 : vector<16xi32> to vector<16xi32>
      %shift_right_logical3A = arith.constant 11 : i32
      %shift_right_logical3A_62 = vector.broadcast %shift_right_logical3A : i32 to vector<16xi32>
      %shift_right_logical3A_63 = arith.shrui %get3A_61, %shift_right_logical3A_62 : vector<16xi32>
      %mul3A_64 = arith.constant 16 : i32
      %mul3A_65 = arith.muli %scan3A_54, %mul3A_64 : i32
      %swap3A = arith.index_cast %mul3A_65 : i32 to index
      %swap3A_66 = tpu.vector_load %arg11[%swap3A] {strides = array<i32>} : memref<512xi32, #tpu.memory_space<vmem>>, vector<16xi32>,
      %swap3A_67 = vector.shape_cast %swap3A_66 : vector<16xi32> to vector<16xi32>
      %swap3A_68 = vector.shape_cast %shift_right_logical3A_63 : vector<16xi32> to vector<16xi32>
      tpu.vector_store %arg11[%swap3A], %swap3A_68 {strides = array<i32>} : memref<512xi32, #tpu.memory_space<vmem>>, vector<16xi32>,
      %and3A = arith.constant 2047 : i32
      %and3A_69 = vector.broadcast %and3A : i32 to vector<16xi32>
      %and3A_70 = arith.andi %get3A_61, %and3A_69 : vector<16xi32>
      %mul3A_71 = arith.constant 16 : i32
      %mul3A_72 = arith.muli %scan3A_54, %mul3A_71 : i32
      %swap3A_73 = arith.index_cast %mul3A_72 : i32 to index
      %swap3A_74 = tpu.vector_load %arg13[%swap3A_73] {strides = array<i32>} : memref<512xi32, #tpu.memory_space<vmem>>, vector<16xi32>,
      %swap3A_75 = vector.shape_cast %swap3A_74 : vector<16xi32> to vector<16xi32>
      %swap3A_76 = vector.shape_cast %and3A_70 : vector<16xi32> to vector<16xi32>
      tpu.vector_store %arg13[%swap3A_73], %swap3A_76 {strides = array<i32>} : memref<512xi32, #tpu.memory_space<vmem>>, vector<16xi32>,
      %scan3A_77 = arith.constant 0 : i32
      scf.yield %scan3A_77 : i32
    }
    %scan3A_22 = arith.constant 32 : i32
    %mul3A_23 = arith.constant 128 : i32
    %mul3A_24 = arith.muli %arg1, %mul3A_23 : i32
    "tpu.region"() ({
      %run_scoped3A = tpu.sem_alloc : memref<!tpu.dma_semaphore, #tpu.memory_space<semaphore_mem>>
      %dma_start3A_54 = arith.constant 0 : i32
      %dma_start3A_55 = tpu.memref_slice %arg18[%mul3A_24, %dma_start3A_54] : memref<2048x128xf32, #tpu.memory_space<vmem_shared>> -> memref<128x128xf32, #tpu.memory_space<vmem_shared>>
      tpu.enqueue_dma source(%arg7 : memref<128x128xf32, #tpu.memory_space<hbm>>) target(%dma_start3A_55 : memref<128x128xf32, #tpu.memory_space<vmem_shared>>) target_semaphore(%run_scoped3A : memref<!tpu.dma_semaphore, #tpu.memory_space<semaphore_mem>>)
      %dma_wait3A_56 = arith.constant 0 : i32
      %dma_wait3A_57 = tpu.memref_slice %arg18[%mul3A_24, %dma_wait3A_56] : memref<2048x128xf32, #tpu.memory_space<vmem_shared>> -> memref<128x128xf32, #tpu.memory_space<vmem_shared>>
      tpu.wait_dma2 semaphore(%run_scoped3A : memref<!tpu.dma_semaphore, #tpu.memory_space<semaphore_mem>>) src(%arg7 : memref<128x128xf32, #tpu.memory_space<hbm>>) dst(%dma_wait3A_57 : memref<128x128xf32, #tpu.memory_space<vmem_shared>>)
      tpu.yield
    }) : () -> ()
    %barrier3A = arith.constant 0 : index
    tpu.barrier barrier_id(%barrier3A)
    %dma_start3A = arith.constant 0 : i32
    %dma_start3A_25 = arith.constant 0 : i32
    %dma_start3A_26 = tpu.memref_slice %arg6[%dma_start3A, %dma_start3A_25] : memref<2048x128xf32, #tpu.memory_space<hbm>> -> memref<2048x128xf32, #tpu.memory_space<hbm>>
    tpu.enqueue_indirect_dma source(%dma_start3A_26 : memref<2048x128xf32, #tpu.memory_space<hbm>>) target(%arg17 : memref<512x128xf32, #tpu.memory_space<vmem>>) offsets(%arg12 : memref<512xi32, #tpu.memory_space<vmem>>) semaphore(%arg19 : memref<!tpu.dma_semaphore, #tpu.memory_space<semaphore_mem>>)
    %dma_wait3A = arith.constant 0 : i32
    %dma_wait3A_27 = arith.constant 0 : i32
    %dma_wait3A_28 = tpu.memref_slice %arg6[%dma_wait3A, %dma_wait3A_27] : memref<2048x128xf32, #tpu.memory_space<hbm>> -> memref<2048x128xf32, #tpu.memory_space<hbm>>
    tpu.wait_indirect_dma semaphore(%arg19 : memref<!tpu.dma_semaphore, #tpu.memory_space<semaphore_mem>>) src(%dma_wait3A_28 : memref<2048x128xf32, #tpu.memory_space<hbm>>) dst(%arg17 : memref<512x128xf32, #tpu.memory_space<vmem>>)
    %scan3A_29 = arith.constant 0 : i32
    %scan3A_30 = arith.constant 0 : i32
    %scan3A_31 = arith.constant 32 : i32
    %scan3A_32 = arith.addi %scan3A_30, %scan3A_31 : i32
    %scan3A_33 = arith.constant 1 : i32
    %scan3A_34 = scf.for %scan3A_54 = %scan3A_30 to %scan3A_32 step %scan3A_33 iter_args(%scan3A_55 = %scan3A_29) -> (i32)  : i32 {
      %mul3A_56 = arith.constant 16 : i32
      %mul3A_57 = arith.muli %scan3A_54, %mul3A_56 : i32
      %add3A_58 = arith.constant 0 : i32
      %add3A_59 = arith.addi %add3A_58, %mul3A_57 : i32
      %get3A = arith.index_cast %add3A_59 : i32 to index
      %get3A_60 = tpu.vector_load %arg14[%get3A] {strides = array<i32>} : memref<1024xf32, #tpu.memory_space<vmem>>, vector<16xf32>,
      %get3A_61 = vector.shape_cast %get3A_60 : vector<16xf32> to vector<16xf32>
      %broadcast_in_dim3A = arith.constant 0 : i32
      %broadcast_in_dim3A_62 = vector.broadcast %broadcast_in_dim3A : i32 to vector<16x1xi32>
      %gather3A = vector.shape_cast %broadcast_in_dim3A_62 : vector<16x1xi32> to vector<16xi32>
      %gather3A_63 = tpu.dynamic_gather %get3A_61[%gather3A] in [0] : vector<16xf32>, vector<16xi32> -> vector<16xf32>
      %mul3A_64 = arith.constant 16 : i32
      %mul3A_65 = arith.muli %scan3A_54, %mul3A_64 : i32
      %add3A_66 = arith.constant 0 : i32
      %add3A_67 = arith.addi %mul3A_65, %add3A_66 : i32
      %get3A_68 = arith.index_cast %add3A_67 : i32 to index
      %get3A_69 = arith.constant 0 : index
      %get3A_70 = tpu.vector_load %arg17[%get3A_68, %get3A_69] {strides = array<i32>} : memref<512x128xf32, #tpu.memory_space<vmem>>, vector<1x16xf32>,
      %get3A_71 = vector.shape_cast %get3A_70 : vector<1x16xf32> to vector<16xf32>
      %mul3A_72 = arith.mulf %get3A_71, %gather3A_63 : vector<16xf32>
      %swap3A = arith.index_cast %add3A_67 : i32 to index
      %swap3A_73 = arith.constant 0 : index
      %swap3A_74 = tpu.vector_load %arg17[%swap3A, %swap3A_73] {strides = array<i32>} : memref<512x128xf32, #tpu.memory_space<vmem>>, vector<1x16xf32>,
      %swap3A_75 = vector.shape_cast %swap3A_74 : vector<1x16xf32> to vector<16xf32>
      %swap3A_76 = vector.shape_cast %mul3A_72 : vector<16xf32> to vector<1x16xf32>
      tpu.vector_store %arg17[%swap3A, %swap3A_73], %swap3A_76 {strides = array<i32>} : memref<512x128xf32, #tpu.memory_space<vmem>>, vector<1x16xf32>,
      %get3A_77 = arith.index_cast %add3A_67 : i32 to index
      %get3A_78 = arith.constant 64 : index
      %get3A_79 = tpu.vector_load %arg17[%get3A_77, %get3A_78] {strides = array<i32>} : memref<512x128xf32, #tpu.memory_space<vmem>>, vector<1x16xf32>,
      %get3A_80 = vector.shape_cast %get3A_79 : vector<1x16xf32> to vector<16xf32>
      %mul3A_81 = arith.mulf %get3A_80, %gather3A_63 : vector<16xf32>
      %swap3A_82 = arith.index_cast %add3A_67 : i32 to index
      %swap3A_83 = arith.constant 64 : index
      %swap3A_84 = tpu.vector_load %arg17[%swap3A_82, %swap3A_83] {strides = array<i32>} : memref<512x128xf32, #tpu.memory_space<vmem>>, vector<1x16xf32>,
      %swap3A_85 = vector.shape_cast %swap3A_84 : vector<1x16xf32> to vector<16xf32>
      %swap3A_86 = vector.shape_cast %mul3A_81 : vector<16xf32> to vector<1x16xf32>
      tpu.vector_store %arg17[%swap3A_82, %swap3A_83], %swap3A_86 {strides = array<i32>} : memref<512x128xf32, #tpu.memory_space<vmem>>, vector<1x16xf32>,
      %broadcast_in_dim3A_87 = arith.constant 1 : i32
      %broadcast_in_dim3A_88 = vector.broadcast %broadcast_in_dim3A_87 : i32 to vector<16x1xi32>
      %gather3A_89 = vector.shape_cast %broadcast_in_dim3A_88 : vector<16x1xi32> to vector<16xi32>
      %gather3A_90 = tpu.dynamic_gather %get3A_61[%gather3A_89] in [0] : vector<16xf32>, vector<16xi32> -> vector<16xf32>
      %mul3A_91 = arith.constant 16 : i32
      %mul3A_92 = arith.muli %scan3A_54, %mul3A_91 : i32
      %add3A_93 = arith.constant 1 : i32
      %add3A_94 = arith.addi %mul3A_92, %add3A_93 : i32
      %get3A_95 = arith.index_cast %add3A_94 : i32 to index
      %get3A_96 = arith.constant 0 : index
      %get3A_97 = tpu.vector_load %arg17[%get3A_95, %get3A_96] {strides = array<i32>} : memref<512x128xf32, #tpu.memory_space<vmem>>, vector<1x16xf32>,
      %get3A_98 = vector.shape_cast %get3A_97 : vector<1x16xf32> to vector<16xf32>
      %mul3A_99 = arith.mulf %get3A_98, %gather3A_90 : vector<16xf32>
      %swap3A_100 = arith.index_cast %add3A_94 : i32 to index
      %swap3A_101 = arith.constant 0 : index
      %swap3A_102 = tpu.vector_load %arg17[%swap3A_100, %swap3A_101] {strides = array<i32>} : memref<512x128xf32, #tpu.memory_space<vmem>>, vector<1x16xf32>,
      %swap3A_103 = vector.shape_cast %swap3A_102 : vector<1x16xf32> to vector<16xf32>
      %swap3A_104 = vector.shape_cast %mul3A_99 : vector<16xf32> to vector<1x16xf32>
      tpu.vector_store %arg17[%swap3A_100, %swap3A_101], %swap3A_104 {strides = array<i32>} : memref<512x128xf32, #tpu.memory_space<vmem>>, vector<1x16xf32>,
      %get3A_105 = arith.index_cast %add3A_94 : i32 to index
      %get3A_106 = arith.constant 64 : index
      %get3A_107 = tpu.vector_load %arg17[%get3A_105, %get3A_106] {strides = array<i32>} : memref<512x128xf32, #tpu.memory_space<vmem>>, vector<1x16xf32>,
      %get3A_108 = vector.shape_cast %get3A_107 : vector<1x16xf32> to vector<16xf32>
      %mul3A_109 = arith.mulf %get3A_108, %gather3A_90 : vector<16xf32>
      %swap3A_110 = arith.index_cast %add3A_94 : i32 to index
      %swap3A_111 = arith.constant 64 : index
      %swap3A_112 = tpu.vector_load %arg17[%swap3A_110, %swap3A_111] {strides = array<i32>} : memref<512x128xf32, #tpu.memory_space<vmem>>, vector<1x16xf32>,
      %swap3A_113 = vector.shape_cast %swap3A_112 : vector<1x16xf32> to vector<16xf32>
      %swap3A_114 = vector.shape_cast %mul3A_109 : vector<16xf32> to vector<1x16xf32>
      tpu.vector_store %arg17[%swap3A_110, %swap3A_111], %swap3A_114 {strides = array<i32>} : memref<512x128xf32, #tpu.memory_space<vmem>>, vector<1x16xf32>,
      %broadcast_in_dim3A_115 = arith.constant 2 : i32
      %broadcast_in_dim3A_116 = vector.broadcast %broadcast_in_dim3A_115 : i32 to vector<16x1xi32>
      %gather3A_117 = vector.shape_cast %broadcast_in_dim3A_116 : vector<16x1xi32> to vector<16xi32>
      %gather3A_118 = tpu.dynamic_gather %get3A_61[%gather3A_117] in [0] : vector<16xf32>, vector<16xi32> -> vector<16xf32>
      %mul3A_119 = arith.constant 16 : i32
      %mul3A_120 = arith.muli %scan3A_54, %mul3A_119 : i32
      %add3A_121 = arith.constant 2 : i32
      %add3A_122 = arith.addi %mul3A_120, %add3A_121 : i32
      %get3A_123 = arith.index_cast %add3A_122 : i32 to index
      %get3A_124 = arith.constant 0 : index
      %get3A_125 = tpu.vector_load %arg17[%get3A_123, %get3A_124] {strides = array<i32>} : memref<512x128xf32, #tpu.memory_space<vmem>>, vector<1x16xf32>,
      %get3A_126 = vector.shape_cast %get3A_125 : vector<1x16xf32> to vector<16xf32>
      %mul3A_127 = arith.mulf %get3A_126, %gather3A_118 : vector<16xf32>
      %swap3A_128 = arith.index_cast %add3A_122 : i32 to index
      %swap3A_129 = arith.constant 0 : index
      %swap3A_130 = tpu.vector_load %arg17[%swap3A_128, %swap3A_129] {strides = array<i32>} : memref<512x128xf32, #tpu.memory_space<vmem>>, vector<1x16xf32>,
      %swap3A_131 = vector.shape_cast %swap3A_130 : vector<1x16xf32> to vector<16xf32>
      %swap3A_132 = vector.shape_cast %mul3A_127 : vector<16xf32> to vector<1x16xf32>
      tpu.vector_store %arg17[%swap3A_128, %swap3A_129], %swap3A_132 {strides = array<i32>} : memref<512x128xf32, #tpu.memory_space<vmem>>, vector<1x16xf32>,
      %get3A_133 = arith.index_cast %add3A_122 : i32 to index
      %get3A_134 = arith.constant 64 : index
      %get3A_135 = tpu.vector_load %arg17[%get3A_133, %get3A_134] {strides = array<i32>} : memref<512x128xf32, #tpu.memory_space<vmem>>, vector<1x16xf32>,
      %get3A_136 = vector.shape_cast %get3A_135 : vector<1x16xf32> to vector<16xf32>
      %mul3A_137 = arith.mulf %get3A_136, %gather3A_118 : vector<16xf32>
      %swap3A_138 = arith.index_cast %add3A_122 : i32 to index
      %swap3A_139 = arith.constant 64 : index
      %swap3A_140 = tpu.vector_load %arg17[%swap3A_138, %swap3A_139] {strides = array<i32>} : memref<512x128xf32, #tpu.memory_space<vmem>>, vector<1x16xf32>,
      %swap3A_141 = vector.shape_cast %swap3A_140 : vector<1x16xf32> to vector<16xf32>
      %swap3A_142 = vector.shape_cast %mul3A_137 : vector<16xf32> to vector<1x16xf32>
      tpu.vector_store %arg17[%swap3A_138, %swap3A_139], %swap3A_142 {strides = array<i32>} : memref<512x128xf32, #tpu.memory_space<vmem>>, vector<1x16xf32>,
      %broadcast_in_dim3A_143 = arith.constant 3 : i32
      %broadcast_in_dim3A_144 = vector.broadcast %broadcast_in_dim3A_143 : i32 to vector<16x1xi32>
      %gather3A_145 = vector.shape_cast %broadcast_in_dim3A_144 : vector<16x1xi32> to vector<16xi32>
      %gather3A_146 = tpu.dynamic_gather %get3A_61[%gather3A_145] in [0] : vector<16xf32>, vector<16xi32> -> vector<16xf32>
      %mul3A_147 = arith.constant 16 : i32
      %mul3A_148 = arith.muli %scan3A_54, %mul3A_147 : i32
      %add3A_149 = arith.constant 3 : i32
      %add3A_150 = arith.addi %mul3A_148, %add3A_149 : i32
      %get3A_151 = arith.index_cast %add3A_150 : i32 to index
      %get3A_152 = arith.constant 0 : index
      %get3A_153 = tpu.vector_load %arg17[%get3A_151, %get3A_152] {strides = array<i32>} : memref<512x128xf32, #tpu.memory_space<vmem>>, vector<1x16xf32>,
      %get3A_154 = vector.shape_cast %get3A_153 : vector<1x16xf32> to vector<16xf32>
      %mul3A_155 = arith.mulf %get3A_154, %gather3A_146 : vector<16xf32>
      %swap3A_156 = arith.index_cast %add3A_150 : i32 to index
      %swap3A_157 = arith.constant 0 : index
      %swap3A_158 = tpu.vector_load %arg17[%swap3A_156, %swap3A_157] {strides = array<i32>} : memref<512x128xf32, #tpu.memory_space<vmem>>, vector<1x16xf32>,
      %swap3A_159 = vector.shape_cast %swap3A_158 : vector<1x16xf32> to vector<16xf32>
      %swap3A_160 = vector.shape_cast %mul3A_155 : vector<16xf32> to vector<1x16xf32>
      tpu.vector_store %arg17[%swap3A_156, %swap3A_157], %swap3A_160 {strides = array<i32>} : memref<512x128xf32, #tpu.memory_space<vmem>>, vector<1x16xf32>,
      %get3A_161 = arith.index_cast %add3A_150 : i32 to index
      %get3A_162 = arith.constant 64 : index
      %get3A_163 = tpu.vector_load %arg17[%get3A_161, %get3A_162] {strides = array<i32>} : memref<512x128xf32, #tpu.memory_space<vmem>>, vector<1x16xf32>,
      %get3A_164 = vector.shape_cast %get3A_163 : vector<1x16xf32> to vector<16xf32>
      %mul3A_165 = arith.mulf %get3A_164, %gather3A_146 : vector<16xf32>
      %swap3A_166 = arith.index_cast %add3A_150 : i32 to index
      %swap3A_167 = arith.constant 64 : index
      %swap3A_168 = tpu.vector_load %arg17[%swap3A_166, %swap3A_167] {strides = array<i32>} : memref<512x128xf32, #tpu.memory_space<vmem>>, vector<1x16xf32>,
      %swap3A_169 = vector.shape_cast %swap3A_168 : vector<1x16xf32> to vector<16xf32>
      %swap3A_170 = vector.shape_cast %mul3A_165 : vector<16xf32> to vector<1x16xf32>
      tpu.vector_store %arg17[%swap3A_166, %swap3A_167], %swap3A_170 {strides = array<i32>} : memref<512x128xf32, #tpu.memory_space<vmem>>, vector<1x16xf32>,
      %broadcast_in_dim3A_171 = arith.constant 4 : i32
      %broadcast_in_dim3A_172 = vector.broadcast %broadcast_in_dim3A_171 : i32 to vector<16x1xi32>
      %gather3A_173 = vector.shape_cast %broadcast_in_dim3A_172 : vector<16x1xi32> to vector<16xi32>
      %gather3A_174 = tpu.dynamic_gather %get3A_61[%gather3A_173] in [0] : vector<16xf32>, vector<16xi32> -> vector<16xf32>
      %mul3A_175 = arith.constant 16 : i32
      %mul3A_176 = arith.muli %scan3A_54, %mul3A_175 : i32
      %add3A_177 = arith.constant 4 : i32
      %add3A_178 = arith.addi %mul3A_176, %add3A_177 : i32
      %get3A_179 = arith.index_cast %add3A_178 : i32 to index
      %get3A_180 = arith.constant 0 : index
      %get3A_181 = tpu.vector_load %arg17[%get3A_179, %get3A_180] {strides = array<i32>} : memref<512x128xf32, #tpu.memory_space<vmem>>, vector<1x16xf32>,
      %get3A_182 = vector.shape_cast %get3A_181 : vector<1x16xf32> to vector<16xf32>
      %mul3A_183 = arith.mulf %get3A_182, %gather3A_174 : vector<16xf32>
      %swap3A_184 = arith.index_cast %add3A_178 : i32 to index
      %swap3A_185 = arith.constant 0 : index
      %swap3A_186 = tpu.vector_load %arg17[%swap3A_184, %swap3A_185] {strides = array<i32>} : memref<512x128xf32, #tpu.memory_space<vmem>>, vector<1x16xf32>,
      %swap3A_187 = vector.shape_cast %swap3A_186 : vector<1x16xf32> to vector<16xf32>
      %swap3A_188 = vector.shape_cast %mul3A_183 : vector<16xf32> to vector<1x16xf32>
      tpu.vector_store %arg17[%swap3A_184, %swap3A_185], %swap3A_188 {strides = array<i32>} : memref<512x128xf32, #tpu.memory_space<vmem>>, vector<1x16xf32>,
      %get3A_189 = arith.index_cast %add3A_178 : i32 to index
      %get3A_190 = arith.constant 64 : index
      %get3A_191 = tpu.vector_load %arg17[%get3A_189, %get3A_190] {strides = array<i32>} : memref<512x128xf32, #tpu.memory_space<vmem>>, vector<1x16xf32>,
      %get3A_192 = vector.shape_cast %get3A_191 : vector<1x16xf32> to vector<16xf32>
      %mul3A_193 = arith.mulf %get3A_192, %gather3A_174 : vector<16xf32>
      %swap3A_194 = arith.index_cast %add3A_178 : i32 to index
      %swap3A_195 = arith.constant 64 : index
      %swap3A_196 = tpu.vector_load %arg17[%swap3A_194, %swap3A_195] {strides = array<i32>} : memref<512x128xf32, #tpu.memory_space<vmem>>, vector<1x16xf32>,
      %swap3A_197 = vector.shape_cast %swap3A_196 : vector<1x16xf32> to vector<16xf32>
      %swap3A_198 = vector.shape_cast %mul3A_193 : vector<16xf32> to vector<1x16xf32>
      tpu.vector_store %arg17[%swap3A_194, %swap3A_195], %swap3A_198 {strides = array<i32>} : memref<512x128xf32, #tpu.memory_space<vmem>>, vector<1x16xf32>,
      %broadcast_in_dim3A_199 = arith.constant 5 : i32
      %broadcast_in_dim3A_200 = vector.broadcast %broadcast_in_dim3A_199 : i32 to vector<16x1xi32>
      %gather3A_201 = vector.shape_cast %broadcast_in_dim3A_200 : vector<16x1xi32> to vector<16xi32>
      %gather3A_202 = tpu.dynamic_gather %get3A_61[%gather3A_201] in [0] : vector<16xf32>, vector<16xi32> -> vector<16xf32>
      %mul3A_203 = arith.constant 16 : i32
      %mul3A_204 = arith.muli %scan3A_54, %mul3A_203 : i32
      %add3A_205 = arith.constant 5 : i32
      %add3A_206 = arith.addi %mul3A_204, %add3A_205 : i32
      %get3A_207 = arith.index_cast %add3A_206 : i32 to index
      %get3A_208 = arith.constant 0 : index
      %get3A_209 = tpu.vector_load %arg17[%get3A_207, %get3A_208] {strides = array<i32>} : memref<512x128xf32, #tpu.memory_space<vmem>>, vector<1x16xf32>,
      %get3A_210 = vector.shape_cast %get3A_209 : vector<1x16xf32> to vector<16xf32>
      %mul3A_211 = arith.mulf %get3A_210, %gather3A_202 : vector<16xf32>
      %swap3A_212 = arith.index_cast %add3A_206 : i32 to index
      %swap3A_213 = arith.constant 0 : index
      %swap3A_214 = tpu.vector_load %arg17[%swap3A_212, %swap3A_213] {strides = array<i32>} : memref<512x128xf32, #tpu.memory_space<vmem>>, vector<1x16xf32>,
      %swap3A_215 = vector.shape_cast %swap3A_214 : vector<1x16xf32> to vector<16xf32>
      %swap3A_216 = vector.shape_cast %mul3A_211 : vector<16xf32> to vector<1x16xf32>
      tpu.vector_store %arg17[%swap3A_212, %swap3A_213], %swap3A_216 {strides = array<i32>} : memref<512x128xf32, #tpu.memory_space<vmem>>, vector<1x16xf32>,
      %get3A_217 = arith.index_cast %add3A_206 : i32 to index
      %get3A_218 = arith.constant 64 : index
      %get3A_219 = tpu.vector_load %arg17[%get3A_217, %get3A_218] {strides = array<i32>} : memref<512x128xf32, #tpu.memory_space<vmem>>, vector<1x16xf32>,
      %get3A_220 = vector.shape_cast %get3A_219 : vector<1x16xf32> to vector<16xf32>
      %mul3A_221 = arith.mulf %get3A_220, %gather3A_202 : vector<16xf32>
      %swap3A_222 = arith.index_cast %add3A_206 : i32 to index
      %swap3A_223 = arith.constant 64 : index
      %swap3A_224 = tpu.vector_load %arg17[%swap3A_222, %swap3A_223] {strides = array<i32>} : memref<512x128xf32, #tpu.memory_space<vmem>>, vector<1x16xf32>,
      %swap3A_225 = vector.shape_cast %swap3A_224 : vector<1x16xf32> to vector<16xf32>
      %swap3A_226 = vector.shape_cast %mul3A_221 : vector<16xf32> to vector<1x16xf32>
      tpu.vector_store %arg17[%swap3A_222, %swap3A_223], %swap3A_226 {strides = array<i32>} : memref<512x128xf32, #tpu.memory_space<vmem>>, vector<1x16xf32>,
      %broadcast_in_dim3A_227 = arith.constant 6 : i32
      %broadcast_in_dim3A_228 = vector.broadcast %broadcast_in_dim3A_227 : i32 to vector<16x1xi32>
      %gather3A_229 = vector.shape_cast %broadcast_in_dim3A_228 : vector<16x1xi32> to vector<16xi32>
      %gather3A_230 = tpu.dynamic_gather %get3A_61[%gather3A_229] in [0] : vector<16xf32>, vector<16xi32> -> vector<16xf32>
      %mul3A_231 = arith.constant 16 : i32
      %mul3A_232 = arith.muli %scan3A_54, %mul3A_231 : i32
      %add3A_233 = arith.constant 6 : i32
      %add3A_234 = arith.addi %mul3A_232, %add3A_233 : i32
      %get3A_235 = arith.index_cast %add3A_234 : i32 to index
      %get3A_236 = arith.constant 0 : index
      %get3A_237 = tpu.vector_load %arg17[%get3A_235, %get3A_236] {strides = array<i32>} : memref<512x128xf32, #tpu.memory_space<vmem>>, vector<1x16xf32>,
      %get3A_238 = vector.shape_cast %get3A_237 : vector<1x16xf32> to vector<16xf32>
      %mul3A_239 = arith.mulf %get3A_238, %gather3A_230 : vector<16xf32>
      %swap3A_240 = arith.index_cast %add3A_234 : i32 to index
      %swap3A_241 = arith.constant 0 : index
      %swap3A_242 = tpu.vector_load %arg17[%swap3A_240, %swap3A_241] {strides = array<i32>} : memref<512x128xf32, #tpu.memory_space<vmem>>, vector<1x16xf32>,
      %swap3A_243 = vector.shape_cast %swap3A_242 : vector<1x16xf32> to vector<16xf32>
      %swap3A_244 = vector.shape_cast %mul3A_239 : vector<16xf32> to vector<1x16xf32>
      tpu.vector_store %arg17[%swap3A_240, %swap3A_241], %swap3A_244 {strides = array<i32>} : memref<512x128xf32, #tpu.memory_space<vmem>>, vector<1x16xf32>,
      %get3A_245 = arith.index_cast %add3A_234 : i32 to index
      %get3A_246 = arith.constant 64 : index
      %get3A_247 = tpu.vector_load %arg17[%get3A_245, %get3A_246] {strides = array<i32>} : memref<512x128xf32, #tpu.memory_space<vmem>>, vector<1x16xf32>,
      %get3A_248 = vector.shape_cast %get3A_247 : vector<1x16xf32> to vector<16xf32>
      %mul3A_249 = arith.mulf %get3A_248, %gather3A_230 : vector<16xf32>
      %swap3A_250 = arith.index_cast %add3A_234 : i32 to index
      %swap3A_251 = arith.constant 64 : index
      %swap3A_252 = tpu.vector_load %arg17[%swap3A_250, %swap3A_251] {strides = array<i32>} : memref<512x128xf32, #tpu.memory_space<vmem>>, vector<1x16xf32>,
      %swap3A_253 = vector.shape_cast %swap3A_252 : vector<1x16xf32> to vector<16xf32>
      %swap3A_254 = vector.shape_cast %mul3A_249 : vector<16xf32> to vector<1x16xf32>
      tpu.vector_store %arg17[%swap3A_250, %swap3A_251], %swap3A_254 {strides = array<i32>} : memref<512x128xf32, #tpu.memory_space<vmem>>, vector<1x16xf32>,
      %broadcast_in_dim3A_255 = arith.constant 7 : i32
      %broadcast_in_dim3A_256 = vector.broadcast %broadcast_in_dim3A_255 : i32 to vector<16x1xi32>
      %gather3A_257 = vector.shape_cast %broadcast_in_dim3A_256 : vector<16x1xi32> to vector<16xi32>
      %gather3A_258 = tpu.dynamic_gather %get3A_61[%gather3A_257] in [0] : vector<16xf32>, vector<16xi32> -> vector<16xf32>
      %mul3A_259 = arith.constant 16 : i32
      %mul3A_260 = arith.muli %scan3A_54, %mul3A_259 : i32
      %add3A_261 = arith.constant 7 : i32
      %add3A_262 = arith.addi %mul3A_260, %add3A_261 : i32
      %get3A_263 = arith.index_cast %add3A_262 : i32 to index
      %get3A_264 = arith.constant 0 : index
      %get3A_265 = tpu.vector_load %arg17[%get3A_263, %get3A_264] {strides = array<i32>} : memref<512x128xf32, #tpu.memory_space<vmem>>, vector<1x16xf32>,
      %get3A_266 = vector.shape_cast %get3A_265 : vector<1x16xf32> to vector<16xf32>
      %mul3A_267 = arith.mulf %get3A_266, %gather3A_258 : vector<16xf32>
      %swap3A_268 = arith.index_cast %add3A_262 : i32 to index
      %swap3A_269 = arith.constant 0 : index
      %swap3A_270 = tpu.vector_load %arg17[%swap3A_268, %swap3A_269] {strides = array<i32>} : memref<512x128xf32, #tpu.memory_space<vmem>>, vector<1x16xf32>,
      %swap3A_271 = vector.shape_cast %swap3A_270 : vector<1x16xf32> to vector<16xf32>
      %swap3A_272 = vector.shape_cast %mul3A_267 : vector<16xf32> to vector<1x16xf32>
      tpu.vector_store %arg17[%swap3A_268, %swap3A_269], %swap3A_272 {strides = array<i32>} : memref<512x128xf32, #tpu.memory_space<vmem>>, vector<1x16xf32>,
      %get3A_273 = arith.index_cast %add3A_262 : i32 to index
      %get3A_274 = arith.constant 64 : index
      %get3A_275 = tpu.vector_load %arg17[%get3A_273, %get3A_274] {strides = array<i32>} : memref<512x128xf32, #tpu.memory_space<vmem>>, vector<1x16xf32>,
      %get3A_276 = vector.shape_cast %get3A_275 : vector<1x16xf32> to vector<16xf32>
      %mul3A_277 = arith.mulf %get3A_276, %gather3A_258 : vector<16xf32>
      %swap3A_278 = arith.index_cast %add3A_262 : i32 to index
      %swap3A_279 = arith.constant 64 : index
      %swap3A_280 = tpu.vector_load %arg17[%swap3A_278, %swap3A_279] {strides = array<i32>} : memref<512x128xf32, #tpu.memory_space<vmem>>, vector<1x16xf32>,
      %swap3A_281 = vector.shape_cast %swap3A_280 : vector<1x16xf32> to vector<16xf32>
      %swap3A_282 = vector.shape_cast %mul3A_277 : vector<16xf32> to vector<1x16xf32>
      tpu.vector_store %arg17[%swap3A_278, %swap3A_279], %swap3A_282 {strides = array<i32>} : memref<512x128xf32, #tpu.memory_space<vmem>>, vector<1x16xf32>,
      %broadcast_in_dim3A_283 = arith.constant 8 : i32
      %broadcast_in_dim3A_284 = vector.broadcast %broadcast_in_dim3A_283 : i32 to vector<16x1xi32>
      %gather3A_285 = vector.shape_cast %broadcast_in_dim3A_284 : vector<16x1xi32> to vector<16xi32>
      %gather3A_286 = tpu.dynamic_gather %get3A_61[%gather3A_285] in [0] : vector<16xf32>, vector<16xi32> -> vector<16xf32>
      %mul3A_287 = arith.constant 16 : i32
      %mul3A_288 = arith.muli %scan3A_54, %mul3A_287 : i32
      %add3A_289 = arith.constant 8 : i32
      %add3A_290 = arith.addi %mul3A_288, %add3A_289 : i32
      %get3A_291 = arith.index_cast %add3A_290 : i32 to index
      %get3A_292 = arith.constant 0 : index
      %get3A_293 = tpu.vector_load %arg17[%get3A_291, %get3A_292] {strides = array<i32>} : memref<512x128xf32, #tpu.memory_space<vmem>>, vector<1x16xf32>,
      %get3A_294 = vector.shape_cast %get3A_293 : vector<1x16xf32> to vector<16xf32>
      %mul3A_295 = arith.mulf %get3A_294, %gather3A_286 : vector<16xf32>
      %swap3A_296 = arith.index_cast %add3A_290 : i32 to index
      %swap3A_297 = arith.constant 0 : index
      %swap3A_298 = tpu.vector_load %arg17[%swap3A_296, %swap3A_297] {strides = array<i32>} : memref<512x128xf32, #tpu.memory_space<vmem>>, vector<1x16xf32>,
      %swap3A_299 = vector.shape_cast %swap3A_298 : vector<1x16xf32> to vector<16xf32>
      %swap3A_300 = vector.shape_cast %mul3A_295 : vector<16xf32> to vector<1x16xf32>
      tpu.vector_store %arg17[%swap3A_296, %swap3A_297], %swap3A_300 {strides = array<i32>} : memref<512x128xf32, #tpu.memory_space<vmem>>, vector<1x16xf32>,
      %get3A_301 = arith.index_cast %add3A_290 : i32 to index
      %get3A_302 = arith.constant 64 : index
      %get3A_303 = tpu.vector_load %arg17[%get3A_301, %get3A_302] {strides = array<i32>} : memref<512x128xf32, #tpu.memory_space<vmem>>, vector<1x16xf32>,
      %get3A_304 = vector.shape_cast %get3A_303 : vector<1x16xf32> to vector<16xf32>
      %mul3A_305 = arith.mulf %get3A_304, %gather3A_286 : vector<16xf32>
      %swap3A_306 = arith.index_cast %add3A_290 : i32 to index
      %swap3A_307 = arith.constant 64 : index
      %swap3A_308 = tpu.vector_load %arg17[%swap3A_306, %swap3A_307] {strides = array<i32>} : memref<512x128xf32, #tpu.memory_space<vmem>>, vector<1x16xf32>,
      %swap3A_309 = vector.shape_cast %swap3A_308 : vector<1x16xf32> to vector<16xf32>
      %swap3A_310 = vector.shape_cast %mul3A_305 : vector<16xf32> to vector<1x16xf32>
      tpu.vector_store %arg17[%swap3A_306, %swap3A_307], %swap3A_310 {strides = array<i32>} : memref<512x128xf32, #tpu.memory_space<vmem>>, vector<1x16xf32>,
      %broadcast_in_dim3A_311 = arith.constant 9 : i32
      %broadcast_in_dim3A_312 = vector.broadcast %broadcast_in_dim3A_311 : i32 to vector<16x1xi32>
      %gather3A_313 = vector.shape_cast %broadcast_in_dim3A_312 : vector<16x1xi32> to vector<16xi32>
      %gather3A_314 = tpu.dynamic_gather %get3A_61[%gather3A_313] in [0] : vector<16xf32>, vector<16xi32> -> vector<16xf32>
      %mul3A_315 = arith.constant 16 : i32
      %mul3A_316 = arith.muli %scan3A_54, %mul3A_315 : i32
      %add3A_317 = arith.constant 9 : i32
      %add3A_318 = arith.addi %mul3A_316, %add3A_317 : i32
      %get3A_319 = arith.index_cast %add3A_318 : i32 to index
      %get3A_320 = arith.constant 0 : index
      %get3A_321 = tpu.vector_load %arg17[%get3A_319, %get3A_320] {strides = array<i32>} : memref<512x128xf32, #tpu.memory_space<vmem>>, vector<1x16xf32>,
      %get3A_322 = vector.shape_cast %get3A_321 : vector<1x16xf32> to vector<16xf32>
      %mul3A_323 = arith.mulf %get3A_322, %gather3A_314 : vector<16xf32>
      %swap3A_324 = arith.index_cast %add3A_318 : i32 to index
      %swap3A_325 = arith.constant 0 : index
      %swap3A_326 = tpu.vector_load %arg17[%swap3A_324, %swap3A_325] {strides = array<i32>} : memref<512x128xf32, #tpu.memory_space<vmem>>, vector<1x16xf32>,
      %swap3A_327 = vector.shape_cast %swap3A_326 : vector<1x16xf32> to vector<16xf32>
      %swap3A_328 = vector.shape_cast %mul3A_323 : vector<16xf32> to vector<1x16xf32>
      tpu.vector_store %arg17[%swap3A_324, %swap3A_325], %swap3A_328 {strides = array<i32>} : memref<512x128xf32, #tpu.memory_space<vmem>>, vector<1x16xf32>,
      %get3A_329 = arith.index_cast %add3A_318 : i32 to index
      %get3A_330 = arith.constant 64 : index
      %get3A_331 = tpu.vector_load %arg17[%get3A_329, %get3A_330] {strides = array<i32>} : memref<512x128xf32, #tpu.memory_space<vmem>>, vector<1x16xf32>,
      %get3A_332 = vector.shape_cast %get3A_331 : vector<1x16xf32> to vector<16xf32>
      %mul3A_333 = arith.mulf %get3A_332, %gather3A_314 : vector<16xf32>
      %swap3A_334 = arith.index_cast %add3A_318 : i32 to index
      %swap3A_335 = arith.constant 64 : index
      %swap3A_336 = tpu.vector_load %arg17[%swap3A_334, %swap3A_335] {strides = array<i32>} : memref<512x128xf32, #tpu.memory_space<vmem>>, vector<1x16xf32>,
      %swap3A_337 = vector.shape_cast %swap3A_336 : vector<1x16xf32> to vector<16xf32>
      %swap3A_338 = vector.shape_cast %mul3A_333 : vector<16xf32> to vector<1x16xf32>
      tpu.vector_store %arg17[%swap3A_334, %swap3A_335], %swap3A_338 {strides = array<i32>} : memref<512x128xf32, #tpu.memory_space<vmem>>, vector<1x16xf32>,
      %broadcast_in_dim3A_339 = arith.constant 10 : i32
      %broadcast_in_dim3A_340 = vector.broadcast %broadcast_in_dim3A_339 : i32 to vector<16x1xi32>
      %gather3A_341 = vector.shape_cast %broadcast_in_dim3A_340 : vector<16x1xi32> to vector<16xi32>
      %gather3A_342 = tpu.dynamic_gather %get3A_61[%gather3A_341] in [0] : vector<16xf32>, vector<16xi32> -> vector<16xf32>
      %mul3A_343 = arith.constant 16 : i32
      %mul3A_344 = arith.muli %scan3A_54, %mul3A_343 : i32
      %add3A_345 = arith.constant 10 : i32
      %add3A_346 = arith.addi %mul3A_344, %add3A_345 : i32
      %get3A_347 = arith.index_cast %add3A_346 : i32 to index
      %get3A_348 = arith.constant 0 : index
      %get3A_349 = tpu.vector_load %arg17[%get3A_347, %get3A_348] {strides = array<i32>} : memref<512x128xf32, #tpu.memory_space<vmem>>, vector<1x16xf32>,
      %get3A_350 = vector.shape_cast %get3A_349 : vector<1x16xf32> to vector<16xf32>
      %mul3A_351 = arith.mulf %get3A_350, %gather3A_342 : vector<16xf32>
      %swap3A_352 = arith.index_cast %add3A_346 : i32 to index
      %swap3A_353 = arith.constant 0 : index
      %swap3A_354 = tpu.vector_load %arg17[%swap3A_352, %swap3A_353] {strides = array<i32>} : memref<512x128xf32, #tpu.memory_space<vmem>>, vector<1x16xf32>,
      %swap3A_355 = vector.shape_cast %swap3A_354 : vector<1x16xf32> to vector<16xf32>
      %swap3A_356 = vector.shape_cast %mul3A_351 : vector<16xf32> to vector<1x16xf32>
      tpu.vector_store %arg17[%swap3A_352, %swap3A_353], %swap3A_356 {strides = array<i32>} : memref<512x128xf32, #tpu.memory_space<vmem>>, vector<1x16xf32>,
      %get3A_357 = arith.index_cast %add3A_346 : i32 to index
      %get3A_358 = arith.constant 64 : index
      %get3A_359 = tpu.vector_load %arg17[%get3A_357, %get3A_358] {strides = array<i32>} : memref<512x128xf32, #tpu.memory_space<vmem>>, vector<1x16xf32>,
      %get3A_360 = vector.shape_cast %get3A_359 : vector<1x16xf32> to vector<16xf32>
      %mul3A_361 = arith.mulf %get3A_360, %gather3A_342 : vector<16xf32>
      %swap3A_362 = arith.index_cast %add3A_346 : i32 to index
      %swap3A_363 = arith.constant 64 : index
      %swap3A_364 = tpu.vector_load %arg17[%swap3A_362, %swap3A_363] {strides = array<i32>} : memref<512x128xf32, #tpu.memory_space<vmem>>, vector<1x16xf32>,
      %swap3A_365 = vector.shape_cast %swap3A_364 : vector<1x16xf32> to vector<16xf32>
      %swap3A_366 = vector.shape_cast %mul3A_361 : vector<16xf32> to vector<1x16xf32>
      tpu.vector_store %arg17[%swap3A_362, %swap3A_363], %swap3A_366 {strides = array<i32>} : memref<512x128xf32, #tpu.memory_space<vmem>>, vector<1x16xf32>,
      %broadcast_in_dim3A_367 = arith.constant 11 : i32
      %broadcast_in_dim3A_368 = vector.broadcast %broadcast_in_dim3A_367 : i32 to vector<16x1xi32>
      %gather3A_369 = vector.shape_cast %broadcast_in_dim3A_368 : vector<16x1xi32> to vector<16xi32>
      %gather3A_370 = tpu.dynamic_gather %get3A_61[%gather3A_369] in [0] : vector<16xf32>, vector<16xi32> -> vector<16xf32>
      %mul3A_371 = arith.constant 16 : i32
      %mul3A_372 = arith.muli %scan3A_54, %mul3A_371 : i32
      %add3A_373 = arith.constant 11 : i32
      %add3A_374 = arith.addi %mul3A_372, %add3A_373 : i32
      %get3A_375 = arith.index_cast %add3A_374 : i32 to index
      %get3A_376 = arith.constant 0 : index
      %get3A_377 = tpu.vector_load %arg17[%get3A_375, %get3A_376] {strides = array<i32>} : memref<512x128xf32, #tpu.memory_space<vmem>>, vector<1x16xf32>,
      %get3A_378 = vector.shape_cast %get3A_377 : vector<1x16xf32> to vector<16xf32>
      %mul3A_379 = arith.mulf %get3A_378, %gather3A_370 : vector<16xf32>
      %swap3A_380 = arith.index_cast %add3A_374 : i32 to index
      %swap3A_381 = arith.constant 0 : index
      %swap3A_382 = tpu.vector_load %arg17[%swap3A_380, %swap3A_381] {strides = array<i32>} : memref<512x128xf32, #tpu.memory_space<vmem>>, vector<1x16xf32>,
      %swap3A_383 = vector.shape_cast %swap3A_382 : vector<1x16xf32> to vector<16xf32>
      %swap3A_384 = vector.shape_cast %mul3A_379 : vector<16xf32> to vector<1x16xf32>
      tpu.vector_store %arg17[%swap3A_380, %swap3A_381], %swap3A_384 {strides = array<i32>} : memref<512x128xf32, #tpu.memory_space<vmem>>, vector<1x16xf32>,
      %get3A_385 = arith.index_cast %add3A_374 : i32 to index
      %get3A_386 = arith.constant 64 : index
      %get3A_387 = tpu.vector_load %arg17[%get3A_385, %get3A_386] {strides = array<i32>} : memref<512x128xf32, #tpu.memory_space<vmem>>, vector<1x16xf32>,
      %get3A_388 = vector.shape_cast %get3A_387 : vector<1x16xf32> to vector<16xf32>
      %mul3A_389 = arith.mulf %get3A_388, %gather3A_370 : vector<16xf32>
      %swap3A_390 = arith.index_cast %add3A_374 : i32 to index
      %swap3A_391 = arith.constant 64 : index
      %swap3A_392 = tpu.vector_load %arg17[%swap3A_390, %swap3A_391] {strides = array<i32>} : memref<512x128xf32, #tpu.memory_space<vmem>>, vector<1x16xf32>,
      %swap3A_393 = vector.shape_cast %swap3A_392 : vector<1x16xf32> to vector<16xf32>
      %swap3A_394 = vector.shape_cast %mul3A_389 : vector<16xf32> to vector<1x16xf32>
      tpu.vector_store %arg17[%swap3A_390, %swap3A_391], %swap3A_394 {strides = array<i32>} : memref<512x128xf32, #tpu.memory_space<vmem>>, vector<1x16xf32>,
      %broadcast_in_dim3A_395 = arith.constant 12 : i32
      %broadcast_in_dim3A_396 = vector.broadcast %broadcast_in_dim3A_395 : i32 to vector<16x1xi32>
      %gather3A_397 = vector.shape_cast %broadcast_in_dim3A_396 : vector<16x1xi32> to vector<16xi32>
      %gather3A_398 = tpu.dynamic_gather %get3A_61[%gather3A_397] in [0] : vector<16xf32>, vector<16xi32> -> vector<16xf32>
      %mul3A_399 = arith.constant 16 : i32
      %mul3A_400 = arith.muli %scan3A_54, %mul3A_399 : i32
      %add3A_401 = arith.constant 12 : i32
      %add3A_402 = arith.addi %mul3A_400, %add3A_401 : i32
      %get3A_403 = arith.index_cast %add3A_402 : i32 to index
      %get3A_404 = arith.constant 0 : index
      %get3A_405 = tpu.vector_load %arg17[%get3A_403, %get3A_404] {strides = array<i32>} : memref<512x128xf32, #tpu.memory_space<vmem>>, vector<1x16xf32>,
      %get3A_406 = vector.shape_cast %get3A_405 : vector<1x16xf32> to vector<16xf32>
      %mul3A_407 = arith.mulf %get3A_406, %gather3A_398 : vector<16xf32>
      %swap3A_408 = arith.index_cast %add3A_402 : i32 to index
      %swap3A_409 = arith.constant 0 : index
      %swap3A_410 = tpu.vector_load %arg17[%swap3A_408, %swap3A_409] {strides = array<i32>} : memref<512x128xf32, #tpu.memory_space<vmem>>, vector<1x16xf32>,
      %swap3A_411 = vector.shape_cast %swap3A_410 : vector<1x16xf32> to vector<16xf32>
      %swap3A_412 = vector.shape_cast %mul3A_407 : vector<16xf32> to vector<1x16xf32>
      tpu.vector_store %arg17[%swap3A_408, %swap3A_409], %swap3A_412 {strides = array<i32>} : memref<512x128xf32, #tpu.memory_space<vmem>>, vector<1x16xf32>,
      %get3A_413 = arith.index_cast %add3A_402 : i32 to index
      %get3A_414 = arith.constant 64 : index
      %get3A_415 = tpu.vector_load %arg17[%get3A_413, %get3A_414] {strides = array<i32>} : memref<512x128xf32, #tpu.memory_space<vmem>>, vector<1x16xf32>,
      %get3A_416 = vector.shape_cast %get3A_415 : vector<1x16xf32> to vector<16xf32>
      %mul3A_417 = arith.mulf %get3A_416, %gather3A_398 : vector<16xf32>
      %swap3A_418 = arith.index_cast %add3A_402 : i32 to index
      %swap3A_419 = arith.constant 64 : index
      %swap3A_420 = tpu.vector_load %arg17[%swap3A_418, %swap3A_419] {strides = array<i32>} : memref<512x128xf32, #tpu.memory_space<vmem>>, vector<1x16xf32>,
      %swap3A_421 = vector.shape_cast %swap3A_420 : vector<1x16xf32> to vector<16xf32>
      %swap3A_422 = vector.shape_cast %mul3A_417 : vector<16xf32> to vector<1x16xf32>
      tpu.vector_store %arg17[%swap3A_418, %swap3A_419], %swap3A_422 {strides = array<i32>} : memref<512x128xf32, #tpu.memory_space<vmem>>, vector<1x16xf32>,
      %broadcast_in_dim3A_423 = arith.constant 13 : i32
      %broadcast_in_dim3A_424 = vector.broadcast %broadcast_in_dim3A_423 : i32 to vector<16x1xi32>
      %gather3A_425 = vector.shape_cast %broadcast_in_dim3A_424 : vector<16x1xi32> to vector<16xi32>
      %gather3A_426 = tpu.dynamic_gather %get3A_61[%gather3A_425] in [0] : vector<16xf32>, vector<16xi32> -> vector<16xf32>
      %mul3A_427 = arith.constant 16 : i32
      %mul3A_428 = arith.muli %scan3A_54, %mul3A_427 : i32
      %add3A_429 = arith.constant 13 : i32
      %add3A_430 = arith.addi %mul3A_428, %add3A_429 : i32
      %get3A_431 = arith.index_cast %add3A_430 : i32 to index
      %get3A_432 = arith.constant 0 : index
      %get3A_433 = tpu.vector_load %arg17[%get3A_431, %get3A_432] {strides = array<i32>} : memref<512x128xf32, #tpu.memory_space<vmem>>, vector<1x16xf32>,
      %get3A_434 = vector.shape_cast %get3A_433 : vector<1x16xf32> to vector<16xf32>
      %mul3A_435 = arith.mulf %get3A_434, %gather3A_426 : vector<16xf32>
      %swap3A_436 = arith.index_cast %add3A_430 : i32 to index
      %swap3A_437 = arith.constant 0 : index
      %swap3A_438 = tpu.vector_load %arg17[%swap3A_436, %swap3A_437] {strides = array<i32>} : memref<512x128xf32, #tpu.memory_space<vmem>>, vector<1x16xf32>,
      %swap3A_439 = vector.shape_cast %swap3A_438 : vector<1x16xf32> to vector<16xf32>
      %swap3A_440 = vector.shape_cast %mul3A_435 : vector<16xf32> to vector<1x16xf32>
      tpu.vector_store %arg17[%swap3A_436, %swap3A_437], %swap3A_440 {strides = array<i32>} : memref<512x128xf32, #tpu.memory_space<vmem>>, vector<1x16xf32>,
      %get3A_441 = arith.index_cast %add3A_430 : i32 to index
      %get3A_442 = arith.constant 64 : index
      %get3A_443 = tpu.vector_load %arg17[%get3A_441, %get3A_442] {strides = array<i32>} : memref<512x128xf32, #tpu.memory_space<vmem>>, vector<1x16xf32>,
      %get3A_444 = vector.shape_cast %get3A_443 : vector<1x16xf32> to vector<16xf32>
      %mul3A_445 = arith.mulf %get3A_444, %gather3A_426 : vector<16xf32>
      %swap3A_446 = arith.index_cast %add3A_430 : i32 to index
      %swap3A_447 = arith.constant 64 : index
      %swap3A_448 = tpu.vector_load %arg17[%swap3A_446, %swap3A_447] {strides = array<i32>} : memref<512x128xf32, #tpu.memory_space<vmem>>, vector<1x16xf32>,
      %swap3A_449 = vector.shape_cast %swap3A_448 : vector<1x16xf32> to vector<16xf32>
      %swap3A_450 = vector.shape_cast %mul3A_445 : vector<16xf32> to vector<1x16xf32>
      tpu.vector_store %arg17[%swap3A_446, %swap3A_447], %swap3A_450 {strides = array<i32>} : memref<512x128xf32, #tpu.memory_space<vmem>>, vector<1x16xf32>,
      %broadcast_in_dim3A_451 = arith.constant 14 : i32
      %broadcast_in_dim3A_452 = vector.broadcast %broadcast_in_dim3A_451 : i32 to vector<16x1xi32>
      %gather3A_453 = vector.shape_cast %broadcast_in_dim3A_452 : vector<16x1xi32> to vector<16xi32>
      %gather3A_454 = tpu.dynamic_gather %get3A_61[%gather3A_453] in [0] : vector<16xf32>, vector<16xi32> -> vector<16xf32>
      %mul3A_455 = arith.constant 16 : i32
      %mul3A_456 = arith.muli %scan3A_54, %mul3A_455 : i32
      %add3A_457 = arith.constant 14 : i32
      %add3A_458 = arith.addi %mul3A_456, %add3A_457 : i32
      %get3A_459 = arith.index_cast %add3A_458 : i32 to index
      %get3A_460 = arith.constant 0 : index
      %get3A_461 = tpu.vector_load %arg17[%get3A_459, %get3A_460] {strides = array<i32>} : memref<512x128xf32, #tpu.memory_space<vmem>>, vector<1x16xf32>,
      %get3A_462 = vector.shape_cast %get3A_461 : vector<1x16xf32> to vector<16xf32>
      %mul3A_463 = arith.mulf %get3A_462, %gather3A_454 : vector<16xf32>
      %swap3A_464 = arith.index_cast %add3A_458 : i32 to index
      %swap3A_465 = arith.constant 0 : index
      %swap3A_466 = tpu.vector_load %arg17[%swap3A_464, %swap3A_465] {strides = array<i32>} : memref<512x128xf32, #tpu.memory_space<vmem>>, vector<1x16xf32>,
      %swap3A_467 = vector.shape_cast %swap3A_466 : vector<1x16xf32> to vector<16xf32>
      %swap3A_468 = vector.shape_cast %mul3A_463 : vector<16xf32> to vector<1x16xf32>
      tpu.vector_store %arg17[%swap3A_464, %swap3A_465], %swap3A_468 {strides = array<i32>} : memref<512x128xf32, #tpu.memory_space<vmem>>, vector<1x16xf32>,
      %get3A_469 = arith.index_cast %add3A_458 : i32 to index
      %get3A_470 = arith.constant 64 : index
      %get3A_471 = tpu.vector_load %arg17[%get3A_469, %get3A_470] {strides = array<i32>} : memref<512x128xf32, #tpu.memory_space<vmem>>, vector<1x16xf32>,
      %get3A_472 = vector.shape_cast %get3A_471 : vector<1x16xf32> to vector<16xf32>
      %mul3A_473 = arith.mulf %get3A_472, %gather3A_454 : vector<16xf32>
      %swap3A_474 = arith.index_cast %add3A_458 : i32 to index
      %swap3A_475 = arith.constant 64 : index
      %swap3A_476 = tpu.vector_load %arg17[%swap3A_474, %swap3A_475] {strides = array<i32>} : memref<512x128xf32, #tpu.memory_space<vmem>>, vector<1x16xf32>,
      %swap3A_477 = vector.shape_cast %swap3A_476 : vector<1x16xf32> to vector<16xf32>
      %swap3A_478 = vector.shape_cast %mul3A_473 : vector<16xf32> to vector<1x16xf32>
      tpu.vector_store %arg17[%swap3A_474, %swap3A_475], %swap3A_478 {strides = array<i32>} : memref<512x128xf32, #tpu.memory_space<vmem>>, vector<1x16xf32>,
      %broadcast_in_dim3A_479 = arith.constant 15 : i32
      %broadcast_in_dim3A_480 = vector.broadcast %broadcast_in_dim3A_479 : i32 to vector<16x1xi32>
      %gather3A_481 = vector.shape_cast %broadcast_in_dim3A_480 : vector<16x1xi32> to vector<16xi32>
      %gather3A_482 = tpu.dynamic_gather %get3A_61[%gather3A_481] in [0] : vector<16xf32>, vector<16xi32> -> vector<16xf32>
      %mul3A_483 = arith.constant 16 : i32
      %mul3A_484 = arith.muli %scan3A_54, %mul3A_483 : i32
      %add3A_485 = arith.constant 15 : i32
      %add3A_486 = arith.addi %mul3A_484, %add3A_485 : i32
      %get3A_487 = arith.index_cast %add3A_486 : i32 to index
      %get3A_488 = arith.constant 0 : index
      %get3A_489 = tpu.vector_load %arg17[%get3A_487, %get3A_488] {strides = array<i32>} : memref<512x128xf32, #tpu.memory_space<vmem>>, vector<1x16xf32>,
      %get3A_490 = vector.shape_cast %get3A_489 : vector<1x16xf32> to vector<16xf32>
      %mul3A_491 = arith.mulf %get3A_490, %gather3A_482 : vector<16xf32>
      %swap3A_492 = arith.index_cast %add3A_486 : i32 to index
      %swap3A_493 = arith.constant 0 : index
      %swap3A_494 = tpu.vector_load %arg17[%swap3A_492, %swap3A_493] {strides = array<i32>} : memref<512x128xf32, #tpu.memory_space<vmem>>, vector<1x16xf32>,
      %swap3A_495 = vector.shape_cast %swap3A_494 : vector<1x16xf32> to vector<16xf32>
      %swap3A_496 = vector.shape_cast %mul3A_491 : vector<16xf32> to vector<1x16xf32>
      tpu.vector_store %arg17[%swap3A_492, %swap3A_493], %swap3A_496 {strides = array<i32>} : memref<512x128xf32, #tpu.memory_space<vmem>>, vector<1x16xf32>,
      %get3A_497 = arith.index_cast %add3A_486 : i32 to index
      %get3A_498 = arith.constant 64 : index
      %get3A_499 = tpu.vector_load %arg17[%get3A_497, %get3A_498] {strides = array<i32>} : memref<512x128xf32, #tpu.memory_space<vmem>>, vector<1x16xf32>,
      %get3A_500 = vector.shape_cast %get3A_499 : vector<1x16xf32> to vector<16xf32>
      %mul3A_501 = arith.mulf %get3A_500, %gather3A_482 : vector<16xf32>
      %swap3A_502 = arith.index_cast %add3A_486 : i32 to index
      %swap3A_503 = arith.constant 64 : index
      %swap3A_504 = tpu.vector_load %arg17[%swap3A_502, %swap3A_503] {strides = array<i32>} : memref<512x128xf32, #tpu.memory_space<vmem>>, vector<1x16xf32>,
      %swap3A_505 = vector.shape_cast %swap3A_504 : vector<1x16xf32> to vector<16xf32>
      %swap3A_506 = vector.shape_cast %mul3A_501 : vector<16xf32> to vector<1x16xf32>
      tpu.vector_store %arg17[%swap3A_502, %swap3A_503], %swap3A_506 {strides = array<i32>} : memref<512x128xf32, #tpu.memory_space<vmem>>, vector<1x16xf32>,
      %scan3A_507 = arith.constant 0 : i32
      scf.yield %scan3A_507 : i32
    }
    %scan3A_35 = arith.constant 32 : i32
    "tpu.region"() ({
      %run_scoped3A = tpu.sem_alloc : memref<!tpu.dma_semaphore, #tpu.memory_space<semaphore_mem>>
      %dma_start3A_54 = arith.constant 0 : i32
      %dma_start3A_55 = arith.constant 0 : i32
      %dma_start3A_56 = tpu.memref_slice %arg18[%dma_start3A_54, %dma_start3A_55] : memref<2048x128xf32, #tpu.memory_space<vmem_shared>> -> memref<2048x128xf32, #tpu.memory_space<vmem_shared>>
      tpu.enqueue_indirect_dma source(%arg17 : memref<512x128xf32, #tpu.memory_space<vmem>>) target(%dma_start3A_56 : memref<2048x128xf32, #tpu.memory_space<vmem_shared>>) offsets(%arg10 : memref<512xi32, #tpu.memory_space<vmem>>) semaphore(%run_scoped3A : memref<!tpu.dma_semaphore, #tpu.memory_space<semaphore_mem>>) {add = true}
      %dma_wait3A_57 = arith.constant 0 : i32
      %dma_wait3A_58 = arith.constant 0 : i32
      %dma_wait3A_59 = tpu.memref_slice %arg18[%dma_wait3A_57, %dma_wait3A_58] : memref<2048x128xf32, #tpu.memory_space<vmem_shared>> -> memref<2048x128xf32, #tpu.memory_space<vmem_shared>>
      tpu.wait_indirect_dma semaphore(%run_scoped3A : memref<!tpu.dma_semaphore, #tpu.memory_space<semaphore_mem>>) src(%arg17 : memref<512x128xf32, #tpu.memory_space<vmem>>) dst(%dma_wait3A_59 : memref<2048x128xf32, #tpu.memory_space<vmem_shared>>)
      tpu.yield
    }) : () -> ()
    %dma_start3A_36 = arith.constant 0 : i32
    %dma_start3A_37 = arith.constant 0 : i32
    %dma_start3A_38 = tpu.memref_slice %arg6[%dma_start3A_36, %dma_start3A_37] : memref<2048x128xf32, #tpu.memory_space<hbm>> -> memref<2048x128xf32, #tpu.memory_space<hbm>>
    tpu.enqueue_indirect_dma source(%dma_start3A_38 : memref<2048x128xf32, #tpu.memory_space<hbm>>) target(%arg17 : memref<512x128xf32, #tpu.memory_space<vmem>>) offsets(%arg13 : memref<512xi32, #tpu.memory_space<vmem>>) semaphore(%arg19 : memref<!tpu.dma_semaphore, #tpu.memory_space<semaphore_mem>>)
    %dma_wait3A_39 = arith.constant 0 : i32
    %dma_wait3A_40 = arith.constant 0 : i32
    %dma_wait3A_41 = tpu.memref_slice %arg6[%dma_wait3A_39, %dma_wait3A_40] : memref<2048x128xf32, #tpu.memory_space<hbm>> -> memref<2048x128xf32, #tpu.memory_space<hbm>>
    tpu.wait_indirect_dma semaphore(%arg19 : memref<!tpu.dma_semaphore, #tpu.memory_space<semaphore_mem>>) src(%dma_wait3A_41 : memref<2048x128xf32, #tpu.memory_space<hbm>>) dst(%arg17 : memref<512x128xf32, #tpu.memory_space<vmem>>)
    %scan3A_42 = arith.constant 0 : i32
    %scan3A_43 = arith.constant 0 : i32
    %scan3A_44 = arith.constant 32 : i32
    %scan3A_45 = arith.addi %scan3A_43, %scan3A_44 : i32
    %scan3A_46 = arith.constant 1 : i32
    %scan3A_47 = scf.for %scan3A_54 = %scan3A_43 to %scan3A_45 step %scan3A_46 iter_args(%scan3A_55 = %scan3A_42) -> (i32)  : i32 {
      %mul3A_56 = arith.constant 16 : i32
      %mul3A_57 = arith.muli %scan3A_54, %mul3A_56 : i32
      %add3A_58 = arith.constant 512 : i32
      %add3A_59 = arith.addi %add3A_58, %mul3A_57 : i32
      %get3A = arith.index_cast %add3A_59 : i32 to index
      %get3A_60 = tpu.vector_load %arg14[%get3A] {strides = array<i32>} : memref<1024xf32, #tpu.memory_space<vmem>>, vector<16xf32>,
      %get3A_61 = vector.shape_cast %get3A_60 : vector<16xf32> to vector<16xf32>
      %broadcast_in_dim3A = arith.constant 0 : i32
      %broadcast_in_dim3A_62 = vector.broadcast %broadcast_in_dim3A : i32 to vector<16x1xi32>
      %gather3A = vector.shape_cast %broadcast_in_dim3A_62 : vector<16x1xi32> to vector<16xi32>
      %gather3A_63 = tpu.dynamic_gather %get3A_61[%gather3A] in [0] : vector<16xf32>, vector<16xi32> -> vector<16xf32>
      %mul3A_64 = arith.constant 16 : i32
      %mul3A_65 = arith.muli %scan3A_54, %mul3A_64 : i32
      %add3A_66 = arith.constant 0 : i32
      %add3A_67 = arith.addi %mul3A_65, %add3A_66 : i32
      %get3A_68 = arith.index_cast %add3A_67 : i32 to index
      %get3A_69 = arith.constant 0 : index
      %get3A_70 = tpu.vector_load %arg17[%get3A_68, %get3A_69] {strides = array<i32>} : memref<512x128xf32, #tpu.memory_space<vmem>>, vector<1x16xf32>,
      %get3A_71 = vector.shape_cast %get3A_70 : vector<1x16xf32> to vector<16xf32>
      %mul3A_72 = arith.mulf %get3A_71, %gather3A_63 : vector<16xf32>
      %swap3A = arith.index_cast %add3A_67 : i32 to index
      %swap3A_73 = arith.constant 0 : index
      %swap3A_74 = tpu.vector_load %arg17[%swap3A, %swap3A_73] {strides = array<i32>} : memref<512x128xf32, #tpu.memory_space<vmem>>, vector<1x16xf32>,
      %swap3A_75 = vector.shape_cast %swap3A_74 : vector<1x16xf32> to vector<16xf32>
      %swap3A_76 = vector.shape_cast %mul3A_72 : vector<16xf32> to vector<1x16xf32>
      tpu.vector_store %arg17[%swap3A, %swap3A_73], %swap3A_76 {strides = array<i32>} : memref<512x128xf32, #tpu.memory_space<vmem>>, vector<1x16xf32>,
      %get3A_77 = arith.index_cast %add3A_67 : i32 to index
      %get3A_78 = arith.constant 64 : index
      %get3A_79 = tpu.vector_load %arg17[%get3A_77, %get3A_78] {strides = array<i32>} : memref<512x128xf32, #tpu.memory_space<vmem>>, vector<1x16xf32>,
      %get3A_80 = vector.shape_cast %get3A_79 : vector<1x16xf32> to vector<16xf32>
      %mul3A_81 = arith.mulf %get3A_80, %gather3A_63 : vector<16xf32>
      %swap3A_82 = arith.index_cast %add3A_67 : i32 to index
      %swap3A_83 = arith.constant 64 : index
      %swap3A_84 = tpu.vector_load %arg17[%swap3A_82, %swap3A_83] {strides = array<i32>} : memref<512x128xf32, #tpu.memory_space<vmem>>, vector<1x16xf32>,
      %swap3A_85 = vector.shape_cast %swap3A_84 : vector<1x16xf32> to vector<16xf32>
      %swap3A_86 = vector.shape_cast %mul3A_81 : vector<16xf32> to vector<1x16xf32>
      tpu.vector_store %arg17[%swap3A_82, %swap3A_83], %swap3A_86 {strides = array<i32>} : memref<512x128xf32, #tpu.memory_space<vmem>>, vector<1x16xf32>,
      %broadcast_in_dim3A_87 = arith.constant 1 : i32
      %broadcast_in_dim3A_88 = vector.broadcast %broadcast_in_dim3A_87 : i32 to vector<16x1xi32>
      %gather3A_89 = vector.shape_cast %broadcast_in_dim3A_88 : vector<16x1xi32> to vector<16xi32>
      %gather3A_90 = tpu.dynamic_gather %get3A_61[%gather3A_89] in [0] : vector<16xf32>, vector<16xi32> -> vector<16xf32>
      %mul3A_91 = arith.constant 16 : i32
      %mul3A_92 = arith.muli %scan3A_54, %mul3A_91 : i32
      %add3A_93 = arith.constant 1 : i32
      %add3A_94 = arith.addi %mul3A_92, %add3A_93 : i32
      %get3A_95 = arith.index_cast %add3A_94 : i32 to index
      %get3A_96 = arith.constant 0 : index
      %get3A_97 = tpu.vector_load %arg17[%get3A_95, %get3A_96] {strides = array<i32>} : memref<512x128xf32, #tpu.memory_space<vmem>>, vector<1x16xf32>,
      %get3A_98 = vector.shape_cast %get3A_97 : vector<1x16xf32> to vector<16xf32>
      %mul3A_99 = arith.mulf %get3A_98, %gather3A_90 : vector<16xf32>
      %swap3A_100 = arith.index_cast %add3A_94 : i32 to index
      %swap3A_101 = arith.constant 0 : index
      %swap3A_102 = tpu.vector_load %arg17[%swap3A_100, %swap3A_101] {strides = array<i32>} : memref<512x128xf32, #tpu.memory_space<vmem>>, vector<1x16xf32>,
      %swap3A_103 = vector.shape_cast %swap3A_102 : vector<1x16xf32> to vector<16xf32>
      %swap3A_104 = vector.shape_cast %mul3A_99 : vector<16xf32> to vector<1x16xf32>
      tpu.vector_store %arg17[%swap3A_100, %swap3A_101], %swap3A_104 {strides = array<i32>} : memref<512x128xf32, #tpu.memory_space<vmem>>, vector<1x16xf32>,
      %get3A_105 = arith.index_cast %add3A_94 : i32 to index
      %get3A_106 = arith.constant 64 : index
      %get3A_107 = tpu.vector_load %arg17[%get3A_105, %get3A_106] {strides = array<i32>} : memref<512x128xf32, #tpu.memory_space<vmem>>, vector<1x16xf32>,
      %get3A_108 = vector.shape_cast %get3A_107 : vector<1x16xf32> to vector<16xf32>
      %mul3A_109 = arith.mulf %get3A_108, %gather3A_90 : vector<16xf32>
      %swap3A_110 = arith.index_cast %add3A_94 : i32 to index
      %swap3A_111 = arith.constant 64 : index
      %swap3A_112 = tpu.vector_load %arg17[%swap3A_110, %swap3A_111] {strides = array<i32>} : memref<512x128xf32, #tpu.memory_space<vmem>>, vector<1x16xf32>,
      %swap3A_113 = vector.shape_cast %swap3A_112 : vector<1x16xf32> to vector<16xf32>
      %swap3A_114 = vector.shape_cast %mul3A_109 : vector<16xf32> to vector<1x16xf32>
      tpu.vector_store %arg17[%swap3A_110, %swap3A_111], %swap3A_114 {strides = array<i32>} : memref<512x128xf32, #tpu.memory_space<vmem>>, vector<1x16xf32>,
      %broadcast_in_dim3A_115 = arith.constant 2 : i32
      %broadcast_in_dim3A_116 = vector.broadcast %broadcast_in_dim3A_115 : i32 to vector<16x1xi32>
      %gather3A_117 = vector.shape_cast %broadcast_in_dim3A_116 : vector<16x1xi32> to vector<16xi32>
      %gather3A_118 = tpu.dynamic_gather %get3A_61[%gather3A_117] in [0] : vector<16xf32>, vector<16xi32> -> vector<16xf32>
      %mul3A_119 = arith.constant 16 : i32
      %mul3A_120 = arith.muli %scan3A_54, %mul3A_119 : i32
      %add3A_121 = arith.constant 2 : i32
      %add3A_122 = arith.addi %mul3A_120, %add3A_121 : i32
      %get3A_123 = arith.index_cast %add3A_122 : i32 to index
      %get3A_124 = arith.constant 0 : index
      %get3A_125 = tpu.vector_load %arg17[%get3A_123, %get3A_124] {strides = array<i32>} : memref<512x128xf32, #tpu.memory_space<vmem>>, vector<1x16xf32>,
      %get3A_126 = vector.shape_cast %get3A_125 : vector<1x16xf32> to vector<16xf32>
      %mul3A_127 = arith.mulf %get3A_126, %gather3A_118 : vector<16xf32>
      %swap3A_128 = arith.index_cast %add3A_122 : i32 to index
      %swap3A_129 = arith.constant 0 : index
      %swap3A_130 = tpu.vector_load %arg17[%swap3A_128, %swap3A_129] {strides = array<i32>} : memref<512x128xf32, #tpu.memory_space<vmem>>, vector<1x16xf32>,
      %swap3A_131 = vector.shape_cast %swap3A_130 : vector<1x16xf32> to vector<16xf32>
      %swap3A_132 = vector.shape_cast %mul3A_127 : vector<16xf32> to vector<1x16xf32>
      tpu.vector_store %arg17[%swap3A_128, %swap3A_129], %swap3A_132 {strides = array<i32>} : memref<512x128xf32, #tpu.memory_space<vmem>>, vector<1x16xf32>,
      %get3A_133 = arith.index_cast %add3A_122 : i32 to index
      %get3A_134 = arith.constant 64 : index
      %get3A_135 = tpu.vector_load %arg17[%get3A_133, %get3A_134] {strides = array<i32>} : memref<512x128xf32, #tpu.memory_space<vmem>>, vector<1x16xf32>,
      %get3A_136 = vector.shape_cast %get3A_135 : vector<1x16xf32> to vector<16xf32>
      %mul3A_137 = arith.mulf %get3A_136, %gather3A_118 : vector<16xf32>
      %swap3A_138 = arith.index_cast %add3A_122 : i32 to index
      %swap3A_139 = arith.constant 64 : index
      %swap3A_140 = tpu.vector_load %arg17[%swap3A_138, %swap3A_139] {strides = array<i32>} : memref<512x128xf32, #tpu.memory_space<vmem>>, vector<1x16xf32>,
      %swap3A_141 = vector.shape_cast %swap3A_140 : vector<1x16xf32> to vector<16xf32>
      %swap3A_142 = vector.shape_cast %mul3A_137 : vector<16xf32> to vector<1x16xf32>
      tpu.vector_store %arg17[%swap3A_138, %swap3A_139], %swap3A_142 {strides = array<i32>} : memref<512x128xf32, #tpu.memory_space<vmem>>, vector<1x16xf32>,
      %broadcast_in_dim3A_143 = arith.constant 3 : i32
      %broadcast_in_dim3A_144 = vector.broadcast %broadcast_in_dim3A_143 : i32 to vector<16x1xi32>
      %gather3A_145 = vector.shape_cast %broadcast_in_dim3A_144 : vector<16x1xi32> to vector<16xi32>
      %gather3A_146 = tpu.dynamic_gather %get3A_61[%gather3A_145] in [0] : vector<16xf32>, vector<16xi32> -> vector<16xf32>
      %mul3A_147 = arith.constant 16 : i32
      %mul3A_148 = arith.muli %scan3A_54, %mul3A_147 : i32
      %add3A_149 = arith.constant 3 : i32
      %add3A_150 = arith.addi %mul3A_148, %add3A_149 : i32
      %get3A_151 = arith.index_cast %add3A_150 : i32 to index
      %get3A_152 = arith.constant 0 : index
      %get3A_153 = tpu.vector_load %arg17[%get3A_151, %get3A_152] {strides = array<i32>} : memref<512x128xf32, #tpu.memory_space<vmem>>, vector<1x16xf32>,
      %get3A_154 = vector.shape_cast %get3A_153 : vector<1x16xf32> to vector<16xf32>
      %mul3A_155 = arith.mulf %get3A_154, %gather3A_146 : vector<16xf32>
      %swap3A_156 = arith.index_cast %add3A_150 : i32 to index
      %swap3A_157 = arith.constant 0 : index
      %swap3A_158 = tpu.vector_load %arg17[%swap3A_156, %swap3A_157] {strides = array<i32>} : memref<512x128xf32, #tpu.memory_space<vmem>>, vector<1x16xf32>,
      %swap3A_159 = vector.shape_cast %swap3A_158 : vector<1x16xf32> to vector<16xf32>
      %swap3A_160 = vector.shape_cast %mul3A_155 : vector<16xf32> to vector<1x16xf32>
      tpu.vector_store %arg17[%swap3A_156, %swap3A_157], %swap3A_160 {strides = array<i32>} : memref<512x128xf32, #tpu.memory_space<vmem>>, vector<1x16xf32>,
      %get3A_161 = arith.index_cast %add3A_150 : i32 to index
      %get3A_162 = arith.constant 64 : index
      %get3A_163 = tpu.vector_load %arg17[%get3A_161, %get3A_162] {strides = array<i32>} : memref<512x128xf32, #tpu.memory_space<vmem>>, vector<1x16xf32>,
      %get3A_164 = vector.shape_cast %get3A_163 : vector<1x16xf32> to vector<16xf32>
      %mul3A_165 = arith.mulf %get3A_164, %gather3A_146 : vector<16xf32>
      %swap3A_166 = arith.index_cast %add3A_150 : i32 to index
      %swap3A_167 = arith.constant 64 : index
      %swap3A_168 = tpu.vector_load %arg17[%swap3A_166, %swap3A_167] {strides = array<i32>} : memref<512x128xf32, #tpu.memory_space<vmem>>, vector<1x16xf32>,
      %swap3A_169 = vector.shape_cast %swap3A_168 : vector<1x16xf32> to vector<16xf32>
      %swap3A_170 = vector.shape_cast %mul3A_165 : vector<16xf32> to vector<1x16xf32>
      tpu.vector_store %arg17[%swap3A_166, %swap3A_167], %swap3A_170 {strides = array<i32>} : memref<512x128xf32, #tpu.memory_space<vmem>>, vector<1x16xf32>,
      %broadcast_in_dim3A_171 = arith.constant 4 : i32
      %broadcast_in_dim3A_172 = vector.broadcast %broadcast_in_dim3A_171 : i32 to vector<16x1xi32>
      %gather3A_173 = vector.shape_cast %broadcast_in_dim3A_172 : vector<16x1xi32> to vector<16xi32>
      %gather3A_174 = tpu.dynamic_gather %get3A_61[%gather3A_173] in [0] : vector<16xf32>, vector<16xi32> -> vector<16xf32>
      %mul3A_175 = arith.constant 16 : i32
      %mul3A_176 = arith.muli %scan3A_54, %mul3A_175 : i32
      %add3A_177 = arith.constant 4 : i32
      %add3A_178 = arith.addi %mul3A_176, %add3A_177 : i32
      %get3A_179 = arith.index_cast %add3A_178 : i32 to index
      %get3A_180 = arith.constant 0 : index
      %get3A_181 = tpu.vector_load %arg17[%get3A_179, %get3A_180] {strides = array<i32>} : memref<512x128xf32, #tpu.memory_space<vmem>>, vector<1x16xf32>,
      %get3A_182 = vector.shape_cast %get3A_181 : vector<1x16xf32> to vector<16xf32>
      %mul3A_183 = arith.mulf %get3A_182, %gather3A_174 : vector<16xf32>
      %swap3A_184 = arith.index_cast %add3A_178 : i32 to index
      %swap3A_185 = arith.constant 0 : index
      %swap3A_186 = tpu.vector_load %arg17[%swap3A_184, %swap3A_185] {strides = array<i32>} : memref<512x128xf32, #tpu.memory_space<vmem>>, vector<1x16xf32>,
      %swap3A_187 = vector.shape_cast %swap3A_186 : vector<1x16xf32> to vector<16xf32>
      %swap3A_188 = vector.shape_cast %mul3A_183 : vector<16xf32> to vector<1x16xf32>
      tpu.vector_store %arg17[%swap3A_184, %swap3A_185], %swap3A_188 {strides = array<i32>} : memref<512x128xf32, #tpu.memory_space<vmem>>, vector<1x16xf32>,
      %get3A_189 = arith.index_cast %add3A_178 : i32 to index
      %get3A_190 = arith.constant 64 : index
      %get3A_191 = tpu.vector_load %arg17[%get3A_189, %get3A_190] {strides = array<i32>} : memref<512x128xf32, #tpu.memory_space<vmem>>, vector<1x16xf32>,
      %get3A_192 = vector.shape_cast %get3A_191 : vector<1x16xf32> to vector<16xf32>
      %mul3A_193 = arith.mulf %get3A_192, %gather3A_174 : vector<16xf32>
      %swap3A_194 = arith.index_cast %add3A_178 : i32 to index
      %swap3A_195 = arith.constant 64 : index
      %swap3A_196 = tpu.vector_load %arg17[%swap3A_194, %swap3A_195] {strides = array<i32>} : memref<512x128xf32, #tpu.memory_space<vmem>>, vector<1x16xf32>,
      %swap3A_197 = vector.shape_cast %swap3A_196 : vector<1x16xf32> to vector<16xf32>
      %swap3A_198 = vector.shape_cast %mul3A_193 : vector<16xf32> to vector<1x16xf32>
      tpu.vector_store %arg17[%swap3A_194, %swap3A_195], %swap3A_198 {strides = array<i32>} : memref<512x128xf32, #tpu.memory_space<vmem>>, vector<1x16xf32>,
      %broadcast_in_dim3A_199 = arith.constant 5 : i32
      %broadcast_in_dim3A_200 = vector.broadcast %broadcast_in_dim3A_199 : i32 to vector<16x1xi32>
      %gather3A_201 = vector.shape_cast %broadcast_in_dim3A_200 : vector<16x1xi32> to vector<16xi32>
      %gather3A_202 = tpu.dynamic_gather %get3A_61[%gather3A_201] in [0] : vector<16xf32>, vector<16xi32> -> vector<16xf32>
      %mul3A_203 = arith.constant 16 : i32
      %mul3A_204 = arith.muli %scan3A_54, %mul3A_203 : i32
      %add3A_205 = arith.constant 5 : i32
      %add3A_206 = arith.addi %mul3A_204, %add3A_205 : i32
      %get3A_207 = arith.index_cast %add3A_206 : i32 to index
      %get3A_208 = arith.constant 0 : index
      %get3A_209 = tpu.vector_load %arg17[%get3A_207, %get3A_208] {strides = array<i32>} : memref<512x128xf32, #tpu.memory_space<vmem>>, vector<1x16xf32>,
      %get3A_210 = vector.shape_cast %get3A_209 : vector<1x16xf32> to vector<16xf32>
      %mul3A_211 = arith.mulf %get3A_210, %gather3A_202 : vector<16xf32>
      %swap3A_212 = arith.index_cast %add3A_206 : i32 to index
      %swap3A_213 = arith.constant 0 : index
      %swap3A_214 = tpu.vector_load %arg17[%swap3A_212, %swap3A_213] {strides = array<i32>} : memref<512x128xf32, #tpu.memory_space<vmem>>, vector<1x16xf32>,
      %swap3A_215 = vector.shape_cast %swap3A_214 : vector<1x16xf32> to vector<16xf32>
      %swap3A_216 = vector.shape_cast %mul3A_211 : vector<16xf32> to vector<1x16xf32>
      tpu.vector_store %arg17[%swap3A_212, %swap3A_213], %swap3A_216 {strides = array<i32>} : memref<512x128xf32, #tpu.memory_space<vmem>>, vector<1x16xf32>,
      %get3A_217 = arith.index_cast %add3A_206 : i32 to index
      %get3A_218 = arith.constant 64 : index
      %get3A_219 = tpu.vector_load %arg17[%get3A_217, %get3A_218] {strides = array<i32>} : memref<512x128xf32, #tpu.memory_space<vmem>>, vector<1x16xf32>,
      %get3A_220 = vector.shape_cast %get3A_219 : vector<1x16xf32> to vector<16xf32>
      %mul3A_221 = arith.mulf %get3A_220, %gather3A_202 : vector<16xf32>
      %swap3A_222 = arith.index_cast %add3A_206 : i32 to index
      %swap3A_223 = arith.constant 64 : index
      %swap3A_224 = tpu.vector_load %arg17[%swap3A_222, %swap3A_223] {strides = array<i32>} : memref<512x128xf32, #tpu.memory_space<vmem>>, vector<1x16xf32>,
      %swap3A_225 = vector.shape_cast %swap3A_224 : vector<1x16xf32> to vector<16xf32>
      %swap3A_226 = vector.shape_cast %mul3A_221 : vector<16xf32> to vector<1x16xf32>
      tpu.vector_store %arg17[%swap3A_222, %swap3A_223], %swap3A_226 {strides = array<i32>} : memref<512x128xf32, #tpu.memory_space<vmem>>, vector<1x16xf32>,
      %broadcast_in_dim3A_227 = arith.constant 6 : i32
      %broadcast_in_dim3A_228 = vector.broadcast %broadcast_in_dim3A_227 : i32 to vector<16x1xi32>
      %gather3A_229 = vector.shape_cast %broadcast_in_dim3A_228 : vector<16x1xi32> to vector<16xi32>
      %gather3A_230 = tpu.dynamic_gather %get3A_61[%gather3A_229] in [0] : vector<16xf32>, vector<16xi32> -> vector<16xf32>
      %mul3A_231 = arith.constant 16 : i32
      %mul3A_232 = arith.muli %scan3A_54, %mul3A_231 : i32
      %add3A_233 = arith.constant 6 : i32
      %add3A_234 = arith.addi %mul3A_232, %add3A_233 : i32
      %get3A_235 = arith.index_cast %add3A_234 : i32 to index
      %get3A_236 = arith.constant 0 : index
      %get3A_237 = tpu.vector_load %arg17[%get3A_235, %get3A_236] {strides = array<i32>} : memref<512x128xf32, #tpu.memory_space<vmem>>, vector<1x16xf32>,
      %get3A_238 = vector.shape_cast %get3A_237 : vector<1x16xf32> to vector<16xf32>
      %mul3A_239 = arith.mulf %get3A_238, %gather3A_230 : vector<16xf32>
      %swap3A_240 = arith.index_cast %add3A_234 : i32 to index
      %swap3A_241 = arith.constant 0 : index
      %swap3A_242 = tpu.vector_load %arg17[%swap3A_240, %swap3A_241] {strides = array<i32>} : memref<512x128xf32, #tpu.memory_space<vmem>>, vector<1x16xf32>,
      %swap3A_243 = vector.shape_cast %swap3A_242 : vector<1x16xf32> to vector<16xf32>
      %swap3A_244 = vector.shape_cast %mul3A_239 : vector<16xf32> to vector<1x16xf32>
      tpu.vector_store %arg17[%swap3A_240, %swap3A_241], %swap3A_244 {strides = array<i32>} : memref<512x128xf32, #tpu.memory_space<vmem>>, vector<1x16xf32>,
      %get3A_245 = arith.index_cast %add3A_234 : i32 to index
      %get3A_246 = arith.constant 64 : index
      %get3A_247 = tpu.vector_load %arg17[%get3A_245, %get3A_246] {strides = array<i32>} : memref<512x128xf32, #tpu.memory_space<vmem>>, vector<1x16xf32>,
      %get3A_248 = vector.shape_cast %get3A_247 : vector<1x16xf32> to vector<16xf32>
      %mul3A_249 = arith.mulf %get3A_248, %gather3A_230 : vector<16xf32>
      %swap3A_250 = arith.index_cast %add3A_234 : i32 to index
      %swap3A_251 = arith.constant 64 : index
      %swap3A_252 = tpu.vector_load %arg17[%swap3A_250, %swap3A_251] {strides = array<i32>} : memref<512x128xf32, #tpu.memory_space<vmem>>, vector<1x16xf32>,
      %swap3A_253 = vector.shape_cast %swap3A_252 : vector<1x16xf32> to vector<16xf32>
      %swap3A_254 = vector.shape_cast %mul3A_249 : vector<16xf32> to vector<1x16xf32>
      tpu.vector_store %arg17[%swap3A_250, %swap3A_251], %swap3A_254 {strides = array<i32>} : memref<512x128xf32, #tpu.memory_space<vmem>>, vector<1x16xf32>,
      %broadcast_in_dim3A_255 = arith.constant 7 : i32
      %broadcast_in_dim3A_256 = vector.broadcast %broadcast_in_dim3A_255 : i32 to vector<16x1xi32>
      %gather3A_257 = vector.shape_cast %broadcast_in_dim3A_256 : vector<16x1xi32> to vector<16xi32>
      %gather3A_258 = tpu.dynamic_gather %get3A_61[%gather3A_257] in [0] : vector<16xf32>, vector<16xi32> -> vector<16xf32>
      %mul3A_259 = arith.constant 16 : i32
      %mul3A_260 = arith.muli %scan3A_54, %mul3A_259 : i32
      %add3A_261 = arith.constant 7 : i32
      %add3A_262 = arith.addi %mul3A_260, %add3A_261 : i32
      %get3A_263 = arith.index_cast %add3A_262 : i32 to index
      %get3A_264 = arith.constant 0 : index
      %get3A_265 = tpu.vector_load %arg17[%get3A_263, %get3A_264] {strides = array<i32>} : memref<512x128xf32, #tpu.memory_space<vmem>>, vector<1x16xf32>,
      %get3A_266 = vector.shape_cast %get3A_265 : vector<1x16xf32> to vector<16xf32>
      %mul3A_267 = arith.mulf %get3A_266, %gather3A_258 : vector<16xf32>
      %swap3A_268 = arith.index_cast %add3A_262 : i32 to index
      %swap3A_269 = arith.constant 0 : index
      %swap3A_270 = tpu.vector_load %arg17[%swap3A_268, %swap3A_269] {strides = array<i32>} : memref<512x128xf32, #tpu.memory_space<vmem>>, vector<1x16xf32>,
      %swap3A_271 = vector.shape_cast %swap3A_270 : vector<1x16xf32> to vector<16xf32>
      %swap3A_272 = vector.shape_cast %mul3A_267 : vector<16xf32> to vector<1x16xf32>
      tpu.vector_store %arg17[%swap3A_268, %swap3A_269], %swap3A_272 {strides = array<i32>} : memref<512x128xf32, #tpu.memory_space<vmem>>, vector<1x16xf32>,
      %get3A_273 = arith.index_cast %add3A_262 : i32 to index
      %get3A_274 = arith.constant 64 : index
      %get3A_275 = tpu.vector_load %arg17[%get3A_273, %get3A_274] {strides = array<i32>} : memref<512x128xf32, #tpu.memory_space<vmem>>, vector<1x16xf32>,
      %get3A_276 = vector.shape_cast %get3A_275 : vector<1x16xf32> to vector<16xf32>
      %mul3A_277 = arith.mulf %get3A_276, %gather3A_258 : vector<16xf32>
      %swap3A_278 = arith.index_cast %add3A_262 : i32 to index
      %swap3A_279 = arith.constant 64 : index
      %swap3A_280 = tpu.vector_load %arg17[%swap3A_278, %swap3A_279] {strides = array<i32>} : memref<512x128xf32, #tpu.memory_space<vmem>>, vector<1x16xf32>,
      %swap3A_281 = vector.shape_cast %swap3A_280 : vector<1x16xf32> to vector<16xf32>
      %swap3A_282 = vector.shape_cast %mul3A_277 : vector<16xf32> to vector<1x16xf32>
      tpu.vector_store %arg17[%swap3A_278, %swap3A_279], %swap3A_282 {strides = array<i32>} : memref<512x128xf32, #tpu.memory_space<vmem>>, vector<1x16xf32>,
      %broadcast_in_dim3A_283 = arith.constant 8 : i32
      %broadcast_in_dim3A_284 = vector.broadcast %broadcast_in_dim3A_283 : i32 to vector<16x1xi32>
      %gather3A_285 = vector.shape_cast %broadcast_in_dim3A_284 : vector<16x1xi32> to vector<16xi32>
      %gather3A_286 = tpu.dynamic_gather %get3A_61[%gather3A_285] in [0] : vector<16xf32>, vector<16xi32> -> vector<16xf32>
      %mul3A_287 = arith.constant 16 : i32
      %mul3A_288 = arith.muli %scan3A_54, %mul3A_287 : i32
      %add3A_289 = arith.constant 8 : i32
      %add3A_290 = arith.addi %mul3A_288, %add3A_289 : i32
      %get3A_291 = arith.index_cast %add3A_290 : i32 to index
      %get3A_292 = arith.constant 0 : index
      %get3A_293 = tpu.vector_load %arg17[%get3A_291, %get3A_292] {strides = array<i32>} : memref<512x128xf32, #tpu.memory_space<vmem>>, vector<1x16xf32>,
      %get3A_294 = vector.shape_cast %get3A_293 : vector<1x16xf32> to vector<16xf32>
      %mul3A_295 = arith.mulf %get3A_294, %gather3A_286 : vector<16xf32>
      %swap3A_296 = arith.index_cast %add3A_290 : i32 to index
      %swap3A_297 = arith.constant 0 : index
      %swap3A_298 = tpu.vector_load %arg17[%swap3A_296, %swap3A_297] {strides = array<i32>} : memref<512x128xf32, #tpu.memory_space<vmem>>, vector<1x16xf32>,
      %swap3A_299 = vector.shape_cast %swap3A_298 : vector<1x16xf32> to vector<16xf32>
      %swap3A_300 = vector.shape_cast %mul3A_295 : vector<16xf32> to vector<1x16xf32>
      tpu.vector_store %arg17[%swap3A_296, %swap3A_297], %swap3A_300 {strides = array<i32>} : memref<512x128xf32, #tpu.memory_space<vmem>>, vector<1x16xf32>,
      %get3A_301 = arith.index_cast %add3A_290 : i32 to index
      %get3A_302 = arith.constant 64 : index
      %get3A_303 = tpu.vector_load %arg17[%get3A_301, %get3A_302] {strides = array<i32>} : memref<512x128xf32, #tpu.memory_space<vmem>>, vector<1x16xf32>,
      %get3A_304 = vector.shape_cast %get3A_303 : vector<1x16xf32> to vector<16xf32>
      %mul3A_305 = arith.mulf %get3A_304, %gather3A_286 : vector<16xf32>
      %swap3A_306 = arith.index_cast %add3A_290 : i32 to index
      %swap3A_307 = arith.constant 64 : index
      %swap3A_308 = tpu.vector_load %arg17[%swap3A_306, %swap3A_307] {strides = array<i32>} : memref<512x128xf32, #tpu.memory_space<vmem>>, vector<1x16xf32>,
      %swap3A_309 = vector.shape_cast %swap3A_308 : vector<1x16xf32> to vector<16xf32>
      %swap3A_310 = vector.shape_cast %mul3A_305 : vector<16xf32> to vector<1x16xf32>
      tpu.vector_store %arg17[%swap3A_306, %swap3A_307], %swap3A_310 {strides = array<i32>} : memref<512x128xf32, #tpu.memory_space<vmem>>, vector<1x16xf32>,
      %broadcast_in_dim3A_311 = arith.constant 9 : i32
      %broadcast_in_dim3A_312 = vector.broadcast %broadcast_in_dim3A_311 : i32 to vector<16x1xi32>
      %gather3A_313 = vector.shape_cast %broadcast_in_dim3A_312 : vector<16x1xi32> to vector<16xi32>
      %gather3A_314 = tpu.dynamic_gather %get3A_61[%gather3A_313] in [0] : vector<16xf32>, vector<16xi32> -> vector<16xf32>
      %mul3A_315 = arith.constant 16 : i32
      %mul3A_316 = arith.muli %scan3A_54, %mul3A_315 : i32
      %add3A_317 = arith.constant 9 : i32
      %add3A_318 = arith.addi %mul3A_316, %add3A_317 : i32
      %get3A_319 = arith.index_cast %add3A_318 : i32 to index
      %get3A_320 = arith.constant 0 : index
      %get3A_321 = tpu.vector_load %arg17[%get3A_319, %get3A_320] {strides = array<i32>} : memref<512x128xf32, #tpu.memory_space<vmem>>, vector<1x16xf32>,
      %get3A_322 = vector.shape_cast %get3A_321 : vector<1x16xf32> to vector<16xf32>
      %mul3A_323 = arith.mulf %get3A_322, %gather3A_314 : vector<16xf32>
      %swap3A_324 = arith.index_cast %add3A_318 : i32 to index
      %swap3A_325 = arith.constant 0 : index
      %swap3A_326 = tpu.vector_load %arg17[%swap3A_324, %swap3A_325] {strides = array<i32>} : memref<512x128xf32, #tpu.memory_space<vmem>>, vector<1x16xf32>,
      %swap3A_327 = vector.shape_cast %swap3A_326 : vector<1x16xf32> to vector<16xf32>
      %swap3A_328 = vector.shape_cast %mul3A_323 : vector<16xf32> to vector<1x16xf32>
      tpu.vector_store %arg17[%swap3A_324, %swap3A_325], %swap3A_328 {strides = array<i32>} : memref<512x128xf32, #tpu.memory_space<vmem>>, vector<1x16xf32>,
      %get3A_329 = arith.index_cast %add3A_318 : i32 to index
      %get3A_330 = arith.constant 64 : index
      %get3A_331 = tpu.vector_load %arg17[%get3A_329, %get3A_330] {strides = array<i32>} : memref<512x128xf32, #tpu.memory_space<vmem>>, vector<1x16xf32>,
      %get3A_332 = vector.shape_cast %get3A_331 : vector<1x16xf32> to vector<16xf32>
      %mul3A_333 = arith.mulf %get3A_332, %gather3A_314 : vector<16xf32>
      %swap3A_334 = arith.index_cast %add3A_318 : i32 to index
      %swap3A_335 = arith.constant 64 : index
      %swap3A_336 = tpu.vector_load %arg17[%swap3A_334, %swap3A_335] {strides = array<i32>} : memref<512x128xf32, #tpu.memory_space<vmem>>, vector<1x16xf32>,
      %swap3A_337 = vector.shape_cast %swap3A_336 : vector<1x16xf32> to vector<16xf32>
      %swap3A_338 = vector.shape_cast %mul3A_333 : vector<16xf32> to vector<1x16xf32>
      tpu.vector_store %arg17[%swap3A_334, %swap3A_335], %swap3A_338 {strides = array<i32>} : memref<512x128xf32, #tpu.memory_space<vmem>>, vector<1x16xf32>,
      %broadcast_in_dim3A_339 = arith.constant 10 : i32
      %broadcast_in_dim3A_340 = vector.broadcast %broadcast_in_dim3A_339 : i32 to vector<16x1xi32>
      %gather3A_341 = vector.shape_cast %broadcast_in_dim3A_340 : vector<16x1xi32> to vector<16xi32>
      %gather3A_342 = tpu.dynamic_gather %get3A_61[%gather3A_341] in [0] : vector<16xf32>, vector<16xi32> -> vector<16xf32>
      %mul3A_343 = arith.constant 16 : i32
      %mul3A_344 = arith.muli %scan3A_54, %mul3A_343 : i32
      %add3A_345 = arith.constant 10 : i32
      %add3A_346 = arith.addi %mul3A_344, %add3A_345 : i32
      %get3A_347 = arith.index_cast %add3A_346 : i32 to index
      %get3A_348 = arith.constant 0 : index
      %get3A_349 = tpu.vector_load %arg17[%get3A_347, %get3A_348] {strides = array<i32>} : memref<512x128xf32, #tpu.memory_space<vmem>>, vector<1x16xf32>,
      %get3A_350 = vector.shape_cast %get3A_349 : vector<1x16xf32> to vector<16xf32>
      %mul3A_351 = arith.mulf %get3A_350, %gather3A_342 : vector<16xf32>
      %swap3A_352 = arith.index_cast %add3A_346 : i32 to index
      %swap3A_353 = arith.constant 0 : index
      %swap3A_354 = tpu.vector_load %arg17[%swap3A_352, %swap3A_353] {strides = array<i32>} : memref<512x128xf32, #tpu.memory_space<vmem>>, vector<1x16xf32>,
      %swap3A_355 = vector.shape_cast %swap3A_354 : vector<1x16xf32> to vector<16xf32>
      %swap3A_356 = vector.shape_cast %mul3A_351 : vector<16xf32> to vector<1x16xf32>
      tpu.vector_store %arg17[%swap3A_352, %swap3A_353], %swap3A_356 {strides = array<i32>} : memref<512x128xf32, #tpu.memory_space<vmem>>, vector<1x16xf32>,
      %get3A_357 = arith.index_cast %add3A_346 : i32 to index
      %get3A_358 = arith.constant 64 : index
      %get3A_359 = tpu.vector_load %arg17[%get3A_357, %get3A_358] {strides = array<i32>} : memref<512x128xf32, #tpu.memory_space<vmem>>, vector<1x16xf32>,
      %get3A_360 = vector.shape_cast %get3A_359 : vector<1x16xf32> to vector<16xf32>
      %mul3A_361 = arith.mulf %get3A_360, %gather3A_342 : vector<16xf32>
      %swap3A_362 = arith.index_cast %add3A_346 : i32 to index
      %swap3A_363 = arith.constant 64 : index
      %swap3A_364 = tpu.vector_load %arg17[%swap3A_362, %swap3A_363] {strides = array<i32>} : memref<512x128xf32, #tpu.memory_space<vmem>>, vector<1x16xf32>,
      %swap3A_365 = vector.shape_cast %swap3A_364 : vector<1x16xf32> to vector<16xf32>
      %swap3A_366 = vector.shape_cast %mul3A_361 : vector<16xf32> to vector<1x16xf32>
      tpu.vector_store %arg17[%swap3A_362, %swap3A_363], %swap3A_366 {strides = array<i32>} : memref<512x128xf32, #tpu.memory_space<vmem>>, vector<1x16xf32>,
      %broadcast_in_dim3A_367 = arith.constant 11 : i32
      %broadcast_in_dim3A_368 = vector.broadcast %broadcast_in_dim3A_367 : i32 to vector<16x1xi32>
      %gather3A_369 = vector.shape_cast %broadcast_in_dim3A_368 : vector<16x1xi32> to vector<16xi32>
      %gather3A_370 = tpu.dynamic_gather %get3A_61[%gather3A_369] in [0] : vector<16xf32>, vector<16xi32> -> vector<16xf32>
      %mul3A_371 = arith.constant 16 : i32
      %mul3A_372 = arith.muli %scan3A_54, %mul3A_371 : i32
      %add3A_373 = arith.constant 11 : i32
      %add3A_374 = arith.addi %mul3A_372, %add3A_373 : i32
      %get3A_375 = arith.index_cast %add3A_374 : i32 to index
      %get3A_376 = arith.constant 0 : index
      %get3A_377 = tpu.vector_load %arg17[%get3A_375, %get3A_376] {strides = array<i32>} : memref<512x128xf32, #tpu.memory_space<vmem>>, vector<1x16xf32>,
      %get3A_378 = vector.shape_cast %get3A_377 : vector<1x16xf32> to vector<16xf32>
      %mul3A_379 = arith.mulf %get3A_378, %gather3A_370 : vector<16xf32>
      %swap3A_380 = arith.index_cast %add3A_374 : i32 to index
      %swap3A_381 = arith.constant 0 : index
      %swap3A_382 = tpu.vector_load %arg17[%swap3A_380, %swap3A_381] {strides = array<i32>} : memref<512x128xf32, #tpu.memory_space<vmem>>, vector<1x16xf32>,
      %swap3A_383 = vector.shape_cast %swap3A_382 : vector<1x16xf32> to vector<16xf32>
      %swap3A_384 = vector.shape_cast %mul3A_379 : vector<16xf32> to vector<1x16xf32>
      tpu.vector_store %arg17[%swap3A_380, %swap3A_381], %swap3A_384 {strides = array<i32>} : memref<512x128xf32, #tpu.memory_space<vmem>>, vector<1x16xf32>,
      %get3A_385 = arith.index_cast %add3A_374 : i32 to index
      %get3A_386 = arith.constant 64 : index
      %get3A_387 = tpu.vector_load %arg17[%get3A_385, %get3A_386] {strides = array<i32>} : memref<512x128xf32, #tpu.memory_space<vmem>>, vector<1x16xf32>,
      %get3A_388 = vector.shape_cast %get3A_387 : vector<1x16xf32> to vector<16xf32>
      %mul3A_389 = arith.mulf %get3A_388, %gather3A_370 : vector<16xf32>
      %swap3A_390 = arith.index_cast %add3A_374 : i32 to index
      %swap3A_391 = arith.constant 64 : index
      %swap3A_392 = tpu.vector_load %arg17[%swap3A_390, %swap3A_391] {strides = array<i32>} : memref<512x128xf32, #tpu.memory_space<vmem>>, vector<1x16xf32>,
      %swap3A_393 = vector.shape_cast %swap3A_392 : vector<1x16xf32> to vector<16xf32>
      %swap3A_394 = vector.shape_cast %mul3A_389 : vector<16xf32> to vector<1x16xf32>
      tpu.vector_store %arg17[%swap3A_390, %swap3A_391], %swap3A_394 {strides = array<i32>} : memref<512x128xf32, #tpu.memory_space<vmem>>, vector<1x16xf32>,
      %broadcast_in_dim3A_395 = arith.constant 12 : i32
      %broadcast_in_dim3A_396 = vector.broadcast %broadcast_in_dim3A_395 : i32 to vector<16x1xi32>
      %gather3A_397 = vector.shape_cast %broadcast_in_dim3A_396 : vector<16x1xi32> to vector<16xi32>
      %gather3A_398 = tpu.dynamic_gather %get3A_61[%gather3A_397] in [0] : vector<16xf32>, vector<16xi32> -> vector<16xf32>
      %mul3A_399 = arith.constant 16 : i32
      %mul3A_400 = arith.muli %scan3A_54, %mul3A_399 : i32
      %add3A_401 = arith.constant 12 : i32
      %add3A_402 = arith.addi %mul3A_400, %add3A_401 : i32
      %get3A_403 = arith.index_cast %add3A_402 : i32 to index
      %get3A_404 = arith.constant 0 : index
      %get3A_405 = tpu.vector_load %arg17[%get3A_403, %get3A_404] {strides = array<i32>} : memref<512x128xf32, #tpu.memory_space<vmem>>, vector<1x16xf32>,
      %get3A_406 = vector.shape_cast %get3A_405 : vector<1x16xf32> to vector<16xf32>
      %mul3A_407 = arith.mulf %get3A_406, %gather3A_398 : vector<16xf32>
      %swap3A_408 = arith.index_cast %add3A_402 : i32 to index
      %swap3A_409 = arith.constant 0 : index
      %swap3A_410 = tpu.vector_load %arg17[%swap3A_408, %swap3A_409] {strides = array<i32>} : memref<512x128xf32, #tpu.memory_space<vmem>>, vector<1x16xf32>,
      %swap3A_411 = vector.shape_cast %swap3A_410 : vector<1x16xf32> to vector<16xf32>
      %swap3A_412 = vector.shape_cast %mul3A_407 : vector<16xf32> to vector<1x16xf32>
      tpu.vector_store %arg17[%swap3A_408, %swap3A_409], %swap3A_412 {strides = array<i32>} : memref<512x128xf32, #tpu.memory_space<vmem>>, vector<1x16xf32>,
      %get3A_413 = arith.index_cast %add3A_402 : i32 to index
      %get3A_414 = arith.constant 64 : index
      %get3A_415 = tpu.vector_load %arg17[%get3A_413, %get3A_414] {strides = array<i32>} : memref<512x128xf32, #tpu.memory_space<vmem>>, vector<1x16xf32>,
      %get3A_416 = vector.shape_cast %get3A_415 : vector<1x16xf32> to vector<16xf32>
      %mul3A_417 = arith.mulf %get3A_416, %gather3A_398 : vector<16xf32>
      %swap3A_418 = arith.index_cast %add3A_402 : i32 to index
      %swap3A_419 = arith.constant 64 : index
      %swap3A_420 = tpu.vector_load %arg17[%swap3A_418, %swap3A_419] {strides = array<i32>} : memref<512x128xf32, #tpu.memory_space<vmem>>, vector<1x16xf32>,
      %swap3A_421 = vector.shape_cast %swap3A_420 : vector<1x16xf32> to vector<16xf32>
      %swap3A_422 = vector.shape_cast %mul3A_417 : vector<16xf32> to vector<1x16xf32>
      tpu.vector_store %arg17[%swap3A_418, %swap3A_419], %swap3A_422 {strides = array<i32>} : memref<512x128xf32, #tpu.memory_space<vmem>>, vector<1x16xf32>,
      %broadcast_in_dim3A_423 = arith.constant 13 : i32
      %broadcast_in_dim3A_424 = vector.broadcast %broadcast_in_dim3A_423 : i32 to vector<16x1xi32>
      %gather3A_425 = vector.shape_cast %broadcast_in_dim3A_424 : vector<16x1xi32> to vector<16xi32>
      %gather3A_426 = tpu.dynamic_gather %get3A_61[%gather3A_425] in [0] : vector<16xf32>, vector<16xi32> -> vector<16xf32>
      %mul3A_427 = arith.constant 16 : i32
      %mul3A_428 = arith.muli %scan3A_54, %mul3A_427 : i32
      %add3A_429 = arith.constant 13 : i32
      %add3A_430 = arith.addi %mul3A_428, %add3A_429 : i32
      %get3A_431 = arith.index_cast %add3A_430 : i32 to index
      %get3A_432 = arith.constant 0 : index
      %get3A_433 = tpu.vector_load %arg17[%get3A_431, %get3A_432] {strides = array<i32>} : memref<512x128xf32, #tpu.memory_space<vmem>>, vector<1x16xf32>,
      %get3A_434 = vector.shape_cast %get3A_433 : vector<1x16xf32> to vector<16xf32>
      %mul3A_435 = arith.mulf %get3A_434, %gather3A_426 : vector<16xf32>
      %swap3A_436 = arith.index_cast %add3A_430 : i32 to index
      %swap3A_437 = arith.constant 0 : index
      %swap3A_438 = tpu.vector_load %arg17[%swap3A_436, %swap3A_437] {strides = array<i32>} : memref<512x128xf32, #tpu.memory_space<vmem>>, vector<1x16xf32>,
      %swap3A_439 = vector.shape_cast %swap3A_438 : vector<1x16xf32> to vector<16xf32>
      %swap3A_440 = vector.shape_cast %mul3A_435 : vector<16xf32> to vector<1x16xf32>
      tpu.vector_store %arg17[%swap3A_436, %swap3A_437], %swap3A_440 {strides = array<i32>} : memref<512x128xf32, #tpu.memory_space<vmem>>, vector<1x16xf32>,
      %get3A_441 = arith.index_cast %add3A_430 : i32 to index
      %get3A_442 = arith.constant 64 : index
      %get3A_443 = tpu.vector_load %arg17[%get3A_441, %get3A_442] {strides = array<i32>} : memref<512x128xf32, #tpu.memory_space<vmem>>, vector<1x16xf32>,
      %get3A_444 = vector.shape_cast %get3A_443 : vector<1x16xf32> to vector<16xf32>
      %mul3A_445 = arith.mulf %get3A_444, %gather3A_426 : vector<16xf32>
      %swap3A_446 = arith.index_cast %add3A_430 : i32 to index
      %swap3A_447 = arith.constant 64 : index
      %swap3A_448 = tpu.vector_load %arg17[%swap3A_446, %swap3A_447] {strides = array<i32>} : memref<512x128xf32, #tpu.memory_space<vmem>>, vector<1x16xf32>,
      %swap3A_449 = vector.shape_cast %swap3A_448 : vector<1x16xf32> to vector<16xf32>
      %swap3A_450 = vector.shape_cast %mul3A_445 : vector<16xf32> to vector<1x16xf32>
      tpu.vector_store %arg17[%swap3A_446, %swap3A_447], %swap3A_450 {strides = array<i32>} : memref<512x128xf32, #tpu.memory_space<vmem>>, vector<1x16xf32>,
      %broadcast_in_dim3A_451 = arith.constant 14 : i32
      %broadcast_in_dim3A_452 = vector.broadcast %broadcast_in_dim3A_451 : i32 to vector<16x1xi32>
      %gather3A_453 = vector.shape_cast %broadcast_in_dim3A_452 : vector<16x1xi32> to vector<16xi32>
      %gather3A_454 = tpu.dynamic_gather %get3A_61[%gather3A_453] in [0] : vector<16xf32>, vector<16xi32> -> vector<16xf32>
      %mul3A_455 = arith.constant 16 : i32
      %mul3A_456 = arith.muli %scan3A_54, %mul3A_455 : i32
      %add3A_457 = arith.constant 14 : i32
      %add3A_458 = arith.addi %mul3A_456, %add3A_457 : i32
      %get3A_459 = arith.index_cast %add3A_458 : i32 to index
      %get3A_460 = arith.constant 0 : index
      %get3A_461 = tpu.vector_load %arg17[%get3A_459, %get3A_460] {strides = array<i32>} : memref<512x128xf32, #tpu.memory_space<vmem>>, vector<1x16xf32>,
      %get3A_462 = vector.shape_cast %get3A_461 : vector<1x16xf32> to vector<16xf32>
      %mul3A_463 = arith.mulf %get3A_462, %gather3A_454 : vector<16xf32>
      %swap3A_464 = arith.index_cast %add3A_458 : i32 to index
      %swap3A_465 = arith.constant 0 : index
      %swap3A_466 = tpu.vector_load %arg17[%swap3A_464, %swap3A_465] {strides = array<i32>} : memref<512x128xf32, #tpu.memory_space<vmem>>, vector<1x16xf32>,
      %swap3A_467 = vector.shape_cast %swap3A_466 : vector<1x16xf32> to vector<16xf32>
      %swap3A_468 = vector.shape_cast %mul3A_463 : vector<16xf32> to vector<1x16xf32>
      tpu.vector_store %arg17[%swap3A_464, %swap3A_465], %swap3A_468 {strides = array<i32>} : memref<512x128xf32, #tpu.memory_space<vmem>>, vector<1x16xf32>,
      %get3A_469 = arith.index_cast %add3A_458 : i32 to index
      %get3A_470 = arith.constant 64 : index
      %get3A_471 = tpu.vector_load %arg17[%get3A_469, %get3A_470] {strides = array<i32>} : memref<512x128xf32, #tpu.memory_space<vmem>>, vector<1x16xf32>,
      %get3A_472 = vector.shape_cast %get3A_471 : vector<1x16xf32> to vector<16xf32>
      %mul3A_473 = arith.mulf %get3A_472, %gather3A_454 : vector<16xf32>
      %swap3A_474 = arith.index_cast %add3A_458 : i32 to index
      %swap3A_475 = arith.constant 64 : index
      %swap3A_476 = tpu.vector_load %arg17[%swap3A_474, %swap3A_475] {strides = array<i32>} : memref<512x128xf32, #tpu.memory_space<vmem>>, vector<1x16xf32>,
      %swap3A_477 = vector.shape_cast %swap3A_476 : vector<1x16xf32> to vector<16xf32>
      %swap3A_478 = vector.shape_cast %mul3A_473 : vector<16xf32> to vector<1x16xf32>
      tpu.vector_store %arg17[%swap3A_474, %swap3A_475], %swap3A_478 {strides = array<i32>} : memref<512x128xf32, #tpu.memory_space<vmem>>, vector<1x16xf32>,
      %broadcast_in_dim3A_479 = arith.constant 15 : i32
      %broadcast_in_dim3A_480 = vector.broadcast %broadcast_in_dim3A_479 : i32 to vector<16x1xi32>
      %gather3A_481 = vector.shape_cast %broadcast_in_dim3A_480 : vector<16x1xi32> to vector<16xi32>
      %gather3A_482 = tpu.dynamic_gather %get3A_61[%gather3A_481] in [0] : vector<16xf32>, vector<16xi32> -> vector<16xf32>
      %mul3A_483 = arith.constant 16 : i32
      %mul3A_484 = arith.muli %scan3A_54, %mul3A_483 : i32
      %add3A_485 = arith.constant 15 : i32
      %add3A_486 = arith.addi %mul3A_484, %add3A_485 : i32
      %get3A_487 = arith.index_cast %add3A_486 : i32 to index
      %get3A_488 = arith.constant 0 : index
      %get3A_489 = tpu.vector_load %arg17[%get3A_487, %get3A_488] {strides = array<i32>} : memref<512x128xf32, #tpu.memory_space<vmem>>, vector<1x16xf32>,
      %get3A_490 = vector.shape_cast %get3A_489 : vector<1x16xf32> to vector<16xf32>
      %mul3A_491 = arith.mulf %get3A_490, %gather3A_482 : vector<16xf32>
      %swap3A_492 = arith.index_cast %add3A_486 : i32 to index
      %swap3A_493 = arith.constant 0 : index
      %swap3A_494 = tpu.vector_load %arg17[%swap3A_492, %swap3A_493] {strides = array<i32>} : memref<512x128xf32, #tpu.memory_space<vmem>>, vector<1x16xf32>,
      %swap3A_495 = vector.shape_cast %swap3A_494 : vector<1x16xf32> to vector<16xf32>
      %swap3A_496 = vector.shape_cast %mul3A_491 : vector<16xf32> to vector<1x16xf32>
      tpu.vector_store %arg17[%swap3A_492, %swap3A_493], %swap3A_496 {strides = array<i32>} : memref<512x128xf32, #tpu.memory_space<vmem>>, vector<1x16xf32>,
      %get3A_497 = arith.index_cast %add3A_486 : i32 to index
      %get3A_498 = arith.constant 64 : index
      %get3A_499 = tpu.vector_load %arg17[%get3A_497, %get3A_498] {strides = array<i32>} : memref<512x128xf32, #tpu.memory_space<vmem>>, vector<1x16xf32>,
      %get3A_500 = vector.shape_cast %get3A_499 : vector<1x16xf32> to vector<16xf32>
      %mul3A_501 = arith.mulf %get3A_500, %gather3A_482 : vector<16xf32>
      %swap3A_502 = arith.index_cast %add3A_486 : i32 to index
      %swap3A_503 = arith.constant 64 : index
      %swap3A_504 = tpu.vector_load %arg17[%swap3A_502, %swap3A_503] {strides = array<i32>} : memref<512x128xf32, #tpu.memory_space<vmem>>, vector<1x16xf32>,
      %swap3A_505 = vector.shape_cast %swap3A_504 : vector<1x16xf32> to vector<16xf32>
      %swap3A_506 = vector.shape_cast %mul3A_501 : vector<16xf32> to vector<1x16xf32>
      tpu.vector_store %arg17[%swap3A_502, %swap3A_503], %swap3A_506 {strides = array<i32>} : memref<512x128xf32, #tpu.memory_space<vmem>>, vector<1x16xf32>,
      %scan3A_507 = arith.constant 0 : i32
      scf.yield %scan3A_507 : i32
    }
    %scan3A_48 = arith.constant 32 : i32
    "tpu.region"() ({
      %run_scoped3A = tpu.sem_alloc : memref<!tpu.dma_semaphore, #tpu.memory_space<semaphore_mem>>
      %dma_start3A_54 = arith.constant 0 : i32
      %dma_start3A_55 = arith.constant 0 : i32
      %dma_start3A_56 = tpu.memref_slice %arg18[%dma_start3A_54, %dma_start3A_55] : memref<2048x128xf32, #tpu.memory_space<vmem_shared>> -> memref<2048x128xf32, #tpu.memory_space<vmem_shared>>
      tpu.enqueue_indirect_dma source(%arg17 : memref<512x128xf32, #tpu.memory_space<vmem>>) target(%dma_start3A_56 : memref<2048x128xf32, #tpu.memory_space<vmem_shared>>) offsets(%arg11 : memref<512xi32, #tpu.memory_space<vmem>>) semaphore(%run_scoped3A : memref<!tpu.dma_semaphore, #tpu.memory_space<semaphore_mem>>) {add = true}
      %dma_wait3A_57 = arith.constant 0 : i32
      %dma_wait3A_58 = arith.constant 0 : i32
      %dma_wait3A_59 = tpu.memref_slice %arg18[%dma_wait3A_57, %dma_wait3A_58] : memref<2048x128xf32, #tpu.memory_space<vmem_shared>> -> memref<2048x128xf32, #tpu.memory_space<vmem_shared>>
      tpu.wait_indirect_dma semaphore(%run_scoped3A : memref<!tpu.dma_semaphore, #tpu.memory_space<semaphore_mem>>) src(%arg17 : memref<512x128xf32, #tpu.memory_space<vmem>>) dst(%dma_wait3A_59 : memref<2048x128xf32, #tpu.memory_space<vmem_shared>>)
      tpu.yield
    }) : () -> ()
    %barrier3A_49 = arith.constant 0 : index
    tpu.barrier barrier_id(%barrier3A_49)
    %mul3A_50 = arith.constant 128 : i32
    %mul3A_51 = arith.muli %arg1, %mul3A_50 : i32
    %mul3A_52 = arith.constant 128 : i32
    %mul3A_53 = arith.muli %arg1, %mul3A_52 : i32
    "tpu.region"() ({
      %run_scoped3A = tpu.sem_alloc : memref<!tpu.dma_semaphore, #tpu.memory_space<semaphore_mem>>
      %dma_start3A_54 = arith.constant 0 : i32
      %dma_start3A_55 = arith.constant 0 : i32
      %dma_start3A_56 = tpu.memref_slice %arg8[%arg0, %dma_start3A_54, %dma_start3A_55] : memref<2x2048x128xf32, #tpu.memory_space<hbm>> -> memref<1x2048x128xf32, #tpu.memory_space<hbm>>
      %dma_start3A_57 = tpu.memref_squeeze %dma_start3A_56 : memref<1x2048x128xf32, #tpu.memory_space<hbm>> -> memref<2048x128xf32, #tpu.memory_space<hbm>>
      %dma_start3A_58 = arith.constant 0 : i32
      %dma_start3A_59 = tpu.memref_slice %dma_start3A_57[%mul3A_53, %dma_start3A_58] : memref<2048x128xf32, #tpu.memory_space<hbm>> -> memref<128x128xf32, #tpu.memory_space<hbm>>
      %dma_start3A_60 = arith.constant 0 : i32
      %dma_start3A_61 = tpu.memref_slice %arg18[%mul3A_51, %dma_start3A_60] : memref<2048x128xf32, #tpu.memory_space<vmem_shared>> -> memref<128x128xf32, #tpu.memory_space<vmem_shared>>
      tpu.enqueue_dma source(%dma_start3A_61 : memref<128x128xf32, #tpu.memory_space<vmem_shared>>) target(%dma_start3A_59 : memref<128x128xf32, #tpu.memory_space<hbm>>) target_semaphore(%run_scoped3A : memref<!tpu.dma_semaphore, #tpu.memory_space<semaphore_mem>>)
      %dma_wait3A_62 = arith.constant 0 : i32
      %dma_wait3A_63 = arith.constant 0 : i32
      %dma_wait3A_64 = tpu.memref_slice %arg8[%arg0, %dma_wait3A_62, %dma_wait3A_63] : memref<2x2048x128xf32, #tpu.memory_space<hbm>> -> memref<1x2048x128xf32, #tpu.memory_space<hbm>>
      %dma_wait3A_65 = tpu.memref_squeeze %dma_wait3A_64 : memref<1x2048x128xf32, #tpu.memory_space<hbm>> -> memref<2048x128xf32, #tpu.memory_space<hbm>>
      %dma_wait3A_66 = arith.constant 0 : i32
      %dma_wait3A_67 = tpu.memref_slice %dma_wait3A_65[%mul3A_53, %dma_wait3A_66] : memref<2048x128xf32, #tpu.memory_space<hbm>> -> memref<128x128xf32, #tpu.memory_space<hbm>>
      %dma_wait3A_68 = arith.constant 0 : i32
      %dma_wait3A_69 = tpu.memref_slice %arg18[%mul3A_51, %dma_wait3A_68] : memref<2048x128xf32, #tpu.memory_space<vmem_shared>> -> memref<128x128xf32, #tpu.memory_space<vmem_shared>>
      tpu.wait_dma2 semaphore(%run_scoped3A : memref<!tpu.dma_semaphore, #tpu.memory_space<semaphore_mem>>) src(%dma_wait3A_69 : memref<128x128xf32, #tpu.memory_space<vmem_shared>>) dst(%dma_wait3A_67 : memref<128x128xf32, #tpu.memory_space<hbm>>)
      tpu.yield
    }) : () -> ()
    return
  }
}

#map = affine_map<(d0, d1) -> (0)>
#map1 = affine_map<(d0, d1) -> (0, 0)>
#map2 = affine_map<(d0, d1) -> (0, 0, 0)>
module attributes {stable_mosaic.version = 14 : i64} {
  func.func @spmm(%arg0: i32, %arg1: i32, %arg2: memref<32768xi32, #tpu.memory_space<hbm>>, %arg3: memref<32768xf32, #tpu.memory_space<hbm>>, %arg4: memref<32768xf32, #tpu.memory_space<hbm>>, %arg5: memref<32768xf32, #tpu.memory_space<hbm>>, %arg6: memref<2048x128xf32, #tpu.memory_space<hbm>>, %arg7: memref<128x128xf32, #tpu.memory_space<hbm>>, %arg8: memref<2x2048x128xf32, #tpu.memory_space<hbm>>, %arg9: memref<1024xi32, #tpu.memory_space<vmem>>, %arg10: memref<512xi32, #tpu.memory_space<vmem>>, %arg11: memref<512xi32, #tpu.memory_space<vmem>>, %arg12: memref<512xi32, #tpu.memory_space<vmem>>, %arg13: memref<512xi32, #tpu.memory_space<vmem>>, %arg14: memref<1024xf32, #tpu.memory_space<vmem>>, %arg15: memref<1024xf32, #tpu.memory_space<vmem>>, %arg16: memref<1024xf32, #tpu.memory_space<vmem>>, %arg17: memref<512x128xf32, #tpu.memory_space<vmem>>, %arg18: memref<2048x128xf32, #tpu.memory_space<vmem_shared>>, %arg19: memref<!tpu.dma_semaphore, #tpu.memory_space<semaphore_mem>>) attributes {dimension_semantics = [#tpu.dimension_semantics<core_parallel>, #tpu.dimension_semantics<subcore_parallel>], iteration_bounds = array<i64: 2, 16>, scalar_prefetch = 0 : i64, scratch_operands = 11 : i64, tpu.core_type = #tpu.core_type<sc_vector_subcore>, window_params = [{transform_indices = #map}, {transform_indices = #map}, {transform_indices = #map}, {transform_indices = #map}, {transform_indices = #map1}, {transform_indices = #map1}, {transform_indices = #map2}]} {
    %mul3A = arith.constant 16 : i32
    %mul3A_0 = arith.muli %arg0, %mul3A : i32
    %add3A = arith.addi %mul3A_0, %arg1 : i32
    %mul3A_1 = arith.constant 1024 : i32
    %mul3A_2 = arith.muli %add3A, %mul3A_1 : i32
    "tpu.region"() ({
      %run_scoped3A = tpu.sem_alloc : memref<!tpu.dma_semaphore, #tpu.memory_space<semaphore_mem>>
      %dma_start3A_54 = tpu.memref_slice %arg2[%mul3A_2] : memref<32768xi32, #tpu.memory_space<hbm>> -> memref<1024xi32, #tpu.memory_space<hbm>>
      %dma_start3A_55 = tpu.memref_slice %arg2[%mul3A_2] : memref<32768xi32, #tpu.memory_space<hbm>> -> memref<1024xi32, #tpu.memory_space<hbm>>
      tpu.enqueue_dma source(%dma_start3A_55 : memref<1024xi32, #tpu.memory_space<hbm>>) target(%arg9 : memref<1024xi32, #tpu.memory_space<vmem>>) target_semaphore(%run_scoped3A : memref<!tpu.dma_semaphore, #tpu.memory_space<semaphore_mem>>)
      %dma_wait3A_56 = tpu.memref_slice %arg2[%mul3A_2] : memref<32768xi32, #tpu.memory_space<hbm>> -> memref<1024xi32, #tpu.memory_space<hbm>>
      %dma_wait3A_57 = tpu.memref_slice %arg2[%mul3A_2] : memref<32768xi32, #tpu.memory_space<hbm>> -> memref<1024xi32, #tpu.memory_space<hbm>>
      tpu.wait_dma2 semaphore(%run_scoped3A : memref<!tpu.dma_semaphore, #tpu.memory_space<semaphore_mem>>) src(%dma_wait3A_57 : memref<1024xi32, #tpu.memory_space<hbm>>) dst(%arg9 : memref<1024xi32, #tpu.memory_space<vmem>>)
      tpu.yield
    }) : () -> ()
    "tpu.region"() ({
      %run_scoped3A = tpu.sem_alloc : memref<!tpu.dma_semaphore, #tpu.memory_space<semaphore_mem>>
      %dma_start3A_54 = tpu.memref_slice %arg3[%mul3A_2] : memref<32768xf32, #tpu.memory_space<hbm>> -> memref<1024xf32, #tpu.memory_space<hbm>>
      %dma_start3A_55 = tpu.memref_slice %arg3[%mul3A_2] : memref<32768xf32, #tpu.memory_space<hbm>> -> memref<1024xf32, #tpu.memory_space<hbm>>
      tpu.enqueue_dma source(%dma_start3A_55 : memref<1024xf32, #tpu.memory_space<hbm>>) target(%arg14 : memref<1024xf32, #tpu.memory_space<vmem>>) target_semaphore(%run_scoped3A : memref<!tpu.dma_semaphore, #tpu.memory_space<semaphore_mem>>)
      %dma_wait3A_56 = tpu.memref_slice %arg3[%mul3A_2] : memref<32768xf32, #tpu.memory_space<hbm>> -> memref<1024xf32, #tpu.memory_space<hbm>>
      %dma_wait3A_57 = tpu.memref_slice %arg3[%mul3A_2] : memref<32768xf32, #tpu.memory_space<hbm>> -> memref<1024xf32, #tpu.memory_space<hbm>>
      tpu.wait_dma2 semaphore(%run_scoped3A : memref<!tpu.dma_semaphore, #tpu.memory_space<semaphore_mem>>) src(%dma_wait3A_57 : memref<1024xf32, #tpu.memory_space<hbm>>) dst(%arg14 : memref<1024xf32, #tpu.memory_space<vmem>>)
      tpu.yield
    }) : () -> ()
    "tpu.region"() ({
      %run_scoped3A = tpu.sem_alloc : memref<!tpu.dma_semaphore, #tpu.memory_space<semaphore_mem>>
      %dma_start3A_54 = tpu.memref_slice %arg4[%mul3A_2] : memref<32768xf32, #tpu.memory_space<hbm>> -> memref<1024xf32, #tpu.memory_space<hbm>>
      %dma_start3A_55 = tpu.memref_slice %arg4[%mul3A_2] : memref<32768xf32, #tpu.memory_space<hbm>> -> memref<1024xf32, #tpu.memory_space<hbm>>
      tpu.enqueue_dma source(%dma_start3A_55 : memref<1024xf32, #tpu.memory_space<hbm>>) target(%arg15 : memref<1024xf32, #tpu.memory_space<vmem>>) target_semaphore(%run_scoped3A : memref<!tpu.dma_semaphore, #tpu.memory_space<semaphore_mem>>)
      %dma_wait3A_56 = tpu.memref_slice %arg4[%mul3A_2] : memref<32768xf32, #tpu.memory_space<hbm>> -> memref<1024xf32, #tpu.memory_space<hbm>>
      %dma_wait3A_57 = tpu.memref_slice %arg4[%mul3A_2] : memref<32768xf32, #tpu.memory_space<hbm>> -> memref<1024xf32, #tpu.memory_space<hbm>>
      tpu.wait_dma2 semaphore(%run_scoped3A : memref<!tpu.dma_semaphore, #tpu.memory_space<semaphore_mem>>) src(%dma_wait3A_57 : memref<1024xf32, #tpu.memory_space<hbm>>) dst(%arg15 : memref<1024xf32, #tpu.memory_space<vmem>>)
      tpu.yield
    }) : () -> ()
    "tpu.region"() ({
      %run_scoped3A = tpu.sem_alloc : memref<!tpu.dma_semaphore, #tpu.memory_space<semaphore_mem>>
      %dma_start3A_54 = tpu.memref_slice %arg5[%mul3A_2] : memref<32768xf32, #tpu.memory_space<hbm>> -> memref<1024xf32, #tpu.memory_space<hbm>>
      %dma_start3A_55 = tpu.memref_slice %arg5[%mul3A_2] : memref<32768xf32, #tpu.memory_space<hbm>> -> memref<1024xf32, #tpu.memory_space<hbm>>
      tpu.enqueue_dma source(%dma_start3A_55 : memref<1024xf32, #tpu.memory_space<hbm>>) target(%arg16 : memref<1024xf32, #tpu.memory_space<vmem>>) target_semaphore(%run_scoped3A : memref<!tpu.dma_semaphore, #tpu.memory_space<semaphore_mem>>)
      %dma_wait3A_56 = tpu.memref_slice %arg5[%mul3A_2] : memref<32768xf32, #tpu.memory_space<hbm>> -> memref<1024xf32, #tpu.memory_space<hbm>>
      %dma_wait3A_57 = tpu.memref_slice %arg5[%mul3A_2] : memref<32768xf32, #tpu.memory_space<hbm>> -> memref<1024xf32, #tpu.memory_space<hbm>>
      tpu.wait_dma2 semaphore(%run_scoped3A : memref<!tpu.dma_semaphore, #tpu.memory_space<semaphore_mem>>) src(%dma_wait3A_57 : memref<1024xf32, #tpu.memory_space<hbm>>) dst(%arg16 : memref<1024xf32, #tpu.memory_space<vmem>>)
      tpu.yield
    }) : () -> ()
    %scan3A = arith.constant 0 : i32
    %scan3A_3 = arith.constant 0 : i32
    %scan3A_4 = arith.constant 64 : i32
    %scan3A_5 = arith.addi %scan3A_3, %scan3A_4 : i32
    %scan3A_6 = arith.constant 1 : i32
    %scan3A_7 = scf.for %scan3A_54 = %scan3A_3 to %scan3A_5 step %scan3A_6 iter_args(%scan3A_55 = %scan3A) -> (i32)  : i32 {
      %mul3A_56 = arith.constant 16 : i32
      %mul3A_57 = arith.muli %scan3A_54, %mul3A_56 : i32
      %get3A = arith.index_cast %mul3A_57 : i32 to index
      %get3A_58 = tpu.vector_load %arg14[%get3A] {strides = array<i32>} : memref<1024xf32, #tpu.memory_space<vmem>>, vector<16xf32>,
      %get3A_59 = vector.shape_cast %get3A_58 : vector<16xf32> to vector<16xf32>
      %get3A_60 = arith.index_cast %mul3A_57 : i32 to index
      %get3A_61 = tpu.vector_load %arg15[%get3A_60] {strides = array<i32>} : memref<1024xf32, #tpu.memory_space<vmem>>, vector<16xf32>,
      %get3A_62 = vector.shape_cast %get3A_61 : vector<16xf32> to vector<16xf32>
      %get3A_63 = arith.index_cast %mul3A_57 : i32 to index
      %get3A_64 = tpu.vector_load %arg16[%get3A_63] {strides = array<i32>} : memref<1024xf32, #tpu.memory_space<vmem>>, vector<16xf32>,
      %get3A_65 = vector.shape_cast %get3A_64 : vector<16xf32> to vector<16xf32>
      %add3A_66 = arith.addf %get3A_62, %get3A_65 : vector<16xf32>
      %mul3A_67 = arith.mulf %get3A_59, %add3A_66 : vector<16xf32>
      %swap3A = arith.index_cast %mul3A_57 : i32 to index
      %swap3A_68 = tpu.vector_load %arg14[%swap3A] {strides = array<i32>} : memref<1024xf32, #tpu.memory_space<vmem>>, vector<16xf32>,
      %swap3A_69 = vector.shape_cast %swap3A_68 : vector<16xf32> to vector<16xf32>
      %swap3A_70 = vector.shape_cast %mul3A_67 : vector<16xf32> to vector<16xf32>
      tpu.vector_store %arg14[%swap3A], %swap3A_70 {strides = array<i32>} : memref<1024xf32, #tpu.memory_space<vmem>>, vector<16xf32>,
      %scan3A_71 = arith.constant 0 : i32
      scf.yield %scan3A_71 : i32
    }
    %scan3A_8 = arith.constant 64 : i32
    %scan3A_9 = arith.constant 0 : i32
    %scan3A_10 = arith.constant 0 : i32
    %scan3A_11 = arith.constant 32 : i32
    %scan3A_12 = arith.addi %scan3A_10, %scan3A_11 : i32
    %scan3A_13 = arith.constant 1 : i32
    %scan3A_14 = scf.for %scan3A_54 = %scan3A_10 to %scan3A_12 step %scan3A_13 iter_args(%scan3A_55 = %scan3A_9) -> (i32)  : i32 {
      %mul3A_56 = arith.constant 16 : i32
      %mul3A_57 = arith.muli %scan3A_54, %mul3A_56 : i32
      %add3A_58 = arith.constant 0 : i32
      %add3A_59 = arith.addi %add3A_58, %mul3A_57 : i32
      %get3A = arith.index_cast %add3A_59 : i32 to index
      %get3A_60 = tpu.vector_load %arg9[%get3A] {strides = array<i32>} : memref<1024xi32, #tpu.memory_space<vmem>>, vector<16xi32>,
      %get3A_61 = vector.shape_cast %get3A_60 : vector<16xi32> to vector<16xi32>
      %shift_right_logical3A = arith.constant 11 : i32
      %shift_right_logical3A_62 = vector.broadcast %shift_right_logical3A : i32 to vector<16xi32>
      %shift_right_logical3A_63 = arith.shrui %get3A_61, %shift_right_logical3A_62 : vector<16xi32>
      %mul3A_64 = arith.constant 16 : i32
      %mul3A_65 = arith.muli %scan3A_54, %mul3A_64 : i32
      %swap3A = arith.index_cast %mul3A_65 : i32 to index
      %swap3A_66 = tpu.vector_load %arg10[%swap3A] {strides = array<i32>} : memref<512xi32, #tpu.memory_space<vmem>>, vector<16xi32>,
      %swap3A_67 = vector.shape_cast %swap3A_66 : vector<16xi32> to vector<16xi32>
      %swap3A_68 = vector.shape_cast %shift_right_logical3A_63 : vector<16xi32> to vector<16xi32>
      tpu.vector_store %arg10[%swap3A], %swap3A_68 {strides = array<i32>} : memref<512xi32, #tpu.memory_space<vmem>>, vector<16xi32>,
      %and3A = arith.constant 2047 : i32
      %and3A_69 = vector.broadcast %and3A : i32 to vector<16xi32>
      %and3A_70 = arith.andi %get3A_61, %and3A_69 : vector<16xi32>
      %mul3A_71 = arith.constant 16 : i32
      %mul3A_72 = arith.muli %scan3A_54, %mul3A_71 : i32
      %swap3A_73 = arith.index_cast %mul3A_72 : i32 to index
      %swap3A_74 = tpu.vector_load %arg12[%swap3A_73] {strides = array<i32>} : memref<512xi32, #tpu.memory_space<vmem>>, vector<16xi32>,
      %swap3A_75 = vector.shape_cast %swap3A_74 : vector<16xi32> to vector<16xi32>
      %swap3A_76 = vector.shape_cast %and3A_70 : vector<16xi32> to vector<16xi32>
      tpu.vector_store %arg12[%swap3A_73], %swap3A_76 {strides = array<i32>} : memref<512xi32, #tpu.memory_space<vmem>>, vector<16xi32>,
      %scan3A_77 = arith.constant 0 : i32
      scf.yield %scan3A_77 : i32
    }
    %scan3A_15 = arith.constant 32 : i32
    %scan3A_16 = arith.constant 0 : i32
    %scan3A_17 = arith.constant 0 : i32
    %scan3A_18 = arith.constant 32 : i32
    %scan3A_19 = arith.addi %scan3A_17, %scan3A_18 : i32
    %scan3A_20 = arith.constant 1 : i32
    %scan3A_21 = scf.for %scan3A_54 = %scan3A_17 to %scan3A_19 step %scan3A_20 iter_args(%scan3A_55 = %scan3A_16) -> (i32)  : i32 {
      %mul3A_56 = arith.constant 16 : i32
      %mul3A_57 = arith.muli %scan3A_54, %mul3A_56 : i32
      %add3A_58 = arith.constant 512 : i32
      %add3A_59 = arith.addi %add3A_58, %mul3A_57 : i32
      %get3A = arith.index_cast %add3A_59 : i32 to index
      %get3A_60 = tpu.vector_load %arg9[%get3A] {strides = array<i32>} : memref<1024xi32, #tpu.memory_space<vmem>>, vector<16xi32>,
      %get3A_61 = vector.shape_cast %get3A_60 : vector<16xi32> to vector<16xi32>
      %shift_right_logical3A = arith.constant 11 : i32
      %shift_right_logical3A_62 = vector.broadcast %shift_right_logical3A : i32 to vector<16xi32>
      %shift_right_logical3A_63 = arith.shrui %get3A_61, %shift_right_logical3A_62 : vector<16xi32>
      %mul3A_64 = arith.constant 16 : i32
      %mul3A_65 = arith.muli %scan3A_54, %mul3A_64 : i32
      %swap3A = arith.index_cast %mul3A_65 : i32 to index
      %swap3A_66 = tpu.vector_load %arg11[%swap3A] {strides = array<i32>} : memref<512xi32, #tpu.memory_space<vmem>>, vector<16xi32>,
      %swap3A_67 = vector.shape_cast %swap3A_66 : vector<16xi32> to vector<16xi32>
      %swap3A_68 = vector.shape_cast %shift_right_logical3A_63 : vector<16xi32> to vector<16xi32>
      tpu.vector_store %arg11[%swap3A], %swap3A_68 {strides = array<i32>} : memref<512xi32, #tpu.memory_space<vmem>>, vector<16xi32>,
      %and3A = arith.constant 2047 : i32
      %and3A_69 = vector.broadcast %and3A : i32 to vector<16xi32>
      %and3A_70 = arith.andi %get3A_61, %and3A_69 : vector<16xi32>
      %mul3A_71 = arith.constant 16 : i32
      %mul3A_72 = arith.muli %scan3A_54, %mul3A_71 : i32
      %swap3A_73 = arith.index_cast %mul3A_72 : i32 to index
      %swap3A_74 = tpu.vector_load %arg13[%swap3A_73] {strides = array<i32>} : memref<512xi32, #tpu.memory_space<vmem>>, vector<16xi32>,
      %swap3A_75 = vector.shape_cast %swap3A_74 : vector<16xi32> to vector<16xi32>
      %swap3A_76 = vector.shape_cast %and3A_70 : vector<16xi32> to vector<16xi32>
      tpu.vector_store %arg13[%swap3A_73], %swap3A_76 {strides = array<i32>} : memref<512xi32, #tpu.memory_space<vmem>>, vector<16xi32>,
      %scan3A_77 = arith.constant 0 : i32
      scf.yield %scan3A_77 : i32
    }
    %scan3A_22 = arith.constant 32 : i32
    %mul3A_23 = arith.constant 128 : i32
    %mul3A_24 = arith.muli %arg1, %mul3A_23 : i32
    "tpu.region"() ({
      %run_scoped3A = tpu.sem_alloc : memref<!tpu.dma_semaphore, #tpu.memory_space<semaphore_mem>>
      %dma_start3A_54 = arith.constant 0 : i32
      %dma_start3A_55 = tpu.memref_slice %arg18[%mul3A_24, %dma_start3A_54] : memref<2048x128xf32, #tpu.memory_space<vmem_shared>> -> memref<128x128xf32, #tpu.memory_space<vmem_shared>>
      tpu.enqueue_dma source(%arg7 : memref<128x128xf32, #tpu.memory_space<hbm>>) target(%dma_start3A_55 : memref<128x128xf32, #tpu.memory_space<vmem_shared>>) target_semaphore(%run_scoped3A : memref<!tpu.dma_semaphore, #tpu.memory_space<semaphore_mem>>)
      %dma_wait3A_56 = arith.constant 0 : i32
      %dma_wait3A_57 = tpu.memref_slice %arg18[%mul3A_24, %dma_wait3A_56] : memref<2048x128xf32, #tpu.memory_space<vmem_shared>> -> memref<128x128xf32, #tpu.memory_space<vmem_shared>>
      tpu.wait_dma2 semaphore(%run_scoped3A : memref<!tpu.dma_semaphore, #tpu.memory_space<semaphore_mem>>) src(%arg7 : memref<128x128xf32, #tpu.memory_space<hbm>>) dst(%dma_wait3A_57 : memref<128x128xf32, #tpu.memory_space<vmem_shared>>)
      tpu.yield
    }) : () -> ()
    %barrier3A = arith.constant 0 : index
    tpu.barrier barrier_id(%barrier3A)
    %dma_start3A = arith.constant 0 : i32
    %dma_start3A_25 = arith.constant 0 : i32
    %dma_start3A_26 = tpu.memref_slice %arg6[%dma_start3A, %dma_start3A_25] : memref<2048x128xf32, #tpu.memory_space<hbm>> -> memref<2048x128xf32, #tpu.memory_space<hbm>>
    tpu.enqueue_indirect_dma source(%dma_start3A_26 : memref<2048x128xf32, #tpu.memory_space<hbm>>) target(%arg17 : memref<512x128xf32, #tpu.memory_space<vmem>>) offsets(%arg12 : memref<512xi32, #tpu.memory_space<vmem>>) semaphore(%arg19 : memref<!tpu.dma_semaphore, #tpu.memory_space<semaphore_mem>>)
    %dma_wait3A = arith.constant 0 : i32
    %dma_wait3A_27 = arith.constant 0 : i32
    %dma_wait3A_28 = tpu.memref_slice %arg6[%dma_wait3A, %dma_wait3A_27] : memref<2048x128xf32, #tpu.memory_space<hbm>> -> memref<2048x128xf32, #tpu.memory_space<hbm>>
    tpu.wait_indirect_dma semaphore(%arg19 : memref<!tpu.dma_semaphore, #tpu.memory_space<semaphore_mem>>) src(%dma_wait3A_28 : memref<2048x128xf32, #tpu.memory_space<hbm>>) dst(%arg17 : memref<512x128xf32, #tpu.memory_space<vmem>>)
    %scan3A_29 = arith.constant 0 : i32
    %scan3A_30 = arith.constant 0 : i32
    %scan3A_31 = arith.constant 32 : i32
    %scan3A_32 = arith.addi %scan3A_30, %scan3A_31 : i32
    %scan3A_33 = arith.constant 1 : i32
    %scan3A_34 = scf.for %scan3A_54 = %scan3A_30 to %scan3A_32 step %scan3A_33 iter_args(%scan3A_55 = %scan3A_29) -> (i32)  : i32 {
      %mul3A_56 = arith.constant 16 : i32
      %mul3A_57 = arith.muli %scan3A_54, %mul3A_56 : i32
      %add3A_58 = arith.constant 0 : i32
      %add3A_59 = arith.addi %add3A_58, %mul3A_57 : i32
      %get3A = arith.index_cast %add3A_59 : i32 to index
      %get3A_60 = tpu.vector_load %arg14[%get3A] {strides = array<i32>} : memref<1024xf32, #tpu.memory_space<vmem>>, vector<16xf32>,
      %get3A_61 = vector.shape_cast %get3A_60 : vector<16xf32> to vector<16xf32>
      %broadcast_in_dim3A = arith.constant 0 : i32
      %broadcast_in_dim3A_62 = vector.broadcast %broadcast_in_dim3A : i32 to vector<16x1xi32>
      %gather3A = vector.shape_cast %broadcast_in_dim3A_62 : vector<16x1xi32> to vector<16xi32>
      %gather3A_63 = tpu.dynamic_gather %get3A_61[%gather3A] in [0] : vector<16xf32>, vector<16xi32> -> vector<16xf32>
      %mul3A_64 = arith.constant 16 : i32
      %mul3A_65 = arith.muli %scan3A_54, %mul3A_64 : i32
      %add3A_66 = arith.constant 0 : i32
      %add3A_67 = arith.addi %mul3A_65, %add3A_66 : i32
      %get3A_68 = arith.index_cast %add3A_67 : i32 to index
      %get3A_69 = arith.constant 0 : index
      %get3A_70 = tpu.vector_load %arg17[%get3A_68, %get3A_69] {strides = array<i32>} : memref<512x128xf32, #tpu.memory_space<vmem>>, vector<1x16xf32>,
      %get3A_71 = vector.shape_cast %get3A_70 : vector<1x16xf32> to vector<16xf32>
      %mul3A_72 = arith.mulf %get3A_71, %gather3A_63 : vector<16xf32>
      %swap3A = arith.index_cast %add3A_67 : i32 to index
      %swap3A_73 = arith.constant 0 : index
      %swap3A_74 = tpu.vector_load %arg17[%swap3A, %swap3A_73] {strides = array<i32>} : memref<512x128xf32, #tpu.memory_space<vmem>>, vector<1x16xf32>,
      %swap3A_75 = vector.shape_cast %swap3A_74 : vector<1x16xf32> to vector<16xf32>
      %swap3A_76 = vector.shape_cast %mul3A_72 : vector<16xf32> to vector<1x16xf32>
      tpu.vector_store %arg17[%swap3A, %swap3A_73], %swap3A_76 {strides = array<i32>} : memref<512x128xf32, #tpu.memory_space<vmem>>, vector<1x16xf32>,
      %get3A_77 = arith.index_cast %add3A_67 : i32 to index
      %get3A_78 = arith.constant 16 : index
      %get3A_79 = tpu.vector_load %arg17[%get3A_77, %get3A_78] {strides = array<i32>} : memref<512x128xf32, #tpu.memory_space<vmem>>, vector<1x16xf32>,
      %get3A_80 = vector.shape_cast %get3A_79 : vector<1x16xf32> to vector<16xf32>
      %mul3A_81 = arith.mulf %get3A_80, %gather3A_63 : vector<16xf32>
      %swap3A_82 = arith.index_cast %add3A_67 : i32 to index
      %swap3A_83 = arith.constant 16 : index
      %swap3A_84 = tpu.vector_load %arg17[%swap3A_82, %swap3A_83] {strides = array<i32>} : memref<512x128xf32, #tpu.memory_space<vmem>>, vector<1x16xf32>,
      %swap3A_85 = vector.shape_cast %swap3A_84 : vector<1x16xf32> to vector<16xf32>
      %swap3A_86 = vector.shape_cast %mul3A_81 : vector<16xf32> to vector<1x16xf32>
      tpu.vector_store %arg17[%swap3A_82, %swap3A_83], %swap3A_86 {strides = array<i32>} : memref<512x128xf32, #tpu.memory_space<vmem>>, vector<1x16xf32>,
      %get3A_87 = arith.index_cast %add3A_67 : i32 to index
      %get3A_88 = arith.constant 64 : index
      %get3A_89 = tpu.vector_load %arg17[%get3A_87, %get3A_88] {strides = array<i32>} : memref<512x128xf32, #tpu.memory_space<vmem>>, vector<1x16xf32>,
      %get3A_90 = vector.shape_cast %get3A_89 : vector<1x16xf32> to vector<16xf32>
      %mul3A_91 = arith.mulf %get3A_90, %gather3A_63 : vector<16xf32>
      %swap3A_92 = arith.index_cast %add3A_67 : i32 to index
      %swap3A_93 = arith.constant 64 : index
      %swap3A_94 = tpu.vector_load %arg17[%swap3A_92, %swap3A_93] {strides = array<i32>} : memref<512x128xf32, #tpu.memory_space<vmem>>, vector<1x16xf32>,
      %swap3A_95 = vector.shape_cast %swap3A_94 : vector<1x16xf32> to vector<16xf32>
      %swap3A_96 = vector.shape_cast %mul3A_91 : vector<16xf32> to vector<1x16xf32>
      tpu.vector_store %arg17[%swap3A_92, %swap3A_93], %swap3A_96 {strides = array<i32>} : memref<512x128xf32, #tpu.memory_space<vmem>>, vector<1x16xf32>,
      %get3A_97 = arith.index_cast %add3A_67 : i32 to index
      %get3A_98 = arith.constant 80 : index
      %get3A_99 = tpu.vector_load %arg17[%get3A_97, %get3A_98] {strides = array<i32>} : memref<512x128xf32, #tpu.memory_space<vmem>>, vector<1x16xf32>,
      %get3A_100 = vector.shape_cast %get3A_99 : vector<1x16xf32> to vector<16xf32>
      %mul3A_101 = arith.mulf %get3A_100, %gather3A_63 : vector<16xf32>
      %swap3A_102 = arith.index_cast %add3A_67 : i32 to index
      %swap3A_103 = arith.constant 80 : index
      %swap3A_104 = tpu.vector_load %arg17[%swap3A_102, %swap3A_103] {strides = array<i32>} : memref<512x128xf32, #tpu.memory_space<vmem>>, vector<1x16xf32>,
      %swap3A_105 = vector.shape_cast %swap3A_104 : vector<1x16xf32> to vector<16xf32>
      %swap3A_106 = vector.shape_cast %mul3A_101 : vector<16xf32> to vector<1x16xf32>
      tpu.vector_store %arg17[%swap3A_102, %swap3A_103], %swap3A_106 {strides = array<i32>} : memref<512x128xf32, #tpu.memory_space<vmem>>, vector<1x16xf32>,
      %broadcast_in_dim3A_107 = arith.constant 1 : i32
      %broadcast_in_dim3A_108 = vector.broadcast %broadcast_in_dim3A_107 : i32 to vector<16x1xi32>
      %gather3A_109 = vector.shape_cast %broadcast_in_dim3A_108 : vector<16x1xi32> to vector<16xi32>
      %gather3A_110 = tpu.dynamic_gather %get3A_61[%gather3A_109] in [0] : vector<16xf32>, vector<16xi32> -> vector<16xf32>
      %mul3A_111 = arith.constant 16 : i32
      %mul3A_112 = arith.muli %scan3A_54, %mul3A_111 : i32
      %add3A_113 = arith.constant 1 : i32
      %add3A_114 = arith.addi %mul3A_112, %add3A_113 : i32
      %get3A_115 = arith.index_cast %add3A_114 : i32 to index
      %get3A_116 = arith.constant 0 : index
      %get3A_117 = tpu.vector_load %arg17[%get3A_115, %get3A_116] {strides = array<i32>} : memref<512x128xf32, #tpu.memory_space<vmem>>, vector<1x16xf32>,
      %get3A_118 = vector.shape_cast %get3A_117 : vector<1x16xf32> to vector<16xf32>
      %mul3A_119 = arith.mulf %get3A_118, %gather3A_110 : vector<16xf32>
      %swap3A_120 = arith.index_cast %add3A_114 : i32 to index
      %swap3A_121 = arith.constant 0 : index
      %swap3A_122 = tpu.vector_load %arg17[%swap3A_120, %swap3A_121] {strides = array<i32>} : memref<512x128xf32, #tpu.memory_space<vmem>>, vector<1x16xf32>,
      %swap3A_123 = vector.shape_cast %swap3A_122 : vector<1x16xf32> to vector<16xf32>
      %swap3A_124 = vector.shape_cast %mul3A_119 : vector<16xf32> to vector<1x16xf32>
      tpu.vector_store %arg17[%swap3A_120, %swap3A_121], %swap3A_124 {strides = array<i32>} : memref<512x128xf32, #tpu.memory_space<vmem>>, vector<1x16xf32>,
      %get3A_125 = arith.index_cast %add3A_114 : i32 to index
      %get3A_126 = arith.constant 16 : index
      %get3A_127 = tpu.vector_load %arg17[%get3A_125, %get3A_126] {strides = array<i32>} : memref<512x128xf32, #tpu.memory_space<vmem>>, vector<1x16xf32>,
      %get3A_128 = vector.shape_cast %get3A_127 : vector<1x16xf32> to vector<16xf32>
      %mul3A_129 = arith.mulf %get3A_128, %gather3A_110 : vector<16xf32>
      %swap3A_130 = arith.index_cast %add3A_114 : i32 to index
      %swap3A_131 = arith.constant 16 : index
      %swap3A_132 = tpu.vector_load %arg17[%swap3A_130, %swap3A_131] {strides = array<i32>} : memref<512x128xf32, #tpu.memory_space<vmem>>, vector<1x16xf32>,
      %swap3A_133 = vector.shape_cast %swap3A_132 : vector<1x16xf32> to vector<16xf32>
      %swap3A_134 = vector.shape_cast %mul3A_129 : vector<16xf32> to vector<1x16xf32>
      tpu.vector_store %arg17[%swap3A_130, %swap3A_131], %swap3A_134 {strides = array<i32>} : memref<512x128xf32, #tpu.memory_space<vmem>>, vector<1x16xf32>,
      %get3A_135 = arith.index_cast %add3A_114 : i32 to index
      %get3A_136 = arith.constant 64 : index
      %get3A_137 = tpu.vector_load %arg17[%get3A_135, %get3A_136] {strides = array<i32>} : memref<512x128xf32, #tpu.memory_space<vmem>>, vector<1x16xf32>,
      %get3A_138 = vector.shape_cast %get3A_137 : vector<1x16xf32> to vector<16xf32>
      %mul3A_139 = arith.mulf %get3A_138, %gather3A_110 : vector<16xf32>
      %swap3A_140 = arith.index_cast %add3A_114 : i32 to index
      %swap3A_141 = arith.constant 64 : index
      %swap3A_142 = tpu.vector_load %arg17[%swap3A_140, %swap3A_141] {strides = array<i32>} : memref<512x128xf32, #tpu.memory_space<vmem>>, vector<1x16xf32>,
      %swap3A_143 = vector.shape_cast %swap3A_142 : vector<1x16xf32> to vector<16xf32>
      %swap3A_144 = vector.shape_cast %mul3A_139 : vector<16xf32> to vector<1x16xf32>
      tpu.vector_store %arg17[%swap3A_140, %swap3A_141], %swap3A_144 {strides = array<i32>} : memref<512x128xf32, #tpu.memory_space<vmem>>, vector<1x16xf32>,
      %get3A_145 = arith.index_cast %add3A_114 : i32 to index
      %get3A_146 = arith.constant 80 : index
      %get3A_147 = tpu.vector_load %arg17[%get3A_145, %get3A_146] {strides = array<i32>} : memref<512x128xf32, #tpu.memory_space<vmem>>, vector<1x16xf32>,
      %get3A_148 = vector.shape_cast %get3A_147 : vector<1x16xf32> to vector<16xf32>
      %mul3A_149 = arith.mulf %get3A_148, %gather3A_110 : vector<16xf32>
      %swap3A_150 = arith.index_cast %add3A_114 : i32 to index
      %swap3A_151 = arith.constant 80 : index
      %swap3A_152 = tpu.vector_load %arg17[%swap3A_150, %swap3A_151] {strides = array<i32>} : memref<512x128xf32, #tpu.memory_space<vmem>>, vector<1x16xf32>,
      %swap3A_153 = vector.shape_cast %swap3A_152 : vector<1x16xf32> to vector<16xf32>
      %swap3A_154 = vector.shape_cast %mul3A_149 : vector<16xf32> to vector<1x16xf32>
      tpu.vector_store %arg17[%swap3A_150, %swap3A_151], %swap3A_154 {strides = array<i32>} : memref<512x128xf32, #tpu.memory_space<vmem>>, vector<1x16xf32>,
      %broadcast_in_dim3A_155 = arith.constant 2 : i32
      %broadcast_in_dim3A_156 = vector.broadcast %broadcast_in_dim3A_155 : i32 to vector<16x1xi32>
      %gather3A_157 = vector.shape_cast %broadcast_in_dim3A_156 : vector<16x1xi32> to vector<16xi32>
      %gather3A_158 = tpu.dynamic_gather %get3A_61[%gather3A_157] in [0] : vector<16xf32>, vector<16xi32> -> vector<16xf32>
      %mul3A_159 = arith.constant 16 : i32
      %mul3A_160 = arith.muli %scan3A_54, %mul3A_159 : i32
      %add3A_161 = arith.constant 2 : i32
      %add3A_162 = arith.addi %mul3A_160, %add3A_161 : i32
      %get3A_163 = arith.index_cast %add3A_162 : i32 to index
      %get3A_164 = arith.constant 0 : index
      %get3A_165 = tpu.vector_load %arg17[%get3A_163, %get3A_164] {strides = array<i32>} : memref<512x128xf32, #tpu.memory_space<vmem>>, vector<1x16xf32>,
      %get3A_166 = vector.shape_cast %get3A_165 : vector<1x16xf32> to vector<16xf32>
      %mul3A_167 = arith.mulf %get3A_166, %gather3A_158 : vector<16xf32>
      %swap3A_168 = arith.index_cast %add3A_162 : i32 to index
      %swap3A_169 = arith.constant 0 : index
      %swap3A_170 = tpu.vector_load %arg17[%swap3A_168, %swap3A_169] {strides = array<i32>} : memref<512x128xf32, #tpu.memory_space<vmem>>, vector<1x16xf32>,
      %swap3A_171 = vector.shape_cast %swap3A_170 : vector<1x16xf32> to vector<16xf32>
      %swap3A_172 = vector.shape_cast %mul3A_167 : vector<16xf32> to vector<1x16xf32>
      tpu.vector_store %arg17[%swap3A_168, %swap3A_169], %swap3A_172 {strides = array<i32>} : memref<512x128xf32, #tpu.memory_space<vmem>>, vector<1x16xf32>,
      %get3A_173 = arith.index_cast %add3A_162 : i32 to index
      %get3A_174 = arith.constant 16 : index
      %get3A_175 = tpu.vector_load %arg17[%get3A_173, %get3A_174] {strides = array<i32>} : memref<512x128xf32, #tpu.memory_space<vmem>>, vector<1x16xf32>,
      %get3A_176 = vector.shape_cast %get3A_175 : vector<1x16xf32> to vector<16xf32>
      %mul3A_177 = arith.mulf %get3A_176, %gather3A_158 : vector<16xf32>
      %swap3A_178 = arith.index_cast %add3A_162 : i32 to index
      %swap3A_179 = arith.constant 16 : index
      %swap3A_180 = tpu.vector_load %arg17[%swap3A_178, %swap3A_179] {strides = array<i32>} : memref<512x128xf32, #tpu.memory_space<vmem>>, vector<1x16xf32>,
      %swap3A_181 = vector.shape_cast %swap3A_180 : vector<1x16xf32> to vector<16xf32>
      %swap3A_182 = vector.shape_cast %mul3A_177 : vector<16xf32> to vector<1x16xf32>
      tpu.vector_store %arg17[%swap3A_178, %swap3A_179], %swap3A_182 {strides = array<i32>} : memref<512x128xf32, #tpu.memory_space<vmem>>, vector<1x16xf32>,
      %get3A_183 = arith.index_cast %add3A_162 : i32 to index
      %get3A_184 = arith.constant 64 : index
      %get3A_185 = tpu.vector_load %arg17[%get3A_183, %get3A_184] {strides = array<i32>} : memref<512x128xf32, #tpu.memory_space<vmem>>, vector<1x16xf32>,
      %get3A_186 = vector.shape_cast %get3A_185 : vector<1x16xf32> to vector<16xf32>
      %mul3A_187 = arith.mulf %get3A_186, %gather3A_158 : vector<16xf32>
      %swap3A_188 = arith.index_cast %add3A_162 : i32 to index
      %swap3A_189 = arith.constant 64 : index
      %swap3A_190 = tpu.vector_load %arg17[%swap3A_188, %swap3A_189] {strides = array<i32>} : memref<512x128xf32, #tpu.memory_space<vmem>>, vector<1x16xf32>,
      %swap3A_191 = vector.shape_cast %swap3A_190 : vector<1x16xf32> to vector<16xf32>
      %swap3A_192 = vector.shape_cast %mul3A_187 : vector<16xf32> to vector<1x16xf32>
      tpu.vector_store %arg17[%swap3A_188, %swap3A_189], %swap3A_192 {strides = array<i32>} : memref<512x128xf32, #tpu.memory_space<vmem>>, vector<1x16xf32>,
      %get3A_193 = arith.index_cast %add3A_162 : i32 to index
      %get3A_194 = arith.constant 80 : index
      %get3A_195 = tpu.vector_load %arg17[%get3A_193, %get3A_194] {strides = array<i32>} : memref<512x128xf32, #tpu.memory_space<vmem>>, vector<1x16xf32>,
      %get3A_196 = vector.shape_cast %get3A_195 : vector<1x16xf32> to vector<16xf32>
      %mul3A_197 = arith.mulf %get3A_196, %gather3A_158 : vector<16xf32>
      %swap3A_198 = arith.index_cast %add3A_162 : i32 to index
      %swap3A_199 = arith.constant 80 : index
      %swap3A_200 = tpu.vector_load %arg17[%swap3A_198, %swap3A_199] {strides = array<i32>} : memref<512x128xf32, #tpu.memory_space<vmem>>, vector<1x16xf32>,
      %swap3A_201 = vector.shape_cast %swap3A_200 : vector<1x16xf32> to vector<16xf32>
      %swap3A_202 = vector.shape_cast %mul3A_197 : vector<16xf32> to vector<1x16xf32>
      tpu.vector_store %arg17[%swap3A_198, %swap3A_199], %swap3A_202 {strides = array<i32>} : memref<512x128xf32, #tpu.memory_space<vmem>>, vector<1x16xf32>,
      %broadcast_in_dim3A_203 = arith.constant 3 : i32
      %broadcast_in_dim3A_204 = vector.broadcast %broadcast_in_dim3A_203 : i32 to vector<16x1xi32>
      %gather3A_205 = vector.shape_cast %broadcast_in_dim3A_204 : vector<16x1xi32> to vector<16xi32>
      %gather3A_206 = tpu.dynamic_gather %get3A_61[%gather3A_205] in [0] : vector<16xf32>, vector<16xi32> -> vector<16xf32>
      %mul3A_207 = arith.constant 16 : i32
      %mul3A_208 = arith.muli %scan3A_54, %mul3A_207 : i32
      %add3A_209 = arith.constant 3 : i32
      %add3A_210 = arith.addi %mul3A_208, %add3A_209 : i32
      %get3A_211 = arith.index_cast %add3A_210 : i32 to index
      %get3A_212 = arith.constant 0 : index
      %get3A_213 = tpu.vector_load %arg17[%get3A_211, %get3A_212] {strides = array<i32>} : memref<512x128xf32, #tpu.memory_space<vmem>>, vector<1x16xf32>,
      %get3A_214 = vector.shape_cast %get3A_213 : vector<1x16xf32> to vector<16xf32>
      %mul3A_215 = arith.mulf %get3A_214, %gather3A_206 : vector<16xf32>
      %swap3A_216 = arith.index_cast %add3A_210 : i32 to index
      %swap3A_217 = arith.constant 0 : index
      %swap3A_218 = tpu.vector_load %arg17[%swap3A_216, %swap3A_217] {strides = array<i32>} : memref<512x128xf32, #tpu.memory_space<vmem>>, vector<1x16xf32>,
      %swap3A_219 = vector.shape_cast %swap3A_218 : vector<1x16xf32> to vector<16xf32>
      %swap3A_220 = vector.shape_cast %mul3A_215 : vector<16xf32> to vector<1x16xf32>
      tpu.vector_store %arg17[%swap3A_216, %swap3A_217], %swap3A_220 {strides = array<i32>} : memref<512x128xf32, #tpu.memory_space<vmem>>, vector<1x16xf32>,
      %get3A_221 = arith.index_cast %add3A_210 : i32 to index
      %get3A_222 = arith.constant 16 : index
      %get3A_223 = tpu.vector_load %arg17[%get3A_221, %get3A_222] {strides = array<i32>} : memref<512x128xf32, #tpu.memory_space<vmem>>, vector<1x16xf32>,
      %get3A_224 = vector.shape_cast %get3A_223 : vector<1x16xf32> to vector<16xf32>
      %mul3A_225 = arith.mulf %get3A_224, %gather3A_206 : vector<16xf32>
      %swap3A_226 = arith.index_cast %add3A_210 : i32 to index
      %swap3A_227 = arith.constant 16 : index
      %swap3A_228 = tpu.vector_load %arg17[%swap3A_226, %swap3A_227] {strides = array<i32>} : memref<512x128xf32, #tpu.memory_space<vmem>>, vector<1x16xf32>,
      %swap3A_229 = vector.shape_cast %swap3A_228 : vector<1x16xf32> to vector<16xf32>
      %swap3A_230 = vector.shape_cast %mul3A_225 : vector<16xf32> to vector<1x16xf32>
      tpu.vector_store %arg17[%swap3A_226, %swap3A_227], %swap3A_230 {strides = array<i32>} : memref<512x128xf32, #tpu.memory_space<vmem>>, vector<1x16xf32>,
      %get3A_231 = arith.index_cast %add3A_210 : i32 to index
      %get3A_232 = arith.constant 64 : index
      %get3A_233 = tpu.vector_load %arg17[%get3A_231, %get3A_232] {strides = array<i32>} : memref<512x128xf32, #tpu.memory_space<vmem>>, vector<1x16xf32>,
      %get3A_234 = vector.shape_cast %get3A_233 : vector<1x16xf32> to vector<16xf32>
      %mul3A_235 = arith.mulf %get3A_234, %gather3A_206 : vector<16xf32>
      %swap3A_236 = arith.index_cast %add3A_210 : i32 to index
      %swap3A_237 = arith.constant 64 : index
      %swap3A_238 = tpu.vector_load %arg17[%swap3A_236, %swap3A_237] {strides = array<i32>} : memref<512x128xf32, #tpu.memory_space<vmem>>, vector<1x16xf32>,
      %swap3A_239 = vector.shape_cast %swap3A_238 : vector<1x16xf32> to vector<16xf32>
      %swap3A_240 = vector.shape_cast %mul3A_235 : vector<16xf32> to vector<1x16xf32>
      tpu.vector_store %arg17[%swap3A_236, %swap3A_237], %swap3A_240 {strides = array<i32>} : memref<512x128xf32, #tpu.memory_space<vmem>>, vector<1x16xf32>,
      %get3A_241 = arith.index_cast %add3A_210 : i32 to index
      %get3A_242 = arith.constant 80 : index
      %get3A_243 = tpu.vector_load %arg17[%get3A_241, %get3A_242] {strides = array<i32>} : memref<512x128xf32, #tpu.memory_space<vmem>>, vector<1x16xf32>,
      %get3A_244 = vector.shape_cast %get3A_243 : vector<1x16xf32> to vector<16xf32>
      %mul3A_245 = arith.mulf %get3A_244, %gather3A_206 : vector<16xf32>
      %swap3A_246 = arith.index_cast %add3A_210 : i32 to index
      %swap3A_247 = arith.constant 80 : index
      %swap3A_248 = tpu.vector_load %arg17[%swap3A_246, %swap3A_247] {strides = array<i32>} : memref<512x128xf32, #tpu.memory_space<vmem>>, vector<1x16xf32>,
      %swap3A_249 = vector.shape_cast %swap3A_248 : vector<1x16xf32> to vector<16xf32>
      %swap3A_250 = vector.shape_cast %mul3A_245 : vector<16xf32> to vector<1x16xf32>
      tpu.vector_store %arg17[%swap3A_246, %swap3A_247], %swap3A_250 {strides = array<i32>} : memref<512x128xf32, #tpu.memory_space<vmem>>, vector<1x16xf32>,
      %broadcast_in_dim3A_251 = arith.constant 4 : i32
      %broadcast_in_dim3A_252 = vector.broadcast %broadcast_in_dim3A_251 : i32 to vector<16x1xi32>
      %gather3A_253 = vector.shape_cast %broadcast_in_dim3A_252 : vector<16x1xi32> to vector<16xi32>
      %gather3A_254 = tpu.dynamic_gather %get3A_61[%gather3A_253] in [0] : vector<16xf32>, vector<16xi32> -> vector<16xf32>
      %mul3A_255 = arith.constant 16 : i32
      %mul3A_256 = arith.muli %scan3A_54, %mul3A_255 : i32
      %add3A_257 = arith.constant 4 : i32
      %add3A_258 = arith.addi %mul3A_256, %add3A_257 : i32
      %get3A_259 = arith.index_cast %add3A_258 : i32 to index
      %get3A_260 = arith.constant 0 : index
      %get3A_261 = tpu.vector_load %arg17[%get3A_259, %get3A_260] {strides = array<i32>} : memref<512x128xf32, #tpu.memory_space<vmem>>, vector<1x16xf32>,
      %get3A_262 = vector.shape_cast %get3A_261 : vector<1x16xf32> to vector<16xf32>
      %mul3A_263 = arith.mulf %get3A_262, %gather3A_254 : vector<16xf32>
      %swap3A_264 = arith.index_cast %add3A_258 : i32 to index
      %swap3A_265 = arith.constant 0 : index
      %swap3A_266 = tpu.vector_load %arg17[%swap3A_264, %swap3A_265] {strides = array<i32>} : memref<512x128xf32, #tpu.memory_space<vmem>>, vector<1x16xf32>,
      %swap3A_267 = vector.shape_cast %swap3A_266 : vector<1x16xf32> to vector<16xf32>
      %swap3A_268 = vector.shape_cast %mul3A_263 : vector<16xf32> to vector<1x16xf32>
      tpu.vector_store %arg17[%swap3A_264, %swap3A_265], %swap3A_268 {strides = array<i32>} : memref<512x128xf32, #tpu.memory_space<vmem>>, vector<1x16xf32>,
      %get3A_269 = arith.index_cast %add3A_258 : i32 to index
      %get3A_270 = arith.constant 16 : index
      %get3A_271 = tpu.vector_load %arg17[%get3A_269, %get3A_270] {strides = array<i32>} : memref<512x128xf32, #tpu.memory_space<vmem>>, vector<1x16xf32>,
      %get3A_272 = vector.shape_cast %get3A_271 : vector<1x16xf32> to vector<16xf32>
      %mul3A_273 = arith.mulf %get3A_272, %gather3A_254 : vector<16xf32>
      %swap3A_274 = arith.index_cast %add3A_258 : i32 to index
      %swap3A_275 = arith.constant 16 : index
      %swap3A_276 = tpu.vector_load %arg17[%swap3A_274, %swap3A_275] {strides = array<i32>} : memref<512x128xf32, #tpu.memory_space<vmem>>, vector<1x16xf32>,
      %swap3A_277 = vector.shape_cast %swap3A_276 : vector<1x16xf32> to vector<16xf32>
      %swap3A_278 = vector.shape_cast %mul3A_273 : vector<16xf32> to vector<1x16xf32>
      tpu.vector_store %arg17[%swap3A_274, %swap3A_275], %swap3A_278 {strides = array<i32>} : memref<512x128xf32, #tpu.memory_space<vmem>>, vector<1x16xf32>,
      %get3A_279 = arith.index_cast %add3A_258 : i32 to index
      %get3A_280 = arith.constant 64 : index
      %get3A_281 = tpu.vector_load %arg17[%get3A_279, %get3A_280] {strides = array<i32>} : memref<512x128xf32, #tpu.memory_space<vmem>>, vector<1x16xf32>,
      %get3A_282 = vector.shape_cast %get3A_281 : vector<1x16xf32> to vector<16xf32>
      %mul3A_283 = arith.mulf %get3A_282, %gather3A_254 : vector<16xf32>
      %swap3A_284 = arith.index_cast %add3A_258 : i32 to index
      %swap3A_285 = arith.constant 64 : index
      %swap3A_286 = tpu.vector_load %arg17[%swap3A_284, %swap3A_285] {strides = array<i32>} : memref<512x128xf32, #tpu.memory_space<vmem>>, vector<1x16xf32>,
      %swap3A_287 = vector.shape_cast %swap3A_286 : vector<1x16xf32> to vector<16xf32>
      %swap3A_288 = vector.shape_cast %mul3A_283 : vector<16xf32> to vector<1x16xf32>
      tpu.vector_store %arg17[%swap3A_284, %swap3A_285], %swap3A_288 {strides = array<i32>} : memref<512x128xf32, #tpu.memory_space<vmem>>, vector<1x16xf32>,
      %get3A_289 = arith.index_cast %add3A_258 : i32 to index
      %get3A_290 = arith.constant 80 : index
      %get3A_291 = tpu.vector_load %arg17[%get3A_289, %get3A_290] {strides = array<i32>} : memref<512x128xf32, #tpu.memory_space<vmem>>, vector<1x16xf32>,
      %get3A_292 = vector.shape_cast %get3A_291 : vector<1x16xf32> to vector<16xf32>
      %mul3A_293 = arith.mulf %get3A_292, %gather3A_254 : vector<16xf32>
      %swap3A_294 = arith.index_cast %add3A_258 : i32 to index
      %swap3A_295 = arith.constant 80 : index
      %swap3A_296 = tpu.vector_load %arg17[%swap3A_294, %swap3A_295] {strides = array<i32>} : memref<512x128xf32, #tpu.memory_space<vmem>>, vector<1x16xf32>,
      %swap3A_297 = vector.shape_cast %swap3A_296 : vector<1x16xf32> to vector<16xf32>
      %swap3A_298 = vector.shape_cast %mul3A_293 : vector<16xf32> to vector<1x16xf32>
      tpu.vector_store %arg17[%swap3A_294, %swap3A_295], %swap3A_298 {strides = array<i32>} : memref<512x128xf32, #tpu.memory_space<vmem>>, vector<1x16xf32>,
      %broadcast_in_dim3A_299 = arith.constant 5 : i32
      %broadcast_in_dim3A_300 = vector.broadcast %broadcast_in_dim3A_299 : i32 to vector<16x1xi32>
      %gather3A_301 = vector.shape_cast %broadcast_in_dim3A_300 : vector<16x1xi32> to vector<16xi32>
      %gather3A_302 = tpu.dynamic_gather %get3A_61[%gather3A_301] in [0] : vector<16xf32>, vector<16xi32> -> vector<16xf32>
      %mul3A_303 = arith.constant 16 : i32
      %mul3A_304 = arith.muli %scan3A_54, %mul3A_303 : i32
      %add3A_305 = arith.constant 5 : i32
      %add3A_306 = arith.addi %mul3A_304, %add3A_305 : i32
      %get3A_307 = arith.index_cast %add3A_306 : i32 to index
      %get3A_308 = arith.constant 0 : index
      %get3A_309 = tpu.vector_load %arg17[%get3A_307, %get3A_308] {strides = array<i32>} : memref<512x128xf32, #tpu.memory_space<vmem>>, vector<1x16xf32>,
      %get3A_310 = vector.shape_cast %get3A_309 : vector<1x16xf32> to vector<16xf32>
      %mul3A_311 = arith.mulf %get3A_310, %gather3A_302 : vector<16xf32>
      %swap3A_312 = arith.index_cast %add3A_306 : i32 to index
      %swap3A_313 = arith.constant 0 : index
      %swap3A_314 = tpu.vector_load %arg17[%swap3A_312, %swap3A_313] {strides = array<i32>} : memref<512x128xf32, #tpu.memory_space<vmem>>, vector<1x16xf32>,
      %swap3A_315 = vector.shape_cast %swap3A_314 : vector<1x16xf32> to vector<16xf32>
      %swap3A_316 = vector.shape_cast %mul3A_311 : vector<16xf32> to vector<1x16xf32>
      tpu.vector_store %arg17[%swap3A_312, %swap3A_313], %swap3A_316 {strides = array<i32>} : memref<512x128xf32, #tpu.memory_space<vmem>>, vector<1x16xf32>,
      %get3A_317 = arith.index_cast %add3A_306 : i32 to index
      %get3A_318 = arith.constant 16 : index
      %get3A_319 = tpu.vector_load %arg17[%get3A_317, %get3A_318] {strides = array<i32>} : memref<512x128xf32, #tpu.memory_space<vmem>>, vector<1x16xf32>,
      %get3A_320 = vector.shape_cast %get3A_319 : vector<1x16xf32> to vector<16xf32>
      %mul3A_321 = arith.mulf %get3A_320, %gather3A_302 : vector<16xf32>
      %swap3A_322 = arith.index_cast %add3A_306 : i32 to index
      %swap3A_323 = arith.constant 16 : index
      %swap3A_324 = tpu.vector_load %arg17[%swap3A_322, %swap3A_323] {strides = array<i32>} : memref<512x128xf32, #tpu.memory_space<vmem>>, vector<1x16xf32>,
      %swap3A_325 = vector.shape_cast %swap3A_324 : vector<1x16xf32> to vector<16xf32>
      %swap3A_326 = vector.shape_cast %mul3A_321 : vector<16xf32> to vector<1x16xf32>
      tpu.vector_store %arg17[%swap3A_322, %swap3A_323], %swap3A_326 {strides = array<i32>} : memref<512x128xf32, #tpu.memory_space<vmem>>, vector<1x16xf32>,
      %get3A_327 = arith.index_cast %add3A_306 : i32 to index
      %get3A_328 = arith.constant 64 : index
      %get3A_329 = tpu.vector_load %arg17[%get3A_327, %get3A_328] {strides = array<i32>} : memref<512x128xf32, #tpu.memory_space<vmem>>, vector<1x16xf32>,
      %get3A_330 = vector.shape_cast %get3A_329 : vector<1x16xf32> to vector<16xf32>
      %mul3A_331 = arith.mulf %get3A_330, %gather3A_302 : vector<16xf32>
      %swap3A_332 = arith.index_cast %add3A_306 : i32 to index
      %swap3A_333 = arith.constant 64 : index
      %swap3A_334 = tpu.vector_load %arg17[%swap3A_332, %swap3A_333] {strides = array<i32>} : memref<512x128xf32, #tpu.memory_space<vmem>>, vector<1x16xf32>,
      %swap3A_335 = vector.shape_cast %swap3A_334 : vector<1x16xf32> to vector<16xf32>
      %swap3A_336 = vector.shape_cast %mul3A_331 : vector<16xf32> to vector<1x16xf32>
      tpu.vector_store %arg17[%swap3A_332, %swap3A_333], %swap3A_336 {strides = array<i32>} : memref<512x128xf32, #tpu.memory_space<vmem>>, vector<1x16xf32>,
      %get3A_337 = arith.index_cast %add3A_306 : i32 to index
      %get3A_338 = arith.constant 80 : index
      %get3A_339 = tpu.vector_load %arg17[%get3A_337, %get3A_338] {strides = array<i32>} : memref<512x128xf32, #tpu.memory_space<vmem>>, vector<1x16xf32>,
      %get3A_340 = vector.shape_cast %get3A_339 : vector<1x16xf32> to vector<16xf32>
      %mul3A_341 = arith.mulf %get3A_340, %gather3A_302 : vector<16xf32>
      %swap3A_342 = arith.index_cast %add3A_306 : i32 to index
      %swap3A_343 = arith.constant 80 : index
      %swap3A_344 = tpu.vector_load %arg17[%swap3A_342, %swap3A_343] {strides = array<i32>} : memref<512x128xf32, #tpu.memory_space<vmem>>, vector<1x16xf32>,
      %swap3A_345 = vector.shape_cast %swap3A_344 : vector<1x16xf32> to vector<16xf32>
      %swap3A_346 = vector.shape_cast %mul3A_341 : vector<16xf32> to vector<1x16xf32>
      tpu.vector_store %arg17[%swap3A_342, %swap3A_343], %swap3A_346 {strides = array<i32>} : memref<512x128xf32, #tpu.memory_space<vmem>>, vector<1x16xf32>,
      %broadcast_in_dim3A_347 = arith.constant 6 : i32
      %broadcast_in_dim3A_348 = vector.broadcast %broadcast_in_dim3A_347 : i32 to vector<16x1xi32>
      %gather3A_349 = vector.shape_cast %broadcast_in_dim3A_348 : vector<16x1xi32> to vector<16xi32>
      %gather3A_350 = tpu.dynamic_gather %get3A_61[%gather3A_349] in [0] : vector<16xf32>, vector<16xi32> -> vector<16xf32>
      %mul3A_351 = arith.constant 16 : i32
      %mul3A_352 = arith.muli %scan3A_54, %mul3A_351 : i32
      %add3A_353 = arith.constant 6 : i32
      %add3A_354 = arith.addi %mul3A_352, %add3A_353 : i32
      %get3A_355 = arith.index_cast %add3A_354 : i32 to index
      %get3A_356 = arith.constant 0 : index
      %get3A_357 = tpu.vector_load %arg17[%get3A_355, %get3A_356] {strides = array<i32>} : memref<512x128xf32, #tpu.memory_space<vmem>>, vector<1x16xf32>,
      %get3A_358 = vector.shape_cast %get3A_357 : vector<1x16xf32> to vector<16xf32>
      %mul3A_359 = arith.mulf %get3A_358, %gather3A_350 : vector<16xf32>
      %swap3A_360 = arith.index_cast %add3A_354 : i32 to index
      %swap3A_361 = arith.constant 0 : index
      %swap3A_362 = tpu.vector_load %arg17[%swap3A_360, %swap3A_361] {strides = array<i32>} : memref<512x128xf32, #tpu.memory_space<vmem>>, vector<1x16xf32>,
      %swap3A_363 = vector.shape_cast %swap3A_362 : vector<1x16xf32> to vector<16xf32>
      %swap3A_364 = vector.shape_cast %mul3A_359 : vector<16xf32> to vector<1x16xf32>
      tpu.vector_store %arg17[%swap3A_360, %swap3A_361], %swap3A_364 {strides = array<i32>} : memref<512x128xf32, #tpu.memory_space<vmem>>, vector<1x16xf32>,
      %get3A_365 = arith.index_cast %add3A_354 : i32 to index
      %get3A_366 = arith.constant 16 : index
      %get3A_367 = tpu.vector_load %arg17[%get3A_365, %get3A_366] {strides = array<i32>} : memref<512x128xf32, #tpu.memory_space<vmem>>, vector<1x16xf32>,
      %get3A_368 = vector.shape_cast %get3A_367 : vector<1x16xf32> to vector<16xf32>
      %mul3A_369 = arith.mulf %get3A_368, %gather3A_350 : vector<16xf32>
      %swap3A_370 = arith.index_cast %add3A_354 : i32 to index
      %swap3A_371 = arith.constant 16 : index
      %swap3A_372 = tpu.vector_load %arg17[%swap3A_370, %swap3A_371] {strides = array<i32>} : memref<512x128xf32, #tpu.memory_space<vmem>>, vector<1x16xf32>,
      %swap3A_373 = vector.shape_cast %swap3A_372 : vector<1x16xf32> to vector<16xf32>
      %swap3A_374 = vector.shape_cast %mul3A_369 : vector<16xf32> to vector<1x16xf32>
      tpu.vector_store %arg17[%swap3A_370, %swap3A_371], %swap3A_374 {strides = array<i32>} : memref<512x128xf32, #tpu.memory_space<vmem>>, vector<1x16xf32>,
      %get3A_375 = arith.index_cast %add3A_354 : i32 to index
      %get3A_376 = arith.constant 64 : index
      %get3A_377 = tpu.vector_load %arg17[%get3A_375, %get3A_376] {strides = array<i32>} : memref<512x128xf32, #tpu.memory_space<vmem>>, vector<1x16xf32>,
      %get3A_378 = vector.shape_cast %get3A_377 : vector<1x16xf32> to vector<16xf32>
      %mul3A_379 = arith.mulf %get3A_378, %gather3A_350 : vector<16xf32>
      %swap3A_380 = arith.index_cast %add3A_354 : i32 to index
      %swap3A_381 = arith.constant 64 : index
      %swap3A_382 = tpu.vector_load %arg17[%swap3A_380, %swap3A_381] {strides = array<i32>} : memref<512x128xf32, #tpu.memory_space<vmem>>, vector<1x16xf32>,
      %swap3A_383 = vector.shape_cast %swap3A_382 : vector<1x16xf32> to vector<16xf32>
      %swap3A_384 = vector.shape_cast %mul3A_379 : vector<16xf32> to vector<1x16xf32>
      tpu.vector_store %arg17[%swap3A_380, %swap3A_381], %swap3A_384 {strides = array<i32>} : memref<512x128xf32, #tpu.memory_space<vmem>>, vector<1x16xf32>,
      %get3A_385 = arith.index_cast %add3A_354 : i32 to index
      %get3A_386 = arith.constant 80 : index
      %get3A_387 = tpu.vector_load %arg17[%get3A_385, %get3A_386] {strides = array<i32>} : memref<512x128xf32, #tpu.memory_space<vmem>>, vector<1x16xf32>,
      %get3A_388 = vector.shape_cast %get3A_387 : vector<1x16xf32> to vector<16xf32>
      %mul3A_389 = arith.mulf %get3A_388, %gather3A_350 : vector<16xf32>
      %swap3A_390 = arith.index_cast %add3A_354 : i32 to index
      %swap3A_391 = arith.constant 80 : index
      %swap3A_392 = tpu.vector_load %arg17[%swap3A_390, %swap3A_391] {strides = array<i32>} : memref<512x128xf32, #tpu.memory_space<vmem>>, vector<1x16xf32>,
      %swap3A_393 = vector.shape_cast %swap3A_392 : vector<1x16xf32> to vector<16xf32>
      %swap3A_394 = vector.shape_cast %mul3A_389 : vector<16xf32> to vector<1x16xf32>
      tpu.vector_store %arg17[%swap3A_390, %swap3A_391], %swap3A_394 {strides = array<i32>} : memref<512x128xf32, #tpu.memory_space<vmem>>, vector<1x16xf32>,
      %broadcast_in_dim3A_395 = arith.constant 7 : i32
      %broadcast_in_dim3A_396 = vector.broadcast %broadcast_in_dim3A_395 : i32 to vector<16x1xi32>
      %gather3A_397 = vector.shape_cast %broadcast_in_dim3A_396 : vector<16x1xi32> to vector<16xi32>
      %gather3A_398 = tpu.dynamic_gather %get3A_61[%gather3A_397] in [0] : vector<16xf32>, vector<16xi32> -> vector<16xf32>
      %mul3A_399 = arith.constant 16 : i32
      %mul3A_400 = arith.muli %scan3A_54, %mul3A_399 : i32
      %add3A_401 = arith.constant 7 : i32
      %add3A_402 = arith.addi %mul3A_400, %add3A_401 : i32
      %get3A_403 = arith.index_cast %add3A_402 : i32 to index
      %get3A_404 = arith.constant 0 : index
      %get3A_405 = tpu.vector_load %arg17[%get3A_403, %get3A_404] {strides = array<i32>} : memref<512x128xf32, #tpu.memory_space<vmem>>, vector<1x16xf32>,
      %get3A_406 = vector.shape_cast %get3A_405 : vector<1x16xf32> to vector<16xf32>
      %mul3A_407 = arith.mulf %get3A_406, %gather3A_398 : vector<16xf32>
      %swap3A_408 = arith.index_cast %add3A_402 : i32 to index
      %swap3A_409 = arith.constant 0 : index
      %swap3A_410 = tpu.vector_load %arg17[%swap3A_408, %swap3A_409] {strides = array<i32>} : memref<512x128xf32, #tpu.memory_space<vmem>>, vector<1x16xf32>,
      %swap3A_411 = vector.shape_cast %swap3A_410 : vector<1x16xf32> to vector<16xf32>
      %swap3A_412 = vector.shape_cast %mul3A_407 : vector<16xf32> to vector<1x16xf32>
      tpu.vector_store %arg17[%swap3A_408, %swap3A_409], %swap3A_412 {strides = array<i32>} : memref<512x128xf32, #tpu.memory_space<vmem>>, vector<1x16xf32>,
      %get3A_413 = arith.index_cast %add3A_402 : i32 to index
      %get3A_414 = arith.constant 16 : index
      %get3A_415 = tpu.vector_load %arg17[%get3A_413, %get3A_414] {strides = array<i32>} : memref<512x128xf32, #tpu.memory_space<vmem>>, vector<1x16xf32>,
      %get3A_416 = vector.shape_cast %get3A_415 : vector<1x16xf32> to vector<16xf32>
      %mul3A_417 = arith.mulf %get3A_416, %gather3A_398 : vector<16xf32>
      %swap3A_418 = arith.index_cast %add3A_402 : i32 to index
      %swap3A_419 = arith.constant 16 : index
      %swap3A_420 = tpu.vector_load %arg17[%swap3A_418, %swap3A_419] {strides = array<i32>} : memref<512x128xf32, #tpu.memory_space<vmem>>, vector<1x16xf32>,
      %swap3A_421 = vector.shape_cast %swap3A_420 : vector<1x16xf32> to vector<16xf32>
      %swap3A_422 = vector.shape_cast %mul3A_417 : vector<16xf32> to vector<1x16xf32>
      tpu.vector_store %arg17[%swap3A_418, %swap3A_419], %swap3A_422 {strides = array<i32>} : memref<512x128xf32, #tpu.memory_space<vmem>>, vector<1x16xf32>,
      %get3A_423 = arith.index_cast %add3A_402 : i32 to index
      %get3A_424 = arith.constant 64 : index
      %get3A_425 = tpu.vector_load %arg17[%get3A_423, %get3A_424] {strides = array<i32>} : memref<512x128xf32, #tpu.memory_space<vmem>>, vector<1x16xf32>,
      %get3A_426 = vector.shape_cast %get3A_425 : vector<1x16xf32> to vector<16xf32>
      %mul3A_427 = arith.mulf %get3A_426, %gather3A_398 : vector<16xf32>
      %swap3A_428 = arith.index_cast %add3A_402 : i32 to index
      %swap3A_429 = arith.constant 64 : index
      %swap3A_430 = tpu.vector_load %arg17[%swap3A_428, %swap3A_429] {strides = array<i32>} : memref<512x128xf32, #tpu.memory_space<vmem>>, vector<1x16xf32>,
      %swap3A_431 = vector.shape_cast %swap3A_430 : vector<1x16xf32> to vector<16xf32>
      %swap3A_432 = vector.shape_cast %mul3A_427 : vector<16xf32> to vector<1x16xf32>
      tpu.vector_store %arg17[%swap3A_428, %swap3A_429], %swap3A_432 {strides = array<i32>} : memref<512x128xf32, #tpu.memory_space<vmem>>, vector<1x16xf32>,
      %get3A_433 = arith.index_cast %add3A_402 : i32 to index
      %get3A_434 = arith.constant 80 : index
      %get3A_435 = tpu.vector_load %arg17[%get3A_433, %get3A_434] {strides = array<i32>} : memref<512x128xf32, #tpu.memory_space<vmem>>, vector<1x16xf32>,
      %get3A_436 = vector.shape_cast %get3A_435 : vector<1x16xf32> to vector<16xf32>
      %mul3A_437 = arith.mulf %get3A_436, %gather3A_398 : vector<16xf32>
      %swap3A_438 = arith.index_cast %add3A_402 : i32 to index
      %swap3A_439 = arith.constant 80 : index
      %swap3A_440 = tpu.vector_load %arg17[%swap3A_438, %swap3A_439] {strides = array<i32>} : memref<512x128xf32, #tpu.memory_space<vmem>>, vector<1x16xf32>,
      %swap3A_441 = vector.shape_cast %swap3A_440 : vector<1x16xf32> to vector<16xf32>
      %swap3A_442 = vector.shape_cast %mul3A_437 : vector<16xf32> to vector<1x16xf32>
      tpu.vector_store %arg17[%swap3A_438, %swap3A_439], %swap3A_442 {strides = array<i32>} : memref<512x128xf32, #tpu.memory_space<vmem>>, vector<1x16xf32>,
      %broadcast_in_dim3A_443 = arith.constant 8 : i32
      %broadcast_in_dim3A_444 = vector.broadcast %broadcast_in_dim3A_443 : i32 to vector<16x1xi32>
      %gather3A_445 = vector.shape_cast %broadcast_in_dim3A_444 : vector<16x1xi32> to vector<16xi32>
      %gather3A_446 = tpu.dynamic_gather %get3A_61[%gather3A_445] in [0] : vector<16xf32>, vector<16xi32> -> vector<16xf32>
      %mul3A_447 = arith.constant 16 : i32
      %mul3A_448 = arith.muli %scan3A_54, %mul3A_447 : i32
      %add3A_449 = arith.constant 8 : i32
      %add3A_450 = arith.addi %mul3A_448, %add3A_449 : i32
      %get3A_451 = arith.index_cast %add3A_450 : i32 to index
      %get3A_452 = arith.constant 0 : index
      %get3A_453 = tpu.vector_load %arg17[%get3A_451, %get3A_452] {strides = array<i32>} : memref<512x128xf32, #tpu.memory_space<vmem>>, vector<1x16xf32>,
      %get3A_454 = vector.shape_cast %get3A_453 : vector<1x16xf32> to vector<16xf32>
      %mul3A_455 = arith.mulf %get3A_454, %gather3A_446 : vector<16xf32>
      %swap3A_456 = arith.index_cast %add3A_450 : i32 to index
      %swap3A_457 = arith.constant 0 : index
      %swap3A_458 = tpu.vector_load %arg17[%swap3A_456, %swap3A_457] {strides = array<i32>} : memref<512x128xf32, #tpu.memory_space<vmem>>, vector<1x16xf32>,
      %swap3A_459 = vector.shape_cast %swap3A_458 : vector<1x16xf32> to vector<16xf32>
      %swap3A_460 = vector.shape_cast %mul3A_455 : vector<16xf32> to vector<1x16xf32>
      tpu.vector_store %arg17[%swap3A_456, %swap3A_457], %swap3A_460 {strides = array<i32>} : memref<512x128xf32, #tpu.memory_space<vmem>>, vector<1x16xf32>,
      %get3A_461 = arith.index_cast %add3A_450 : i32 to index
      %get3A_462 = arith.constant 16 : index
      %get3A_463 = tpu.vector_load %arg17[%get3A_461, %get3A_462] {strides = array<i32>} : memref<512x128xf32, #tpu.memory_space<vmem>>, vector<1x16xf32>,
      %get3A_464 = vector.shape_cast %get3A_463 : vector<1x16xf32> to vector<16xf32>
      %mul3A_465 = arith.mulf %get3A_464, %gather3A_446 : vector<16xf32>
      %swap3A_466 = arith.index_cast %add3A_450 : i32 to index
      %swap3A_467 = arith.constant 16 : index
      %swap3A_468 = tpu.vector_load %arg17[%swap3A_466, %swap3A_467] {strides = array<i32>} : memref<512x128xf32, #tpu.memory_space<vmem>>, vector<1x16xf32>,
      %swap3A_469 = vector.shape_cast %swap3A_468 : vector<1x16xf32> to vector<16xf32>
      %swap3A_470 = vector.shape_cast %mul3A_465 : vector<16xf32> to vector<1x16xf32>
      tpu.vector_store %arg17[%swap3A_466, %swap3A_467], %swap3A_470 {strides = array<i32>} : memref<512x128xf32, #tpu.memory_space<vmem>>, vector<1x16xf32>,
      %get3A_471 = arith.index_cast %add3A_450 : i32 to index
      %get3A_472 = arith.constant 64 : index
      %get3A_473 = tpu.vector_load %arg17[%get3A_471, %get3A_472] {strides = array<i32>} : memref<512x128xf32, #tpu.memory_space<vmem>>, vector<1x16xf32>,
      %get3A_474 = vector.shape_cast %get3A_473 : vector<1x16xf32> to vector<16xf32>
      %mul3A_475 = arith.mulf %get3A_474, %gather3A_446 : vector<16xf32>
      %swap3A_476 = arith.index_cast %add3A_450 : i32 to index
      %swap3A_477 = arith.constant 64 : index
      %swap3A_478 = tpu.vector_load %arg17[%swap3A_476, %swap3A_477] {strides = array<i32>} : memref<512x128xf32, #tpu.memory_space<vmem>>, vector<1x16xf32>,
      %swap3A_479 = vector.shape_cast %swap3A_478 : vector<1x16xf32> to vector<16xf32>
      %swap3A_480 = vector.shape_cast %mul3A_475 : vector<16xf32> to vector<1x16xf32>
      tpu.vector_store %arg17[%swap3A_476, %swap3A_477], %swap3A_480 {strides = array<i32>} : memref<512x128xf32, #tpu.memory_space<vmem>>, vector<1x16xf32>,
      %get3A_481 = arith.index_cast %add3A_450 : i32 to index
      %get3A_482 = arith.constant 80 : index
      %get3A_483 = tpu.vector_load %arg17[%get3A_481, %get3A_482] {strides = array<i32>} : memref<512x128xf32, #tpu.memory_space<vmem>>, vector<1x16xf32>,
      %get3A_484 = vector.shape_cast %get3A_483 : vector<1x16xf32> to vector<16xf32>
      %mul3A_485 = arith.mulf %get3A_484, %gather3A_446 : vector<16xf32>
      %swap3A_486 = arith.index_cast %add3A_450 : i32 to index
      %swap3A_487 = arith.constant 80 : index
      %swap3A_488 = tpu.vector_load %arg17[%swap3A_486, %swap3A_487] {strides = array<i32>} : memref<512x128xf32, #tpu.memory_space<vmem>>, vector<1x16xf32>,
      %swap3A_489 = vector.shape_cast %swap3A_488 : vector<1x16xf32> to vector<16xf32>
      %swap3A_490 = vector.shape_cast %mul3A_485 : vector<16xf32> to vector<1x16xf32>
      tpu.vector_store %arg17[%swap3A_486, %swap3A_487], %swap3A_490 {strides = array<i32>} : memref<512x128xf32, #tpu.memory_space<vmem>>, vector<1x16xf32>,
      %broadcast_in_dim3A_491 = arith.constant 9 : i32
      %broadcast_in_dim3A_492 = vector.broadcast %broadcast_in_dim3A_491 : i32 to vector<16x1xi32>
      %gather3A_493 = vector.shape_cast %broadcast_in_dim3A_492 : vector<16x1xi32> to vector<16xi32>
      %gather3A_494 = tpu.dynamic_gather %get3A_61[%gather3A_493] in [0] : vector<16xf32>, vector<16xi32> -> vector<16xf32>
      %mul3A_495 = arith.constant 16 : i32
      %mul3A_496 = arith.muli %scan3A_54, %mul3A_495 : i32
      %add3A_497 = arith.constant 9 : i32
      %add3A_498 = arith.addi %mul3A_496, %add3A_497 : i32
      %get3A_499 = arith.index_cast %add3A_498 : i32 to index
      %get3A_500 = arith.constant 0 : index
      %get3A_501 = tpu.vector_load %arg17[%get3A_499, %get3A_500] {strides = array<i32>} : memref<512x128xf32, #tpu.memory_space<vmem>>, vector<1x16xf32>,
      %get3A_502 = vector.shape_cast %get3A_501 : vector<1x16xf32> to vector<16xf32>
      %mul3A_503 = arith.mulf %get3A_502, %gather3A_494 : vector<16xf32>
      %swap3A_504 = arith.index_cast %add3A_498 : i32 to index
      %swap3A_505 = arith.constant 0 : index
      %swap3A_506 = tpu.vector_load %arg17[%swap3A_504, %swap3A_505] {strides = array<i32>} : memref<512x128xf32, #tpu.memory_space<vmem>>, vector<1x16xf32>,
      %swap3A_507 = vector.shape_cast %swap3A_506 : vector<1x16xf32> to vector<16xf32>
      %swap3A_508 = vector.shape_cast %mul3A_503 : vector<16xf32> to vector<1x16xf32>
      tpu.vector_store %arg17[%swap3A_504, %swap3A_505], %swap3A_508 {strides = array<i32>} : memref<512x128xf32, #tpu.memory_space<vmem>>, vector<1x16xf32>,
      %get3A_509 = arith.index_cast %add3A_498 : i32 to index
      %get3A_510 = arith.constant 16 : index
      %get3A_511 = tpu.vector_load %arg17[%get3A_509, %get3A_510] {strides = array<i32>} : memref<512x128xf32, #tpu.memory_space<vmem>>, vector<1x16xf32>,
      %get3A_512 = vector.shape_cast %get3A_511 : vector<1x16xf32> to vector<16xf32>
      %mul3A_513 = arith.mulf %get3A_512, %gather3A_494 : vector<16xf32>
      %swap3A_514 = arith.index_cast %add3A_498 : i32 to index
      %swap3A_515 = arith.constant 16 : index
      %swap3A_516 = tpu.vector_load %arg17[%swap3A_514, %swap3A_515] {strides = array<i32>} : memref<512x128xf32, #tpu.memory_space<vmem>>, vector<1x16xf32>,
      %swap3A_517 = vector.shape_cast %swap3A_516 : vector<1x16xf32> to vector<16xf32>
      %swap3A_518 = vector.shape_cast %mul3A_513 : vector<16xf32> to vector<1x16xf32>
      tpu.vector_store %arg17[%swap3A_514, %swap3A_515], %swap3A_518 {strides = array<i32>} : memref<512x128xf32, #tpu.memory_space<vmem>>, vector<1x16xf32>,
      %get3A_519 = arith.index_cast %add3A_498 : i32 to index
      %get3A_520 = arith.constant 64 : index
      %get3A_521 = tpu.vector_load %arg17[%get3A_519, %get3A_520] {strides = array<i32>} : memref<512x128xf32, #tpu.memory_space<vmem>>, vector<1x16xf32>,
      %get3A_522 = vector.shape_cast %get3A_521 : vector<1x16xf32> to vector<16xf32>
      %mul3A_523 = arith.mulf %get3A_522, %gather3A_494 : vector<16xf32>
      %swap3A_524 = arith.index_cast %add3A_498 : i32 to index
      %swap3A_525 = arith.constant 64 : index
      %swap3A_526 = tpu.vector_load %arg17[%swap3A_524, %swap3A_525] {strides = array<i32>} : memref<512x128xf32, #tpu.memory_space<vmem>>, vector<1x16xf32>,
      %swap3A_527 = vector.shape_cast %swap3A_526 : vector<1x16xf32> to vector<16xf32>
      %swap3A_528 = vector.shape_cast %mul3A_523 : vector<16xf32> to vector<1x16xf32>
      tpu.vector_store %arg17[%swap3A_524, %swap3A_525], %swap3A_528 {strides = array<i32>} : memref<512x128xf32, #tpu.memory_space<vmem>>, vector<1x16xf32>,
      %get3A_529 = arith.index_cast %add3A_498 : i32 to index
      %get3A_530 = arith.constant 80 : index
      %get3A_531 = tpu.vector_load %arg17[%get3A_529, %get3A_530] {strides = array<i32>} : memref<512x128xf32, #tpu.memory_space<vmem>>, vector<1x16xf32>,
      %get3A_532 = vector.shape_cast %get3A_531 : vector<1x16xf32> to vector<16xf32>
      %mul3A_533 = arith.mulf %get3A_532, %gather3A_494 : vector<16xf32>
      %swap3A_534 = arith.index_cast %add3A_498 : i32 to index
      %swap3A_535 = arith.constant 80 : index
      %swap3A_536 = tpu.vector_load %arg17[%swap3A_534, %swap3A_535] {strides = array<i32>} : memref<512x128xf32, #tpu.memory_space<vmem>>, vector<1x16xf32>,
      %swap3A_537 = vector.shape_cast %swap3A_536 : vector<1x16xf32> to vector<16xf32>
      %swap3A_538 = vector.shape_cast %mul3A_533 : vector<16xf32> to vector<1x16xf32>
      tpu.vector_store %arg17[%swap3A_534, %swap3A_535], %swap3A_538 {strides = array<i32>} : memref<512x128xf32, #tpu.memory_space<vmem>>, vector<1x16xf32>,
      %broadcast_in_dim3A_539 = arith.constant 10 : i32
      %broadcast_in_dim3A_540 = vector.broadcast %broadcast_in_dim3A_539 : i32 to vector<16x1xi32>
      %gather3A_541 = vector.shape_cast %broadcast_in_dim3A_540 : vector<16x1xi32> to vector<16xi32>
      %gather3A_542 = tpu.dynamic_gather %get3A_61[%gather3A_541] in [0] : vector<16xf32>, vector<16xi32> -> vector<16xf32>
      %mul3A_543 = arith.constant 16 : i32
      %mul3A_544 = arith.muli %scan3A_54, %mul3A_543 : i32
      %add3A_545 = arith.constant 10 : i32
      %add3A_546 = arith.addi %mul3A_544, %add3A_545 : i32
      %get3A_547 = arith.index_cast %add3A_546 : i32 to index
      %get3A_548 = arith.constant 0 : index
      %get3A_549 = tpu.vector_load %arg17[%get3A_547, %get3A_548] {strides = array<i32>} : memref<512x128xf32, #tpu.memory_space<vmem>>, vector<1x16xf32>,
      %get3A_550 = vector.shape_cast %get3A_549 : vector<1x16xf32> to vector<16xf32>
      %mul3A_551 = arith.mulf %get3A_550, %gather3A_542 : vector<16xf32>
      %swap3A_552 = arith.index_cast %add3A_546 : i32 to index
      %swap3A_553 = arith.constant 0 : index
      %swap3A_554 = tpu.vector_load %arg17[%swap3A_552, %swap3A_553] {strides = array<i32>} : memref<512x128xf32, #tpu.memory_space<vmem>>, vector<1x16xf32>,
      %swap3A_555 = vector.shape_cast %swap3A_554 : vector<1x16xf32> to vector<16xf32>
      %swap3A_556 = vector.shape_cast %mul3A_551 : vector<16xf32> to vector<1x16xf32>
      tpu.vector_store %arg17[%swap3A_552, %swap3A_553], %swap3A_556 {strides = array<i32>} : memref<512x128xf32, #tpu.memory_space<vmem>>, vector<1x16xf32>,
      %get3A_557 = arith.index_cast %add3A_546 : i32 to index
      %get3A_558 = arith.constant 16 : index
      %get3A_559 = tpu.vector_load %arg17[%get3A_557, %get3A_558] {strides = array<i32>} : memref<512x128xf32, #tpu.memory_space<vmem>>, vector<1x16xf32>,
      %get3A_560 = vector.shape_cast %get3A_559 : vector<1x16xf32> to vector<16xf32>
      %mul3A_561 = arith.mulf %get3A_560, %gather3A_542 : vector<16xf32>
      %swap3A_562 = arith.index_cast %add3A_546 : i32 to index
      %swap3A_563 = arith.constant 16 : index
      %swap3A_564 = tpu.vector_load %arg17[%swap3A_562, %swap3A_563] {strides = array<i32>} : memref<512x128xf32, #tpu.memory_space<vmem>>, vector<1x16xf32>,
      %swap3A_565 = vector.shape_cast %swap3A_564 : vector<1x16xf32> to vector<16xf32>
      %swap3A_566 = vector.shape_cast %mul3A_561 : vector<16xf32> to vector<1x16xf32>
      tpu.vector_store %arg17[%swap3A_562, %swap3A_563], %swap3A_566 {strides = array<i32>} : memref<512x128xf32, #tpu.memory_space<vmem>>, vector<1x16xf32>,
      %get3A_567 = arith.index_cast %add3A_546 : i32 to index
      %get3A_568 = arith.constant 64 : index
      %get3A_569 = tpu.vector_load %arg17[%get3A_567, %get3A_568] {strides = array<i32>} : memref<512x128xf32, #tpu.memory_space<vmem>>, vector<1x16xf32>,
      %get3A_570 = vector.shape_cast %get3A_569 : vector<1x16xf32> to vector<16xf32>
      %mul3A_571 = arith.mulf %get3A_570, %gather3A_542 : vector<16xf32>
      %swap3A_572 = arith.index_cast %add3A_546 : i32 to index
      %swap3A_573 = arith.constant 64 : index
      %swap3A_574 = tpu.vector_load %arg17[%swap3A_572, %swap3A_573] {strides = array<i32>} : memref<512x128xf32, #tpu.memory_space<vmem>>, vector<1x16xf32>,
      %swap3A_575 = vector.shape_cast %swap3A_574 : vector<1x16xf32> to vector<16xf32>
      %swap3A_576 = vector.shape_cast %mul3A_571 : vector<16xf32> to vector<1x16xf32>
      tpu.vector_store %arg17[%swap3A_572, %swap3A_573], %swap3A_576 {strides = array<i32>} : memref<512x128xf32, #tpu.memory_space<vmem>>, vector<1x16xf32>,
      %get3A_577 = arith.index_cast %add3A_546 : i32 to index
      %get3A_578 = arith.constant 80 : index
      %get3A_579 = tpu.vector_load %arg17[%get3A_577, %get3A_578] {strides = array<i32>} : memref<512x128xf32, #tpu.memory_space<vmem>>, vector<1x16xf32>,
      %get3A_580 = vector.shape_cast %get3A_579 : vector<1x16xf32> to vector<16xf32>
      %mul3A_581 = arith.mulf %get3A_580, %gather3A_542 : vector<16xf32>
      %swap3A_582 = arith.index_cast %add3A_546 : i32 to index
      %swap3A_583 = arith.constant 80 : index
      %swap3A_584 = tpu.vector_load %arg17[%swap3A_582, %swap3A_583] {strides = array<i32>} : memref<512x128xf32, #tpu.memory_space<vmem>>, vector<1x16xf32>,
      %swap3A_585 = vector.shape_cast %swap3A_584 : vector<1x16xf32> to vector<16xf32>
      %swap3A_586 = vector.shape_cast %mul3A_581 : vector<16xf32> to vector<1x16xf32>
      tpu.vector_store %arg17[%swap3A_582, %swap3A_583], %swap3A_586 {strides = array<i32>} : memref<512x128xf32, #tpu.memory_space<vmem>>, vector<1x16xf32>,
      %broadcast_in_dim3A_587 = arith.constant 11 : i32
      %broadcast_in_dim3A_588 = vector.broadcast %broadcast_in_dim3A_587 : i32 to vector<16x1xi32>
      %gather3A_589 = vector.shape_cast %broadcast_in_dim3A_588 : vector<16x1xi32> to vector<16xi32>
      %gather3A_590 = tpu.dynamic_gather %get3A_61[%gather3A_589] in [0] : vector<16xf32>, vector<16xi32> -> vector<16xf32>
      %mul3A_591 = arith.constant 16 : i32
      %mul3A_592 = arith.muli %scan3A_54, %mul3A_591 : i32
      %add3A_593 = arith.constant 11 : i32
      %add3A_594 = arith.addi %mul3A_592, %add3A_593 : i32
      %get3A_595 = arith.index_cast %add3A_594 : i32 to index
      %get3A_596 = arith.constant 0 : index
      %get3A_597 = tpu.vector_load %arg17[%get3A_595, %get3A_596] {strides = array<i32>} : memref<512x128xf32, #tpu.memory_space<vmem>>, vector<1x16xf32>,
      %get3A_598 = vector.shape_cast %get3A_597 : vector<1x16xf32> to vector<16xf32>
      %mul3A_599 = arith.mulf %get3A_598, %gather3A_590 : vector<16xf32>
      %swap3A_600 = arith.index_cast %add3A_594 : i32 to index
      %swap3A_601 = arith.constant 0 : index
      %swap3A_602 = tpu.vector_load %arg17[%swap3A_600, %swap3A_601] {strides = array<i32>} : memref<512x128xf32, #tpu.memory_space<vmem>>, vector<1x16xf32>,
      %swap3A_603 = vector.shape_cast %swap3A_602 : vector<1x16xf32> to vector<16xf32>
      %swap3A_604 = vector.shape_cast %mul3A_599 : vector<16xf32> to vector<1x16xf32>
      tpu.vector_store %arg17[%swap3A_600, %swap3A_601], %swap3A_604 {strides = array<i32>} : memref<512x128xf32, #tpu.memory_space<vmem>>, vector<1x16xf32>,
      %get3A_605 = arith.index_cast %add3A_594 : i32 to index
      %get3A_606 = arith.constant 16 : index
      %get3A_607 = tpu.vector_load %arg17[%get3A_605, %get3A_606] {strides = array<i32>} : memref<512x128xf32, #tpu.memory_space<vmem>>, vector<1x16xf32>,
      %get3A_608 = vector.shape_cast %get3A_607 : vector<1x16xf32> to vector<16xf32>
      %mul3A_609 = arith.mulf %get3A_608, %gather3A_590 : vector<16xf32>
      %swap3A_610 = arith.index_cast %add3A_594 : i32 to index
      %swap3A_611 = arith.constant 16 : index
      %swap3A_612 = tpu.vector_load %arg17[%swap3A_610, %swap3A_611] {strides = array<i32>} : memref<512x128xf32, #tpu.memory_space<vmem>>, vector<1x16xf32>,
      %swap3A_613 = vector.shape_cast %swap3A_612 : vector<1x16xf32> to vector<16xf32>
      %swap3A_614 = vector.shape_cast %mul3A_609 : vector<16xf32> to vector<1x16xf32>
      tpu.vector_store %arg17[%swap3A_610, %swap3A_611], %swap3A_614 {strides = array<i32>} : memref<512x128xf32, #tpu.memory_space<vmem>>, vector<1x16xf32>,
      %get3A_615 = arith.index_cast %add3A_594 : i32 to index
      %get3A_616 = arith.constant 64 : index
      %get3A_617 = tpu.vector_load %arg17[%get3A_615, %get3A_616] {strides = array<i32>} : memref<512x128xf32, #tpu.memory_space<vmem>>, vector<1x16xf32>,
      %get3A_618 = vector.shape_cast %get3A_617 : vector<1x16xf32> to vector<16xf32>
      %mul3A_619 = arith.mulf %get3A_618, %gather3A_590 : vector<16xf32>
      %swap3A_620 = arith.index_cast %add3A_594 : i32 to index
      %swap3A_621 = arith.constant 64 : index
      %swap3A_622 = tpu.vector_load %arg17[%swap3A_620, %swap3A_621] {strides = array<i32>} : memref<512x128xf32, #tpu.memory_space<vmem>>, vector<1x16xf32>,
      %swap3A_623 = vector.shape_cast %swap3A_622 : vector<1x16xf32> to vector<16xf32>
      %swap3A_624 = vector.shape_cast %mul3A_619 : vector<16xf32> to vector<1x16xf32>
      tpu.vector_store %arg17[%swap3A_620, %swap3A_621], %swap3A_624 {strides = array<i32>} : memref<512x128xf32, #tpu.memory_space<vmem>>, vector<1x16xf32>,
      %get3A_625 = arith.index_cast %add3A_594 : i32 to index
      %get3A_626 = arith.constant 80 : index
      %get3A_627 = tpu.vector_load %arg17[%get3A_625, %get3A_626] {strides = array<i32>} : memref<512x128xf32, #tpu.memory_space<vmem>>, vector<1x16xf32>,
      %get3A_628 = vector.shape_cast %get3A_627 : vector<1x16xf32> to vector<16xf32>
      %mul3A_629 = arith.mulf %get3A_628, %gather3A_590 : vector<16xf32>
      %swap3A_630 = arith.index_cast %add3A_594 : i32 to index
      %swap3A_631 = arith.constant 80 : index
      %swap3A_632 = tpu.vector_load %arg17[%swap3A_630, %swap3A_631] {strides = array<i32>} : memref<512x128xf32, #tpu.memory_space<vmem>>, vector<1x16xf32>,
      %swap3A_633 = vector.shape_cast %swap3A_632 : vector<1x16xf32> to vector<16xf32>
      %swap3A_634 = vector.shape_cast %mul3A_629 : vector<16xf32> to vector<1x16xf32>
      tpu.vector_store %arg17[%swap3A_630, %swap3A_631], %swap3A_634 {strides = array<i32>} : memref<512x128xf32, #tpu.memory_space<vmem>>, vector<1x16xf32>,
      %broadcast_in_dim3A_635 = arith.constant 12 : i32
      %broadcast_in_dim3A_636 = vector.broadcast %broadcast_in_dim3A_635 : i32 to vector<16x1xi32>
      %gather3A_637 = vector.shape_cast %broadcast_in_dim3A_636 : vector<16x1xi32> to vector<16xi32>
      %gather3A_638 = tpu.dynamic_gather %get3A_61[%gather3A_637] in [0] : vector<16xf32>, vector<16xi32> -> vector<16xf32>
      %mul3A_639 = arith.constant 16 : i32
      %mul3A_640 = arith.muli %scan3A_54, %mul3A_639 : i32
      %add3A_641 = arith.constant 12 : i32
      %add3A_642 = arith.addi %mul3A_640, %add3A_641 : i32
      %get3A_643 = arith.index_cast %add3A_642 : i32 to index
      %get3A_644 = arith.constant 0 : index
      %get3A_645 = tpu.vector_load %arg17[%get3A_643, %get3A_644] {strides = array<i32>} : memref<512x128xf32, #tpu.memory_space<vmem>>, vector<1x16xf32>,
      %get3A_646 = vector.shape_cast %get3A_645 : vector<1x16xf32> to vector<16xf32>
      %mul3A_647 = arith.mulf %get3A_646, %gather3A_638 : vector<16xf32>
      %swap3A_648 = arith.index_cast %add3A_642 : i32 to index
      %swap3A_649 = arith.constant 0 : index
      %swap3A_650 = tpu.vector_load %arg17[%swap3A_648, %swap3A_649] {strides = array<i32>} : memref<512x128xf32, #tpu.memory_space<vmem>>, vector<1x16xf32>,
      %swap3A_651 = vector.shape_cast %swap3A_650 : vector<1x16xf32> to vector<16xf32>
      %swap3A_652 = vector.shape_cast %mul3A_647 : vector<16xf32> to vector<1x16xf32>
      tpu.vector_store %arg17[%swap3A_648, %swap3A_649], %swap3A_652 {strides = array<i32>} : memref<512x128xf32, #tpu.memory_space<vmem>>, vector<1x16xf32>,
      %get3A_653 = arith.index_cast %add3A_642 : i32 to index
      %get3A_654 = arith.constant 16 : index
      %get3A_655 = tpu.vector_load %arg17[%get3A_653, %get3A_654] {strides = array<i32>} : memref<512x128xf32, #tpu.memory_space<vmem>>, vector<1x16xf32>,
      %get3A_656 = vector.shape_cast %get3A_655 : vector<1x16xf32> to vector<16xf32>
      %mul3A_657 = arith.mulf %get3A_656, %gather3A_638 : vector<16xf32>
      %swap3A_658 = arith.index_cast %add3A_642 : i32 to index
      %swap3A_659 = arith.constant 16 : index
      %swap3A_660 = tpu.vector_load %arg17[%swap3A_658, %swap3A_659] {strides = array<i32>} : memref<512x128xf32, #tpu.memory_space<vmem>>, vector<1x16xf32>,
      %swap3A_661 = vector.shape_cast %swap3A_660 : vector<1x16xf32> to vector<16xf32>
      %swap3A_662 = vector.shape_cast %mul3A_657 : vector<16xf32> to vector<1x16xf32>
      tpu.vector_store %arg17[%swap3A_658, %swap3A_659], %swap3A_662 {strides = array<i32>} : memref<512x128xf32, #tpu.memory_space<vmem>>, vector<1x16xf32>,
      %get3A_663 = arith.index_cast %add3A_642 : i32 to index
      %get3A_664 = arith.constant 64 : index
      %get3A_665 = tpu.vector_load %arg17[%get3A_663, %get3A_664] {strides = array<i32>} : memref<512x128xf32, #tpu.memory_space<vmem>>, vector<1x16xf32>,
      %get3A_666 = vector.shape_cast %get3A_665 : vector<1x16xf32> to vector<16xf32>
      %mul3A_667 = arith.mulf %get3A_666, %gather3A_638 : vector<16xf32>
      %swap3A_668 = arith.index_cast %add3A_642 : i32 to index
      %swap3A_669 = arith.constant 64 : index
      %swap3A_670 = tpu.vector_load %arg17[%swap3A_668, %swap3A_669] {strides = array<i32>} : memref<512x128xf32, #tpu.memory_space<vmem>>, vector<1x16xf32>,
      %swap3A_671 = vector.shape_cast %swap3A_670 : vector<1x16xf32> to vector<16xf32>
      %swap3A_672 = vector.shape_cast %mul3A_667 : vector<16xf32> to vector<1x16xf32>
      tpu.vector_store %arg17[%swap3A_668, %swap3A_669], %swap3A_672 {strides = array<i32>} : memref<512x128xf32, #tpu.memory_space<vmem>>, vector<1x16xf32>,
      %get3A_673 = arith.index_cast %add3A_642 : i32 to index
      %get3A_674 = arith.constant 80 : index
      %get3A_675 = tpu.vector_load %arg17[%get3A_673, %get3A_674] {strides = array<i32>} : memref<512x128xf32, #tpu.memory_space<vmem>>, vector<1x16xf32>,
      %get3A_676 = vector.shape_cast %get3A_675 : vector<1x16xf32> to vector<16xf32>
      %mul3A_677 = arith.mulf %get3A_676, %gather3A_638 : vector<16xf32>
      %swap3A_678 = arith.index_cast %add3A_642 : i32 to index
      %swap3A_679 = arith.constant 80 : index
      %swap3A_680 = tpu.vector_load %arg17[%swap3A_678, %swap3A_679] {strides = array<i32>} : memref<512x128xf32, #tpu.memory_space<vmem>>, vector<1x16xf32>,
      %swap3A_681 = vector.shape_cast %swap3A_680 : vector<1x16xf32> to vector<16xf32>
      %swap3A_682 = vector.shape_cast %mul3A_677 : vector<16xf32> to vector<1x16xf32>
      tpu.vector_store %arg17[%swap3A_678, %swap3A_679], %swap3A_682 {strides = array<i32>} : memref<512x128xf32, #tpu.memory_space<vmem>>, vector<1x16xf32>,
      %broadcast_in_dim3A_683 = arith.constant 13 : i32
      %broadcast_in_dim3A_684 = vector.broadcast %broadcast_in_dim3A_683 : i32 to vector<16x1xi32>
      %gather3A_685 = vector.shape_cast %broadcast_in_dim3A_684 : vector<16x1xi32> to vector<16xi32>
      %gather3A_686 = tpu.dynamic_gather %get3A_61[%gather3A_685] in [0] : vector<16xf32>, vector<16xi32> -> vector<16xf32>
      %mul3A_687 = arith.constant 16 : i32
      %mul3A_688 = arith.muli %scan3A_54, %mul3A_687 : i32
      %add3A_689 = arith.constant 13 : i32
      %add3A_690 = arith.addi %mul3A_688, %add3A_689 : i32
      %get3A_691 = arith.index_cast %add3A_690 : i32 to index
      %get3A_692 = arith.constant 0 : index
      %get3A_693 = tpu.vector_load %arg17[%get3A_691, %get3A_692] {strides = array<i32>} : memref<512x128xf32, #tpu.memory_space<vmem>>, vector<1x16xf32>,
      %get3A_694 = vector.shape_cast %get3A_693 : vector<1x16xf32> to vector<16xf32>
      %mul3A_695 = arith.mulf %get3A_694, %gather3A_686 : vector<16xf32>
      %swap3A_696 = arith.index_cast %add3A_690 : i32 to index
      %swap3A_697 = arith.constant 0 : index
      %swap3A_698 = tpu.vector_load %arg17[%swap3A_696, %swap3A_697] {strides = array<i32>} : memref<512x128xf32, #tpu.memory_space<vmem>>, vector<1x16xf32>,
      %swap3A_699 = vector.shape_cast %swap3A_698 : vector<1x16xf32> to vector<16xf32>
      %swap3A_700 = vector.shape_cast %mul3A_695 : vector<16xf32> to vector<1x16xf32>
      tpu.vector_store %arg17[%swap3A_696, %swap3A_697], %swap3A_700 {strides = array<i32>} : memref<512x128xf32, #tpu.memory_space<vmem>>, vector<1x16xf32>,
      %get3A_701 = arith.index_cast %add3A_690 : i32 to index
      %get3A_702 = arith.constant 16 : index
      %get3A_703 = tpu.vector_load %arg17[%get3A_701, %get3A_702] {strides = array<i32>} : memref<512x128xf32, #tpu.memory_space<vmem>>, vector<1x16xf32>,
      %get3A_704 = vector.shape_cast %get3A_703 : vector<1x16xf32> to vector<16xf32>
      %mul3A_705 = arith.mulf %get3A_704, %gather3A_686 : vector<16xf32>
      %swap3A_706 = arith.index_cast %add3A_690 : i32 to index
      %swap3A_707 = arith.constant 16 : index
      %swap3A_708 = tpu.vector_load %arg17[%swap3A_706, %swap3A_707] {strides = array<i32>} : memref<512x128xf32, #tpu.memory_space<vmem>>, vector<1x16xf32>,
      %swap3A_709 = vector.shape_cast %swap3A_708 : vector<1x16xf32> to vector<16xf32>
      %swap3A_710 = vector.shape_cast %mul3A_705 : vector<16xf32> to vector<1x16xf32>
      tpu.vector_store %arg17[%swap3A_706, %swap3A_707], %swap3A_710 {strides = array<i32>} : memref<512x128xf32, #tpu.memory_space<vmem>>, vector<1x16xf32>,
      %get3A_711 = arith.index_cast %add3A_690 : i32 to index
      %get3A_712 = arith.constant 64 : index
      %get3A_713 = tpu.vector_load %arg17[%get3A_711, %get3A_712] {strides = array<i32>} : memref<512x128xf32, #tpu.memory_space<vmem>>, vector<1x16xf32>,
      %get3A_714 = vector.shape_cast %get3A_713 : vector<1x16xf32> to vector<16xf32>
      %mul3A_715 = arith.mulf %get3A_714, %gather3A_686 : vector<16xf32>
      %swap3A_716 = arith.index_cast %add3A_690 : i32 to index
      %swap3A_717 = arith.constant 64 : index
      %swap3A_718 = tpu.vector_load %arg17[%swap3A_716, %swap3A_717] {strides = array<i32>} : memref<512x128xf32, #tpu.memory_space<vmem>>, vector<1x16xf32>,
      %swap3A_719 = vector.shape_cast %swap3A_718 : vector<1x16xf32> to vector<16xf32>
      %swap3A_720 = vector.shape_cast %mul3A_715 : vector<16xf32> to vector<1x16xf32>
      tpu.vector_store %arg17[%swap3A_716, %swap3A_717], %swap3A_720 {strides = array<i32>} : memref<512x128xf32, #tpu.memory_space<vmem>>, vector<1x16xf32>,
      %get3A_721 = arith.index_cast %add3A_690 : i32 to index
      %get3A_722 = arith.constant 80 : index
      %get3A_723 = tpu.vector_load %arg17[%get3A_721, %get3A_722] {strides = array<i32>} : memref<512x128xf32, #tpu.memory_space<vmem>>, vector<1x16xf32>,
      %get3A_724 = vector.shape_cast %get3A_723 : vector<1x16xf32> to vector<16xf32>
      %mul3A_725 = arith.mulf %get3A_724, %gather3A_686 : vector<16xf32>
      %swap3A_726 = arith.index_cast %add3A_690 : i32 to index
      %swap3A_727 = arith.constant 80 : index
      %swap3A_728 = tpu.vector_load %arg17[%swap3A_726, %swap3A_727] {strides = array<i32>} : memref<512x128xf32, #tpu.memory_space<vmem>>, vector<1x16xf32>,
      %swap3A_729 = vector.shape_cast %swap3A_728 : vector<1x16xf32> to vector<16xf32>
      %swap3A_730 = vector.shape_cast %mul3A_725 : vector<16xf32> to vector<1x16xf32>
      tpu.vector_store %arg17[%swap3A_726, %swap3A_727], %swap3A_730 {strides = array<i32>} : memref<512x128xf32, #tpu.memory_space<vmem>>, vector<1x16xf32>,
      %broadcast_in_dim3A_731 = arith.constant 14 : i32
      %broadcast_in_dim3A_732 = vector.broadcast %broadcast_in_dim3A_731 : i32 to vector<16x1xi32>
      %gather3A_733 = vector.shape_cast %broadcast_in_dim3A_732 : vector<16x1xi32> to vector<16xi32>
      %gather3A_734 = tpu.dynamic_gather %get3A_61[%gather3A_733] in [0] : vector<16xf32>, vector<16xi32> -> vector<16xf32>
      %mul3A_735 = arith.constant 16 : i32
      %mul3A_736 = arith.muli %scan3A_54, %mul3A_735 : i32
      %add3A_737 = arith.constant 14 : i32
      %add3A_738 = arith.addi %mul3A_736, %add3A_737 : i32
      %get3A_739 = arith.index_cast %add3A_738 : i32 to index
      %get3A_740 = arith.constant 0 : index
      %get3A_741 = tpu.vector_load %arg17[%get3A_739, %get3A_740] {strides = array<i32>} : memref<512x128xf32, #tpu.memory_space<vmem>>, vector<1x16xf32>,
      %get3A_742 = vector.shape_cast %get3A_741 : vector<1x16xf32> to vector<16xf32>
      %mul3A_743 = arith.mulf %get3A_742, %gather3A_734 : vector<16xf32>
      %swap3A_744 = arith.index_cast %add3A_738 : i32 to index
      %swap3A_745 = arith.constant 0 : index
      %swap3A_746 = tpu.vector_load %arg17[%swap3A_744, %swap3A_745] {strides = array<i32>} : memref<512x128xf32, #tpu.memory_space<vmem>>, vector<1x16xf32>,
      %swap3A_747 = vector.shape_cast %swap3A_746 : vector<1x16xf32> to vector<16xf32>
      %swap3A_748 = vector.shape_cast %mul3A_743 : vector<16xf32> to vector<1x16xf32>
      tpu.vector_store %arg17[%swap3A_744, %swap3A_745], %swap3A_748 {strides = array<i32>} : memref<512x128xf32, #tpu.memory_space<vmem>>, vector<1x16xf32>,
      %get3A_749 = arith.index_cast %add3A_738 : i32 to index
      %get3A_750 = arith.constant 16 : index
      %get3A_751 = tpu.vector_load %arg17[%get3A_749, %get3A_750] {strides = array<i32>} : memref<512x128xf32, #tpu.memory_space<vmem>>, vector<1x16xf32>,
      %get3A_752 = vector.shape_cast %get3A_751 : vector<1x16xf32> to vector<16xf32>
      %mul3A_753 = arith.mulf %get3A_752, %gather3A_734 : vector<16xf32>
      %swap3A_754 = arith.index_cast %add3A_738 : i32 to index
      %swap3A_755 = arith.constant 16 : index
      %swap3A_756 = tpu.vector_load %arg17[%swap3A_754, %swap3A_755] {strides = array<i32>} : memref<512x128xf32, #tpu.memory_space<vmem>>, vector<1x16xf32>,
      %swap3A_757 = vector.shape_cast %swap3A_756 : vector<1x16xf32> to vector<16xf32>
      %swap3A_758 = vector.shape_cast %mul3A_753 : vector<16xf32> to vector<1x16xf32>
      tpu.vector_store %arg17[%swap3A_754, %swap3A_755], %swap3A_758 {strides = array<i32>} : memref<512x128xf32, #tpu.memory_space<vmem>>, vector<1x16xf32>,
      %get3A_759 = arith.index_cast %add3A_738 : i32 to index
      %get3A_760 = arith.constant 64 : index
      %get3A_761 = tpu.vector_load %arg17[%get3A_759, %get3A_760] {strides = array<i32>} : memref<512x128xf32, #tpu.memory_space<vmem>>, vector<1x16xf32>,
      %get3A_762 = vector.shape_cast %get3A_761 : vector<1x16xf32> to vector<16xf32>
      %mul3A_763 = arith.mulf %get3A_762, %gather3A_734 : vector<16xf32>
      %swap3A_764 = arith.index_cast %add3A_738 : i32 to index
      %swap3A_765 = arith.constant 64 : index
      %swap3A_766 = tpu.vector_load %arg17[%swap3A_764, %swap3A_765] {strides = array<i32>} : memref<512x128xf32, #tpu.memory_space<vmem>>, vector<1x16xf32>,
      %swap3A_767 = vector.shape_cast %swap3A_766 : vector<1x16xf32> to vector<16xf32>
      %swap3A_768 = vector.shape_cast %mul3A_763 : vector<16xf32> to vector<1x16xf32>
      tpu.vector_store %arg17[%swap3A_764, %swap3A_765], %swap3A_768 {strides = array<i32>} : memref<512x128xf32, #tpu.memory_space<vmem>>, vector<1x16xf32>,
      %get3A_769 = arith.index_cast %add3A_738 : i32 to index
      %get3A_770 = arith.constant 80 : index
      %get3A_771 = tpu.vector_load %arg17[%get3A_769, %get3A_770] {strides = array<i32>} : memref<512x128xf32, #tpu.memory_space<vmem>>, vector<1x16xf32>,
      %get3A_772 = vector.shape_cast %get3A_771 : vector<1x16xf32> to vector<16xf32>
      %mul3A_773 = arith.mulf %get3A_772, %gather3A_734 : vector<16xf32>
      %swap3A_774 = arith.index_cast %add3A_738 : i32 to index
      %swap3A_775 = arith.constant 80 : index
      %swap3A_776 = tpu.vector_load %arg17[%swap3A_774, %swap3A_775] {strides = array<i32>} : memref<512x128xf32, #tpu.memory_space<vmem>>, vector<1x16xf32>,
      %swap3A_777 = vector.shape_cast %swap3A_776 : vector<1x16xf32> to vector<16xf32>
      %swap3A_778 = vector.shape_cast %mul3A_773 : vector<16xf32> to vector<1x16xf32>
      tpu.vector_store %arg17[%swap3A_774, %swap3A_775], %swap3A_778 {strides = array<i32>} : memref<512x128xf32, #tpu.memory_space<vmem>>, vector<1x16xf32>,
      %broadcast_in_dim3A_779 = arith.constant 15 : i32
      %broadcast_in_dim3A_780 = vector.broadcast %broadcast_in_dim3A_779 : i32 to vector<16x1xi32>
      %gather3A_781 = vector.shape_cast %broadcast_in_dim3A_780 : vector<16x1xi32> to vector<16xi32>
      %gather3A_782 = tpu.dynamic_gather %get3A_61[%gather3A_781] in [0] : vector<16xf32>, vector<16xi32> -> vector<16xf32>
      %mul3A_783 = arith.constant 16 : i32
      %mul3A_784 = arith.muli %scan3A_54, %mul3A_783 : i32
      %add3A_785 = arith.constant 15 : i32
      %add3A_786 = arith.addi %mul3A_784, %add3A_785 : i32
      %get3A_787 = arith.index_cast %add3A_786 : i32 to index
      %get3A_788 = arith.constant 0 : index
      %get3A_789 = tpu.vector_load %arg17[%get3A_787, %get3A_788] {strides = array<i32>} : memref<512x128xf32, #tpu.memory_space<vmem>>, vector<1x16xf32>,
      %get3A_790 = vector.shape_cast %get3A_789 : vector<1x16xf32> to vector<16xf32>
      %mul3A_791 = arith.mulf %get3A_790, %gather3A_782 : vector<16xf32>
      %swap3A_792 = arith.index_cast %add3A_786 : i32 to index
      %swap3A_793 = arith.constant 0 : index
      %swap3A_794 = tpu.vector_load %arg17[%swap3A_792, %swap3A_793] {strides = array<i32>} : memref<512x128xf32, #tpu.memory_space<vmem>>, vector<1x16xf32>,
      %swap3A_795 = vector.shape_cast %swap3A_794 : vector<1x16xf32> to vector<16xf32>
      %swap3A_796 = vector.shape_cast %mul3A_791 : vector<16xf32> to vector<1x16xf32>
      tpu.vector_store %arg17[%swap3A_792, %swap3A_793], %swap3A_796 {strides = array<i32>} : memref<512x128xf32, #tpu.memory_space<vmem>>, vector<1x16xf32>,
      %get3A_797 = arith.index_cast %add3A_786 : i32 to index
      %get3A_798 = arith.constant 16 : index
      %get3A_799 = tpu.vector_load %arg17[%get3A_797, %get3A_798] {strides = array<i32>} : memref<512x128xf32, #tpu.memory_space<vmem>>, vector<1x16xf32>,
      %get3A_800 = vector.shape_cast %get3A_799 : vector<1x16xf32> to vector<16xf32>
      %mul3A_801 = arith.mulf %get3A_800, %gather3A_782 : vector<16xf32>
      %swap3A_802 = arith.index_cast %add3A_786 : i32 to index
      %swap3A_803 = arith.constant 16 : index
      %swap3A_804 = tpu.vector_load %arg17[%swap3A_802, %swap3A_803] {strides = array<i32>} : memref<512x128xf32, #tpu.memory_space<vmem>>, vector<1x16xf32>,
      %swap3A_805 = vector.shape_cast %swap3A_804 : vector<1x16xf32> to vector<16xf32>
      %swap3A_806 = vector.shape_cast %mul3A_801 : vector<16xf32> to vector<1x16xf32>
      tpu.vector_store %arg17[%swap3A_802, %swap3A_803], %swap3A_806 {strides = array<i32>} : memref<512x128xf32, #tpu.memory_space<vmem>>, vector<1x16xf32>,
      %get3A_807 = arith.index_cast %add3A_786 : i32 to index
      %get3A_808 = arith.constant 64 : index
      %get3A_809 = tpu.vector_load %arg17[%get3A_807, %get3A_808] {strides = array<i32>} : memref<512x128xf32, #tpu.memory_space<vmem>>, vector<1x16xf32>,
      %get3A_810 = vector.shape_cast %get3A_809 : vector<1x16xf32> to vector<16xf32>
      %mul3A_811 = arith.mulf %get3A_810, %gather3A_782 : vector<16xf32>
      %swap3A_812 = arith.index_cast %add3A_786 : i32 to index
      %swap3A_813 = arith.constant 64 : index
      %swap3A_814 = tpu.vector_load %arg17[%swap3A_812, %swap3A_813] {strides = array<i32>} : memref<512x128xf32, #tpu.memory_space<vmem>>, vector<1x16xf32>,
      %swap3A_815 = vector.shape_cast %swap3A_814 : vector<1x16xf32> to vector<16xf32>
      %swap3A_816 = vector.shape_cast %mul3A_811 : vector<16xf32> to vector<1x16xf32>
      tpu.vector_store %arg17[%swap3A_812, %swap3A_813], %swap3A_816 {strides = array<i32>} : memref<512x128xf32, #tpu.memory_space<vmem>>, vector<1x16xf32>,
      %get3A_817 = arith.index_cast %add3A_786 : i32 to index
      %get3A_818 = arith.constant 80 : index
      %get3A_819 = tpu.vector_load %arg17[%get3A_817, %get3A_818] {strides = array<i32>} : memref<512x128xf32, #tpu.memory_space<vmem>>, vector<1x16xf32>,
      %get3A_820 = vector.shape_cast %get3A_819 : vector<1x16xf32> to vector<16xf32>
      %mul3A_821 = arith.mulf %get3A_820, %gather3A_782 : vector<16xf32>
      %swap3A_822 = arith.index_cast %add3A_786 : i32 to index
      %swap3A_823 = arith.constant 80 : index
      %swap3A_824 = tpu.vector_load %arg17[%swap3A_822, %swap3A_823] {strides = array<i32>} : memref<512x128xf32, #tpu.memory_space<vmem>>, vector<1x16xf32>,
      %swap3A_825 = vector.shape_cast %swap3A_824 : vector<1x16xf32> to vector<16xf32>
      %swap3A_826 = vector.shape_cast %mul3A_821 : vector<16xf32> to vector<1x16xf32>
      tpu.vector_store %arg17[%swap3A_822, %swap3A_823], %swap3A_826 {strides = array<i32>} : memref<512x128xf32, #tpu.memory_space<vmem>>, vector<1x16xf32>,
      %scan3A_827 = arith.constant 0 : i32
      scf.yield %scan3A_827 : i32
    }
    %scan3A_35 = arith.constant 32 : i32
    "tpu.region"() ({
      %run_scoped3A = tpu.sem_alloc : memref<!tpu.dma_semaphore, #tpu.memory_space<semaphore_mem>>
      %dma_start3A_54 = arith.constant 0 : i32
      %dma_start3A_55 = arith.constant 0 : i32
      %dma_start3A_56 = tpu.memref_slice %arg18[%dma_start3A_54, %dma_start3A_55] : memref<2048x128xf32, #tpu.memory_space<vmem_shared>> -> memref<2048x128xf32, #tpu.memory_space<vmem_shared>>
      tpu.enqueue_indirect_dma source(%arg17 : memref<512x128xf32, #tpu.memory_space<vmem>>) target(%dma_start3A_56 : memref<2048x128xf32, #tpu.memory_space<vmem_shared>>) offsets(%arg10 : memref<512xi32, #tpu.memory_space<vmem>>) semaphore(%run_scoped3A : memref<!tpu.dma_semaphore, #tpu.memory_space<semaphore_mem>>) {add = true}
      %dma_wait3A_57 = arith.constant 0 : i32
      %dma_wait3A_58 = arith.constant 0 : i32
      %dma_wait3A_59 = tpu.memref_slice %arg18[%dma_wait3A_57, %dma_wait3A_58] : memref<2048x128xf32, #tpu.memory_space<vmem_shared>> -> memref<2048x128xf32, #tpu.memory_space<vmem_shared>>
      tpu.wait_indirect_dma semaphore(%run_scoped3A : memref<!tpu.dma_semaphore, #tpu.memory_space<semaphore_mem>>) src(%arg17 : memref<512x128xf32, #tpu.memory_space<vmem>>) dst(%dma_wait3A_59 : memref<2048x128xf32, #tpu.memory_space<vmem_shared>>)
      tpu.yield
    }) : () -> ()
    %dma_start3A_36 = arith.constant 0 : i32
    %dma_start3A_37 = arith.constant 0 : i32
    %dma_start3A_38 = tpu.memref_slice %arg6[%dma_start3A_36, %dma_start3A_37] : memref<2048x128xf32, #tpu.memory_space<hbm>> -> memref<2048x128xf32, #tpu.memory_space<hbm>>
    tpu.enqueue_indirect_dma source(%dma_start3A_38 : memref<2048x128xf32, #tpu.memory_space<hbm>>) target(%arg17 : memref<512x128xf32, #tpu.memory_space<vmem>>) offsets(%arg13 : memref<512xi32, #tpu.memory_space<vmem>>) semaphore(%arg19 : memref<!tpu.dma_semaphore, #tpu.memory_space<semaphore_mem>>)
    %dma_wait3A_39 = arith.constant 0 : i32
    %dma_wait3A_40 = arith.constant 0 : i32
    %dma_wait3A_41 = tpu.memref_slice %arg6[%dma_wait3A_39, %dma_wait3A_40] : memref<2048x128xf32, #tpu.memory_space<hbm>> -> memref<2048x128xf32, #tpu.memory_space<hbm>>
    tpu.wait_indirect_dma semaphore(%arg19 : memref<!tpu.dma_semaphore, #tpu.memory_space<semaphore_mem>>) src(%dma_wait3A_41 : memref<2048x128xf32, #tpu.memory_space<hbm>>) dst(%arg17 : memref<512x128xf32, #tpu.memory_space<vmem>>)
    %scan3A_42 = arith.constant 0 : i32
    %scan3A_43 = arith.constant 0 : i32
    %scan3A_44 = arith.constant 32 : i32
    %scan3A_45 = arith.addi %scan3A_43, %scan3A_44 : i32
    %scan3A_46 = arith.constant 1 : i32
    %scan3A_47 = scf.for %scan3A_54 = %scan3A_43 to %scan3A_45 step %scan3A_46 iter_args(%scan3A_55 = %scan3A_42) -> (i32)  : i32 {
      %mul3A_56 = arith.constant 16 : i32
      %mul3A_57 = arith.muli %scan3A_54, %mul3A_56 : i32
      %add3A_58 = arith.constant 512 : i32
      %add3A_59 = arith.addi %add3A_58, %mul3A_57 : i32
      %get3A = arith.index_cast %add3A_59 : i32 to index
      %get3A_60 = tpu.vector_load %arg14[%get3A] {strides = array<i32>} : memref<1024xf32, #tpu.memory_space<vmem>>, vector<16xf32>,
      %get3A_61 = vector.shape_cast %get3A_60 : vector<16xf32> to vector<16xf32>
      %broadcast_in_dim3A = arith.constant 0 : i32
      %broadcast_in_dim3A_62 = vector.broadcast %broadcast_in_dim3A : i32 to vector<16x1xi32>
      %gather3A = vector.shape_cast %broadcast_in_dim3A_62 : vector<16x1xi32> to vector<16xi32>
      %gather3A_63 = tpu.dynamic_gather %get3A_61[%gather3A] in [0] : vector<16xf32>, vector<16xi32> -> vector<16xf32>
      %mul3A_64 = arith.constant 16 : i32
      %mul3A_65 = arith.muli %scan3A_54, %mul3A_64 : i32
      %add3A_66 = arith.constant 0 : i32
      %add3A_67 = arith.addi %mul3A_65, %add3A_66 : i32
      %get3A_68 = arith.index_cast %add3A_67 : i32 to index
      %get3A_69 = arith.constant 0 : index
      %get3A_70 = tpu.vector_load %arg17[%get3A_68, %get3A_69] {strides = array<i32>} : memref<512x128xf32, #tpu.memory_space<vmem>>, vector<1x16xf32>,
      %get3A_71 = vector.shape_cast %get3A_70 : vector<1x16xf32> to vector<16xf32>
      %mul3A_72 = arith.mulf %get3A_71, %gather3A_63 : vector<16xf32>
      %swap3A = arith.index_cast %add3A_67 : i32 to index
      %swap3A_73 = arith.constant 0 : index
      %swap3A_74 = tpu.vector_load %arg17[%swap3A, %swap3A_73] {strides = array<i32>} : memref<512x128xf32, #tpu.memory_space<vmem>>, vector<1x16xf32>,
      %swap3A_75 = vector.shape_cast %swap3A_74 : vector<1x16xf32> to vector<16xf32>
      %swap3A_76 = vector.shape_cast %mul3A_72 : vector<16xf32> to vector<1x16xf32>
      tpu.vector_store %arg17[%swap3A, %swap3A_73], %swap3A_76 {strides = array<i32>} : memref<512x128xf32, #tpu.memory_space<vmem>>, vector<1x16xf32>,
      %get3A_77 = arith.index_cast %add3A_67 : i32 to index
      %get3A_78 = arith.constant 16 : index
      %get3A_79 = tpu.vector_load %arg17[%get3A_77, %get3A_78] {strides = array<i32>} : memref<512x128xf32, #tpu.memory_space<vmem>>, vector<1x16xf32>,
      %get3A_80 = vector.shape_cast %get3A_79 : vector<1x16xf32> to vector<16xf32>
      %mul3A_81 = arith.mulf %get3A_80, %gather3A_63 : vector<16xf32>
      %swap3A_82 = arith.index_cast %add3A_67 : i32 to index
      %swap3A_83 = arith.constant 16 : index
      %swap3A_84 = tpu.vector_load %arg17[%swap3A_82, %swap3A_83] {strides = array<i32>} : memref<512x128xf32, #tpu.memory_space<vmem>>, vector<1x16xf32>,
      %swap3A_85 = vector.shape_cast %swap3A_84 : vector<1x16xf32> to vector<16xf32>
      %swap3A_86 = vector.shape_cast %mul3A_81 : vector<16xf32> to vector<1x16xf32>
      tpu.vector_store %arg17[%swap3A_82, %swap3A_83], %swap3A_86 {strides = array<i32>} : memref<512x128xf32, #tpu.memory_space<vmem>>, vector<1x16xf32>,
      %get3A_87 = arith.index_cast %add3A_67 : i32 to index
      %get3A_88 = arith.constant 64 : index
      %get3A_89 = tpu.vector_load %arg17[%get3A_87, %get3A_88] {strides = array<i32>} : memref<512x128xf32, #tpu.memory_space<vmem>>, vector<1x16xf32>,
      %get3A_90 = vector.shape_cast %get3A_89 : vector<1x16xf32> to vector<16xf32>
      %mul3A_91 = arith.mulf %get3A_90, %gather3A_63 : vector<16xf32>
      %swap3A_92 = arith.index_cast %add3A_67 : i32 to index
      %swap3A_93 = arith.constant 64 : index
      %swap3A_94 = tpu.vector_load %arg17[%swap3A_92, %swap3A_93] {strides = array<i32>} : memref<512x128xf32, #tpu.memory_space<vmem>>, vector<1x16xf32>,
      %swap3A_95 = vector.shape_cast %swap3A_94 : vector<1x16xf32> to vector<16xf32>
      %swap3A_96 = vector.shape_cast %mul3A_91 : vector<16xf32> to vector<1x16xf32>
      tpu.vector_store %arg17[%swap3A_92, %swap3A_93], %swap3A_96 {strides = array<i32>} : memref<512x128xf32, #tpu.memory_space<vmem>>, vector<1x16xf32>,
      %get3A_97 = arith.index_cast %add3A_67 : i32 to index
      %get3A_98 = arith.constant 80 : index
      %get3A_99 = tpu.vector_load %arg17[%get3A_97, %get3A_98] {strides = array<i32>} : memref<512x128xf32, #tpu.memory_space<vmem>>, vector<1x16xf32>,
      %get3A_100 = vector.shape_cast %get3A_99 : vector<1x16xf32> to vector<16xf32>
      %mul3A_101 = arith.mulf %get3A_100, %gather3A_63 : vector<16xf32>
      %swap3A_102 = arith.index_cast %add3A_67 : i32 to index
      %swap3A_103 = arith.constant 80 : index
      %swap3A_104 = tpu.vector_load %arg17[%swap3A_102, %swap3A_103] {strides = array<i32>} : memref<512x128xf32, #tpu.memory_space<vmem>>, vector<1x16xf32>,
      %swap3A_105 = vector.shape_cast %swap3A_104 : vector<1x16xf32> to vector<16xf32>
      %swap3A_106 = vector.shape_cast %mul3A_101 : vector<16xf32> to vector<1x16xf32>
      tpu.vector_store %arg17[%swap3A_102, %swap3A_103], %swap3A_106 {strides = array<i32>} : memref<512x128xf32, #tpu.memory_space<vmem>>, vector<1x16xf32>,
      %broadcast_in_dim3A_107 = arith.constant 1 : i32
      %broadcast_in_dim3A_108 = vector.broadcast %broadcast_in_dim3A_107 : i32 to vector<16x1xi32>
      %gather3A_109 = vector.shape_cast %broadcast_in_dim3A_108 : vector<16x1xi32> to vector<16xi32>
      %gather3A_110 = tpu.dynamic_gather %get3A_61[%gather3A_109] in [0] : vector<16xf32>, vector<16xi32> -> vector<16xf32>
      %mul3A_111 = arith.constant 16 : i32
      %mul3A_112 = arith.muli %scan3A_54, %mul3A_111 : i32
      %add3A_113 = arith.constant 1 : i32
      %add3A_114 = arith.addi %mul3A_112, %add3A_113 : i32
      %get3A_115 = arith.index_cast %add3A_114 : i32 to index
      %get3A_116 = arith.constant 0 : index
      %get3A_117 = tpu.vector_load %arg17[%get3A_115, %get3A_116] {strides = array<i32>} : memref<512x128xf32, #tpu.memory_space<vmem>>, vector<1x16xf32>,
      %get3A_118 = vector.shape_cast %get3A_117 : vector<1x16xf32> to vector<16xf32>
      %mul3A_119 = arith.mulf %get3A_118, %gather3A_110 : vector<16xf32>
      %swap3A_120 = arith.index_cast %add3A_114 : i32 to index
      %swap3A_121 = arith.constant 0 : index
      %swap3A_122 = tpu.vector_load %arg17[%swap3A_120, %swap3A_121] {strides = array<i32>} : memref<512x128xf32, #tpu.memory_space<vmem>>, vector<1x16xf32>,
      %swap3A_123 = vector.shape_cast %swap3A_122 : vector<1x16xf32> to vector<16xf32>
      %swap3A_124 = vector.shape_cast %mul3A_119 : vector<16xf32> to vector<1x16xf32>
      tpu.vector_store %arg17[%swap3A_120, %swap3A_121], %swap3A_124 {strides = array<i32>} : memref<512x128xf32, #tpu.memory_space<vmem>>, vector<1x16xf32>,
      %get3A_125 = arith.index_cast %add3A_114 : i32 to index
      %get3A_126 = arith.constant 16 : index
      %get3A_127 = tpu.vector_load %arg17[%get3A_125, %get3A_126] {strides = array<i32>} : memref<512x128xf32, #tpu.memory_space<vmem>>, vector<1x16xf32>,
      %get3A_128 = vector.shape_cast %get3A_127 : vector<1x16xf32> to vector<16xf32>
      %mul3A_129 = arith.mulf %get3A_128, %gather3A_110 : vector<16xf32>
      %swap3A_130 = arith.index_cast %add3A_114 : i32 to index
      %swap3A_131 = arith.constant 16 : index
      %swap3A_132 = tpu.vector_load %arg17[%swap3A_130, %swap3A_131] {strides = array<i32>} : memref<512x128xf32, #tpu.memory_space<vmem>>, vector<1x16xf32>,
      %swap3A_133 = vector.shape_cast %swap3A_132 : vector<1x16xf32> to vector<16xf32>
      %swap3A_134 = vector.shape_cast %mul3A_129 : vector<16xf32> to vector<1x16xf32>
      tpu.vector_store %arg17[%swap3A_130, %swap3A_131], %swap3A_134 {strides = array<i32>} : memref<512x128xf32, #tpu.memory_space<vmem>>, vector<1x16xf32>,
      %get3A_135 = arith.index_cast %add3A_114 : i32 to index
      %get3A_136 = arith.constant 64 : index
      %get3A_137 = tpu.vector_load %arg17[%get3A_135, %get3A_136] {strides = array<i32>} : memref<512x128xf32, #tpu.memory_space<vmem>>, vector<1x16xf32>,
      %get3A_138 = vector.shape_cast %get3A_137 : vector<1x16xf32> to vector<16xf32>
      %mul3A_139 = arith.mulf %get3A_138, %gather3A_110 : vector<16xf32>
      %swap3A_140 = arith.index_cast %add3A_114 : i32 to index
      %swap3A_141 = arith.constant 64 : index
      %swap3A_142 = tpu.vector_load %arg17[%swap3A_140, %swap3A_141] {strides = array<i32>} : memref<512x128xf32, #tpu.memory_space<vmem>>, vector<1x16xf32>,
      %swap3A_143 = vector.shape_cast %swap3A_142 : vector<1x16xf32> to vector<16xf32>
      %swap3A_144 = vector.shape_cast %mul3A_139 : vector<16xf32> to vector<1x16xf32>
      tpu.vector_store %arg17[%swap3A_140, %swap3A_141], %swap3A_144 {strides = array<i32>} : memref<512x128xf32, #tpu.memory_space<vmem>>, vector<1x16xf32>,
      %get3A_145 = arith.index_cast %add3A_114 : i32 to index
      %get3A_146 = arith.constant 80 : index
      %get3A_147 = tpu.vector_load %arg17[%get3A_145, %get3A_146] {strides = array<i32>} : memref<512x128xf32, #tpu.memory_space<vmem>>, vector<1x16xf32>,
      %get3A_148 = vector.shape_cast %get3A_147 : vector<1x16xf32> to vector<16xf32>
      %mul3A_149 = arith.mulf %get3A_148, %gather3A_110 : vector<16xf32>
      %swap3A_150 = arith.index_cast %add3A_114 : i32 to index
      %swap3A_151 = arith.constant 80 : index
      %swap3A_152 = tpu.vector_load %arg17[%swap3A_150, %swap3A_151] {strides = array<i32>} : memref<512x128xf32, #tpu.memory_space<vmem>>, vector<1x16xf32>,
      %swap3A_153 = vector.shape_cast %swap3A_152 : vector<1x16xf32> to vector<16xf32>
      %swap3A_154 = vector.shape_cast %mul3A_149 : vector<16xf32> to vector<1x16xf32>
      tpu.vector_store %arg17[%swap3A_150, %swap3A_151], %swap3A_154 {strides = array<i32>} : memref<512x128xf32, #tpu.memory_space<vmem>>, vector<1x16xf32>,
      %broadcast_in_dim3A_155 = arith.constant 2 : i32
      %broadcast_in_dim3A_156 = vector.broadcast %broadcast_in_dim3A_155 : i32 to vector<16x1xi32>
      %gather3A_157 = vector.shape_cast %broadcast_in_dim3A_156 : vector<16x1xi32> to vector<16xi32>
      %gather3A_158 = tpu.dynamic_gather %get3A_61[%gather3A_157] in [0] : vector<16xf32>, vector<16xi32> -> vector<16xf32>
      %mul3A_159 = arith.constant 16 : i32
      %mul3A_160 = arith.muli %scan3A_54, %mul3A_159 : i32
      %add3A_161 = arith.constant 2 : i32
      %add3A_162 = arith.addi %mul3A_160, %add3A_161 : i32
      %get3A_163 = arith.index_cast %add3A_162 : i32 to index
      %get3A_164 = arith.constant 0 : index
      %get3A_165 = tpu.vector_load %arg17[%get3A_163, %get3A_164] {strides = array<i32>} : memref<512x128xf32, #tpu.memory_space<vmem>>, vector<1x16xf32>,
      %get3A_166 = vector.shape_cast %get3A_165 : vector<1x16xf32> to vector<16xf32>
      %mul3A_167 = arith.mulf %get3A_166, %gather3A_158 : vector<16xf32>
      %swap3A_168 = arith.index_cast %add3A_162 : i32 to index
      %swap3A_169 = arith.constant 0 : index
      %swap3A_170 = tpu.vector_load %arg17[%swap3A_168, %swap3A_169] {strides = array<i32>} : memref<512x128xf32, #tpu.memory_space<vmem>>, vector<1x16xf32>,
      %swap3A_171 = vector.shape_cast %swap3A_170 : vector<1x16xf32> to vector<16xf32>
      %swap3A_172 = vector.shape_cast %mul3A_167 : vector<16xf32> to vector<1x16xf32>
      tpu.vector_store %arg17[%swap3A_168, %swap3A_169], %swap3A_172 {strides = array<i32>} : memref<512x128xf32, #tpu.memory_space<vmem>>, vector<1x16xf32>,
      %get3A_173 = arith.index_cast %add3A_162 : i32 to index
      %get3A_174 = arith.constant 16 : index
      %get3A_175 = tpu.vector_load %arg17[%get3A_173, %get3A_174] {strides = array<i32>} : memref<512x128xf32, #tpu.memory_space<vmem>>, vector<1x16xf32>,
      %get3A_176 = vector.shape_cast %get3A_175 : vector<1x16xf32> to vector<16xf32>
      %mul3A_177 = arith.mulf %get3A_176, %gather3A_158 : vector<16xf32>
      %swap3A_178 = arith.index_cast %add3A_162 : i32 to index
      %swap3A_179 = arith.constant 16 : index
      %swap3A_180 = tpu.vector_load %arg17[%swap3A_178, %swap3A_179] {strides = array<i32>} : memref<512x128xf32, #tpu.memory_space<vmem>>, vector<1x16xf32>,
      %swap3A_181 = vector.shape_cast %swap3A_180 : vector<1x16xf32> to vector<16xf32>
      %swap3A_182 = vector.shape_cast %mul3A_177 : vector<16xf32> to vector<1x16xf32>
      tpu.vector_store %arg17[%swap3A_178, %swap3A_179], %swap3A_182 {strides = array<i32>} : memref<512x128xf32, #tpu.memory_space<vmem>>, vector<1x16xf32>,
      %get3A_183 = arith.index_cast %add3A_162 : i32 to index
      %get3A_184 = arith.constant 64 : index
      %get3A_185 = tpu.vector_load %arg17[%get3A_183, %get3A_184] {strides = array<i32>} : memref<512x128xf32, #tpu.memory_space<vmem>>, vector<1x16xf32>,
      %get3A_186 = vector.shape_cast %get3A_185 : vector<1x16xf32> to vector<16xf32>
      %mul3A_187 = arith.mulf %get3A_186, %gather3A_158 : vector<16xf32>
      %swap3A_188 = arith.index_cast %add3A_162 : i32 to index
      %swap3A_189 = arith.constant 64 : index
      %swap3A_190 = tpu.vector_load %arg17[%swap3A_188, %swap3A_189] {strides = array<i32>} : memref<512x128xf32, #tpu.memory_space<vmem>>, vector<1x16xf32>,
      %swap3A_191 = vector.shape_cast %swap3A_190 : vector<1x16xf32> to vector<16xf32>
      %swap3A_192 = vector.shape_cast %mul3A_187 : vector<16xf32> to vector<1x16xf32>
      tpu.vector_store %arg17[%swap3A_188, %swap3A_189], %swap3A_192 {strides = array<i32>} : memref<512x128xf32, #tpu.memory_space<vmem>>, vector<1x16xf32>,
      %get3A_193 = arith.index_cast %add3A_162 : i32 to index
      %get3A_194 = arith.constant 80 : index
      %get3A_195 = tpu.vector_load %arg17[%get3A_193, %get3A_194] {strides = array<i32>} : memref<512x128xf32, #tpu.memory_space<vmem>>, vector<1x16xf32>,
      %get3A_196 = vector.shape_cast %get3A_195 : vector<1x16xf32> to vector<16xf32>
      %mul3A_197 = arith.mulf %get3A_196, %gather3A_158 : vector<16xf32>
      %swap3A_198 = arith.index_cast %add3A_162 : i32 to index
      %swap3A_199 = arith.constant 80 : index
      %swap3A_200 = tpu.vector_load %arg17[%swap3A_198, %swap3A_199] {strides = array<i32>} : memref<512x128xf32, #tpu.memory_space<vmem>>, vector<1x16xf32>,
      %swap3A_201 = vector.shape_cast %swap3A_200 : vector<1x16xf32> to vector<16xf32>
      %swap3A_202 = vector.shape_cast %mul3A_197 : vector<16xf32> to vector<1x16xf32>
      tpu.vector_store %arg17[%swap3A_198, %swap3A_199], %swap3A_202 {strides = array<i32>} : memref<512x128xf32, #tpu.memory_space<vmem>>, vector<1x16xf32>,
      %broadcast_in_dim3A_203 = arith.constant 3 : i32
      %broadcast_in_dim3A_204 = vector.broadcast %broadcast_in_dim3A_203 : i32 to vector<16x1xi32>
      %gather3A_205 = vector.shape_cast %broadcast_in_dim3A_204 : vector<16x1xi32> to vector<16xi32>
      %gather3A_206 = tpu.dynamic_gather %get3A_61[%gather3A_205] in [0] : vector<16xf32>, vector<16xi32> -> vector<16xf32>
      %mul3A_207 = arith.constant 16 : i32
      %mul3A_208 = arith.muli %scan3A_54, %mul3A_207 : i32
      %add3A_209 = arith.constant 3 : i32
      %add3A_210 = arith.addi %mul3A_208, %add3A_209 : i32
      %get3A_211 = arith.index_cast %add3A_210 : i32 to index
      %get3A_212 = arith.constant 0 : index
      %get3A_213 = tpu.vector_load %arg17[%get3A_211, %get3A_212] {strides = array<i32>} : memref<512x128xf32, #tpu.memory_space<vmem>>, vector<1x16xf32>,
      %get3A_214 = vector.shape_cast %get3A_213 : vector<1x16xf32> to vector<16xf32>
      %mul3A_215 = arith.mulf %get3A_214, %gather3A_206 : vector<16xf32>
      %swap3A_216 = arith.index_cast %add3A_210 : i32 to index
      %swap3A_217 = arith.constant 0 : index
      %swap3A_218 = tpu.vector_load %arg17[%swap3A_216, %swap3A_217] {strides = array<i32>} : memref<512x128xf32, #tpu.memory_space<vmem>>, vector<1x16xf32>,
      %swap3A_219 = vector.shape_cast %swap3A_218 : vector<1x16xf32> to vector<16xf32>
      %swap3A_220 = vector.shape_cast %mul3A_215 : vector<16xf32> to vector<1x16xf32>
      tpu.vector_store %arg17[%swap3A_216, %swap3A_217], %swap3A_220 {strides = array<i32>} : memref<512x128xf32, #tpu.memory_space<vmem>>, vector<1x16xf32>,
      %get3A_221 = arith.index_cast %add3A_210 : i32 to index
      %get3A_222 = arith.constant 16 : index
      %get3A_223 = tpu.vector_load %arg17[%get3A_221, %get3A_222] {strides = array<i32>} : memref<512x128xf32, #tpu.memory_space<vmem>>, vector<1x16xf32>,
      %get3A_224 = vector.shape_cast %get3A_223 : vector<1x16xf32> to vector<16xf32>
      %mul3A_225 = arith.mulf %get3A_224, %gather3A_206 : vector<16xf32>
      %swap3A_226 = arith.index_cast %add3A_210 : i32 to index
      %swap3A_227 = arith.constant 16 : index
      %swap3A_228 = tpu.vector_load %arg17[%swap3A_226, %swap3A_227] {strides = array<i32>} : memref<512x128xf32, #tpu.memory_space<vmem>>, vector<1x16xf32>,
      %swap3A_229 = vector.shape_cast %swap3A_228 : vector<1x16xf32> to vector<16xf32>
      %swap3A_230 = vector.shape_cast %mul3A_225 : vector<16xf32> to vector<1x16xf32>
      tpu.vector_store %arg17[%swap3A_226, %swap3A_227], %swap3A_230 {strides = array<i32>} : memref<512x128xf32, #tpu.memory_space<vmem>>, vector<1x16xf32>,
      %get3A_231 = arith.index_cast %add3A_210 : i32 to index
      %get3A_232 = arith.constant 64 : index
      %get3A_233 = tpu.vector_load %arg17[%get3A_231, %get3A_232] {strides = array<i32>} : memref<512x128xf32, #tpu.memory_space<vmem>>, vector<1x16xf32>,
      %get3A_234 = vector.shape_cast %get3A_233 : vector<1x16xf32> to vector<16xf32>
      %mul3A_235 = arith.mulf %get3A_234, %gather3A_206 : vector<16xf32>
      %swap3A_236 = arith.index_cast %add3A_210 : i32 to index
      %swap3A_237 = arith.constant 64 : index
      %swap3A_238 = tpu.vector_load %arg17[%swap3A_236, %swap3A_237] {strides = array<i32>} : memref<512x128xf32, #tpu.memory_space<vmem>>, vector<1x16xf32>,
      %swap3A_239 = vector.shape_cast %swap3A_238 : vector<1x16xf32> to vector<16xf32>
      %swap3A_240 = vector.shape_cast %mul3A_235 : vector<16xf32> to vector<1x16xf32>
      tpu.vector_store %arg17[%swap3A_236, %swap3A_237], %swap3A_240 {strides = array<i32>} : memref<512x128xf32, #tpu.memory_space<vmem>>, vector<1x16xf32>,
      %get3A_241 = arith.index_cast %add3A_210 : i32 to index
      %get3A_242 = arith.constant 80 : index
      %get3A_243 = tpu.vector_load %arg17[%get3A_241, %get3A_242] {strides = array<i32>} : memref<512x128xf32, #tpu.memory_space<vmem>>, vector<1x16xf32>,
      %get3A_244 = vector.shape_cast %get3A_243 : vector<1x16xf32> to vector<16xf32>
      %mul3A_245 = arith.mulf %get3A_244, %gather3A_206 : vector<16xf32>
      %swap3A_246 = arith.index_cast %add3A_210 : i32 to index
      %swap3A_247 = arith.constant 80 : index
      %swap3A_248 = tpu.vector_load %arg17[%swap3A_246, %swap3A_247] {strides = array<i32>} : memref<512x128xf32, #tpu.memory_space<vmem>>, vector<1x16xf32>,
      %swap3A_249 = vector.shape_cast %swap3A_248 : vector<1x16xf32> to vector<16xf32>
      %swap3A_250 = vector.shape_cast %mul3A_245 : vector<16xf32> to vector<1x16xf32>
      tpu.vector_store %arg17[%swap3A_246, %swap3A_247], %swap3A_250 {strides = array<i32>} : memref<512x128xf32, #tpu.memory_space<vmem>>, vector<1x16xf32>,
      %broadcast_in_dim3A_251 = arith.constant 4 : i32
      %broadcast_in_dim3A_252 = vector.broadcast %broadcast_in_dim3A_251 : i32 to vector<16x1xi32>
      %gather3A_253 = vector.shape_cast %broadcast_in_dim3A_252 : vector<16x1xi32> to vector<16xi32>
      %gather3A_254 = tpu.dynamic_gather %get3A_61[%gather3A_253] in [0] : vector<16xf32>, vector<16xi32> -> vector<16xf32>
      %mul3A_255 = arith.constant 16 : i32
      %mul3A_256 = arith.muli %scan3A_54, %mul3A_255 : i32
      %add3A_257 = arith.constant 4 : i32
      %add3A_258 = arith.addi %mul3A_256, %add3A_257 : i32
      %get3A_259 = arith.index_cast %add3A_258 : i32 to index
      %get3A_260 = arith.constant 0 : index
      %get3A_261 = tpu.vector_load %arg17[%get3A_259, %get3A_260] {strides = array<i32>} : memref<512x128xf32, #tpu.memory_space<vmem>>, vector<1x16xf32>,
      %get3A_262 = vector.shape_cast %get3A_261 : vector<1x16xf32> to vector<16xf32>
      %mul3A_263 = arith.mulf %get3A_262, %gather3A_254 : vector<16xf32>
      %swap3A_264 = arith.index_cast %add3A_258 : i32 to index
      %swap3A_265 = arith.constant 0 : index
      %swap3A_266 = tpu.vector_load %arg17[%swap3A_264, %swap3A_265] {strides = array<i32>} : memref<512x128xf32, #tpu.memory_space<vmem>>, vector<1x16xf32>,
      %swap3A_267 = vector.shape_cast %swap3A_266 : vector<1x16xf32> to vector<16xf32>
      %swap3A_268 = vector.shape_cast %mul3A_263 : vector<16xf32> to vector<1x16xf32>
      tpu.vector_store %arg17[%swap3A_264, %swap3A_265], %swap3A_268 {strides = array<i32>} : memref<512x128xf32, #tpu.memory_space<vmem>>, vector<1x16xf32>,
      %get3A_269 = arith.index_cast %add3A_258 : i32 to index
      %get3A_270 = arith.constant 16 : index
      %get3A_271 = tpu.vector_load %arg17[%get3A_269, %get3A_270] {strides = array<i32>} : memref<512x128xf32, #tpu.memory_space<vmem>>, vector<1x16xf32>,
      %get3A_272 = vector.shape_cast %get3A_271 : vector<1x16xf32> to vector<16xf32>
      %mul3A_273 = arith.mulf %get3A_272, %gather3A_254 : vector<16xf32>
      %swap3A_274 = arith.index_cast %add3A_258 : i32 to index
      %swap3A_275 = arith.constant 16 : index
      %swap3A_276 = tpu.vector_load %arg17[%swap3A_274, %swap3A_275] {strides = array<i32>} : memref<512x128xf32, #tpu.memory_space<vmem>>, vector<1x16xf32>,
      %swap3A_277 = vector.shape_cast %swap3A_276 : vector<1x16xf32> to vector<16xf32>
      %swap3A_278 = vector.shape_cast %mul3A_273 : vector<16xf32> to vector<1x16xf32>
      tpu.vector_store %arg17[%swap3A_274, %swap3A_275], %swap3A_278 {strides = array<i32>} : memref<512x128xf32, #tpu.memory_space<vmem>>, vector<1x16xf32>,
      %get3A_279 = arith.index_cast %add3A_258 : i32 to index
      %get3A_280 = arith.constant 64 : index
      %get3A_281 = tpu.vector_load %arg17[%get3A_279, %get3A_280] {strides = array<i32>} : memref<512x128xf32, #tpu.memory_space<vmem>>, vector<1x16xf32>,
      %get3A_282 = vector.shape_cast %get3A_281 : vector<1x16xf32> to vector<16xf32>
      %mul3A_283 = arith.mulf %get3A_282, %gather3A_254 : vector<16xf32>
      %swap3A_284 = arith.index_cast %add3A_258 : i32 to index
      %swap3A_285 = arith.constant 64 : index
      %swap3A_286 = tpu.vector_load %arg17[%swap3A_284, %swap3A_285] {strides = array<i32>} : memref<512x128xf32, #tpu.memory_space<vmem>>, vector<1x16xf32>,
      %swap3A_287 = vector.shape_cast %swap3A_286 : vector<1x16xf32> to vector<16xf32>
      %swap3A_288 = vector.shape_cast %mul3A_283 : vector<16xf32> to vector<1x16xf32>
      tpu.vector_store %arg17[%swap3A_284, %swap3A_285], %swap3A_288 {strides = array<i32>} : memref<512x128xf32, #tpu.memory_space<vmem>>, vector<1x16xf32>,
      %get3A_289 = arith.index_cast %add3A_258 : i32 to index
      %get3A_290 = arith.constant 80 : index
      %get3A_291 = tpu.vector_load %arg17[%get3A_289, %get3A_290] {strides = array<i32>} : memref<512x128xf32, #tpu.memory_space<vmem>>, vector<1x16xf32>,
      %get3A_292 = vector.shape_cast %get3A_291 : vector<1x16xf32> to vector<16xf32>
      %mul3A_293 = arith.mulf %get3A_292, %gather3A_254 : vector<16xf32>
      %swap3A_294 = arith.index_cast %add3A_258 : i32 to index
      %swap3A_295 = arith.constant 80 : index
      %swap3A_296 = tpu.vector_load %arg17[%swap3A_294, %swap3A_295] {strides = array<i32>} : memref<512x128xf32, #tpu.memory_space<vmem>>, vector<1x16xf32>,
      %swap3A_297 = vector.shape_cast %swap3A_296 : vector<1x16xf32> to vector<16xf32>
      %swap3A_298 = vector.shape_cast %mul3A_293 : vector<16xf32> to vector<1x16xf32>
      tpu.vector_store %arg17[%swap3A_294, %swap3A_295], %swap3A_298 {strides = array<i32>} : memref<512x128xf32, #tpu.memory_space<vmem>>, vector<1x16xf32>,
      %broadcast_in_dim3A_299 = arith.constant 5 : i32
      %broadcast_in_dim3A_300 = vector.broadcast %broadcast_in_dim3A_299 : i32 to vector<16x1xi32>
      %gather3A_301 = vector.shape_cast %broadcast_in_dim3A_300 : vector<16x1xi32> to vector<16xi32>
      %gather3A_302 = tpu.dynamic_gather %get3A_61[%gather3A_301] in [0] : vector<16xf32>, vector<16xi32> -> vector<16xf32>
      %mul3A_303 = arith.constant 16 : i32
      %mul3A_304 = arith.muli %scan3A_54, %mul3A_303 : i32
      %add3A_305 = arith.constant 5 : i32
      %add3A_306 = arith.addi %mul3A_304, %add3A_305 : i32
      %get3A_307 = arith.index_cast %add3A_306 : i32 to index
      %get3A_308 = arith.constant 0 : index
      %get3A_309 = tpu.vector_load %arg17[%get3A_307, %get3A_308] {strides = array<i32>} : memref<512x128xf32, #tpu.memory_space<vmem>>, vector<1x16xf32>,
      %get3A_310 = vector.shape_cast %get3A_309 : vector<1x16xf32> to vector<16xf32>
      %mul3A_311 = arith.mulf %get3A_310, %gather3A_302 : vector<16xf32>
      %swap3A_312 = arith.index_cast %add3A_306 : i32 to index
      %swap3A_313 = arith.constant 0 : index
      %swap3A_314 = tpu.vector_load %arg17[%swap3A_312, %swap3A_313] {strides = array<i32>} : memref<512x128xf32, #tpu.memory_space<vmem>>, vector<1x16xf32>,
      %swap3A_315 = vector.shape_cast %swap3A_314 : vector<1x16xf32> to vector<16xf32>
      %swap3A_316 = vector.shape_cast %mul3A_311 : vector<16xf32> to vector<1x16xf32>
      tpu.vector_store %arg17[%swap3A_312, %swap3A_313], %swap3A_316 {strides = array<i32>} : memref<512x128xf32, #tpu.memory_space<vmem>>, vector<1x16xf32>,
      %get3A_317 = arith.index_cast %add3A_306 : i32 to index
      %get3A_318 = arith.constant 16 : index
      %get3A_319 = tpu.vector_load %arg17[%get3A_317, %get3A_318] {strides = array<i32>} : memref<512x128xf32, #tpu.memory_space<vmem>>, vector<1x16xf32>,
      %get3A_320 = vector.shape_cast %get3A_319 : vector<1x16xf32> to vector<16xf32>
      %mul3A_321 = arith.mulf %get3A_320, %gather3A_302 : vector<16xf32>
      %swap3A_322 = arith.index_cast %add3A_306 : i32 to index
      %swap3A_323 = arith.constant 16 : index
      %swap3A_324 = tpu.vector_load %arg17[%swap3A_322, %swap3A_323] {strides = array<i32>} : memref<512x128xf32, #tpu.memory_space<vmem>>, vector<1x16xf32>,
      %swap3A_325 = vector.shape_cast %swap3A_324 : vector<1x16xf32> to vector<16xf32>
      %swap3A_326 = vector.shape_cast %mul3A_321 : vector<16xf32> to vector<1x16xf32>
      tpu.vector_store %arg17[%swap3A_322, %swap3A_323], %swap3A_326 {strides = array<i32>} : memref<512x128xf32, #tpu.memory_space<vmem>>, vector<1x16xf32>,
      %get3A_327 = arith.index_cast %add3A_306 : i32 to index
      %get3A_328 = arith.constant 64 : index
      %get3A_329 = tpu.vector_load %arg17[%get3A_327, %get3A_328] {strides = array<i32>} : memref<512x128xf32, #tpu.memory_space<vmem>>, vector<1x16xf32>,
      %get3A_330 = vector.shape_cast %get3A_329 : vector<1x16xf32> to vector<16xf32>
      %mul3A_331 = arith.mulf %get3A_330, %gather3A_302 : vector<16xf32>
      %swap3A_332 = arith.index_cast %add3A_306 : i32 to index
      %swap3A_333 = arith.constant 64 : index
      %swap3A_334 = tpu.vector_load %arg17[%swap3A_332, %swap3A_333] {strides = array<i32>} : memref<512x128xf32, #tpu.memory_space<vmem>>, vector<1x16xf32>,
      %swap3A_335 = vector.shape_cast %swap3A_334 : vector<1x16xf32> to vector<16xf32>
      %swap3A_336 = vector.shape_cast %mul3A_331 : vector<16xf32> to vector<1x16xf32>
      tpu.vector_store %arg17[%swap3A_332, %swap3A_333], %swap3A_336 {strides = array<i32>} : memref<512x128xf32, #tpu.memory_space<vmem>>, vector<1x16xf32>,
      %get3A_337 = arith.index_cast %add3A_306 : i32 to index
      %get3A_338 = arith.constant 80 : index
      %get3A_339 = tpu.vector_load %arg17[%get3A_337, %get3A_338] {strides = array<i32>} : memref<512x128xf32, #tpu.memory_space<vmem>>, vector<1x16xf32>,
      %get3A_340 = vector.shape_cast %get3A_339 : vector<1x16xf32> to vector<16xf32>
      %mul3A_341 = arith.mulf %get3A_340, %gather3A_302 : vector<16xf32>
      %swap3A_342 = arith.index_cast %add3A_306 : i32 to index
      %swap3A_343 = arith.constant 80 : index
      %swap3A_344 = tpu.vector_load %arg17[%swap3A_342, %swap3A_343] {strides = array<i32>} : memref<512x128xf32, #tpu.memory_space<vmem>>, vector<1x16xf32>,
      %swap3A_345 = vector.shape_cast %swap3A_344 : vector<1x16xf32> to vector<16xf32>
      %swap3A_346 = vector.shape_cast %mul3A_341 : vector<16xf32> to vector<1x16xf32>
      tpu.vector_store %arg17[%swap3A_342, %swap3A_343], %swap3A_346 {strides = array<i32>} : memref<512x128xf32, #tpu.memory_space<vmem>>, vector<1x16xf32>,
      %broadcast_in_dim3A_347 = arith.constant 6 : i32
      %broadcast_in_dim3A_348 = vector.broadcast %broadcast_in_dim3A_347 : i32 to vector<16x1xi32>
      %gather3A_349 = vector.shape_cast %broadcast_in_dim3A_348 : vector<16x1xi32> to vector<16xi32>
      %gather3A_350 = tpu.dynamic_gather %get3A_61[%gather3A_349] in [0] : vector<16xf32>, vector<16xi32> -> vector<16xf32>
      %mul3A_351 = arith.constant 16 : i32
      %mul3A_352 = arith.muli %scan3A_54, %mul3A_351 : i32
      %add3A_353 = arith.constant 6 : i32
      %add3A_354 = arith.addi %mul3A_352, %add3A_353 : i32
      %get3A_355 = arith.index_cast %add3A_354 : i32 to index
      %get3A_356 = arith.constant 0 : index
      %get3A_357 = tpu.vector_load %arg17[%get3A_355, %get3A_356] {strides = array<i32>} : memref<512x128xf32, #tpu.memory_space<vmem>>, vector<1x16xf32>,
      %get3A_358 = vector.shape_cast %get3A_357 : vector<1x16xf32> to vector<16xf32>
      %mul3A_359 = arith.mulf %get3A_358, %gather3A_350 : vector<16xf32>
      %swap3A_360 = arith.index_cast %add3A_354 : i32 to index
      %swap3A_361 = arith.constant 0 : index
      %swap3A_362 = tpu.vector_load %arg17[%swap3A_360, %swap3A_361] {strides = array<i32>} : memref<512x128xf32, #tpu.memory_space<vmem>>, vector<1x16xf32>,
      %swap3A_363 = vector.shape_cast %swap3A_362 : vector<1x16xf32> to vector<16xf32>
      %swap3A_364 = vector.shape_cast %mul3A_359 : vector<16xf32> to vector<1x16xf32>
      tpu.vector_store %arg17[%swap3A_360, %swap3A_361], %swap3A_364 {strides = array<i32>} : memref<512x128xf32, #tpu.memory_space<vmem>>, vector<1x16xf32>,
      %get3A_365 = arith.index_cast %add3A_354 : i32 to index
      %get3A_366 = arith.constant 16 : index
      %get3A_367 = tpu.vector_load %arg17[%get3A_365, %get3A_366] {strides = array<i32>} : memref<512x128xf32, #tpu.memory_space<vmem>>, vector<1x16xf32>,
      %get3A_368 = vector.shape_cast %get3A_367 : vector<1x16xf32> to vector<16xf32>
      %mul3A_369 = arith.mulf %get3A_368, %gather3A_350 : vector<16xf32>
      %swap3A_370 = arith.index_cast %add3A_354 : i32 to index
      %swap3A_371 = arith.constant 16 : index
      %swap3A_372 = tpu.vector_load %arg17[%swap3A_370, %swap3A_371] {strides = array<i32>} : memref<512x128xf32, #tpu.memory_space<vmem>>, vector<1x16xf32>,
      %swap3A_373 = vector.shape_cast %swap3A_372 : vector<1x16xf32> to vector<16xf32>
      %swap3A_374 = vector.shape_cast %mul3A_369 : vector<16xf32> to vector<1x16xf32>
      tpu.vector_store %arg17[%swap3A_370, %swap3A_371], %swap3A_374 {strides = array<i32>} : memref<512x128xf32, #tpu.memory_space<vmem>>, vector<1x16xf32>,
      %get3A_375 = arith.index_cast %add3A_354 : i32 to index
      %get3A_376 = arith.constant 64 : index
      %get3A_377 = tpu.vector_load %arg17[%get3A_375, %get3A_376] {strides = array<i32>} : memref<512x128xf32, #tpu.memory_space<vmem>>, vector<1x16xf32>,
      %get3A_378 = vector.shape_cast %get3A_377 : vector<1x16xf32> to vector<16xf32>
      %mul3A_379 = arith.mulf %get3A_378, %gather3A_350 : vector<16xf32>
      %swap3A_380 = arith.index_cast %add3A_354 : i32 to index
      %swap3A_381 = arith.constant 64 : index
      %swap3A_382 = tpu.vector_load %arg17[%swap3A_380, %swap3A_381] {strides = array<i32>} : memref<512x128xf32, #tpu.memory_space<vmem>>, vector<1x16xf32>,
      %swap3A_383 = vector.shape_cast %swap3A_382 : vector<1x16xf32> to vector<16xf32>
      %swap3A_384 = vector.shape_cast %mul3A_379 : vector<16xf32> to vector<1x16xf32>
      tpu.vector_store %arg17[%swap3A_380, %swap3A_381], %swap3A_384 {strides = array<i32>} : memref<512x128xf32, #tpu.memory_space<vmem>>, vector<1x16xf32>,
      %get3A_385 = arith.index_cast %add3A_354 : i32 to index
      %get3A_386 = arith.constant 80 : index
      %get3A_387 = tpu.vector_load %arg17[%get3A_385, %get3A_386] {strides = array<i32>} : memref<512x128xf32, #tpu.memory_space<vmem>>, vector<1x16xf32>,
      %get3A_388 = vector.shape_cast %get3A_387 : vector<1x16xf32> to vector<16xf32>
      %mul3A_389 = arith.mulf %get3A_388, %gather3A_350 : vector<16xf32>
      %swap3A_390 = arith.index_cast %add3A_354 : i32 to index
      %swap3A_391 = arith.constant 80 : index
      %swap3A_392 = tpu.vector_load %arg17[%swap3A_390, %swap3A_391] {strides = array<i32>} : memref<512x128xf32, #tpu.memory_space<vmem>>, vector<1x16xf32>,
      %swap3A_393 = vector.shape_cast %swap3A_392 : vector<1x16xf32> to vector<16xf32>
      %swap3A_394 = vector.shape_cast %mul3A_389 : vector<16xf32> to vector<1x16xf32>
      tpu.vector_store %arg17[%swap3A_390, %swap3A_391], %swap3A_394 {strides = array<i32>} : memref<512x128xf32, #tpu.memory_space<vmem>>, vector<1x16xf32>,
      %broadcast_in_dim3A_395 = arith.constant 7 : i32
      %broadcast_in_dim3A_396 = vector.broadcast %broadcast_in_dim3A_395 : i32 to vector<16x1xi32>
      %gather3A_397 = vector.shape_cast %broadcast_in_dim3A_396 : vector<16x1xi32> to vector<16xi32>
      %gather3A_398 = tpu.dynamic_gather %get3A_61[%gather3A_397] in [0] : vector<16xf32>, vector<16xi32> -> vector<16xf32>
      %mul3A_399 = arith.constant 16 : i32
      %mul3A_400 = arith.muli %scan3A_54, %mul3A_399 : i32
      %add3A_401 = arith.constant 7 : i32
      %add3A_402 = arith.addi %mul3A_400, %add3A_401 : i32
      %get3A_403 = arith.index_cast %add3A_402 : i32 to index
      %get3A_404 = arith.constant 0 : index
      %get3A_405 = tpu.vector_load %arg17[%get3A_403, %get3A_404] {strides = array<i32>} : memref<512x128xf32, #tpu.memory_space<vmem>>, vector<1x16xf32>,
      %get3A_406 = vector.shape_cast %get3A_405 : vector<1x16xf32> to vector<16xf32>
      %mul3A_407 = arith.mulf %get3A_406, %gather3A_398 : vector<16xf32>
      %swap3A_408 = arith.index_cast %add3A_402 : i32 to index
      %swap3A_409 = arith.constant 0 : index
      %swap3A_410 = tpu.vector_load %arg17[%swap3A_408, %swap3A_409] {strides = array<i32>} : memref<512x128xf32, #tpu.memory_space<vmem>>, vector<1x16xf32>,
      %swap3A_411 = vector.shape_cast %swap3A_410 : vector<1x16xf32> to vector<16xf32>
      %swap3A_412 = vector.shape_cast %mul3A_407 : vector<16xf32> to vector<1x16xf32>
      tpu.vector_store %arg17[%swap3A_408, %swap3A_409], %swap3A_412 {strides = array<i32>} : memref<512x128xf32, #tpu.memory_space<vmem>>, vector<1x16xf32>,
      %get3A_413 = arith.index_cast %add3A_402 : i32 to index
      %get3A_414 = arith.constant 16 : index
      %get3A_415 = tpu.vector_load %arg17[%get3A_413, %get3A_414] {strides = array<i32>} : memref<512x128xf32, #tpu.memory_space<vmem>>, vector<1x16xf32>,
      %get3A_416 = vector.shape_cast %get3A_415 : vector<1x16xf32> to vector<16xf32>
      %mul3A_417 = arith.mulf %get3A_416, %gather3A_398 : vector<16xf32>
      %swap3A_418 = arith.index_cast %add3A_402 : i32 to index
      %swap3A_419 = arith.constant 16 : index
      %swap3A_420 = tpu.vector_load %arg17[%swap3A_418, %swap3A_419] {strides = array<i32>} : memref<512x128xf32, #tpu.memory_space<vmem>>, vector<1x16xf32>,
      %swap3A_421 = vector.shape_cast %swap3A_420 : vector<1x16xf32> to vector<16xf32>
      %swap3A_422 = vector.shape_cast %mul3A_417 : vector<16xf32> to vector<1x16xf32>
      tpu.vector_store %arg17[%swap3A_418, %swap3A_419], %swap3A_422 {strides = array<i32>} : memref<512x128xf32, #tpu.memory_space<vmem>>, vector<1x16xf32>,
      %get3A_423 = arith.index_cast %add3A_402 : i32 to index
      %get3A_424 = arith.constant 64 : index
      %get3A_425 = tpu.vector_load %arg17[%get3A_423, %get3A_424] {strides = array<i32>} : memref<512x128xf32, #tpu.memory_space<vmem>>, vector<1x16xf32>,
      %get3A_426 = vector.shape_cast %get3A_425 : vector<1x16xf32> to vector<16xf32>
      %mul3A_427 = arith.mulf %get3A_426, %gather3A_398 : vector<16xf32>
      %swap3A_428 = arith.index_cast %add3A_402 : i32 to index
      %swap3A_429 = arith.constant 64 : index
      %swap3A_430 = tpu.vector_load %arg17[%swap3A_428, %swap3A_429] {strides = array<i32>} : memref<512x128xf32, #tpu.memory_space<vmem>>, vector<1x16xf32>,
      %swap3A_431 = vector.shape_cast %swap3A_430 : vector<1x16xf32> to vector<16xf32>
      %swap3A_432 = vector.shape_cast %mul3A_427 : vector<16xf32> to vector<1x16xf32>
      tpu.vector_store %arg17[%swap3A_428, %swap3A_429], %swap3A_432 {strides = array<i32>} : memref<512x128xf32, #tpu.memory_space<vmem>>, vector<1x16xf32>,
      %get3A_433 = arith.index_cast %add3A_402 : i32 to index
      %get3A_434 = arith.constant 80 : index
      %get3A_435 = tpu.vector_load %arg17[%get3A_433, %get3A_434] {strides = array<i32>} : memref<512x128xf32, #tpu.memory_space<vmem>>, vector<1x16xf32>,
      %get3A_436 = vector.shape_cast %get3A_435 : vector<1x16xf32> to vector<16xf32>
      %mul3A_437 = arith.mulf %get3A_436, %gather3A_398 : vector<16xf32>
      %swap3A_438 = arith.index_cast %add3A_402 : i32 to index
      %swap3A_439 = arith.constant 80 : index
      %swap3A_440 = tpu.vector_load %arg17[%swap3A_438, %swap3A_439] {strides = array<i32>} : memref<512x128xf32, #tpu.memory_space<vmem>>, vector<1x16xf32>,
      %swap3A_441 = vector.shape_cast %swap3A_440 : vector<1x16xf32> to vector<16xf32>
      %swap3A_442 = vector.shape_cast %mul3A_437 : vector<16xf32> to vector<1x16xf32>
      tpu.vector_store %arg17[%swap3A_438, %swap3A_439], %swap3A_442 {strides = array<i32>} : memref<512x128xf32, #tpu.memory_space<vmem>>, vector<1x16xf32>,
      %broadcast_in_dim3A_443 = arith.constant 8 : i32
      %broadcast_in_dim3A_444 = vector.broadcast %broadcast_in_dim3A_443 : i32 to vector<16x1xi32>
      %gather3A_445 = vector.shape_cast %broadcast_in_dim3A_444 : vector<16x1xi32> to vector<16xi32>
      %gather3A_446 = tpu.dynamic_gather %get3A_61[%gather3A_445] in [0] : vector<16xf32>, vector<16xi32> -> vector<16xf32>
      %mul3A_447 = arith.constant 16 : i32
      %mul3A_448 = arith.muli %scan3A_54, %mul3A_447 : i32
      %add3A_449 = arith.constant 8 : i32
      %add3A_450 = arith.addi %mul3A_448, %add3A_449 : i32
      %get3A_451 = arith.index_cast %add3A_450 : i32 to index
      %get3A_452 = arith.constant 0 : index
      %get3A_453 = tpu.vector_load %arg17[%get3A_451, %get3A_452] {strides = array<i32>} : memref<512x128xf32, #tpu.memory_space<vmem>>, vector<1x16xf32>,
      %get3A_454 = vector.shape_cast %get3A_453 : vector<1x16xf32> to vector<16xf32>
      %mul3A_455 = arith.mulf %get3A_454, %gather3A_446 : vector<16xf32>
      %swap3A_456 = arith.index_cast %add3A_450 : i32 to index
      %swap3A_457 = arith.constant 0 : index
      %swap3A_458 = tpu.vector_load %arg17[%swap3A_456, %swap3A_457] {strides = array<i32>} : memref<512x128xf32, #tpu.memory_space<vmem>>, vector<1x16xf32>,
      %swap3A_459 = vector.shape_cast %swap3A_458 : vector<1x16xf32> to vector<16xf32>
      %swap3A_460 = vector.shape_cast %mul3A_455 : vector<16xf32> to vector<1x16xf32>
      tpu.vector_store %arg17[%swap3A_456, %swap3A_457], %swap3A_460 {strides = array<i32>} : memref<512x128xf32, #tpu.memory_space<vmem>>, vector<1x16xf32>,
      %get3A_461 = arith.index_cast %add3A_450 : i32 to index
      %get3A_462 = arith.constant 16 : index
      %get3A_463 = tpu.vector_load %arg17[%get3A_461, %get3A_462] {strides = array<i32>} : memref<512x128xf32, #tpu.memory_space<vmem>>, vector<1x16xf32>,
      %get3A_464 = vector.shape_cast %get3A_463 : vector<1x16xf32> to vector<16xf32>
      %mul3A_465 = arith.mulf %get3A_464, %gather3A_446 : vector<16xf32>
      %swap3A_466 = arith.index_cast %add3A_450 : i32 to index
      %swap3A_467 = arith.constant 16 : index
      %swap3A_468 = tpu.vector_load %arg17[%swap3A_466, %swap3A_467] {strides = array<i32>} : memref<512x128xf32, #tpu.memory_space<vmem>>, vector<1x16xf32>,
      %swap3A_469 = vector.shape_cast %swap3A_468 : vector<1x16xf32> to vector<16xf32>
      %swap3A_470 = vector.shape_cast %mul3A_465 : vector<16xf32> to vector<1x16xf32>
      tpu.vector_store %arg17[%swap3A_466, %swap3A_467], %swap3A_470 {strides = array<i32>} : memref<512x128xf32, #tpu.memory_space<vmem>>, vector<1x16xf32>,
      %get3A_471 = arith.index_cast %add3A_450 : i32 to index
      %get3A_472 = arith.constant 64 : index
      %get3A_473 = tpu.vector_load %arg17[%get3A_471, %get3A_472] {strides = array<i32>} : memref<512x128xf32, #tpu.memory_space<vmem>>, vector<1x16xf32>,
      %get3A_474 = vector.shape_cast %get3A_473 : vector<1x16xf32> to vector<16xf32>
      %mul3A_475 = arith.mulf %get3A_474, %gather3A_446 : vector<16xf32>
      %swap3A_476 = arith.index_cast %add3A_450 : i32 to index
      %swap3A_477 = arith.constant 64 : index
      %swap3A_478 = tpu.vector_load %arg17[%swap3A_476, %swap3A_477] {strides = array<i32>} : memref<512x128xf32, #tpu.memory_space<vmem>>, vector<1x16xf32>,
      %swap3A_479 = vector.shape_cast %swap3A_478 : vector<1x16xf32> to vector<16xf32>
      %swap3A_480 = vector.shape_cast %mul3A_475 : vector<16xf32> to vector<1x16xf32>
      tpu.vector_store %arg17[%swap3A_476, %swap3A_477], %swap3A_480 {strides = array<i32>} : memref<512x128xf32, #tpu.memory_space<vmem>>, vector<1x16xf32>,
      %get3A_481 = arith.index_cast %add3A_450 : i32 to index
      %get3A_482 = arith.constant 80 : index
      %get3A_483 = tpu.vector_load %arg17[%get3A_481, %get3A_482] {strides = array<i32>} : memref<512x128xf32, #tpu.memory_space<vmem>>, vector<1x16xf32>,
      %get3A_484 = vector.shape_cast %get3A_483 : vector<1x16xf32> to vector<16xf32>
      %mul3A_485 = arith.mulf %get3A_484, %gather3A_446 : vector<16xf32>
      %swap3A_486 = arith.index_cast %add3A_450 : i32 to index
      %swap3A_487 = arith.constant 80 : index
      %swap3A_488 = tpu.vector_load %arg17[%swap3A_486, %swap3A_487] {strides = array<i32>} : memref<512x128xf32, #tpu.memory_space<vmem>>, vector<1x16xf32>,
      %swap3A_489 = vector.shape_cast %swap3A_488 : vector<1x16xf32> to vector<16xf32>
      %swap3A_490 = vector.shape_cast %mul3A_485 : vector<16xf32> to vector<1x16xf32>
      tpu.vector_store %arg17[%swap3A_486, %swap3A_487], %swap3A_490 {strides = array<i32>} : memref<512x128xf32, #tpu.memory_space<vmem>>, vector<1x16xf32>,
      %broadcast_in_dim3A_491 = arith.constant 9 : i32
      %broadcast_in_dim3A_492 = vector.broadcast %broadcast_in_dim3A_491 : i32 to vector<16x1xi32>
      %gather3A_493 = vector.shape_cast %broadcast_in_dim3A_492 : vector<16x1xi32> to vector<16xi32>
      %gather3A_494 = tpu.dynamic_gather %get3A_61[%gather3A_493] in [0] : vector<16xf32>, vector<16xi32> -> vector<16xf32>
      %mul3A_495 = arith.constant 16 : i32
      %mul3A_496 = arith.muli %scan3A_54, %mul3A_495 : i32
      %add3A_497 = arith.constant 9 : i32
      %add3A_498 = arith.addi %mul3A_496, %add3A_497 : i32
      %get3A_499 = arith.index_cast %add3A_498 : i32 to index
      %get3A_500 = arith.constant 0 : index
      %get3A_501 = tpu.vector_load %arg17[%get3A_499, %get3A_500] {strides = array<i32>} : memref<512x128xf32, #tpu.memory_space<vmem>>, vector<1x16xf32>,
      %get3A_502 = vector.shape_cast %get3A_501 : vector<1x16xf32> to vector<16xf32>
      %mul3A_503 = arith.mulf %get3A_502, %gather3A_494 : vector<16xf32>
      %swap3A_504 = arith.index_cast %add3A_498 : i32 to index
      %swap3A_505 = arith.constant 0 : index
      %swap3A_506 = tpu.vector_load %arg17[%swap3A_504, %swap3A_505] {strides = array<i32>} : memref<512x128xf32, #tpu.memory_space<vmem>>, vector<1x16xf32>,
      %swap3A_507 = vector.shape_cast %swap3A_506 : vector<1x16xf32> to vector<16xf32>
      %swap3A_508 = vector.shape_cast %mul3A_503 : vector<16xf32> to vector<1x16xf32>
      tpu.vector_store %arg17[%swap3A_504, %swap3A_505], %swap3A_508 {strides = array<i32>} : memref<512x128xf32, #tpu.memory_space<vmem>>, vector<1x16xf32>,
      %get3A_509 = arith.index_cast %add3A_498 : i32 to index
      %get3A_510 = arith.constant 16 : index
      %get3A_511 = tpu.vector_load %arg17[%get3A_509, %get3A_510] {strides = array<i32>} : memref<512x128xf32, #tpu.memory_space<vmem>>, vector<1x16xf32>,
      %get3A_512 = vector.shape_cast %get3A_511 : vector<1x16xf32> to vector<16xf32>
      %mul3A_513 = arith.mulf %get3A_512, %gather3A_494 : vector<16xf32>
      %swap3A_514 = arith.index_cast %add3A_498 : i32 to index
      %swap3A_515 = arith.constant 16 : index
      %swap3A_516 = tpu.vector_load %arg17[%swap3A_514, %swap3A_515] {strides = array<i32>} : memref<512x128xf32, #tpu.memory_space<vmem>>, vector<1x16xf32>,
      %swap3A_517 = vector.shape_cast %swap3A_516 : vector<1x16xf32> to vector<16xf32>
      %swap3A_518 = vector.shape_cast %mul3A_513 : vector<16xf32> to vector<1x16xf32>
      tpu.vector_store %arg17[%swap3A_514, %swap3A_515], %swap3A_518 {strides = array<i32>} : memref<512x128xf32, #tpu.memory_space<vmem>>, vector<1x16xf32>,
      %get3A_519 = arith.index_cast %add3A_498 : i32 to index
      %get3A_520 = arith.constant 64 : index
      %get3A_521 = tpu.vector_load %arg17[%get3A_519, %get3A_520] {strides = array<i32>} : memref<512x128xf32, #tpu.memory_space<vmem>>, vector<1x16xf32>,
      %get3A_522 = vector.shape_cast %get3A_521 : vector<1x16xf32> to vector<16xf32>
      %mul3A_523 = arith.mulf %get3A_522, %gather3A_494 : vector<16xf32>
      %swap3A_524 = arith.index_cast %add3A_498 : i32 to index
      %swap3A_525 = arith.constant 64 : index
      %swap3A_526 = tpu.vector_load %arg17[%swap3A_524, %swap3A_525] {strides = array<i32>} : memref<512x128xf32, #tpu.memory_space<vmem>>, vector<1x16xf32>,
      %swap3A_527 = vector.shape_cast %swap3A_526 : vector<1x16xf32> to vector<16xf32>
      %swap3A_528 = vector.shape_cast %mul3A_523 : vector<16xf32> to vector<1x16xf32>
      tpu.vector_store %arg17[%swap3A_524, %swap3A_525], %swap3A_528 {strides = array<i32>} : memref<512x128xf32, #tpu.memory_space<vmem>>, vector<1x16xf32>,
      %get3A_529 = arith.index_cast %add3A_498 : i32 to index
      %get3A_530 = arith.constant 80 : index
      %get3A_531 = tpu.vector_load %arg17[%get3A_529, %get3A_530] {strides = array<i32>} : memref<512x128xf32, #tpu.memory_space<vmem>>, vector<1x16xf32>,
      %get3A_532 = vector.shape_cast %get3A_531 : vector<1x16xf32> to vector<16xf32>
      %mul3A_533 = arith.mulf %get3A_532, %gather3A_494 : vector<16xf32>
      %swap3A_534 = arith.index_cast %add3A_498 : i32 to index
      %swap3A_535 = arith.constant 80 : index
      %swap3A_536 = tpu.vector_load %arg17[%swap3A_534, %swap3A_535] {strides = array<i32>} : memref<512x128xf32, #tpu.memory_space<vmem>>, vector<1x16xf32>,
      %swap3A_537 = vector.shape_cast %swap3A_536 : vector<1x16xf32> to vector<16xf32>
      %swap3A_538 = vector.shape_cast %mul3A_533 : vector<16xf32> to vector<1x16xf32>
      tpu.vector_store %arg17[%swap3A_534, %swap3A_535], %swap3A_538 {strides = array<i32>} : memref<512x128xf32, #tpu.memory_space<vmem>>, vector<1x16xf32>,
      %broadcast_in_dim3A_539 = arith.constant 10 : i32
      %broadcast_in_dim3A_540 = vector.broadcast %broadcast_in_dim3A_539 : i32 to vector<16x1xi32>
      %gather3A_541 = vector.shape_cast %broadcast_in_dim3A_540 : vector<16x1xi32> to vector<16xi32>
      %gather3A_542 = tpu.dynamic_gather %get3A_61[%gather3A_541] in [0] : vector<16xf32>, vector<16xi32> -> vector<16xf32>
      %mul3A_543 = arith.constant 16 : i32
      %mul3A_544 = arith.muli %scan3A_54, %mul3A_543 : i32
      %add3A_545 = arith.constant 10 : i32
      %add3A_546 = arith.addi %mul3A_544, %add3A_545 : i32
      %get3A_547 = arith.index_cast %add3A_546 : i32 to index
      %get3A_548 = arith.constant 0 : index
      %get3A_549 = tpu.vector_load %arg17[%get3A_547, %get3A_548] {strides = array<i32>} : memref<512x128xf32, #tpu.memory_space<vmem>>, vector<1x16xf32>,
      %get3A_550 = vector.shape_cast %get3A_549 : vector<1x16xf32> to vector<16xf32>
      %mul3A_551 = arith.mulf %get3A_550, %gather3A_542 : vector<16xf32>
      %swap3A_552 = arith.index_cast %add3A_546 : i32 to index
      %swap3A_553 = arith.constant 0 : index
      %swap3A_554 = tpu.vector_load %arg17[%swap3A_552, %swap3A_553] {strides = array<i32>} : memref<512x128xf32, #tpu.memory_space<vmem>>, vector<1x16xf32>,
      %swap3A_555 = vector.shape_cast %swap3A_554 : vector<1x16xf32> to vector<16xf32>
      %swap3A_556 = vector.shape_cast %mul3A_551 : vector<16xf32> to vector<1x16xf32>
      tpu.vector_store %arg17[%swap3A_552, %swap3A_553], %swap3A_556 {strides = array<i32>} : memref<512x128xf32, #tpu.memory_space<vmem>>, vector<1x16xf32>,
      %get3A_557 = arith.index_cast %add3A_546 : i32 to index
      %get3A_558 = arith.constant 16 : index
      %get3A_559 = tpu.vector_load %arg17[%get3A_557, %get3A_558] {strides = array<i32>} : memref<512x128xf32, #tpu.memory_space<vmem>>, vector<1x16xf32>,
      %get3A_560 = vector.shape_cast %get3A_559 : vector<1x16xf32> to vector<16xf32>
      %mul3A_561 = arith.mulf %get3A_560, %gather3A_542 : vector<16xf32>
      %swap3A_562 = arith.index_cast %add3A_546 : i32 to index
      %swap3A_563 = arith.constant 16 : index
      %swap3A_564 = tpu.vector_load %arg17[%swap3A_562, %swap3A_563] {strides = array<i32>} : memref<512x128xf32, #tpu.memory_space<vmem>>, vector<1x16xf32>,
      %swap3A_565 = vector.shape_cast %swap3A_564 : vector<1x16xf32> to vector<16xf32>
      %swap3A_566 = vector.shape_cast %mul3A_561 : vector<16xf32> to vector<1x16xf32>
      tpu.vector_store %arg17[%swap3A_562, %swap3A_563], %swap3A_566 {strides = array<i32>} : memref<512x128xf32, #tpu.memory_space<vmem>>, vector<1x16xf32>,
      %get3A_567 = arith.index_cast %add3A_546 : i32 to index
      %get3A_568 = arith.constant 64 : index
      %get3A_569 = tpu.vector_load %arg17[%get3A_567, %get3A_568] {strides = array<i32>} : memref<512x128xf32, #tpu.memory_space<vmem>>, vector<1x16xf32>,
      %get3A_570 = vector.shape_cast %get3A_569 : vector<1x16xf32> to vector<16xf32>
      %mul3A_571 = arith.mulf %get3A_570, %gather3A_542 : vector<16xf32>
      %swap3A_572 = arith.index_cast %add3A_546 : i32 to index
      %swap3A_573 = arith.constant 64 : index
      %swap3A_574 = tpu.vector_load %arg17[%swap3A_572, %swap3A_573] {strides = array<i32>} : memref<512x128xf32, #tpu.memory_space<vmem>>, vector<1x16xf32>,
      %swap3A_575 = vector.shape_cast %swap3A_574 : vector<1x16xf32> to vector<16xf32>
      %swap3A_576 = vector.shape_cast %mul3A_571 : vector<16xf32> to vector<1x16xf32>
      tpu.vector_store %arg17[%swap3A_572, %swap3A_573], %swap3A_576 {strides = array<i32>} : memref<512x128xf32, #tpu.memory_space<vmem>>, vector<1x16xf32>,
      %get3A_577 = arith.index_cast %add3A_546 : i32 to index
      %get3A_578 = arith.constant 80 : index
      %get3A_579 = tpu.vector_load %arg17[%get3A_577, %get3A_578] {strides = array<i32>} : memref<512x128xf32, #tpu.memory_space<vmem>>, vector<1x16xf32>,
      %get3A_580 = vector.shape_cast %get3A_579 : vector<1x16xf32> to vector<16xf32>
      %mul3A_581 = arith.mulf %get3A_580, %gather3A_542 : vector<16xf32>
      %swap3A_582 = arith.index_cast %add3A_546 : i32 to index
      %swap3A_583 = arith.constant 80 : index
      %swap3A_584 = tpu.vector_load %arg17[%swap3A_582, %swap3A_583] {strides = array<i32>} : memref<512x128xf32, #tpu.memory_space<vmem>>, vector<1x16xf32>,
      %swap3A_585 = vector.shape_cast %swap3A_584 : vector<1x16xf32> to vector<16xf32>
      %swap3A_586 = vector.shape_cast %mul3A_581 : vector<16xf32> to vector<1x16xf32>
      tpu.vector_store %arg17[%swap3A_582, %swap3A_583], %swap3A_586 {strides = array<i32>} : memref<512x128xf32, #tpu.memory_space<vmem>>, vector<1x16xf32>,
      %broadcast_in_dim3A_587 = arith.constant 11 : i32
      %broadcast_in_dim3A_588 = vector.broadcast %broadcast_in_dim3A_587 : i32 to vector<16x1xi32>
      %gather3A_589 = vector.shape_cast %broadcast_in_dim3A_588 : vector<16x1xi32> to vector<16xi32>
      %gather3A_590 = tpu.dynamic_gather %get3A_61[%gather3A_589] in [0] : vector<16xf32>, vector<16xi32> -> vector<16xf32>
      %mul3A_591 = arith.constant 16 : i32
      %mul3A_592 = arith.muli %scan3A_54, %mul3A_591 : i32
      %add3A_593 = arith.constant 11 : i32
      %add3A_594 = arith.addi %mul3A_592, %add3A_593 : i32
      %get3A_595 = arith.index_cast %add3A_594 : i32 to index
      %get3A_596 = arith.constant 0 : index
      %get3A_597 = tpu.vector_load %arg17[%get3A_595, %get3A_596] {strides = array<i32>} : memref<512x128xf32, #tpu.memory_space<vmem>>, vector<1x16xf32>,
      %get3A_598 = vector.shape_cast %get3A_597 : vector<1x16xf32> to vector<16xf32>
      %mul3A_599 = arith.mulf %get3A_598, %gather3A_590 : vector<16xf32>
      %swap3A_600 = arith.index_cast %add3A_594 : i32 to index
      %swap3A_601 = arith.constant 0 : index
      %swap3A_602 = tpu.vector_load %arg17[%swap3A_600, %swap3A_601] {strides = array<i32>} : memref<512x128xf32, #tpu.memory_space<vmem>>, vector<1x16xf32>,
      %swap3A_603 = vector.shape_cast %swap3A_602 : vector<1x16xf32> to vector<16xf32>
      %swap3A_604 = vector.shape_cast %mul3A_599 : vector<16xf32> to vector<1x16xf32>
      tpu.vector_store %arg17[%swap3A_600, %swap3A_601], %swap3A_604 {strides = array<i32>} : memref<512x128xf32, #tpu.memory_space<vmem>>, vector<1x16xf32>,
      %get3A_605 = arith.index_cast %add3A_594 : i32 to index
      %get3A_606 = arith.constant 16 : index
      %get3A_607 = tpu.vector_load %arg17[%get3A_605, %get3A_606] {strides = array<i32>} : memref<512x128xf32, #tpu.memory_space<vmem>>, vector<1x16xf32>,
      %get3A_608 = vector.shape_cast %get3A_607 : vector<1x16xf32> to vector<16xf32>
      %mul3A_609 = arith.mulf %get3A_608, %gather3A_590 : vector<16xf32>
      %swap3A_610 = arith.index_cast %add3A_594 : i32 to index
      %swap3A_611 = arith.constant 16 : index
      %swap3A_612 = tpu.vector_load %arg17[%swap3A_610, %swap3A_611] {strides = array<i32>} : memref<512x128xf32, #tpu.memory_space<vmem>>, vector<1x16xf32>,
      %swap3A_613 = vector.shape_cast %swap3A_612 : vector<1x16xf32> to vector<16xf32>
      %swap3A_614 = vector.shape_cast %mul3A_609 : vector<16xf32> to vector<1x16xf32>
      tpu.vector_store %arg17[%swap3A_610, %swap3A_611], %swap3A_614 {strides = array<i32>} : memref<512x128xf32, #tpu.memory_space<vmem>>, vector<1x16xf32>,
      %get3A_615 = arith.index_cast %add3A_594 : i32 to index
      %get3A_616 = arith.constant 64 : index
      %get3A_617 = tpu.vector_load %arg17[%get3A_615, %get3A_616] {strides = array<i32>} : memref<512x128xf32, #tpu.memory_space<vmem>>, vector<1x16xf32>,
      %get3A_618 = vector.shape_cast %get3A_617 : vector<1x16xf32> to vector<16xf32>
      %mul3A_619 = arith.mulf %get3A_618, %gather3A_590 : vector<16xf32>
      %swap3A_620 = arith.index_cast %add3A_594 : i32 to index
      %swap3A_621 = arith.constant 64 : index
      %swap3A_622 = tpu.vector_load %arg17[%swap3A_620, %swap3A_621] {strides = array<i32>} : memref<512x128xf32, #tpu.memory_space<vmem>>, vector<1x16xf32>,
      %swap3A_623 = vector.shape_cast %swap3A_622 : vector<1x16xf32> to vector<16xf32>
      %swap3A_624 = vector.shape_cast %mul3A_619 : vector<16xf32> to vector<1x16xf32>
      tpu.vector_store %arg17[%swap3A_620, %swap3A_621], %swap3A_624 {strides = array<i32>} : memref<512x128xf32, #tpu.memory_space<vmem>>, vector<1x16xf32>,
      %get3A_625 = arith.index_cast %add3A_594 : i32 to index
      %get3A_626 = arith.constant 80 : index
      %get3A_627 = tpu.vector_load %arg17[%get3A_625, %get3A_626] {strides = array<i32>} : memref<512x128xf32, #tpu.memory_space<vmem>>, vector<1x16xf32>,
      %get3A_628 = vector.shape_cast %get3A_627 : vector<1x16xf32> to vector<16xf32>
      %mul3A_629 = arith.mulf %get3A_628, %gather3A_590 : vector<16xf32>
      %swap3A_630 = arith.index_cast %add3A_594 : i32 to index
      %swap3A_631 = arith.constant 80 : index
      %swap3A_632 = tpu.vector_load %arg17[%swap3A_630, %swap3A_631] {strides = array<i32>} : memref<512x128xf32, #tpu.memory_space<vmem>>, vector<1x16xf32>,
      %swap3A_633 = vector.shape_cast %swap3A_632 : vector<1x16xf32> to vector<16xf32>
      %swap3A_634 = vector.shape_cast %mul3A_629 : vector<16xf32> to vector<1x16xf32>
      tpu.vector_store %arg17[%swap3A_630, %swap3A_631], %swap3A_634 {strides = array<i32>} : memref<512x128xf32, #tpu.memory_space<vmem>>, vector<1x16xf32>,
      %broadcast_in_dim3A_635 = arith.constant 12 : i32
      %broadcast_in_dim3A_636 = vector.broadcast %broadcast_in_dim3A_635 : i32 to vector<16x1xi32>
      %gather3A_637 = vector.shape_cast %broadcast_in_dim3A_636 : vector<16x1xi32> to vector<16xi32>
      %gather3A_638 = tpu.dynamic_gather %get3A_61[%gather3A_637] in [0] : vector<16xf32>, vector<16xi32> -> vector<16xf32>
      %mul3A_639 = arith.constant 16 : i32
      %mul3A_640 = arith.muli %scan3A_54, %mul3A_639 : i32
      %add3A_641 = arith.constant 12 : i32
      %add3A_642 = arith.addi %mul3A_640, %add3A_641 : i32
      %get3A_643 = arith.index_cast %add3A_642 : i32 to index
      %get3A_644 = arith.constant 0 : index
      %get3A_645 = tpu.vector_load %arg17[%get3A_643, %get3A_644] {strides = array<i32>} : memref<512x128xf32, #tpu.memory_space<vmem>>, vector<1x16xf32>,
      %get3A_646 = vector.shape_cast %get3A_645 : vector<1x16xf32> to vector<16xf32>
      %mul3A_647 = arith.mulf %get3A_646, %gather3A_638 : vector<16xf32>
      %swap3A_648 = arith.index_cast %add3A_642 : i32 to index
      %swap3A_649 = arith.constant 0 : index
      %swap3A_650 = tpu.vector_load %arg17[%swap3A_648, %swap3A_649] {strides = array<i32>} : memref<512x128xf32, #tpu.memory_space<vmem>>, vector<1x16xf32>,
      %swap3A_651 = vector.shape_cast %swap3A_650 : vector<1x16xf32> to vector<16xf32>
      %swap3A_652 = vector.shape_cast %mul3A_647 : vector<16xf32> to vector<1x16xf32>
      tpu.vector_store %arg17[%swap3A_648, %swap3A_649], %swap3A_652 {strides = array<i32>} : memref<512x128xf32, #tpu.memory_space<vmem>>, vector<1x16xf32>,
      %get3A_653 = arith.index_cast %add3A_642 : i32 to index
      %get3A_654 = arith.constant 16 : index
      %get3A_655 = tpu.vector_load %arg17[%get3A_653, %get3A_654] {strides = array<i32>} : memref<512x128xf32, #tpu.memory_space<vmem>>, vector<1x16xf32>,
      %get3A_656 = vector.shape_cast %get3A_655 : vector<1x16xf32> to vector<16xf32>
      %mul3A_657 = arith.mulf %get3A_656, %gather3A_638 : vector<16xf32>
      %swap3A_658 = arith.index_cast %add3A_642 : i32 to index
      %swap3A_659 = arith.constant 16 : index
      %swap3A_660 = tpu.vector_load %arg17[%swap3A_658, %swap3A_659] {strides = array<i32>} : memref<512x128xf32, #tpu.memory_space<vmem>>, vector<1x16xf32>,
      %swap3A_661 = vector.shape_cast %swap3A_660 : vector<1x16xf32> to vector<16xf32>
      %swap3A_662 = vector.shape_cast %mul3A_657 : vector<16xf32> to vector<1x16xf32>
      tpu.vector_store %arg17[%swap3A_658, %swap3A_659], %swap3A_662 {strides = array<i32>} : memref<512x128xf32, #tpu.memory_space<vmem>>, vector<1x16xf32>,
      %get3A_663 = arith.index_cast %add3A_642 : i32 to index
      %get3A_664 = arith.constant 64 : index
      %get3A_665 = tpu.vector_load %arg17[%get3A_663, %get3A_664] {strides = array<i32>} : memref<512x128xf32, #tpu.memory_space<vmem>>, vector<1x16xf32>,
      %get3A_666 = vector.shape_cast %get3A_665 : vector<1x16xf32> to vector<16xf32>
      %mul3A_667 = arith.mulf %get3A_666, %gather3A_638 : vector<16xf32>
      %swap3A_668 = arith.index_cast %add3A_642 : i32 to index
      %swap3A_669 = arith.constant 64 : index
      %swap3A_670 = tpu.vector_load %arg17[%swap3A_668, %swap3A_669] {strides = array<i32>} : memref<512x128xf32, #tpu.memory_space<vmem>>, vector<1x16xf32>,
      %swap3A_671 = vector.shape_cast %swap3A_670 : vector<1x16xf32> to vector<16xf32>
      %swap3A_672 = vector.shape_cast %mul3A_667 : vector<16xf32> to vector<1x16xf32>
      tpu.vector_store %arg17[%swap3A_668, %swap3A_669], %swap3A_672 {strides = array<i32>} : memref<512x128xf32, #tpu.memory_space<vmem>>, vector<1x16xf32>,
      %get3A_673 = arith.index_cast %add3A_642 : i32 to index
      %get3A_674 = arith.constant 80 : index
      %get3A_675 = tpu.vector_load %arg17[%get3A_673, %get3A_674] {strides = array<i32>} : memref<512x128xf32, #tpu.memory_space<vmem>>, vector<1x16xf32>,
      %get3A_676 = vector.shape_cast %get3A_675 : vector<1x16xf32> to vector<16xf32>
      %mul3A_677 = arith.mulf %get3A_676, %gather3A_638 : vector<16xf32>
      %swap3A_678 = arith.index_cast %add3A_642 : i32 to index
      %swap3A_679 = arith.constant 80 : index
      %swap3A_680 = tpu.vector_load %arg17[%swap3A_678, %swap3A_679] {strides = array<i32>} : memref<512x128xf32, #tpu.memory_space<vmem>>, vector<1x16xf32>,
      %swap3A_681 = vector.shape_cast %swap3A_680 : vector<1x16xf32> to vector<16xf32>
      %swap3A_682 = vector.shape_cast %mul3A_677 : vector<16xf32> to vector<1x16xf32>
      tpu.vector_store %arg17[%swap3A_678, %swap3A_679], %swap3A_682 {strides = array<i32>} : memref<512x128xf32, #tpu.memory_space<vmem>>, vector<1x16xf32>,
      %broadcast_in_dim3A_683 = arith.constant 13 : i32
      %broadcast_in_dim3A_684 = vector.broadcast %broadcast_in_dim3A_683 : i32 to vector<16x1xi32>
      %gather3A_685 = vector.shape_cast %broadcast_in_dim3A_684 : vector<16x1xi32> to vector<16xi32>
      %gather3A_686 = tpu.dynamic_gather %get3A_61[%gather3A_685] in [0] : vector<16xf32>, vector<16xi32> -> vector<16xf32>
      %mul3A_687 = arith.constant 16 : i32
      %mul3A_688 = arith.muli %scan3A_54, %mul3A_687 : i32
      %add3A_689 = arith.constant 13 : i32
      %add3A_690 = arith.addi %mul3A_688, %add3A_689 : i32
      %get3A_691 = arith.index_cast %add3A_690 : i32 to index
      %get3A_692 = arith.constant 0 : index
      %get3A_693 = tpu.vector_load %arg17[%get3A_691, %get3A_692] {strides = array<i32>} : memref<512x128xf32, #tpu.memory_space<vmem>>, vector<1x16xf32>,
      %get3A_694 = vector.shape_cast %get3A_693 : vector<1x16xf32> to vector<16xf32>
      %mul3A_695 = arith.mulf %get3A_694, %gather3A_686 : vector<16xf32>
      %swap3A_696 = arith.index_cast %add3A_690 : i32 to index
      %swap3A_697 = arith.constant 0 : index
      %swap3A_698 = tpu.vector_load %arg17[%swap3A_696, %swap3A_697] {strides = array<i32>} : memref<512x128xf32, #tpu.memory_space<vmem>>, vector<1x16xf32>,
      %swap3A_699 = vector.shape_cast %swap3A_698 : vector<1x16xf32> to vector<16xf32>
      %swap3A_700 = vector.shape_cast %mul3A_695 : vector<16xf32> to vector<1x16xf32>
      tpu.vector_store %arg17[%swap3A_696, %swap3A_697], %swap3A_700 {strides = array<i32>} : memref<512x128xf32, #tpu.memory_space<vmem>>, vector<1x16xf32>,
      %get3A_701 = arith.index_cast %add3A_690 : i32 to index
      %get3A_702 = arith.constant 16 : index
      %get3A_703 = tpu.vector_load %arg17[%get3A_701, %get3A_702] {strides = array<i32>} : memref<512x128xf32, #tpu.memory_space<vmem>>, vector<1x16xf32>,
      %get3A_704 = vector.shape_cast %get3A_703 : vector<1x16xf32> to vector<16xf32>
      %mul3A_705 = arith.mulf %get3A_704, %gather3A_686 : vector<16xf32>
      %swap3A_706 = arith.index_cast %add3A_690 : i32 to index
      %swap3A_707 = arith.constant 16 : index
      %swap3A_708 = tpu.vector_load %arg17[%swap3A_706, %swap3A_707] {strides = array<i32>} : memref<512x128xf32, #tpu.memory_space<vmem>>, vector<1x16xf32>,
      %swap3A_709 = vector.shape_cast %swap3A_708 : vector<1x16xf32> to vector<16xf32>
      %swap3A_710 = vector.shape_cast %mul3A_705 : vector<16xf32> to vector<1x16xf32>
      tpu.vector_store %arg17[%swap3A_706, %swap3A_707], %swap3A_710 {strides = array<i32>} : memref<512x128xf32, #tpu.memory_space<vmem>>, vector<1x16xf32>,
      %get3A_711 = arith.index_cast %add3A_690 : i32 to index
      %get3A_712 = arith.constant 64 : index
      %get3A_713 = tpu.vector_load %arg17[%get3A_711, %get3A_712] {strides = array<i32>} : memref<512x128xf32, #tpu.memory_space<vmem>>, vector<1x16xf32>,
      %get3A_714 = vector.shape_cast %get3A_713 : vector<1x16xf32> to vector<16xf32>
      %mul3A_715 = arith.mulf %get3A_714, %gather3A_686 : vector<16xf32>
      %swap3A_716 = arith.index_cast %add3A_690 : i32 to index
      %swap3A_717 = arith.constant 64 : index
      %swap3A_718 = tpu.vector_load %arg17[%swap3A_716, %swap3A_717] {strides = array<i32>} : memref<512x128xf32, #tpu.memory_space<vmem>>, vector<1x16xf32>,
      %swap3A_719 = vector.shape_cast %swap3A_718 : vector<1x16xf32> to vector<16xf32>
      %swap3A_720 = vector.shape_cast %mul3A_715 : vector<16xf32> to vector<1x16xf32>
      tpu.vector_store %arg17[%swap3A_716, %swap3A_717], %swap3A_720 {strides = array<i32>} : memref<512x128xf32, #tpu.memory_space<vmem>>, vector<1x16xf32>,
      %get3A_721 = arith.index_cast %add3A_690 : i32 to index
      %get3A_722 = arith.constant 80 : index
      %get3A_723 = tpu.vector_load %arg17[%get3A_721, %get3A_722] {strides = array<i32>} : memref<512x128xf32, #tpu.memory_space<vmem>>, vector<1x16xf32>,
      %get3A_724 = vector.shape_cast %get3A_723 : vector<1x16xf32> to vector<16xf32>
      %mul3A_725 = arith.mulf %get3A_724, %gather3A_686 : vector<16xf32>
      %swap3A_726 = arith.index_cast %add3A_690 : i32 to index
      %swap3A_727 = arith.constant 80 : index
      %swap3A_728 = tpu.vector_load %arg17[%swap3A_726, %swap3A_727] {strides = array<i32>} : memref<512x128xf32, #tpu.memory_space<vmem>>, vector<1x16xf32>,
      %swap3A_729 = vector.shape_cast %swap3A_728 : vector<1x16xf32> to vector<16xf32>
      %swap3A_730 = vector.shape_cast %mul3A_725 : vector<16xf32> to vector<1x16xf32>
      tpu.vector_store %arg17[%swap3A_726, %swap3A_727], %swap3A_730 {strides = array<i32>} : memref<512x128xf32, #tpu.memory_space<vmem>>, vector<1x16xf32>,
      %broadcast_in_dim3A_731 = arith.constant 14 : i32
      %broadcast_in_dim3A_732 = vector.broadcast %broadcast_in_dim3A_731 : i32 to vector<16x1xi32>
      %gather3A_733 = vector.shape_cast %broadcast_in_dim3A_732 : vector<16x1xi32> to vector<16xi32>
      %gather3A_734 = tpu.dynamic_gather %get3A_61[%gather3A_733] in [0] : vector<16xf32>, vector<16xi32> -> vector<16xf32>
      %mul3A_735 = arith.constant 16 : i32
      %mul3A_736 = arith.muli %scan3A_54, %mul3A_735 : i32
      %add3A_737 = arith.constant 14 : i32
      %add3A_738 = arith.addi %mul3A_736, %add3A_737 : i32
      %get3A_739 = arith.index_cast %add3A_738 : i32 to index
      %get3A_740 = arith.constant 0 : index
      %get3A_741 = tpu.vector_load %arg17[%get3A_739, %get3A_740] {strides = array<i32>} : memref<512x128xf32, #tpu.memory_space<vmem>>, vector<1x16xf32>,
      %get3A_742 = vector.shape_cast %get3A_741 : vector<1x16xf32> to vector<16xf32>
      %mul3A_743 = arith.mulf %get3A_742, %gather3A_734 : vector<16xf32>
      %swap3A_744 = arith.index_cast %add3A_738 : i32 to index
      %swap3A_745 = arith.constant 0 : index
      %swap3A_746 = tpu.vector_load %arg17[%swap3A_744, %swap3A_745] {strides = array<i32>} : memref<512x128xf32, #tpu.memory_space<vmem>>, vector<1x16xf32>,
      %swap3A_747 = vector.shape_cast %swap3A_746 : vector<1x16xf32> to vector<16xf32>
      %swap3A_748 = vector.shape_cast %mul3A_743 : vector<16xf32> to vector<1x16xf32>
      tpu.vector_store %arg17[%swap3A_744, %swap3A_745], %swap3A_748 {strides = array<i32>} : memref<512x128xf32, #tpu.memory_space<vmem>>, vector<1x16xf32>,
      %get3A_749 = arith.index_cast %add3A_738 : i32 to index
      %get3A_750 = arith.constant 16 : index
      %get3A_751 = tpu.vector_load %arg17[%get3A_749, %get3A_750] {strides = array<i32>} : memref<512x128xf32, #tpu.memory_space<vmem>>, vector<1x16xf32>,
      %get3A_752 = vector.shape_cast %get3A_751 : vector<1x16xf32> to vector<16xf32>
      %mul3A_753 = arith.mulf %get3A_752, %gather3A_734 : vector<16xf32>
      %swap3A_754 = arith.index_cast %add3A_738 : i32 to index
      %swap3A_755 = arith.constant 16 : index
      %swap3A_756 = tpu.vector_load %arg17[%swap3A_754, %swap3A_755] {strides = array<i32>} : memref<512x128xf32, #tpu.memory_space<vmem>>, vector<1x16xf32>,
      %swap3A_757 = vector.shape_cast %swap3A_756 : vector<1x16xf32> to vector<16xf32>
      %swap3A_758 = vector.shape_cast %mul3A_753 : vector<16xf32> to vector<1x16xf32>
      tpu.vector_store %arg17[%swap3A_754, %swap3A_755], %swap3A_758 {strides = array<i32>} : memref<512x128xf32, #tpu.memory_space<vmem>>, vector<1x16xf32>,
      %get3A_759 = arith.index_cast %add3A_738 : i32 to index
      %get3A_760 = arith.constant 64 : index
      %get3A_761 = tpu.vector_load %arg17[%get3A_759, %get3A_760] {strides = array<i32>} : memref<512x128xf32, #tpu.memory_space<vmem>>, vector<1x16xf32>,
      %get3A_762 = vector.shape_cast %get3A_761 : vector<1x16xf32> to vector<16xf32>
      %mul3A_763 = arith.mulf %get3A_762, %gather3A_734 : vector<16xf32>
      %swap3A_764 = arith.index_cast %add3A_738 : i32 to index
      %swap3A_765 = arith.constant 64 : index
      %swap3A_766 = tpu.vector_load %arg17[%swap3A_764, %swap3A_765] {strides = array<i32>} : memref<512x128xf32, #tpu.memory_space<vmem>>, vector<1x16xf32>,
      %swap3A_767 = vector.shape_cast %swap3A_766 : vector<1x16xf32> to vector<16xf32>
      %swap3A_768 = vector.shape_cast %mul3A_763 : vector<16xf32> to vector<1x16xf32>
      tpu.vector_store %arg17[%swap3A_764, %swap3A_765], %swap3A_768 {strides = array<i32>} : memref<512x128xf32, #tpu.memory_space<vmem>>, vector<1x16xf32>,
      %get3A_769 = arith.index_cast %add3A_738 : i32 to index
      %get3A_770 = arith.constant 80 : index
      %get3A_771 = tpu.vector_load %arg17[%get3A_769, %get3A_770] {strides = array<i32>} : memref<512x128xf32, #tpu.memory_space<vmem>>, vector<1x16xf32>,
      %get3A_772 = vector.shape_cast %get3A_771 : vector<1x16xf32> to vector<16xf32>
      %mul3A_773 = arith.mulf %get3A_772, %gather3A_734 : vector<16xf32>
      %swap3A_774 = arith.index_cast %add3A_738 : i32 to index
      %swap3A_775 = arith.constant 80 : index
      %swap3A_776 = tpu.vector_load %arg17[%swap3A_774, %swap3A_775] {strides = array<i32>} : memref<512x128xf32, #tpu.memory_space<vmem>>, vector<1x16xf32>,
      %swap3A_777 = vector.shape_cast %swap3A_776 : vector<1x16xf32> to vector<16xf32>
      %swap3A_778 = vector.shape_cast %mul3A_773 : vector<16xf32> to vector<1x16xf32>
      tpu.vector_store %arg17[%swap3A_774, %swap3A_775], %swap3A_778 {strides = array<i32>} : memref<512x128xf32, #tpu.memory_space<vmem>>, vector<1x16xf32>,
      %broadcast_in_dim3A_779 = arith.constant 15 : i32
      %broadcast_in_dim3A_780 = vector.broadcast %broadcast_in_dim3A_779 : i32 to vector<16x1xi32>
      %gather3A_781 = vector.shape_cast %broadcast_in_dim3A_780 : vector<16x1xi32> to vector<16xi32>
      %gather3A_782 = tpu.dynamic_gather %get3A_61[%gather3A_781] in [0] : vector<16xf32>, vector<16xi32> -> vector<16xf32>
      %mul3A_783 = arith.constant 16 : i32
      %mul3A_784 = arith.muli %scan3A_54, %mul3A_783 : i32
      %add3A_785 = arith.constant 15 : i32
      %add3A_786 = arith.addi %mul3A_784, %add3A_785 : i32
      %get3A_787 = arith.index_cast %add3A_786 : i32 to index
      %get3A_788 = arith.constant 0 : index
      %get3A_789 = tpu.vector_load %arg17[%get3A_787, %get3A_788] {strides = array<i32>} : memref<512x128xf32, #tpu.memory_space<vmem>>, vector<1x16xf32>,
      %get3A_790 = vector.shape_cast %get3A_789 : vector<1x16xf32> to vector<16xf32>
      %mul3A_791 = arith.mulf %get3A_790, %gather3A_782 : vector<16xf32>
      %swap3A_792 = arith.index_cast %add3A_786 : i32 to index
      %swap3A_793 = arith.constant 0 : index
      %swap3A_794 = tpu.vector_load %arg17[%swap3A_792, %swap3A_793] {strides = array<i32>} : memref<512x128xf32, #tpu.memory_space<vmem>>, vector<1x16xf32>,
      %swap3A_795 = vector.shape_cast %swap3A_794 : vector<1x16xf32> to vector<16xf32>
      %swap3A_796 = vector.shape_cast %mul3A_791 : vector<16xf32> to vector<1x16xf32>
      tpu.vector_store %arg17[%swap3A_792, %swap3A_793], %swap3A_796 {strides = array<i32>} : memref<512x128xf32, #tpu.memory_space<vmem>>, vector<1x16xf32>,
      %get3A_797 = arith.index_cast %add3A_786 : i32 to index
      %get3A_798 = arith.constant 16 : index
      %get3A_799 = tpu.vector_load %arg17[%get3A_797, %get3A_798] {strides = array<i32>} : memref<512x128xf32, #tpu.memory_space<vmem>>, vector<1x16xf32>,
      %get3A_800 = vector.shape_cast %get3A_799 : vector<1x16xf32> to vector<16xf32>
      %mul3A_801 = arith.mulf %get3A_800, %gather3A_782 : vector<16xf32>
      %swap3A_802 = arith.index_cast %add3A_786 : i32 to index
      %swap3A_803 = arith.constant 16 : index
      %swap3A_804 = tpu.vector_load %arg17[%swap3A_802, %swap3A_803] {strides = array<i32>} : memref<512x128xf32, #tpu.memory_space<vmem>>, vector<1x16xf32>,
      %swap3A_805 = vector.shape_cast %swap3A_804 : vector<1x16xf32> to vector<16xf32>
      %swap3A_806 = vector.shape_cast %mul3A_801 : vector<16xf32> to vector<1x16xf32>
      tpu.vector_store %arg17[%swap3A_802, %swap3A_803], %swap3A_806 {strides = array<i32>} : memref<512x128xf32, #tpu.memory_space<vmem>>, vector<1x16xf32>,
      %get3A_807 = arith.index_cast %add3A_786 : i32 to index
      %get3A_808 = arith.constant 64 : index
      %get3A_809 = tpu.vector_load %arg17[%get3A_807, %get3A_808] {strides = array<i32>} : memref<512x128xf32, #tpu.memory_space<vmem>>, vector<1x16xf32>,
      %get3A_810 = vector.shape_cast %get3A_809 : vector<1x16xf32> to vector<16xf32>
      %mul3A_811 = arith.mulf %get3A_810, %gather3A_782 : vector<16xf32>
      %swap3A_812 = arith.index_cast %add3A_786 : i32 to index
      %swap3A_813 = arith.constant 64 : index
      %swap3A_814 = tpu.vector_load %arg17[%swap3A_812, %swap3A_813] {strides = array<i32>} : memref<512x128xf32, #tpu.memory_space<vmem>>, vector<1x16xf32>,
      %swap3A_815 = vector.shape_cast %swap3A_814 : vector<1x16xf32> to vector<16xf32>
      %swap3A_816 = vector.shape_cast %mul3A_811 : vector<16xf32> to vector<1x16xf32>
      tpu.vector_store %arg17[%swap3A_812, %swap3A_813], %swap3A_816 {strides = array<i32>} : memref<512x128xf32, #tpu.memory_space<vmem>>, vector<1x16xf32>,
      %get3A_817 = arith.index_cast %add3A_786 : i32 to index
      %get3A_818 = arith.constant 80 : index
      %get3A_819 = tpu.vector_load %arg17[%get3A_817, %get3A_818] {strides = array<i32>} : memref<512x128xf32, #tpu.memory_space<vmem>>, vector<1x16xf32>,
      %get3A_820 = vector.shape_cast %get3A_819 : vector<1x16xf32> to vector<16xf32>
      %mul3A_821 = arith.mulf %get3A_820, %gather3A_782 : vector<16xf32>
      %swap3A_822 = arith.index_cast %add3A_786 : i32 to index
      %swap3A_823 = arith.constant 80 : index
      %swap3A_824 = tpu.vector_load %arg17[%swap3A_822, %swap3A_823] {strides = array<i32>} : memref<512x128xf32, #tpu.memory_space<vmem>>, vector<1x16xf32>,
      %swap3A_825 = vector.shape_cast %swap3A_824 : vector<1x16xf32> to vector<16xf32>
      %swap3A_826 = vector.shape_cast %mul3A_821 : vector<16xf32> to vector<1x16xf32>
      tpu.vector_store %arg17[%swap3A_822, %swap3A_823], %swap3A_826 {strides = array<i32>} : memref<512x128xf32, #tpu.memory_space<vmem>>, vector<1x16xf32>,
      %scan3A_827 = arith.constant 0 : i32
      scf.yield %scan3A_827 : i32
    }
    %scan3A_48 = arith.constant 32 : i32
    "tpu.region"() ({
      %run_scoped3A = tpu.sem_alloc : memref<!tpu.dma_semaphore, #tpu.memory_space<semaphore_mem>>
      %dma_start3A_54 = arith.constant 0 : i32
      %dma_start3A_55 = arith.constant 0 : i32
      %dma_start3A_56 = tpu.memref_slice %arg18[%dma_start3A_54, %dma_start3A_55] : memref<2048x128xf32, #tpu.memory_space<vmem_shared>> -> memref<2048x128xf32, #tpu.memory_space<vmem_shared>>
      tpu.enqueue_indirect_dma source(%arg17 : memref<512x128xf32, #tpu.memory_space<vmem>>) target(%dma_start3A_56 : memref<2048x128xf32, #tpu.memory_space<vmem_shared>>) offsets(%arg11 : memref<512xi32, #tpu.memory_space<vmem>>) semaphore(%run_scoped3A : memref<!tpu.dma_semaphore, #tpu.memory_space<semaphore_mem>>) {add = true}
      %dma_wait3A_57 = arith.constant 0 : i32
      %dma_wait3A_58 = arith.constant 0 : i32
      %dma_wait3A_59 = tpu.memref_slice %arg18[%dma_wait3A_57, %dma_wait3A_58] : memref<2048x128xf32, #tpu.memory_space<vmem_shared>> -> memref<2048x128xf32, #tpu.memory_space<vmem_shared>>
      tpu.wait_indirect_dma semaphore(%run_scoped3A : memref<!tpu.dma_semaphore, #tpu.memory_space<semaphore_mem>>) src(%arg17 : memref<512x128xf32, #tpu.memory_space<vmem>>) dst(%dma_wait3A_59 : memref<2048x128xf32, #tpu.memory_space<vmem_shared>>)
      tpu.yield
    }) : () -> ()
    %barrier3A_49 = arith.constant 0 : index
    tpu.barrier barrier_id(%barrier3A_49)
    %mul3A_50 = arith.constant 128 : i32
    %mul3A_51 = arith.muli %arg1, %mul3A_50 : i32
    %mul3A_52 = arith.constant 128 : i32
    %mul3A_53 = arith.muli %arg1, %mul3A_52 : i32
    "tpu.region"() ({
      %run_scoped3A = tpu.sem_alloc : memref<!tpu.dma_semaphore, #tpu.memory_space<semaphore_mem>>
      %dma_start3A_54 = arith.constant 0 : i32
      %dma_start3A_55 = arith.constant 0 : i32
      %dma_start3A_56 = tpu.memref_slice %arg8[%arg0, %dma_start3A_54, %dma_start3A_55] : memref<2x2048x128xf32, #tpu.memory_space<hbm>> -> memref<1x2048x128xf32, #tpu.memory_space<hbm>>
      %dma_start3A_57 = tpu.memref_squeeze %dma_start3A_56 : memref<1x2048x128xf32, #tpu.memory_space<hbm>> -> memref<2048x128xf32, #tpu.memory_space<hbm>>
      %dma_start3A_58 = arith.constant 0 : i32
      %dma_start3A_59 = tpu.memref_slice %dma_start3A_57[%mul3A_53, %dma_start3A_58] : memref<2048x128xf32, #tpu.memory_space<hbm>> -> memref<128x128xf32, #tpu.memory_space<hbm>>
      %dma_start3A_60 = arith.constant 0 : i32
      %dma_start3A_61 = tpu.memref_slice %arg18[%mul3A_51, %dma_start3A_60] : memref<2048x128xf32, #tpu.memory_space<vmem_shared>> -> memref<128x128xf32, #tpu.memory_space<vmem_shared>>
      tpu.enqueue_dma source(%dma_start3A_61 : memref<128x128xf32, #tpu.memory_space<vmem_shared>>) target(%dma_start3A_59 : memref<128x128xf32, #tpu.memory_space<hbm>>) target_semaphore(%run_scoped3A : memref<!tpu.dma_semaphore, #tpu.memory_space<semaphore_mem>>)
      %dma_wait3A_62 = arith.constant 0 : i32
      %dma_wait3A_63 = arith.constant 0 : i32
      %dma_wait3A_64 = tpu.memref_slice %arg8[%arg0, %dma_wait3A_62, %dma_wait3A_63] : memref<2x2048x128xf32, #tpu.memory_space<hbm>> -> memref<1x2048x128xf32, #tpu.memory_space<hbm>>
      %dma_wait3A_65 = tpu.memref_squeeze %dma_wait3A_64 : memref<1x2048x128xf32, #tpu.memory_space<hbm>> -> memref<2048x128xf32, #tpu.memory_space<hbm>>
      %dma_wait3A_66 = arith.constant 0 : i32
      %dma_wait3A_67 = tpu.memref_slice %dma_wait3A_65[%mul3A_53, %dma_wait3A_66] : memref<2048x128xf32, #tpu.memory_space<hbm>> -> memref<128x128xf32, #tpu.memory_space<hbm>>
      %dma_wait3A_68 = arith.constant 0 : i32
      %dma_wait3A_69 = tpu.memref_slice %arg18[%mul3A_51, %dma_wait3A_68] : memref<2048x128xf32, #tpu.memory_space<vmem_shared>> -> memref<128x128xf32, #tpu.memory_space<vmem_shared>>
      tpu.wait_dma2 semaphore(%run_scoped3A : memref<!tpu.dma_semaphore, #tpu.memory_space<semaphore_mem>>) src(%dma_wait3A_69 : memref<128x128xf32, #tpu.memory_space<vmem_shared>>) dst(%dma_wait3A_67 : memref<128x128xf32, #tpu.memory_space<hbm>>)
      tpu.yield
    }) : () -> ()
    return
  }
}

</mosaic_0001>

<sc_bundles>
// kernel: gather_offload_async_start
scs
__scs_entry_jumppad:
0x0: {  	(pc) =	sbr.rel $0x88, $3  }
0x1: {  	(tag) =	ssettag $0x0;
	lr =	simm.s32 $0x1  }
0x2: {  	[smem:$0x3F88] =	sst lr;
	_ =	strace $0xD0000000  }
0x3: {  	_ = 	snop  }
0x4: {  	_ = 	snop  }
0x5: {  	_ = 	snop  }
0x6: {  	_ = 	snop  }
0x7: {  	_ = 	snop  }
__scs_overlays_trampoline_lowered:
0x8: {  	[smem:$0x3F97] =	sst s0  }
0x9: {  	[smem:$0x3F98] =	sst s1  }
0xa: {  	[smem:$0x3F99] =	sst s2  }
0xb: {  	[smem:$0x3F9A] =	sst s3  }
0xc: {  	[smem:$0x3F9B] =	sst s4  }
0xd: {  	[smem:$0x3F9C] =	sst s5  }
0xe: {  	[smem:$0x3F9D] =	sst s6  }
0xf: {  	[smem:$0x3F9E] =	sst s7  }
0x10: {  	[smem:$0x3F9F] =	sst s8  }
0x11: {  	[smem:$0x3FA0] =	sst s9;
	s0 =	simm.s32 @!p0 $0x0  }
0x12: {  	s1 =	sld [smem:$0x3F86];
	s0 =	simm.s32 @p0 $0x1  }
0x13: {  	[smem:$0x3FA1] =	sst s0;
	s0 =	simm.s32 @!p1 $0x0  }
0x14: {  	s2 =	sld [smem:$0x3F85];
	s0 =	simm.s32 @p1 $0x1  }
0x15: {  	[smem:$0x3FA2] =	sst s0;
	s0 =	simm.s32 @!p2 $0x0  }
0x16: {  	s3 =	sld [smem:$0x3FDB];
	s0 =	simm.s32 @p2 $0x1  }
0x17: {  	s4 =	simm.s32 $0x1BF5;
	[smem:$0x3FA4] =	sst s0  }
0x18: {  	s0 =	sld [smem:$0x3F87];
	_ =	swait.ge [sflag:s4], $0x0  }
0x19: {  	s7 =	sld [smem:$0x3F88]  }
0x1a: {  	s8 =	sadd.s32 $0xFFFFE003, lr  }
0x1b: {  	s9 =	sadd.s32 $0xFFFFFEF7, lr;
	s5 =	simm.s32 $0xFFFFFFFF;
	p2 =	slt.u32 s8, $0xFFFFF086  }
0x1c: {  	p1 =	slt.u32 s9, $0xF7A;
	s5 =	simm.s32 @!p2 $0x0  }
0x1d: {  	s5 =	simm.s32 @p1 $0x1;
	p0 =	seq.s32 s7, s2  }
0x1e: {  	s7 =	smul.u32 @!p0 $0xF7A, s2;
	p2 =	seq.s32 @!p0 s5, $0x0  }
0x1f: {  	s9 =	smul.u32 $0xF7A, s1;
	s8 =	simm.s32 @!p0 $0x1BF5;
	p2 =	por !p2, p0  }
0x20: {  	[sflag:s8] =	ssyncset.s32 @!p0 $0xFFFFF086;
	s6 =	sadd.s32 @!p0 s3, s7;
	s7 =	simm.s32 @!p0 $0x108  }
0x21: {  	s3 =	sadd.s32 s3, s9;
	s6 =	sadd.s32 @!p0 $0x88, s6;
	s7 =	simm.s32 @p2 $0x1082  }
0x22: {  	[simem:s7], [sflag:s8] =	dma.local @!p0 [hbm:s6], $0xF7A  }
0x23: {  	s9 =	sor.u32 $0xD0000000, s2;
	s6 =	simm.s32 $0x108;
	_ =	swait.ge @!p0 [sflag:s8], $0x0  }
0x24: {  	s3 =	sadd.s32 $0x88, s3;
	s6 =	simm.s32 @!p1 $0x1082;
	[sflag:s4] =	ssyncset.s32 $0xFFFFF086  }
0x25: {  	[simem:s6], [sflag:s4] =	dma.local [hbm:s3], $0xF7A  }
0x26: {  	[smem:$0x3F88] =	sst s1;
	(tag) =	ssettag s2;
	_ =	strace s9  }
0x27: {  	s1 =	sld [smem:$0x3F98]  }
0x28: {  	s2 =	sld [smem:$0x3F99]  }
0x29: {  	s4 =	sld [smem:$0x3F9B]  }
0x2a: {  	p0 =	seq.s32 s5, $0x0;
	s5 =	sld [smem:$0x3F9C]  }
0x2b: {  	s6 =	sld [smem:$0x3F9D]  }
0x2c: {  	s7 =	sld [smem:$0x3F9E]  }
0x2d: {  	s3 =	simm.s32 $0x108;
	s8 =	sld [smem:$0x3F9F]  }
0x2e: {  	s3 =	simm.s32 @!p0 $0x1082;
	s9 =	sld [smem:$0x3FA0]  }
0x2f: {  	lr =	sadd.s32 s0, s3;
	s0 =	sld [smem:$0x3F97]  }
0x30: {  	s3 =	sld [smem:$0x3F9A]  }
0x31: {  	[smem:$0x3FA3] =	sst s10  }
0x32: {  	s10 =	sld [smem:$0x3FA1];
	_ =	sdelay $0x3  }
0x33: {  	p0 =	seq.s32 s10, $0x1;
	s10 =	sld [smem:$0x3FA3];
	_ =	sdelay $0x3  }
0x34: {  	[smem:$0x3FA3] =	sst s10  }
0x35: {  	s10 =	sld [smem:$0x3FA2];
	_ =	sdelay $0x3  }
0x36: {  	p1 =	seq.s32 s10, $0x1;
	s10 =	sld [smem:$0x3FA3];
	_ =	sdelay $0x3  }
0x37: {  	[smem:$0x3FA3] =	sst s10  }
0x38: {  	s10 =	sld [smem:$0x3FA4]  }
0x39: {  	_ = 	snop;
	(pc) =	sbr.ind lr, $3  }
0x3a: {  	_ = 	snop  }
0x3b: {  	_ = 	snop  }
0x3c: {  	p2 =	seq.s32 s10, $0x1;
	s10 =	sld [smem:$0x3FA3]  }
0x3d: {  	_ =	shalt  }
0x3e: {  	_ =	shalt  }
0x3f: {  	_ =	shalt  }
0x40: {  	_ =	shalt  }
0x41: {  	_ =	shalt  }
0x42: {  	_ =	shalt  }
0x43: {  	_ =	shalt  }
0x44: {  	_ =	shalt  }
0x45: {  	_ =	shalt  }
0x46: {  	_ =	shalt  }
0x47: {  	_ =	shalt  }
0x48: {  	_ =	shalt  }
0x49: {  	_ =	shalt  }
0x4a: {  	_ =	shalt  }
0x4b: {  	_ =	shalt  }
0x4c: {  	_ =	shalt  }
0x4d: {  	_ =	shalt  }
0x4e: {  	_ =	shalt  }
0x4f: {  	_ =	shalt  }
0x50: {  	_ =	shalt  }
0x51: {  	_ =	shalt  }
0x52: {  	_ =	shalt  }
0x53: {  	_ =	shalt  }
0x54: {  	_ =	shalt  }
0x55: {  	_ =	shalt  }
0x56: {  	_ =	shalt  }
0x57: {  	_ =	shalt  }
0x58: {  	_ =	shalt  }
0x59: {  	_ =	shalt  }
0x5a: {  	_ =	shalt  }
0x5b: {  	_ =	shalt  }
0x5c: {  	_ =	shalt  }
0x5d: {  	_ =	shalt  }
0x5e: {  	_ =	shalt  }
0x5f: {  	_ =	shalt  }
0x60: {  	_ =	shalt  }
0x61: {  	_ =	shalt  }
0x62: {  	_ =	shalt  }
0x63: {  	_ =	shalt  }
0x64: {  	_ =	shalt  }
0x65: {  	_ =	shalt  }
0x66: {  	_ =	shalt  }
0x67: {  	_ =	shalt  }
0x68: {  	_ =	shalt  }
0x69: {  	_ =	shalt  }
0x6a: {  	_ =	shalt  }
0x6b: {  	_ =	shalt  }
0x6c: {  	_ =	shalt  }
0x6d: {  	_ =	shalt  }
0x6e: {  	_ =	shalt  }
0x6f: {  	_ =	shalt  }
0x70: {  	_ =	shalt  }
0x71: {  	_ =	shalt  }
0x72: {  	_ =	shalt  }
0x73: {  	_ =	shalt  }
0x74: {  	_ =	shalt  }
0x75: {  	_ =	shalt  }
0x76: {  	_ =	shalt  }
0x77: {  	_ =	shalt  }
0x78: {  	_ =	shalt  }
0x79: {  	_ =	shalt  }
0x7a: {  	_ =	shalt  }
0x7b: {  	_ =	shalt  }
0x7c: {  	_ =	shalt  }
0x7d: {  	_ =	shalt  }
0x7e: {  	_ =	shalt  }
0x7f: {  	_ =	shalt  }
0x80: {  	_ =	shalt  }
0x81: {  	_ =	shalt  }
0x82: {  	_ =	shalt  }
0x83: {  	_ =	shalt  }
0x84: {  	_ =	shalt  }
0x85: {  	_ =	shalt  }
0x86: {  	_ =	shalt  }
0x87: {  	_ =	shalt  }
.Lfunc_end0:
.L_simem_size_0:
called_computation.1_lowered:
.L_overlay_start_0:
0x88: {  	s2 =	sld [smem:$0x3FD9]  }
0x89: {  	s3 =	sld [smem:$0x3FFE];
	_ =	sdelay $0x1  }
0x8a: {  	s1 =	srdreg.scid  }
0x8b: {  	s0 =	sand.u32 $0x1, s1  }
0x8c: {  	s16 =	sshll.u32 s0, $0xA;
	s2 =	sadd.s32 s3, s2  }
0x8d: {  	s2 =	sadd.s32 s2, s16  }
0x8e: {  	[smem:$0x3FAF] =	sst s2  }
0x8f: {  	_ = 	snop  }
0x90: {  	(tm) =	ssettm $0x1  }
0x91: {  	s17 =	sld [smem:$0x3FFB];
	_ =	sdelay $0x3  }
0x92: {  	_ =	strace s17  }
0x93: {  	s2 =	sld [smem:$0x3FFC];
	_ =	sdelay $0x3  }
0x94: {  	_ =	strace s2  }
0x95: {  	s2 =	sld [smem:$0x3FFD];
	_ =	sdelay $0x3  }
0x96: {  	_ =	strace s2  }
0x97: {  	_ =	strace $0x8FFFFFFF  }
0x98: {  	s18 =	sld [smem:$0x3FDB];
	_ =	sdelay $0x1  }
0x99: {  	s19 =	simm.s32 $_scs_section_size  }
0x9a: {  	s4 =	simm.s32 $_size__tile_overlayer_lowered;
	s5 =	simm.s32 $_tile_overlayer_lowered  }
0x9b: {  	s22 =	simm.s32 $0x1BFF;
	s21 =	sshll.u32 s5, $0x1;
	s2 =	sadd.s32 s19, s18  }
0x9c: {  	s6 =	simm.s32 $0x0;
	s20 =	sshll.u32 s4, $0x1;
	s4 =	sadd.s32 s21, s2  }
0x9d: {  	[timem:s6], [sflag:s22] =	dma.local [hbm:s4], s20  }
0x9e: {  	_ =	swait.ge [sflag:s22], s20  }
0x9f: {  	s3 =	ssub.s32 $0x0, s20;
	[sflag:s22] =	ssyncset.done $0x0  }
0xa0: {  	[sflag:s22] =	ssyncadd.s32 s3;
	_ =	sdelay $0x1  }
0xa1: {  	s23 =	simm.s32 $0x1B8B  }
0xa2: {  	_ =	swait.ge [sflag:s23], $0x1  }
0xa3: {  	[sflag:s23] =	ssyncset.done $0x0  }
0xa4: {  	s25 =	simm.s32 $0x1B8E;
	s24 =	sld [smem:$0x3FFE];
	[sflag:s23] =	ssyncadd.s32 $0xFFFFFFFF  }
0xa5: {  	s26 =	simm.s32 $execute0_lowered;
	[smem:$0x3FD2] =	sst s25  }
0xa6: {  	s4 =	sshll.u32 s26, $0x1;
	_ =	strace $0x80000049;
	[dreg:$0x1] =	wrdreg $0xFFFFFFFF  }
0xa7: {  	s28 =	simm.s32 $_size_execute0_lowered;
	s2 =	sadd.s32 s2, s4;
	[dreg:$0x0] =	wrdreg $0x0  }
0xa8: {  	s4 =	sshll.u32 s28, $0x1;
	[dreg:$0x2] =	wrdreg s2  }
0xa9: {  	[dreg:$0x3] =	wrdreg s4  }
0xaa: {  	[dreg:$0x4] =	wrdreg $0xC0  }
0xab: {  	_ =	task [dreg:s6], $0x5FFFF  }
0xac: {  	[dreg:$0x1] =	wrdreg $0xFFFFFFFF  }
0xad: {  	[dreg:$0x0] =	wrdreg $0x60  }
0xae: {  	[dreg:$0x2] =	wrdreg s24  }
0xaf: {  	[dreg:$0x3] =	wrdreg $0x9  }
0xb0: {  	_ =	task.clear_ibuf [dreg:s6], $0x4FFFF;
	_ =	strace $0x90000049  }
0xb1: {  	s29 =	simm.s32 $0x9;
	_ =	strace $0x8000004B  }
0xb2: {  	_ =	swait.ge [sflag:s29], $0x1  }
0xb3: {  	[sflag:s29] =	ssyncadd.s32 $0xFFFFFFFF  }
0xb4: {  	_ =	strace $0x9000004B  }
0xb5: {  	_ =	sfence  }
0xb6: {  	s30 =	sld [smem:$0x0];
	_ =	sdelay $0x2  }
0xb7: {  	s31 =	sshll.u32 s1, $0xD;
	s1 =	sshrl.u32 s1, $0x2  }
0xb8: {  	s3 =	sand.u32 $0x4000, s31;
	s1 =	sadd.s32 s1, s30  }
0xb9: {  	s0 =	sor.u32 s3, s0;
	s1 =	sshll.u32 s1, $0x11  }
0xba: {  	s0 =	sor.u32 s1, s0  }
0xbb: {  	s0 =	sadd.s32 $0x8F2B, s0  }
0xbc: {  	[sflag:s0] =	ssyncadd.remote.s32 $0x1  }
0xbd: {  	_ =	sfence.sel $0xFFFF  }
0xbe: {  	[dreg:$0x0] =	wrdreg $0xFFFFFFFF;
	(pc) =	sbr.abs _section_cstart, $3  }
0xbf: {  	[dreg:$0x1] =	wrdreg $0xFFFFFFFF  }
0xc0: {  	_ =	task.clear_ibuf [dreg:s6], $0x2FFFF;
	_ =	strace $0x9FFFFFFF  }
0xc1: {  	(tm) =	ssettm $0x7FFFFFFF  }
tec
execute0_lowered:
.L_overlay_start_1:
0x0: {  	(tag) =	ssettag $0x1  }
0x1: {  	s0 =	srdreg.scid;
	s5 =	rddreg [dreg:$0x0]  }
0x2: {  	s1 =	stileid.u32;
	s6 =	simm.s32 $0x1;
	s9 =	simm.s32 $0x1  }
0x3: {  	s10 =	simm.s32 $0x3;
	s13 =	simm.s32 $0x0;
	s2 =	sshll.u32 s0, $0x9  }
0x4: {  	s12 =	simm.s32 $0x0;
	s3 =	sshll.u32 s1, $0xA;
	s2 =	sand.u32 $0x200, s2  }
0x5: {  	s0 =	rddreg [dreg:$0x1];
	_ =	strace $0x8000004A;
	s2 =	sor.u32 s3, s2  }
0x6: {  	s4 =	sadd.s32 $0x10A00, s5;
	[sflag:s6] =	ssyncpa.u1 $0x0;
	s8 =	ssub.s32 $0x8000, s2  }
.Ltmp0:
0x7: {  	s3 =	sadd.s32 $0x13A00, s5;
	s7 =	sand.u32 $0x3E00, s8;
	(pc) =	sbr.rel .LBB2_1-.Ltmp0, $4  }
0x8: {  	s5 =	sadd.s32 $0x11A00, s5;
	s11 =	smov.u32 s2;
	p0 =	sne.s32 s7, $0x0  }
0x9: {  	s8 =	sshrl.u32 s8, $0xE;
	s7 =	simm.s32 $0x2;
	s9 =	simm.s32 @!p0 $0x0  }
0xa: {  	[sflag:s7] =	ssyncpa.u1 $0x0;
	p0 =	por $0x0, $0x0;
	s8 =	sadd.s32 s9, s8  }
0xb: {  	vm0 =	vmmov $0xffff;
	[sflag:s10] =	ssyncpa.u1 $0x0;
	s10 =	simm.s32 $0x0;
	s9 =	sadd.s32 $0x1, s8  }
.LBB2_4:
0xc: {  	v2 =	vnsel vm1, $0x0, v2  }
0xd: {  	vm1 =	vgt.s32 v0, $0x0;
	v2 =	vmin.u32 v2, $0x3FFFFF  }
0xe: {  	v0 =	vnsel vm1, $0x0, v0  }
0xf: {  	v0 =	vmin.u32 v0, $0x3FFFFF  }
0x10: {  	[tilespmem:s15], [sflag:$0x1] =	stream.indirect_vreg.gather [hbm4b:s3+s10], $0x1, v1, vm0, $0x4038;
	[tilespmem:$0x800] =	vst v63  }
0x11: {  	(ifvalue) =	ssetifvalue $0x7FFFFFFF  }
0x12: {  	[tilespmem:s16], [sflag:$0x1] =	stream.indirect_vreg.gather [hbm4b:s3+s10], $0x1, v2, vm0, $0x4038;
	[tilespmem:$0x800] =	vst v63  }
0x13: {  	s29 =	sadd.s32 $0x10, s16;
	(ifvalue) =	ssetifvalue $0x7FFFFFFF  }
0x14: {  	[tilespmem:s29], [sflag:$0x1] =	stream.indirect_vreg.gather [hbm4b:s3+s10], $0x1, v0, vm0, $0x4038;
	[tilespmem:$0x800] =	vst v63  }
0x15: {  	_ =	swait.ge [sflag:s6], $0x200  }
0x16: {  	s30 =	sshrl.u32 s13, $0x3;
	[sflag:s6] =	ssyncset.done $0x0  }
0x17: {  	s31 =	sand.u32 $0x7, s13;
	s15 =	sadd.s32 s5, s30;
	[sflag:s6] =	ssyncadd.s32 $0xFFFFFE00  }
0x18: {  	[hbm4b:s15+s31] =	stream.linear.scatter [tilespmem:s14], [sflag:$0x3], $0x200, $0x38;
	[tilespmem:$0x800] =	vst v63  }
.LBB2_5:
0x19: {  	s15 =	sadd.s32 $0x4000, s11  }
0x1a: {  	p2 =	sgt.s32 s15, $0x7FFF  }
0x1b: {  	s15 =	smov.u32 @p2 s2;
	p2 =	sne.s32 s12, s9  }
.Ltmp1:
0x1c: {  	p1 =	slt.u32 s12, $0x2;
	(pc) =	sbr.rel @!p2 .LBB2_6-.Ltmp1, $4  }
0x1d: {  	s14 =	simm.s32 @!p1 $0x3  }
0x1e: {  	s16 =	sadd.s32 $0x1, s12;
	_ =	swait.ge @!p1 [sflag:s14], $0x200  }
0x1f: {  	s13 =	smov.u32 s11;
	p0 =	por !p0, !p0;
	[sflag:s14] =	ssyncset.done @!p1 $0x0  }
0x20: {  	s12 =	smov.u32 s16;
	s11 =	smov.u32 s15;
	[sflag:s14] =	ssyncadd.s32 @!p1 $0xFFFFFE00  }
.LBB2_1:
0x21: {  	p1 =	sge.u32 s12, s8  }
0x22: {  	s14 =	sxor.u32 @!p1 $0xFFFFFFFF, s12  }
0x23: {  	s31 =	sadd.s32 $0xFFFFFFFF, s12;
	s15 =	sshrl.u32 @!p1 s11, $0x3;
	s14 =	sshll.u32 @!p1 s14, $0x9  }
0x24: {  	s16 =	sand.u32 @!p1 $0x7, s11;
	s15 =	sadd.s32 @!p1 s4, s15;
	s14 =	sand.u32 @!p1 $0x200, s14  }
0x25: {  	[tilespmem:s14], [sflag:$0x2] =	stream.linear.gather @!p1 [hbm4b:s15+s16], $0x200, $0x38;
	[tilespmem:$0x800] =	vst v63  }
0x26: {  	p1 =	sge.u32 s31, s8  }
.Ltmp2:
0x27: {  	_ = 	snop;
	(pc) =	sbr.rel @p1 .LBB2_5-.Ltmp2, $1  }
0x28: {  	_ =	sdelay $0x3  }
0x29: {  	s14 =	simm.s32 $0x1  }
0x2a: {  	_ =	swait.ge [sflag:s7], $0x200;
	s14 =	simm.s32 @!p0 $0x0  }
0x2b: {  	[sflag:s7] =	ssyncset.done $0x0;
	s14 =	sshll.u32 s14, $0x9  }
0x2c: {  	[sflag:s7] =	ssyncadd.s32 $0xFFFFFE00;
	(ifvalue) =	ssetifvalue $0x7FFFFFFF;
	v0 =	vld.msk [tilespmem:s14+$0x0 ss:$0x1], $0xffff;
	_ =	sdelay $0x4  }
0x2d: {  	s15 =	sadd.s32 $0x10, s14;
	vm1 =	vgt.s32 v0, $0x0  }
0x2e: {  	v2 =	vld.msk [tilespmem:s15+$0x0 ss:$0x1], $0xffff;
	v1 =	vnsel vm1, $0x0, v0  }
0x2f: {  	v1 =	vmin.u32 v1, $0x3FFFFF;
	_ =	sdelay $0x1  }
0x30: {  	s16 =	sshll.u32 s12, $0x9;
	s18 =	simm.s32 $0x20  }
0x31: {  	s16 =	sand.u32 $0x200, s16;
	s17 =	sadd.s32 $0x10, s15;
	s15 =	sor.u32 $0x400, s14  }
0x32: {  	s14 =	sor.u32 $0x400, s16;
	s16 =	sadd.s32 $0x10, s15;
	v0 =	vld.msk [tilespmem:s17+$0x0 ss:$0x1], $0xffff;
	vm1 =	vgt.s32 v2, $0x0;
	(ifvalue) =	ssetifvalue $0x7FFFFFFF  }
.LBB2_3:
0x33: {  	[tilespmem:s15], [sflag:$0x1] =	stream.indirect_vreg.gather [hbm4b:s3+s10], $0x1, v1, vm0, $0x4038;
	[tilespmem:$0x800] =	vst v63  }
0x34: {  	s18 =	sadd.s32 $0x10, s18  }
0x35: {  	v2 =	vnsel vm1, $0x0, v2;
	p1 =	slt.u32 s18, $0x1F0  }
.Ltmp3:
0x36: {  	s15 =	smov.u32 s16;
	v1 =	vmin.u32 v2, $0x3FFFFF;
	(pc) =	sbr.rel @p1 .LBB2_3-.Ltmp3, $3  }
0x37: {  	_ =	sdelay $0x1  }
0x38: {  	s17 =	sadd.s32 $0x10, s17  }
0x39: {  	vm1 =	vgt.s32 v0, $0x0;
	s16 =	sadd.s32 $0x10, s16;
	v2 =	vmov v0;
	(ifvalue) =	ssetifvalue $0x7FFFFFFF;
	v0 =	vld.msk [tilespmem:s17+$0x0 ss:$0x1], $0xffff  }
.Ltmp4:
0x3a: {  	_ = 	snop;
	(pc) =	sbr.rel .LBB2_4-.Ltmp4, $1  }
0x3b: {  	_ =	sdelay $0x3  }
.LBB2_6:
0x3c: {  	_ =	sfence.sel $0x180000  }
0x3d: {  	s2 =	simm.s32 $0x2;
	[bflag:$0x0] =	sbarrier.arrive $0xFFFF  }
0x3e: {  	s30 =	simm.s32 $0x3;
	[sflag:s2] =	ssyncpa.u1 $0x1  }
0x3f: {  	s31 =	simm.s32 $0x1;
	[sflag:s30] =	ssyncpa.u1 $0x1  }
0x40: {  	[sflag:s31] =	ssyncpa.u1 $0x1  }
0x41: {  	p0 =	sne.s32 s1, $0x0;
	_ =	strace $0x9000004A  }
0x42: {  	s0 =	sadd.s32 @!p0 $0x100000, s0;
	[bflag:$0x2] =	sbarrier.arrive $0xFFFF  }
0x43: {  	[sflag:s0] =	ssyncadd.tile.s32 @!p0 $0x1;
	_ =	shalt  }
.Lfunc_end2:
_tile_overlayer_lowered:
.L_overlay_start_2:
0x44: {  	(tag) =	ssettag $0x2  }
0x45: {  	s0 =	rddreg [dreg:$0x0];
	s2 =	stileid.u32  }
0x46: {  	s1 =	rddreg [dreg:$0x1];
	p0 =	sne.s32 s2, $0x0  }
0x47: {  	s3 =	rddreg [dreg:$0x2];
	[bflag:$0x3] =	sbarrier.arrive $0xFFFF;
	s2 =	simm.s32 @!p0 $0x1C01  }
0x48: {  	[timem:s3], [sflag:s2] =	dma.local @!p0 [hbm:s0], s1  }
0x49: {  	s0 =	simm.s32 @!p0 $0x1  }
0x4a: {  	_ =	swait.ge @!p0 [sflag:s0], s1  }
0x4b: {  	s1 =	ssub.s32 @!p0 $0x0, s1;
	[sflag:s0] =	ssyncset.done @!p0 $0x0  }
0x4c: {  	[sflag:s0] =	ssyncadd.s32 @!p0 s1  }
0x4d: {  	[bflag:$0x3] =	sbarrier.arrive $0xFFFF  }
0x4e: {  	_ =	shalt  }

// kernel: kernel.11.cloned.1.call-start
scs
__scs_entry_jumppad:
0x0: {  	(pc) =	sbr.rel $0x88, $3  }
0x1: {  	(tag) =	ssettag $0x0;
	lr =	simm.s32 $0x1  }
0x2: {  	[smem:$0x3F88] =	sst lr;
	_ =	strace $0xD0000000  }
0x3: {  	_ = 	snop  }
0x4: {  	_ = 	snop  }
0x5: {  	_ = 	snop  }
0x6: {  	_ = 	snop  }
0x7: {  	_ = 	snop  }
__scs_overlays_trampoline_lowered:
0x8: {  	[smem:$0x3F97] =	sst s0  }
0x9: {  	[smem:$0x3F98] =	sst s1  }
0xa: {  	[smem:$0x3F99] =	sst s2  }
0xb: {  	[smem:$0x3F9A] =	sst s3  }
0xc: {  	[smem:$0x3F9B] =	sst s4  }
0xd: {  	[smem:$0x3F9C] =	sst s5  }
0xe: {  	[smem:$0x3F9D] =	sst s6  }
0xf: {  	[smem:$0x3F9E] =	sst s7  }
0x10: {  	[smem:$0x3F9F] =	sst s8  }
0x11: {  	[smem:$0x3FA0] =	sst s9;
	s0 =	simm.s32 @!p0 $0x0  }
0x12: {  	s1 =	sld [smem:$0x3F86];
	s0 =	simm.s32 @p0 $0x1  }
0x13: {  	[smem:$0x3FA1] =	sst s0;
	s0 =	simm.s32 @!p1 $0x0  }
0x14: {  	s2 =	sld [smem:$0x3F85];
	s0 =	simm.s32 @p1 $0x1  }
0x15: {  	[smem:$0x3FA2] =	sst s0;
	s0 =	simm.s32 @!p2 $0x0  }
0x16: {  	s3 =	sld [smem:$0x3FDB];
	s0 =	simm.s32 @p2 $0x1  }
0x17: {  	s4 =	simm.s32 $0x1BF5;
	[smem:$0x3FA4] =	sst s0  }
0x18: {  	s0 =	sld [smem:$0x3F87];
	_ =	swait.ge [sflag:s4], $0x0  }
0x19: {  	s7 =	sld [smem:$0x3F88]  }
0x1a: {  	s8 =	sadd.s32 $0xFFFFE003, lr  }
0x1b: {  	s9 =	sadd.s32 $0xFFFFFEF7, lr;
	s5 =	simm.s32 $0xFFFFFFFF;
	p2 =	slt.u32 s8, $0xFFFFF086  }
0x1c: {  	p1 =	slt.u32 s9, $0xF7A;
	s5 =	simm.s32 @!p2 $0x0  }
0x1d: {  	s5 =	simm.s32 @p1 $0x1;
	p0 =	seq.s32 s7, s2  }
0x1e: {  	s7 =	smul.u32 @!p0 $0xF7A, s2;
	p2 =	seq.s32 @!p0 s5, $0x0  }
0x1f: {  	s9 =	smul.u32 $0xF7A, s1;
	s8 =	simm.s32 @!p0 $0x1BF5;
	p2 =	por !p2, p0  }
0x20: {  	[sflag:s8] =	ssyncset.s32 @!p0 $0xFFFFF086;
	s6 =	sadd.s32 @!p0 s3, s7;
	s7 =	simm.s32 @!p0 $0x108  }
0x21: {  	s3 =	sadd.s32 s3, s9;
	s6 =	sadd.s32 @!p0 $0x88, s6;
	s7 =	simm.s32 @p2 $0x1082  }
0x22: {  	[simem:s7], [sflag:s8] =	dma.local @!p0 [hbm:s6], $0xF7A  }
0x23: {  	s9 =	sor.u32 $0xD0000000, s2;
	s6 =	simm.s32 $0x108;
	_ =	swait.ge @!p0 [sflag:s8], $0x0  }
0x24: {  	s3 =	sadd.s32 $0x88, s3;
	s6 =	simm.s32 @!p1 $0x1082;
	[sflag:s4] =	ssyncset.s32 $0xFFFFF086  }
0x25: {  	[simem:s6], [sflag:s4] =	dma.local [hbm:s3], $0xF7A  }
0x26: {  	[smem:$0x3F88] =	sst s1;
	(tag) =	ssettag s2;
	_ =	strace s9  }
0x27: {  	s1 =	sld [smem:$0x3F98]  }
0x28: {  	s2 =	sld [smem:$0x3F99]  }
0x29: {  	s4 =	sld [smem:$0x3F9B]  }
0x2a: {  	p0 =	seq.s32 s5, $0x0;
	s5 =	sld [smem:$0x3F9C]  }
0x2b: {  	s6 =	sld [smem:$0x3F9D]  }
0x2c: {  	s7 =	sld [smem:$0x3F9E]  }
0x2d: {  	s3 =	simm.s32 $0x108;
	s8 =	sld [smem:$0x3F9F]  }
0x2e: {  	s3 =	simm.s32 @!p0 $0x1082;
	s9 =	sld [smem:$0x3FA0]  }
0x2f: {  	lr =	sadd.s32 s0, s3;
	s0 =	sld [smem:$0x3F97]  }
0x30: {  	s3 =	sld [smem:$0x3F9A]  }
0x31: {  	[smem:$0x3FA3] =	sst s10  }
0x32: {  	s10 =	sld [smem:$0x3FA1];
	_ =	sdelay $0x3  }
0x33: {  	p0 =	seq.s32 s10, $0x1;
	s10 =	sld [smem:$0x3FA3];
	_ =	sdelay $0x3  }
0x34: {  	[smem:$0x3FA3] =	sst s10  }
0x35: {  	s10 =	sld [smem:$0x3FA2];
	_ =	sdelay $0x3  }
0x36: {  	p1 =	seq.s32 s10, $0x1;
	s10 =	sld [smem:$0x3FA3];
	_ =	sdelay $0x3  }
0x37: {  	[smem:$0x3FA3] =	sst s10  }
0x38: {  	s10 =	sld [smem:$0x3FA4]  }
0x39: {  	_ = 	snop;
	(pc) =	sbr.ind lr, $3  }
0x3a: {  	_ = 	snop  }
0x3b: {  	_ = 	snop  }
0x3c: {  	p2 =	seq.s32 s10, $0x1;
	s10 =	sld [smem:$0x3FA3]  }
0x3d: {  	_ =	shalt  }
0x3e: {  	_ =	shalt  }
0x3f: {  	_ =	shalt  }
0x40: {  	_ =	shalt  }
0x41: {  	_ =	shalt  }
0x42: {  	_ =	shalt  }
0x43: {  	_ =	shalt  }
0x44: {  	_ =	shalt  }
0x45: {  	_ =	shalt  }
0x46: {  	_ =	shalt  }
0x47: {  	_ =	shalt  }
0x48: {  	_ =	shalt  }
0x49: {  	_ =	shalt  }
0x4a: {  	_ =	shalt  }
0x4b: {  	_ =	shalt  }
0x4c: {  	_ =	shalt  }
0x4d: {  	_ =	shalt  }
0x4e: {  	_ =	shalt  }
0x4f: {  	_ =	shalt  }
0x50: {  	_ =	shalt  }
0x51: {  	_ =	shalt  }
0x52: {  	_ =	shalt  }
0x53: {  	_ =	shalt  }
0x54: {  	_ =	shalt  }
0x55: {  	_ =	shalt  }
0x56: {  	_ =	shalt  }
0x57: {  	_ =	shalt  }
0x58: {  	_ =	shalt  }
0x59: {  	_ =	shalt  }
0x5a: {  	_ =	shalt  }
0x5b: {  	_ =	shalt  }
0x5c: {  	_ =	shalt  }
0x5d: {  	_ =	shalt  }
0x5e: {  	_ =	shalt  }
0x5f: {  	_ =	shalt  }
0x60: {  	_ =	shalt  }
0x61: {  	_ =	shalt  }
0x62: {  	_ =	shalt  }
0x63: {  	_ =	shalt  }
0x64: {  	_ =	shalt  }
0x65: {  	_ =	shalt  }
0x66: {  	_ =	shalt  }
0x67: {  	_ =	shalt  }
0x68: {  	_ =	shalt  }
0x69: {  	_ =	shalt  }
0x6a: {  	_ =	shalt  }
0x6b: {  	_ =	shalt  }
0x6c: {  	_ =	shalt  }
0x6d: {  	_ =	shalt  }
0x6e: {  	_ =	shalt  }
0x6f: {  	_ =	shalt  }
0x70: {  	_ =	shalt  }
0x71: {  	_ =	shalt  }
0x72: {  	_ =	shalt  }
0x73: {  	_ =	shalt  }
0x74: {  	_ =	shalt  }
0x75: {  	_ =	shalt  }
0x76: {  	_ =	shalt  }
0x77: {  	_ =	shalt  }
0x78: {  	_ =	shalt  }
0x79: {  	_ =	shalt  }
0x7a: {  	_ =	shalt  }
0x7b: {  	_ =	shalt  }
0x7c: {  	_ =	shalt  }
0x7d: {  	_ =	shalt  }
0x7e: {  	_ =	shalt  }
0x7f: {  	_ =	shalt  }
0x80: {  	_ =	shalt  }
0x81: {  	_ =	shalt  }
0x82: {  	_ =	shalt  }
0x83: {  	_ =	shalt  }
0x84: {  	_ =	shalt  }
0x85: {  	_ =	shalt  }
0x86: {  	_ =	shalt  }
0x87: {  	_ =	shalt  }
.Lfunc_end0:
.L_simem_size_0:
called_computation.4_lowered:
.L_overlay_start_0:
0x88: {  	s2 =	sld [smem:$0x3FD9]  }
0x89: {  	s3 =	sld [smem:$0x3FFE];
	_ =	sdelay $0x1  }
0x8a: {  	s1 =	srdreg.scid  }
0x8b: {  	s0 =	sand.u32 $0x1, s1  }
0x8c: {  	s17 =	sshll.u32 s0, $0xA;
	s2 =	sadd.s32 s3, s2  }
0x8d: {  	s2 =	sadd.s32 s2, s17  }
0x8e: {  	[smem:$0x3FAF] =	sst s2  }
0x8f: {  	_ = 	snop  }
0x90: {  	s2 =	sld [smem:$0x3FC7];
	(tm) =	ssettm $0x1  }
0x91: {  	s18 =	sld [smem:$0x3FFB];
	_ =	sdelay $0x3  }
0x92: {  	_ =	strace s18  }
0x93: {  	s3 =	sld [smem:$0x3FFC];
	_ =	sdelay $0x3  }
0x94: {  	_ =	strace s3  }
0x95: {  	s3 =	sld [smem:$0x3FFD];
	_ =	sdelay $0x3  }
0x96: {  	_ =	strace s3  }
0x97: {  	_ =	strace $0x8FFFFFFF  }
0x98: {  	s19 =	sld [smem:$0x3FDB];
	_ =	sdelay $0x1  }
0x99: {  	s4 =	simm.s32 $_scs_section_size  }
0x9a: {  	s5 =	simm.s32 $_size__tile_overlayer_lowered;
	s6 =	simm.s32 $_tile_overlayer_lowered  }
0x9b: {  	s22 =	simm.s32 $0x1BFF;
	s21 =	sshll.u32 s6, $0x1;
	s3 =	sadd.s32 s4, s19  }
0x9c: {  	s7 =	simm.s32 $0x0;
	s20 =	sshll.u32 s5, $0x1;
	s5 =	sadd.s32 s21, s3  }
0x9d: {  	[timem:s7], [sflag:s22] =	dma.local [hbm:s5], s20  }
0x9e: {  	_ =	swait.ge [sflag:s22], s20  }
0x9f: {  	s4 =	ssub.s32 $0x0, s20;
	[sflag:s22] =	ssyncset.done $0x0  }
0xa0: {  	[sflag:s22] =	ssyncadd.s32 s4;
	_ =	sdelay $0x1  }
0xa1: {  	s23 =	simm.s32 $0x1B8B  }
0xa2: {  	_ =	swait.ge [sflag:s23], $0x1  }
0xa3: {  	[sflag:s23] =	ssyncset.done $0x0  }
0xa4: {  	s25 =	simm.s32 $0x1B8E;
	s24 =	sld [smem:$0x3FFE];
	[sflag:s23] =	ssyncadd.s32 $0xFFFFFFFF  }
0xa5: {  	s26 =	simm.s32 $execute0_lowered;
	[smem:$0x3FD2] =	sst s25  }
0xa6: {  	s5 =	sshll.u32 s26, $0x1;
	_ =	strace $0x80000052;
	[dreg:$0x1] =	wrdreg $0xFFFFFFFF  }
0xa7: {  	s28 =	simm.s32 $_size_execute0_lowered;
	s3 =	sadd.s32 s3, s5;
	[dreg:$0x0] =	wrdreg $0x0  }
0xa8: {  	s5 =	sshll.u32 s28, $0x1;
	[dreg:$0x2] =	wrdreg s3  }
0xa9: {  	[dreg:$0x3] =	wrdreg s5  }
0xaa: {  	[dreg:$0x4] =	wrdreg $0xC0  }
0xab: {  	_ =	task [dreg:s7], $0x5FFFF  }
0xac: {  	[dreg:$0x1] =	wrdreg $0xFFFFFFFF  }
0xad: {  	[dreg:$0x0] =	wrdreg $0x60  }
0xae: {  	[dreg:$0x2] =	wrdreg s2  }
0xaf: {  	[dreg:$0x3] =	wrdreg s24  }
0xb0: {  	[dreg:$0x4] =	wrdreg $0x118000  }
0xb1: {  	[dreg:$0x5] =	wrdreg $0x9  }
0xb2: {  	_ =	task.clear_ibuf [dreg:s7], $0x6FFFF;
	_ =	strace $0x90000052  }
0xb3: {  	s29 =	simm.s32 $0x9;
	_ =	strace $0x80000054  }
0xb4: {  	_ =	swait.ge [sflag:s29], $0x1  }
0xb5: {  	[sflag:s29] =	ssyncadd.s32 $0xFFFFFFFF  }
0xb6: {  	_ =	strace $0x90000054  }
0xb7: {  	_ =	sfence  }
0xb8: {  	s30 =	sld [smem:$0x0];
	_ =	sdelay $0x2  }
0xb9: {  	s31 =	sshll.u32 s1, $0xD;
	s1 =	sshrl.u32 s1, $0x2  }
0xba: {  	s3 =	sand.u32 $0x4000, s31;
	s1 =	sadd.s32 s1, s30  }
0xbb: {  	s0 =	sor.u32 s3, s0;
	s1 =	sshll.u32 s1, $0x11  }
0xbc: {  	s0 =	sor.u32 s1, s0  }
0xbd: {  	s0 =	sadd.s32 $0x8F2B, s0  }
0xbe: {  	[sflag:s0] =	ssyncadd.remote.s32 $0x1  }
0xbf: {  	_ =	sfence.sel $0xFFFF  }
0xc0: {  	[dreg:$0x0] =	wrdreg $0xFFFFFFFF;
	(pc) =	sbr.abs _section_cstart, $3  }
0xc1: {  	[dreg:$0x1] =	wrdreg $0xFFFFFFFF  }
0xc2: {  	_ =	task.clear_ibuf [dreg:s7], $0x2FFFF;
	_ =	strace $0x9FFFFFFF  }
0xc3: {  	(tm) =	ssettm $0x7FFFFFFF  }
tec
execute0_lowered:
.L_overlay_start_1:
0x0: {  	(tag) =	ssettag $0x1  }
0x1: {  	s6 =	rddreg [dreg:$0x0]  }
0x2: {  	s7 =	rddreg [dreg:$0x1]  }
0x3: {  	s2 =	rddreg [dreg:$0x2]  }
0x4: {  	s0 =	rddreg [dreg:$0x3]  }
0x5: {  	s4 =	srdreg.scid;
	s3 =	simm.s32 $0x0;
	s1 =	stileid.u32  }
0x6: {  	s14 =	simm.s32 $0x1000;
	s15 =	simm.s32 $0x1400;
	s16 =	simm.s32 $0x200  }
0x7: {  	s17 =	simm.s32 $0x800;
	s18 =	simm.s32 $0x1800;
	s19 =	simm.s32 $0x1  }
0x8: {  	s20 =	simm.s32 $0x400;
	s21 =	simm.s32 $0xA00;
	s22 =	simm.s32 $0x600  }
0x9: {  	s8 =	sand.u32 $0x1, s4;
	[smem:$0x7FF] =	sst s3;
	s5 =	sshll.u32 s1, $0x7  }
0xa: {  	s31 =	sshll.u32 s1, $0xE;
	s24 =	sshll.u32 s1, $0xB;
	s4 =	sshll.u32 s8, $0xB  }
0xb: {  	_ =	strace $0x80000053;
	s11 =	ssub.s32 $0x2, s8;
	s8 =	sshll.u32 s8, $0xF  }
0xc: {  	v0 =	vimm.s32 $0x0;
	s9 =	sor.u32 s5, s4;
	s4 =	sadd.s32 $0x5400, s7;
	s5 =	sadd.s32 $0x4C00, s7  }
0xd: {  	v1 =	vimm.s32 $0x1;
	v2 =	vimm.s32 $0x2;
	v3 =	vimm.s32 $0x3;
	s12 =	sshrl.u32 s11, $0x1;
	s13 =	sadd.s32 s8, s7;
	s10 =	sadd.s32 s9, s7  }
0xe: {  	v4 =	vimm.s32 $0x4;
	v5 =	vimm.s32 $0x5;
	v6 =	vimm.s32 $0x6;
	s11 =	ssub.s32 s11, s12;
	s6 =	sadd.s32 s6, s9;
	s23 =	sadd.s32 $0x11A00, s13  }
0xf: {  	v7 =	vimm.s32 $0x7;
	v8 =	vimm.s32 $0x8;
	v9 =	vimm.s32 $0x9;
	s12 =	simm.s32 $0x2;
	s13 =	simm.s32 $0xC00;
	s7 =	sadd.s32 $0x2C00, s10  }
0x10: {  	v10 =	vimm.s32 $0xA;
	v11 =	vimm.s32 $0xB;
	v12 =	vimm.s32 $0xC;
	s8 =	sadd.s32 $0x10A00, s10;
	s9 =	sadd.s32 $0x3C00, s10;
	s10 =	sadd.s32 s31, s2  }
0x11: {  	v13 =	vimm.s32 $0xD;
	v14 =	vimm.s32 $0xE;
	v15 =	vimm.s32 $0xF;
	s11 =	smax.u32 s11, $0x1;
	s23 =	sadd.s32 s24, s23;
	s24 =	simm.s32 $0x0  }
.LBB2_1:
0x12: {  	[tilespmem:s3], [sflag:$0x2] =	stream.linear.gather [hbm4b:s6+s3], $0x400, $0x38;
	[tilespmem:$0x15800] =	vst v63  }
0x13: {  	_ =	swait.ge [sflag:s12], $0x400  }
0x14: {  	[sflag:s12] =	ssyncset.done $0x0  }
0x15: {  	[sflag:s12] =	ssyncadd.s32 $0xFFFFFC00  }
0x16: {  	[tilespmem:s13], [sflag:$0x2] =	stream.linear.gather [hbm4b:s7+s3], $0x400, $0x38;
	[tilespmem:$0x15800] =	vst v63  }
0x17: {  	_ =	swait.ge [sflag:s12], $0x400  }
0x18: {  	[sflag:s12] =	ssyncset.done $0x0  }
0x19: {  	[sflag:s12] =	ssyncadd.s32 $0xFFFFFC00  }
0x1a: {  	[tilespmem:s14], [sflag:$0x2] =	stream.linear.gather [hbm4b:s8+s3], $0x400, $0x38;
	[tilespmem:$0x15800] =	vst v63  }
0x1b: {  	_ =	swait.ge [sflag:s12], $0x400  }
0x1c: {  	[sflag:s12] =	ssyncset.done $0x0  }
0x1d: {  	[sflag:s12] =	ssyncadd.s32 $0xFFFFFC00  }
0x1e: {  	[tilespmem:s15], [sflag:$0x2] =	stream.linear.gather [hbm4b:s9+s3], $0x400, $0x38;
	[tilespmem:$0x15800] =	vst v63  }
0x1f: {  	_ =	swait.ge [sflag:s12], $0x400  }
0x20: {  	[sflag:s12] =	ssyncset.done $0x0  }
0x21: {  	s25 =	simm.s32 $0x0;
	[sflag:s12] =	ssyncadd.s32 $0xFFFFFC00  }
0x22: {  	v16 =	vld [tilespmem:s25+$0x1000]  }
0x23: {  	v17 =	vld [tilespmem:s25+$0x1400];
	_ =	sdelay $0x1  }
0x24: {  	v18 =	vld [tilespmem:s25+$0xC00];
	_ =	sdelay $0x2  }
0x25: {  	v17 =	vadd.f32 v17, v16  }
0x26: {  	s26 =	simm.s32 $0x10  }
0x27: {  	s28 =	simm.s32 $0x80;
	v16 =	vld [tilespmem:s26+$0x1000];
	v17 =	vmul.f32 v17, v18  }
.LBB2_2:
0x28: {  	p0 =	sne.s32 s28, $0xFC0;
	v18 =	vld [tilespmem:s26+$0x1400]  }
0x29: {  	[tilespmem:s25+$0xC00] =	vst v17;
	s25 =	smov.u32 s26  }
0x2a: {  	v17 =	vld [tilespmem:s25+$0xC00]  }
.Ltmp0:
0x2b: {  	(pc) =	sbr.rel @p0 .LBB2_2-.Ltmp0, $4  }
0x2c: {  	_ = 	snop  }
0x2d: {  	v18 =	vadd.f32 v18, v16  }
0x2e: {  	s26 =	sshra.s32 s28, $0x2  }
0x2f: {  	s28 =	sadd.s32 $0x40, s28;
	v16 =	vld [tilespmem:s26+$0x1000];
	v17 =	vmul.f32 v18, v17  }
0x30: {  	v18 =	vld [tilespmem:s26+$0x1400]  }
0x31: {  	[tilespmem:s25+$0xC00] =	vst v17  }
0x32: {  	v17 =	vld [tilespmem:s26+$0xC00];
	_ =	sdelay $0x2  }
0x33: {  	v16 =	vadd.f32 v18, v16;
	_ =	sdelay $0x1  }
0x34: {  	v16 =	vmul.f32 v16, v17;
	_ =	sdelay $0x1  }
0x35: {  	[tilespmem:s26+$0xC00] =	vst v16;
	s26 =	simm.s32 $0x0  }
0x36: {  	v16 =	vld [tilespmem:s26+$0x0]  }
0x37: {  	s28 =	simm.s32 $0x40;
	s25 =	simm.s32 $0x0  }
.LBB2_4:
0x38: {  	p0 =	sne.s32 s28, $0x7C0  }
.Ltmp1:
0x39: {  	_ = 	snop;
	(pc) =	sbr.rel @p0 .LBB2_4-.Ltmp1, $4  }
0x3a: {  	_ = 	snop  }
0x3b: {  	s29 =	sshra.s32 s28, $0x2;
	s28 =	sadd.s32 $0x40, s28;
	v17 =	vshrl.u32 v16, $0xB;
	v18 =	vand.u32 $0x7FF, v16  }
0x3c: {  	v16 =	vld [tilespmem:s29+$0x0];
	[tilespmem:s26+$0x800] =	vst v18  }
0x3d: {  	[tilespmem:s26+$0x400] =	vst v17;
	s26 =	smov.u32 s29  }
0x3e: {  	_ =	sdelay $0x2  }
0x3f: {  	v17 =	vand.u32 $0x7FF, v16  }
0x40: {  	v16 =	vshrl.u32 v16, $0xB;
	[tilespmem:s26+$0x800] =	vst v17  }
0x41: {  	s25 =	sand.u32 $0x1F0, s25;
	[tilespmem:s26+$0x400] =	vst v16  }
0x42: {  	v16 =	vld [tilespmem:s25+$0x200];
	_ =	sdelay $0x4  }
0x43: {  	s26 =	simm.s32 $0x600;
	v17 =	vshrl.u32 v16, $0xB  }
0x44: {  	s28 =	simm.s32 $0x10;
	s25 =	simm.s32 $0xA00;
	v16 =	vand.u32 $0x7FF, v16;
	[tilespmem:s26+$0x0] =	vst v17  }
0x45: {  	s28 =	sand.u32 $0x1F0, s28;
	[tilespmem:s25+$0x0] =	vst v16  }
0x46: {  	v16 =	vld [tilespmem:s28+$0x200];
	s28 =	simm.s32 $0x20  }
.LBB2_6:
0x47: {  	p0 =	sne.s32 s28, $0x1F0;
	_ =	sdelay $0x2  }
.Ltmp2:
0x48: {  	(pc) =	sbr.rel @p0 .LBB2_6-.Ltmp2, $4  }
0x49: {  	s26 =	sadd.s32 $0x10, s26;
	v17 =	vshrl.u32 v16, $0xB;
	v16 =	vand.u32 $0x7FF, v16  }
0x4a: {  	s25 =	sadd.s32 $0x10, s25;
	[tilespmem:s26+$0x0] =	vst v17  }
0x4b: {  	s29 =	sand.u32 $0x1F0, s28;
	[tilespmem:s25+$0x0] =	vst v16  }
0x4c: {  	s28 =	sadd.s32 $0x10, s28;
	v16 =	vld [tilespmem:s29+$0x200]  }
0x4d: {  	_ =	sdelay $0x3  }
0x4e: {  	s26 =	sadd.s32 $0x10, s26;
	v17 =	vshrl.u32 v16, $0xB  }
0x4f: {  	s25 =	sadd.s32 $0x10, s25;
	s31 =	sshll.u32 s1, $0x6;
	v16 =	vand.u32 $0x7FF, v16;
	[tilespmem:s26+$0x0] =	vst v17  }
0x50: {  	s26 =	sshrl.u32 s10, $0x3;
	[tilespmem:s25+$0x0] =	vst v16;
	s25 =	sor.u32 $0x1C02, s31  }
0x51: {  	[spmem:s26], [sflag:s25] =	dma.local [hbm:s5], $0x800  }
0x52: {  	_ =	swait.ge [sflag:s12], $0x800  }
0x53: {  	[sflag:s12] =	ssyncset.done $0x0  }
0x54: {  	[sflag:s12] =	ssyncadd.s32 $0xFFFFF800  }
0x55: {  	[bflag:$0x0] =	sbarrier.arrive $0xFFFF  }
0x56: {  	[tilespmem:s18], [sflag:$0x1] =	stream.indirect.gather [hbm4b:s4+s16], $0x80, s17, s16, $0xb8;
	[tilespmem:$0x15800] =	vst v63  }
0x57: {  	_ =	swait.ge [sflag:s19], $0x10000  }
0x58: {  	[sflag:s19] =	ssyncset.done $0x0  }
0x59: {  	s28 =	simm.s32 $0x0;
	s29 =	simm.s32 $0x1C00;
	[sflag:s19] =	ssyncadd.s32 $0xFFFF0000  }
.LBB2_8:
0x5a: {  	s30 =	sshra.s32 s28, $0x2  }
0x5b: {  	v16 =	vld [tilespmem:s30+$0xC00];
	_ =	sdelay $0x1  }
0x5c: {  	v17 =	vld [tilespmem:s29+$0xFFFFFC00];
	_ =	sdelay $0x2  }
0x5d: {  	v18 =	vperm.xlane v16, v0;
	_ =	sdelay $0x1  }
0x5e: {  	v17 =	vmul.f32 v17, v18;
	_ =	sdelay $0x1  }
0x5f: {  	[tilespmem:s29+$0xFFFFFC00] =	vst v17;
	v17 =	vld [tilespmem:s29+$0xFFFFFC10];
	_ =	sdelay $0x4  }
0x60: {  	v17 =	vmul.f32 v17, v18;
	_ =	sdelay $0x1  }
0x61: {  	[tilespmem:s29+$0xFFFFFC10] =	vst v17;
	v17 =	vld [tilespmem:s29+$0xFFFFFC40];
	_ =	sdelay $0x4  }
0x62: {  	v17 =	vmul.f32 v17, v18;
	_ =	sdelay $0x1  }
0x63: {  	[tilespmem:s29+$0xFFFFFC40] =	vst v17;
	v17 =	vld [tilespmem:s29+$0xFFFFFC50];
	_ =	sdelay $0x4  }
0x64: {  	v17 =	vmul.f32 v17, v18;
	_ =	sdelay $0x1  }
0x65: {  	[tilespmem:s29+$0xFFFFFC50] =	vst v17;
	v17 =	vld [tilespmem:s29+$0xFFFFFC80];
	_ =	sdelay $0x2  }
0x66: {  	v50 =	vperm.xlane v16, v1;
	_ =	sdelay $0x1  }
0x67: {  	v17 =	vmul.f32 v17, v50;
	_ =	sdelay $0x1  }
0x68: {  	[tilespmem:s29+$0xFFFFFC80] =	vst v17;
	v17 =	vld [tilespmem:s29+$0xFFFFFC90];
	_ =	sdelay $0x4  }
0x69: {  	v17 =	vmul.f32 v17, v50;
	_ =	sdelay $0x1  }
0x6a: {  	[tilespmem:s29+$0xFFFFFC90] =	vst v17;
	v17 =	vld [tilespmem:s29+$0xFFFFFCC0];
	_ =	sdelay $0x4  }
0x6b: {  	v17 =	vmul.f32 v17, v50;
	_ =	sdelay $0x1  }
0x6c: {  	[tilespmem:s29+$0xFFFFFCC0] =	vst v17;
	v17 =	vld [tilespmem:s29+$0xFFFFFCD0];
	_ =	sdelay $0x4  }
0x6d: {  	v17 =	vmul.f32 v17, v50;
	_ =	sdelay $0x1  }
0x6e: {  	[tilespmem:s29+$0xFFFFFCD0] =	vst v17;
	v17 =	vld [tilespmem:s29+$0xFFFFFD00];
	_ =	sdelay $0x2  }
0x6f: {  	v51 =	vperm.xlane v16, v2;
	_ =	sdelay $0x1  }
0x70: {  	v17 =	vmul.f32 v17, v51;
	_ =	sdelay $0x1  }
0x71: {  	[tilespmem:s29+$0xFFFFFD00] =	vst v17;
	v17 =	vld [tilespmem:s29+$0xFFFFFD10];
	_ =	sdelay $0x4  }
0x72: {  	v17 =	vmul.f32 v17, v51;
	_ =	sdelay $0x1  }
0x73: {  	[tilespmem:s29+$0xFFFFFD10] =	vst v17;
	v17 =	vld [tilespmem:s29+$0xFFFFFD40];
	_ =	sdelay $0x4  }
0x74: {  	v17 =	vmul.f32 v17, v51;
	_ =	sdelay $0x1  }
0x75: {  	[tilespmem:s29+$0xFFFFFD40] =	vst v17;
	v17 =	vld [tilespmem:s29+$0xFFFFFD50];
	_ =	sdelay $0x4  }
0x76: {  	v17 =	vmul.f32 v17, v51;
	_ =	sdelay $0x1  }
0x77: {  	[tilespmem:s29+$0xFFFFFD50] =	vst v17;
	v17 =	vld [tilespmem:s29+$0xFFFFFD80];
	_ =	sdelay $0x2  }
0x78: {  	v52 =	vperm.xlane v16, v3;
	_ =	sdelay $0x1  }
0x79: {  	v17 =	vmul.f32 v17, v52;
	_ =	sdelay $0x1  }
0x7a: {  	[tilespmem:s29+$0xFFFFFD80] =	vst v17;
	v17 =	vld [tilespmem:s29+$0xFFFFFD90];
	_ =	sdelay $0x4  }
0x7b: {  	v17 =	vmul.f32 v17, v52;
	_ =	sdelay $0x1  }
0x7c: {  	[tilespmem:s29+$0xFFFFFD90] =	vst v17;
	v17 =	vld [tilespmem:s29+$0xFFFFFDC0];
	_ =	sdelay $0x4  }
0x7d: {  	v17 =	vmul.f32 v17, v52;
	_ =	sdelay $0x1  }
0x7e: {  	[tilespmem:s29+$0xFFFFFDC0] =	vst v17;
	v17 =	vld [tilespmem:s29+$0xFFFFFDD0];
	_ =	sdelay $0x4  }
0x7f: {  	v17 =	vmul.f32 v17, v52;
	_ =	sdelay $0x1  }
0x80: {  	[tilespmem:s29+$0xFFFFFDD0] =	vst v17;
	v17 =	vld [tilespmem:s29+$0xFFFFFE00];
	_ =	sdelay $0x2  }
0x81: {  	v53 =	vperm.xlane v16, v4;
	_ =	sdelay $0x1  }
0x82: {  	v17 =	vmul.f32 v17, v53;
	_ =	sdelay $0x1  }
0x83: {  	[tilespmem:s29+$0xFFFFFE00] =	vst v17;
	v17 =	vld [tilespmem:s29+$0xFFFFFE10];
	_ =	sdelay $0x4  }
0x84: {  	v17 =	vmul.f32 v17, v53;
	_ =	sdelay $0x1  }
0x85: {  	[tilespmem:s29+$0xFFFFFE10] =	vst v17;
	v17 =	vld [tilespmem:s29+$0xFFFFFE40];
	_ =	sdelay $0x4  }
0x86: {  	v17 =	vmul.f32 v17, v53;
	_ =	sdelay $0x1  }
0x87: {  	[tilespmem:s29+$0xFFFFFE40] =	vst v17;
	v17 =	vld [tilespmem:s29+$0xFFFFFE50];
	_ =	sdelay $0x4  }
0x88: {  	v17 =	vmul.f32 v17, v53;
	_ =	sdelay $0x1  }
0x89: {  	[tilespmem:s29+$0xFFFFFE50] =	vst v17;
	v17 =	vld [tilespmem:s29+$0xFFFFFE80];
	_ =	sdelay $0x2  }
0x8a: {  	v54 =	vperm.xlane v16, v5;
	_ =	sdelay $0x1  }
0x8b: {  	v17 =	vmul.f32 v17, v54;
	_ =	sdelay $0x1  }
0x8c: {  	[tilespmem:s29+$0xFFFFFE80] =	vst v17;
	v17 =	vld [tilespmem:s29+$0xFFFFFE90];
	_ =	sdelay $0x4  }
0x8d: {  	v17 =	vmul.f32 v17, v54;
	_ =	sdelay $0x1  }
0x8e: {  	[tilespmem:s29+$0xFFFFFE90] =	vst v17;
	v17 =	vld [tilespmem:s29+$0xFFFFFEC0];
	_ =	sdelay $0x4  }
0x8f: {  	v17 =	vmul.f32 v17, v54;
	_ =	sdelay $0x1  }
0x90: {  	[tilespmem:s29+$0xFFFFFEC0] =	vst v17;
	v17 =	vld [tilespmem:s29+$0xFFFFFED0];
	_ =	sdelay $0x4  }
0x91: {  	v17 =	vmul.f32 v17, v54;
	_ =	sdelay $0x1  }
0x92: {  	[tilespmem:s29+$0xFFFFFED0] =	vst v17;
	v17 =	vld [tilespmem:s29+$0xFFFFFF00];
	_ =	sdelay $0x2  }
0x93: {  	v55 =	vperm.xlane v16, v6;
	_ =	sdelay $0x1  }
0x94: {  	v17 =	vmul.f32 v17, v55;
	_ =	sdelay $0x1  }
0x95: {  	[tilespmem:s29+$0xFFFFFF00] =	vst v17;
	v17 =	vld [tilespmem:s29+$0xFFFFFF10];
	_ =	sdelay $0x4  }
0x96: {  	v17 =	vmul.f32 v17, v55;
	_ =	sdelay $0x1  }
0x97: {  	[tilespmem:s29+$0xFFFFFF10] =	vst v17;
	v17 =	vld [tilespmem:s29+$0xFFFFFF40];
	_ =	sdelay $0x4  }
0x98: {  	v17 =	vmul.f32 v17, v55;
	_ =	sdelay $0x1  }
0x99: {  	[tilespmem:s29+$0xFFFFFF40] =	vst v17;
	v17 =	vld [tilespmem:s29+$0xFFFFFF50];
	_ =	sdelay $0x4  }
0x9a: {  	v17 =	vmul.f32 v17, v55;
	_ =	sdelay $0x1  }
0x9b: {  	[tilespmem:s29+$0xFFFFFF50] =	vst v17;
	v17 =	vld [tilespmem:s29+$0xFFFFFF80];
	_ =	sdelay $0x2  }
0x9c: {  	v56 =	vperm.xlane v16, v7;
	_ =	sdelay $0x1  }
0x9d: {  	v17 =	vmul.f32 v17, v56;
	_ =	sdelay $0x1  }
0x9e: {  	[tilespmem:s29+$0xFFFFFF80] =	vst v17;
	v17 =	vld [tilespmem:s29+$0xFFFFFF90];
	_ =	sdelay $0x4  }
0x9f: {  	v17 =	vmul.f32 v17, v56;
	_ =	sdelay $0x1  }
0xa0: {  	[tilespmem:s29+$0xFFFFFF90] =	vst v17;
	v17 =	vld [tilespmem:s29+$0xFFFFFFC0];
	_ =	sdelay $0x4  }
0xa1: {  	v17 =	vmul.f32 v17, v56;
	_ =	sdelay $0x1  }
0xa2: {  	[tilespmem:s29+$0xFFFFFFC0] =	vst v17;
	v17 =	vld [tilespmem:s29+$0xFFFFFFD0];
	_ =	sdelay $0x4  }
0xa3: {  	v17 =	vmul.f32 v17, v56;
	_ =	sdelay $0x1  }
0xa4: {  	[tilespmem:s29+$0xFFFFFFD0] =	vst v17;
	v17 =	vld [tilespmem:s29+$0x0];
	_ =	sdelay $0x2  }
0xa5: {  	v57 =	vperm.xlane v16, v8;
	_ =	sdelay $0x1  }
0xa6: {  	v17 =	vmul.f32 v17, v57;
	_ =	sdelay $0x1  }
0xa7: {  	[tilespmem:s29+$0x0] =	vst v17;
	v17 =	vld [tilespmem:s29+$0x10];
	_ =	sdelay $0x4  }
0xa8: {  	v17 =	vmul.f32 v17, v57;
	_ =	sdelay $0x1  }
0xa9: {  	[tilespmem:s29+$0x10] =	vst v17;
	v17 =	vld [tilespmem:s29+$0x40];
	_ =	sdelay $0x4  }
0xaa: {  	v17 =	vmul.f32 v17, v57;
	_ =	sdelay $0x1  }
0xab: {  	[tilespmem:s29+$0x40] =	vst v17;
	v17 =	vld [tilespmem:s29+$0x50];
	_ =	sdelay $0x4  }
0xac: {  	v17 =	vmul.f32 v17, v57;
	_ =	sdelay $0x1  }
0xad: {  	[tilespmem:s29+$0x50] =	vst v17;
	v17 =	vld [tilespmem:s29+$0x80];
	_ =	sdelay $0x2  }
0xae: {  	v58 =	vperm.xlane v16, v9;
	_ =	sdelay $0x1  }
0xaf: {  	v17 =	vmul.f32 v17, v58;
	_ =	sdelay $0x1  }
0xb0: {  	[tilespmem:s29+$0x80] =	vst v17;
	v17 =	vld [tilespmem:s29+$0x90];
	_ =	sdelay $0x4  }
0xb1: {  	v17 =	vmul.f32 v17, v58;
	_ =	sdelay $0x1  }
0xb2: {  	[tilespmem:s29+$0x90] =	vst v17;
	v17 =	vld [tilespmem:s29+$0xC0];
	_ =	sdelay $0x4  }
0xb3: {  	v17 =	vmul.f32 v17, v58;
	_ =	sdelay $0x1  }
0xb4: {  	[tilespmem:s29+$0xC0] =	vst v17;
	v17 =	vld [tilespmem:s29+$0xD0];
	_ =	sdelay $0x4  }
0xb5: {  	v17 =	vmul.f32 v17, v58;
	_ =	sdelay $0x1  }
0xb6: {  	[tilespmem:s29+$0xD0] =	vst v17;
	v17 =	vld [tilespmem:s29+$0x100];
	_ =	sdelay $0x2  }
0xb7: {  	v59 =	vperm.xlane v16, v10;
	_ =	sdelay $0x1  }
0xb8: {  	v17 =	vmul.f32 v17, v59;
	_ =	sdelay $0x1  }
0xb9: {  	[tilespmem:s29+$0x100] =	vst v17;
	v17 =	vld [tilespmem:s29+$0x110];
	_ =	sdelay $0x4  }
0xba: {  	v17 =	vmul.f32 v17, v59;
	_ =	sdelay $0x1  }
0xbb: {  	[tilespmem:s29+$0x110] =	vst v17;
	v17 =	vld [tilespmem:s29+$0x140];
	_ =	sdelay $0x4  }
0xbc: {  	v17 =	vmul.f32 v17, v59;
	_ =	sdelay $0x1  }
0xbd: {  	[tilespmem:s29+$0x140] =	vst v17;
	v17 =	vld [tilespmem:s29+$0x150];
	_ =	sdelay $0x4  }
0xbe: {  	v17 =	vmul.f32 v17, v59;
	_ =	sdelay $0x1  }
0xbf: {  	[tilespmem:s29+$0x150] =	vst v17;
	v17 =	vld [tilespmem:s29+$0x180];
	_ =	sdelay $0x2  }
0xc0: {  	v60 =	vperm.xlane v16, v11;
	_ =	sdelay $0x1  }
0xc1: {  	v17 =	vmul.f32 v17, v60;
	_ =	sdelay $0x1  }
0xc2: {  	[tilespmem:s29+$0x180] =	vst v17;
	v17 =	vld [tilespmem:s29+$0x190];
	_ =	sdelay $0x4  }
0xc3: {  	v17 =	vmul.f32 v17, v60;
	_ =	sdelay $0x1  }
0xc4: {  	[tilespmem:s29+$0x190] =	vst v17;
	v17 =	vld [tilespmem:s29+$0x1C0];
	_ =	sdelay $0x4  }
0xc5: {  	v17 =	vmul.f32 v17, v60;
	_ =	sdelay $0x1  }
0xc6: {  	[tilespmem:s29+$0x1C0] =	vst v17;
	v17 =	vld [tilespmem:s29+$0x1D0];
	_ =	sdelay $0x4  }
0xc7: {  	v17 =	vmul.f32 v17, v60;
	_ =	sdelay $0x1  }
0xc8: {  	[tilespmem:s29+$0x1D0] =	vst v17;
	v17 =	vld [tilespmem:s29+$0x200];
	_ =	sdelay $0x2  }
0xc9: {  	v61 =	vperm.xlane v16, v12;
	_ =	sdelay $0x1  }
0xca: {  	v17 =	vmul.f32 v17, v61;
	_ =	sdelay $0x1  }
0xcb: {  	[tilespmem:s29+$0x200] =	vst v17;
	v17 =	vld [tilespmem:s29+$0x210];
	_ =	sdelay $0x4  }
0xcc: {  	v17 =	vmul.f32 v17, v61;
	_ =	sdelay $0x1  }
0xcd: {  	[tilespmem:s29+$0x210] =	vst v17;
	v17 =	vld [tilespmem:s29+$0x240];
	_ =	sdelay $0x4  }
0xce: {  	v17 =	vmul.f32 v17, v61;
	_ =	sdelay $0x1  }
0xcf: {  	[tilespmem:s29+$0x240] =	vst v17;
	v17 =	vld [tilespmem:s29+$0x250];
	_ =	sdelay $0x4  }
0xd0: {  	v17 =	vmul.f32 v17, v61;
	_ =	sdelay $0x1  }
0xd1: {  	[tilespmem:s29+$0x250] =	vst v17;
	v17 =	vld [tilespmem:s29+$0x280];
	_ =	sdelay $0x2  }
0xd2: {  	v62 =	vperm.xlane v16, v13;
	_ =	sdelay $0x1  }
0xd3: {  	v17 =	vmul.f32 v17, v62;
	_ =	sdelay $0x1  }
0xd4: {  	[tilespmem:s29+$0x280] =	vst v17;
	v17 =	vld [tilespmem:s29+$0x290];
	_ =	sdelay $0x4  }
0xd5: {  	v17 =	vmul.f32 v17, v62;
	_ =	sdelay $0x1  }
0xd6: {  	[tilespmem:s29+$0x290] =	vst v17;
	v17 =	vld [tilespmem:s29+$0x2C0];
	_ =	sdelay $0x4  }
0xd7: {  	v17 =	vmul.f32 v17, v62;
	_ =	sdelay $0x1  }
0xd8: {  	[tilespmem:s29+$0x2C0] =	vst v17;
	v17 =	vld [tilespmem:s29+$0x2D0];
	_ =	sdelay $0x4  }
0xd9: {  	v17 =	vmul.f32 v17, v62;
	_ =	sdelay $0x1  }
0xda: {  	[tilespmem:s29+$0x2D0] =	vst v17;
	v17 =	vld [tilespmem:s29+$0x300];
	_ =	sdelay $0x2  }
0xdb: {  	v63 =	vperm.xlane v16, v14;
	_ =	sdelay $0x1  }
0xdc: {  	v17 =	vmul.f32 v17, v63;
	_ =	sdelay $0x1  }
0xdd: {  	[tilespmem:s29+$0x300] =	vst v17;
	v17 =	vld [tilespmem:s29+$0x310];
	_ =	sdelay $0x4  }
0xde: {  	v17 =	vmul.f32 v17, v63;
	_ =	sdelay $0x1  }
0xdf: {  	[tilespmem:s29+$0x310] =	vst v17;
	v17 =	vld [tilespmem:s29+$0x340];
	_ =	sdelay $0x4  }
0xe0: {  	v17 =	vmul.f32 v17, v63;
	_ =	sdelay $0x1  }
0xe1: {  	[tilespmem:s29+$0x340] =	vst v17;
	v17 =	vld [tilespmem:s29+$0x350];
	_ =	sdelay $0x4  }
0xe2: {  	v17 =	vmul.f32 v17, v63;
	_ =	sdelay $0x1  }
0xe3: {  	[tilespmem:s29+$0x350] =	vst v17;
	v17 =	vld [tilespmem:s29+$0x380];
	_ =	sdelay $0x2  }
0xe4: {  	v16 =	vperm.xlane v16, v15;
	_ =	sdelay $0x1  }
0xe5: {  	v17 =	vmul.f32 v17, v16;
	_ =	sdelay $0x1  }
0xe6: {  	[tilespmem:s29+$0x380] =	vst v17;
	v17 =	vld [tilespmem:s29+$0x390];
	_ =	sdelay $0x4  }
0xe7: {  	v17 =	vmul.f32 v17, v16;
	_ =	sdelay $0x1  }
0xe8: {  	[tilespmem:s29+$0x390] =	vst v17;
	v17 =	vld [tilespmem:s29+$0x3C0];
	_ =	sdelay $0x4  }
0xe9: {  	v17 =	vmul.f32 v17, v16;
	_ =	sdelay $0x1  }
0xea: {  	[tilespmem:s29+$0x3C0] =	vst v17;
	v17 =	vld [tilespmem:s29+$0x3D0];
	_ =	sdelay $0x1  }
0xeb: {  	p0 =	sne.s32 s28, $0x7C0  }
.Ltmp3:
0xec: {  	_ = 	snop;
	(pc) =	sbr.rel @p0 .LBB2_8-.Ltmp3, $3  }
0xed: {  	_ = 	snop  }
0xee: {  	v16 =	vmul.f32 v17, v16;
	_ =	sdelay $0x1  }
0xef: {  	s28 =	sadd.s32 $0x40, s28;
	[tilespmem:s29+$0x3D0] =	vst v16;
	s29 =	sadd.s32 $0x800, s29  }
0xf0: {  	[spmem:s2] =	stream.indirect.scatter.add.f32 [tilespmem:s18], [sflag:$0x2], $0x80, s20, s16, $0xb8;
	[tilespmem:$0x15800] =	vst v63  }
0xf1: {  	_ =	swait.ge [sflag:s12], $0x10000  }
0xf2: {  	[sflag:s12] =	ssyncset.done $0x0  }
0xf3: {  	[sflag:s12] =	ssyncadd.s32 $0xFFFF0000  }
0xf4: {  	[tilespmem:s18], [sflag:$0x1] =	stream.indirect.gather [hbm4b:s4+s16], $0x80, s21, s16, $0xb8;
	[tilespmem:$0x15800] =	vst v63  }
0xf5: {  	_ =	swait.ge [sflag:s19], $0x10000  }
0xf6: {  	[sflag:s19] =	ssyncset.done $0x0  }
0xf7: {  	s28 =	simm.s32 $0x0;
	s29 =	simm.s32 $0x1C00;
	[sflag:s19] =	ssyncadd.s32 $0xFFFF0000  }
.LBB2_10:
0xf8: {  	s30 =	sand.u32 $0x1F0, s28  }
0xf9: {  	v16 =	vld [tilespmem:s30+$0xE00];
	_ =	sdelay $0x1  }
0xfa: {  	v17 =	vld [tilespmem:s29+$0xFFFFFC00];
	_ =	sdelay $0x2  }
0xfb: {  	v18 =	vperm.xlane v16, v0;
	_ =	sdelay $0x1  }
0xfc: {  	v17 =	vmul.f32 v17, v18;
	_ =	sdelay $0x1  }
0xfd: {  	[tilespmem:s29+$0xFFFFFC00] =	vst v17;
	v17 =	vld [tilespmem:s29+$0xFFFFFC10];
	_ =	sdelay $0x4  }
0xfe: {  	v17 =	vmul.f32 v17, v18;
	_ =	sdelay $0x1  }
0xff: {  	[tilespmem:s29+$0xFFFFFC10] =	vst v17;
	v17 =	vld [tilespmem:s29+$0xFFFFFC40];
	_ =	sdelay $0x4  }
0x100: {  	v17 =	vmul.f32 v17, v18;
	_ =	sdelay $0x1  }
0x101: {  	[tilespmem:s29+$0xFFFFFC40] =	vst v17;
	v17 =	vld [tilespmem:s29+$0xFFFFFC50];
	_ =	sdelay $0x4  }
0x102: {  	v17 =	vmul.f32 v17, v18;
	_ =	sdelay $0x1  }
0x103: {  	[tilespmem:s29+$0xFFFFFC50] =	vst v17;
	v17 =	vld [tilespmem:s29+$0xFFFFFC80];
	_ =	sdelay $0x2  }
0x104: {  	v50 =	vperm.xlane v16, v1;
	_ =	sdelay $0x1  }
0x105: {  	v17 =	vmul.f32 v17, v50;
	_ =	sdelay $0x1  }
0x106: {  	[tilespmem:s29+$0xFFFFFC80] =	vst v17;
	v17 =	vld [tilespmem:s29+$0xFFFFFC90];
	_ =	sdelay $0x4  }
0x107: {  	v17 =	vmul.f32 v17, v50;
	_ =	sdelay $0x1  }
0x108: {  	[tilespmem:s29+$0xFFFFFC90] =	vst v17;
	v17 =	vld [tilespmem:s29+$0xFFFFFCC0];
	_ =	sdelay $0x4  }
0x109: {  	v17 =	vmul.f32 v17, v50;
	_ =	sdelay $0x1  }
0x10a: {  	[tilespmem:s29+$0xFFFFFCC0] =	vst v17;
	v17 =	vld [tilespmem:s29+$0xFFFFFCD0];
	_ =	sdelay $0x4  }
0x10b: {  	v17 =	vmul.f32 v17, v50;
	_ =	sdelay $0x1  }
0x10c: {  	[tilespmem:s29+$0xFFFFFCD0] =	vst v17;
	v17 =	vld [tilespmem:s29+$0xFFFFFD00];
	_ =	sdelay $0x2  }
0x10d: {  	v51 =	vperm.xlane v16, v2;
	_ =	sdelay $0x1  }
0x10e: {  	v17 =	vmul.f32 v17, v51;
	_ =	sdelay $0x1  }
0x10f: {  	[tilespmem:s29+$0xFFFFFD00] =	vst v17;
	v17 =	vld [tilespmem:s29+$0xFFFFFD10];
	_ =	sdelay $0x4  }
0x110: {  	v17 =	vmul.f32 v17, v51;
	_ =	sdelay $0x1  }
0x111: {  	[tilespmem:s29+$0xFFFFFD10] =	vst v17;
	v17 =	vld [tilespmem:s29+$0xFFFFFD40];
	_ =	sdelay $0x4  }
0x112: {  	v17 =	vmul.f32 v17, v51;
	_ =	sdelay $0x1  }
0x113: {  	[tilespmem:s29+$0xFFFFFD40] =	vst v17;
	v17 =	vld [tilespmem:s29+$0xFFFFFD50];
	_ =	sdelay $0x4  }
0x114: {  	v17 =	vmul.f32 v17, v51;
	_ =	sdelay $0x1  }
0x115: {  	[tilespmem:s29+$0xFFFFFD50] =	vst v17;
	v17 =	vld [tilespmem:s29+$0xFFFFFD80];
	_ =	sdelay $0x2  }
0x116: {  	v52 =	vperm.xlane v16, v3;
	_ =	sdelay $0x1  }
0x117: {  	v17 =	vmul.f32 v17, v52;
	_ =	sdelay $0x1  }
0x118: {  	[tilespmem:s29+$0xFFFFFD80] =	vst v17;
	v17 =	vld [tilespmem:s29+$0xFFFFFD90];
	_ =	sdelay $0x4  }
0x119: {  	v17 =	vmul.f32 v17, v52;
	_ =	sdelay $0x1  }
0x11a: {  	[tilespmem:s29+$0xFFFFFD90] =	vst v17;
	v17 =	vld [tilespmem:s29+$0xFFFFFDC0];
	_ =	sdelay $0x4  }
0x11b: {  	v17 =	vmul.f32 v17, v52;
	_ =	sdelay $0x1  }
0x11c: {  	[tilespmem:s29+$0xFFFFFDC0] =	vst v17;
	v17 =	vld [tilespmem:s29+$0xFFFFFDD0];
	_ =	sdelay $0x4  }
0x11d: {  	v17 =	vmul.f32 v17, v52;
	_ =	sdelay $0x1  }
0x11e: {  	[tilespmem:s29+$0xFFFFFDD0] =	vst v17;
	v17 =	vld [tilespmem:s29+$0xFFFFFE00];
	_ =	sdelay $0x2  }
0x11f: {  	v53 =	vperm.xlane v16, v4;
	_ =	sdelay $0x1  }
0x120: {  	v17 =	vmul.f32 v17, v53;
	_ =	sdelay $0x1  }
0x121: {  	[tilespmem:s29+$0xFFFFFE00] =	vst v17;
	v17 =	vld [tilespmem:s29+$0xFFFFFE10];
	_ =	sdelay $0x4  }
0x122: {  	v17 =	vmul.f32 v17, v53;
	_ =	sdelay $0x1  }
0x123: {  	[tilespmem:s29+$0xFFFFFE10] =	vst v17;
	v17 =	vld [tilespmem:s29+$0xFFFFFE40];
	_ =	sdelay $0x4  }
0x124: {  	v17 =	vmul.f32 v17, v53;
	_ =	sdelay $0x1  }
0x125: {  	[tilespmem:s29+$0xFFFFFE40] =	vst v17;
	v17 =	vld [tilespmem:s29+$0xFFFFFE50];
	_ =	sdelay $0x4  }
0x126: {  	v17 =	vmul.f32 v17, v53;
	_ =	sdelay $0x1  }
0x127: {  	[tilespmem:s29+$0xFFFFFE50] =	vst v17;
	v17 =	vld [tilespmem:s29+$0xFFFFFE80];
	_ =	sdelay $0x2  }
0x128: {  	v54 =	vperm.xlane v16, v5;
	_ =	sdelay $0x1  }
0x129: {  	v17 =	vmul.f32 v17, v54;
	_ =	sdelay $0x1  }
0x12a: {  	[tilespmem:s29+$0xFFFFFE80] =	vst v17;
	v17 =	vld [tilespmem:s29+$0xFFFFFE90];
	_ =	sdelay $0x4  }
0x12b: {  	v17 =	vmul.f32 v17, v54;
	_ =	sdelay $0x1  }
0x12c: {  	[tilespmem:s29+$0xFFFFFE90] =	vst v17;
	v17 =	vld [tilespmem:s29+$0xFFFFFEC0];
	_ =	sdelay $0x4  }
0x12d: {  	v17 =	vmul.f32 v17, v54;
	_ =	sdelay $0x1  }
0x12e: {  	[tilespmem:s29+$0xFFFFFEC0] =	vst v17;
	v17 =	vld [tilespmem:s29+$0xFFFFFED0];
	_ =	sdelay $0x4  }
0x12f: {  	v17 =	vmul.f32 v17, v54;
	_ =	sdelay $0x1  }
0x130: {  	[tilespmem:s29+$0xFFFFFED0] =	vst v17;
	v17 =	vld [tilespmem:s29+$0xFFFFFF00];
	_ =	sdelay $0x2  }
0x131: {  	v55 =	vperm.xlane v16, v6;
	_ =	sdelay $0x1  }
0x132: {  	v17 =	vmul.f32 v17, v55;
	_ =	sdelay $0x1  }
0x133: {  	[tilespmem:s29+$0xFFFFFF00] =	vst v17;
	v17 =	vld [tilespmem:s29+$0xFFFFFF10];
	_ =	sdelay $0x4  }
0x134: {  	v17 =	vmul.f32 v17, v55;
	_ =	sdelay $0x1  }
0x135: {  	[tilespmem:s29+$0xFFFFFF10] =	vst v17;
	v17 =	vld [tilespmem:s29+$0xFFFFFF40];
	_ =	sdelay $0x4  }
0x136: {  	v17 =	vmul.f32 v17, v55;
	_ =	sdelay $0x1  }
0x137: {  	[tilespmem:s29+$0xFFFFFF40] =	vst v17;
	v17 =	vld [tilespmem:s29+$0xFFFFFF50];
	_ =	sdelay $0x4  }
0x138: {  	v17 =	vmul.f32 v17, v55;
	_ =	sdelay $0x1  }
0x139: {  	[tilespmem:s29+$0xFFFFFF50] =	vst v17;
	v17 =	vld [tilespmem:s29+$0xFFFFFF80];
	_ =	sdelay $0x2  }
0x13a: {  	v56 =	vperm.xlane v16, v7;
	_ =	sdelay $0x1  }
0x13b: {  	v17 =	vmul.f32 v17, v56;
	_ =	sdelay $0x1  }
0x13c: {  	[tilespmem:s29+$0xFFFFFF80] =	vst v17;
	v17 =	vld [tilespmem:s29+$0xFFFFFF90];
	_ =	sdelay $0x4  }
0x13d: {  	v17 =	vmul.f32 v17, v56;
	_ =	sdelay $0x1  }
0x13e: {  	[tilespmem:s29+$0xFFFFFF90] =	vst v17;
	v17 =	vld [tilespmem:s29+$0xFFFFFFC0];
	_ =	sdelay $0x4  }
0x13f: {  	v17 =	vmul.f32 v17, v56;
	_ =	sdelay $0x1  }
0x140: {  	[tilespmem:s29+$0xFFFFFFC0] =	vst v17;
	v17 =	vld [tilespmem:s29+$0xFFFFFFD0];
	_ =	sdelay $0x4  }
0x141: {  	v17 =	vmul.f32 v17, v56;
	_ =	sdelay $0x1  }
0x142: {  	[tilespmem:s29+$0xFFFFFFD0] =	vst v17;
	v17 =	vld [tilespmem:s29+$0x0];
	_ =	sdelay $0x2  }
0x143: {  	v57 =	vperm.xlane v16, v8;
	_ =	sdelay $0x1  }
0x144: {  	v17 =	vmul.f32 v17, v57;
	_ =	sdelay $0x1  }
0x145: {  	[tilespmem:s29+$0x0] =	vst v17;
	v17 =	vld [tilespmem:s29+$0x10];
	_ =	sdelay $0x4  }
0x146: {  	v17 =	vmul.f32 v17, v57;
	_ =	sdelay $0x1  }
0x147: {  	[tilespmem:s29+$0x10] =	vst v17;
	v17 =	vld [tilespmem:s29+$0x40];
	_ =	sdelay $0x4  }
0x148: {  	v17 =	vmul.f32 v17, v57;
	_ =	sdelay $0x1  }
0x149: {  	[tilespmem:s29+$0x40] =	vst v17;
	v17 =	vld [tilespmem:s29+$0x50];
	_ =	sdelay $0x4  }
0x14a: {  	v17 =	vmul.f32 v17, v57;
	_ =	sdelay $0x1  }
0x14b: {  	[tilespmem:s29+$0x50] =	vst v17;
	v17 =	vld [tilespmem:s29+$0x80];
	_ =	sdelay $0x2  }
0x14c: {  	v58 =	vperm.xlane v16, v9;
	_ =	sdelay $0x1  }
0x14d: {  	v17 =	vmul.f32 v17, v58;
	_ =	sdelay $0x1  }
0x14e: {  	[tilespmem:s29+$0x80] =	vst v17;
	v17 =	vld [tilespmem:s29+$0x90];
	_ =	sdelay $0x4  }
0x14f: {  	v17 =	vmul.f32 v17, v58;
	_ =	sdelay $0x1  }
0x150: {  	[tilespmem:s29+$0x90] =	vst v17;
	v17 =	vld [tilespmem:s29+$0xC0];
	_ =	sdelay $0x4  }
0x151: {  	v17 =	vmul.f32 v17, v58;
	_ =	sdelay $0x1  }
0x152: {  	[tilespmem:s29+$0xC0] =	vst v17;
	v17 =	vld [tilespmem:s29+$0xD0];
	_ =	sdelay $0x4  }
0x153: {  	v17 =	vmul.f32 v17, v58;
	_ =	sdelay $0x1  }
0x154: {  	[tilespmem:s29+$0xD0] =	vst v17;
	v17 =	vld [tilespmem:s29+$0x100];
	_ =	sdelay $0x2  }
0x155: {  	v59 =	vperm.xlane v16, v10;
	_ =	sdelay $0x1  }
0x156: {  	v17 =	vmul.f32 v17, v59;
	_ =	sdelay $0x1  }
0x157: {  	[tilespmem:s29+$0x100] =	vst v17;
	v17 =	vld [tilespmem:s29+$0x110];
	_ =	sdelay $0x4  }
0x158: {  	v17 =	vmul.f32 v17, v59;
	_ =	sdelay $0x1  }
0x159: {  	[tilespmem:s29+$0x110] =	vst v17;
	v17 =	vld [tilespmem:s29+$0x140];
	_ =	sdelay $0x4  }
0x15a: {  	v17 =	vmul.f32 v17, v59;
	_ =	sdelay $0x1  }
0x15b: {  	[tilespmem:s29+$0x140] =	vst v17;
	v17 =	vld [tilespmem:s29+$0x150];
	_ =	sdelay $0x4  }
0x15c: {  	v17 =	vmul.f32 v17, v59;
	_ =	sdelay $0x1  }
0x15d: {  	[tilespmem:s29+$0x150] =	vst v17;
	v17 =	vld [tilespmem:s29+$0x180];
	_ =	sdelay $0x2  }
0x15e: {  	v60 =	vperm.xlane v16, v11;
	_ =	sdelay $0x1  }
0x15f: {  	v17 =	vmul.f32 v17, v60;
	_ =	sdelay $0x1  }
0x160: {  	[tilespmem:s29+$0x180] =	vst v17;
	v17 =	vld [tilespmem:s29+$0x190];
	_ =	sdelay $0x4  }
0x161: {  	v17 =	vmul.f32 v17, v60;
	_ =	sdelay $0x1  }
0x162: {  	[tilespmem:s29+$0x190] =	vst v17;
	v17 =	vld [tilespmem:s29+$0x1C0];
	_ =	sdelay $0x4  }
0x163: {  	v17 =	vmul.f32 v17, v60;
	_ =	sdelay $0x1  }
0x164: {  	[tilespmem:s29+$0x1C0] =	vst v17;
	v17 =	vld [tilespmem:s29+$0x1D0];
	_ =	sdelay $0x4  }
0x165: {  	v17 =	vmul.f32 v17, v60;
	_ =	sdelay $0x1  }
0x166: {  	[tilespmem:s29+$0x1D0] =	vst v17;
	v17 =	vld [tilespmem:s29+$0x200];
	_ =	sdelay $0x2  }
0x167: {  	v61 =	vperm.xlane v16, v12;
	_ =	sdelay $0x1  }
0x168: {  	v17 =	vmul.f32 v17, v61;
	_ =	sdelay $0x1  }
0x169: {  	[tilespmem:s29+$0x200] =	vst v17;
	v17 =	vld [tilespmem:s29+$0x210];
	_ =	sdelay $0x4  }
0x16a: {  	v17 =	vmul.f32 v17, v61;
	_ =	sdelay $0x1  }
0x16b: {  	[tilespmem:s29+$0x210] =	vst v17;
	v17 =	vld [tilespmem:s29+$0x240];
	_ =	sdelay $0x4  }
0x16c: {  	v17 =	vmul.f32 v17, v61;
	_ =	sdelay $0x1  }
0x16d: {  	[tilespmem:s29+$0x240] =	vst v17;
	v17 =	vld [tilespmem:s29+$0x250];
	_ =	sdelay $0x4  }
0x16e: {  	v17 =	vmul.f32 v17, v61;
	_ =	sdelay $0x1  }
0x16f: {  	[tilespmem:s29+$0x250] =	vst v17;
	v17 =	vld [tilespmem:s29+$0x280];
	_ =	sdelay $0x2  }
0x170: {  	v62 =	vperm.xlane v16, v13;
	_ =	sdelay $0x1  }
0x171: {  	v17 =	vmul.f32 v17, v62;
	_ =	sdelay $0x1  }
0x172: {  	[tilespmem:s29+$0x280] =	vst v17;
	v17 =	vld [tilespmem:s29+$0x290];
	_ =	sdelay $0x4  }
0x173: {  	v17 =	vmul.f32 v17, v62;
	_ =	sdelay $0x1  }
0x174: {  	[tilespmem:s29+$0x290] =	vst v17;
	v17 =	vld [tilespmem:s29+$0x2C0];
	_ =	sdelay $0x4  }
0x175: {  	v17 =	vmul.f32 v17, v62;
	_ =	sdelay $0x1  }
0x176: {  	[tilespmem:s29+$0x2C0] =	vst v17;
	v17 =	vld [tilespmem:s29+$0x2D0];
	_ =	sdelay $0x4  }
0x177: {  	v17 =	vmul.f32 v17, v62;
	_ =	sdelay $0x1  }
0x178: {  	[tilespmem:s29+$0x2D0] =	vst v17;
	v17 =	vld [tilespmem:s29+$0x300];
	_ =	sdelay $0x2  }
0x179: {  	v63 =	vperm.xlane v16, v14;
	_ =	sdelay $0x1  }
0x17a: {  	v17 =	vmul.f32 v17, v63;
	_ =	sdelay $0x1  }
0x17b: {  	[tilespmem:s29+$0x300] =	vst v17;
	v17 =	vld [tilespmem:s29+$0x310];
	_ =	sdelay $0x4  }
0x17c: {  	v17 =	vmul.f32 v17, v63;
	_ =	sdelay $0x1  }
0x17d: {  	[tilespmem:s29+$0x310] =	vst v17;
	v17 =	vld [tilespmem:s29+$0x340];
	_ =	sdelay $0x4  }
0x17e: {  	v17 =	vmul.f32 v17, v63;
	_ =	sdelay $0x1  }
0x17f: {  	[tilespmem:s29+$0x340] =	vst v17;
	v17 =	vld [tilespmem:s29+$0x350];
	_ =	sdelay $0x4  }
0x180: {  	v17 =	vmul.f32 v17, v63;
	_ =	sdelay $0x1  }
0x181: {  	[tilespmem:s29+$0x350] =	vst v17;
	v17 =	vld [tilespmem:s29+$0x380];
	_ =	sdelay $0x2  }
0x182: {  	v16 =	vperm.xlane v16, v15;
	_ =	sdelay $0x1  }
0x183: {  	v17 =	vmul.f32 v17, v16;
	_ =	sdelay $0x1  }
0x184: {  	[tilespmem:s29+$0x380] =	vst v17;
	v17 =	vld [tilespmem:s29+$0x390];
	_ =	sdelay $0x4  }
0x185: {  	v17 =	vmul.f32 v17, v16;
	_ =	sdelay $0x1  }
0x186: {  	[tilespmem:s29+$0x390] =	vst v17;
	v17 =	vld [tilespmem:s29+$0x3C0];
	_ =	sdelay $0x4  }
0x187: {  	v17 =	vmul.f32 v17, v16;
	_ =	sdelay $0x1  }
0x188: {  	[tilespmem:s29+$0x3C0] =	vst v17;
	v17 =	vld [tilespmem:s29+$0x3D0];
	_ =	sdelay $0x1  }
0x189: {  	p0 =	sne.s32 s28, $0x1F0  }
.Ltmp4:
0x18a: {  	_ = 	snop;
	(pc) =	sbr.rel @p0 .LBB2_10-.Ltmp4, $3  }
0x18b: {  	_ = 	snop  }
0x18c: {  	v16 =	vmul.f32 v17, v16;
	_ =	sdelay $0x1  }
0x18d: {  	s28 =	sadd.s32 $0x10, s28;
	[tilespmem:s29+$0x3D0] =	vst v16;
	s29 =	sadd.s32 $0x800, s29  }
0x18e: {  	[spmem:s2] =	stream.indirect.scatter.add.f32 [tilespmem:s18], [sflag:$0x2], $0x80, s22, s16, $0xb8;
	[tilespmem:$0x15800] =	vst v63  }
0x18f: {  	_ =	swait.ge [sflag:s12], $0x10000  }
0x190: {  	s24 =	sadd.s32 $0x1, s24;
	[sflag:s12] =	ssyncset.done $0x0  }
0x191: {  	p0 =	sne.s32 s24, s11;
	[sflag:s12] =	ssyncadd.s32 $0xFFFF0000  }
.Ltmp5:
0x192: {  	[bflag:$0x0] =	sbarrier.arrive $0xFFFF;
	(pc) =	sbr.rel @p0 .LBB2_1-.Ltmp5, $4  }
0x193: {  	[hbm:s23], [sflag:s25] =	dma.local [spmem:s26], $0x800  }
0x194: {  	_ =	swait.ge [sflag:s12], $0x800  }
0x195: {  	[sflag:s12] =	ssyncset.done $0x0  }
0x196: {  	[sflag:s12] =	ssyncadd.s32 $0xFFFFF800  }
0x197: {  	_ =	sfence.sel $0x180000  }
0x198: {  	[bflag:$0x0] =	sbarrier.arrive $0xFFFF  }
0x199: {  	p0 =	sne.s32 s1, $0x0;
	_ =	strace $0x90000053  }
0x19a: {  	s0 =	sadd.s32 @!p0 $0x100000, s0;
	[bflag:$0x2] =	sbarrier.arrive $0xFFFF  }
0x19b: {  	[sflag:s0] =	ssyncadd.tile.s32 @!p0 $0x1;
	_ =	shalt  }
.Lfunc_end2:
_tile_overlayer_lowered:
.L_overlay_start_2:
0x19c: {  	(tag) =	ssettag $0x2  }
0x19d: {  	s0 =	rddreg [dreg:$0x0];
	s2 =	stileid.u32  }
0x19e: {  	s1 =	rddreg [dreg:$0x1];
	p0 =	sne.s32 s2, $0x0  }
0x19f: {  	s3 =	rddreg [dreg:$0x2];
	[bflag:$0x3] =	sbarrier.arrive $0xFFFF;
	s2 =	simm.s32 @!p0 $0x1C02  }
0x1a0: {  	[timem:s3], [sflag:s2] =	dma.local @!p0 [hbm:s0], s1  }
0x1a1: {  	s0 =	simm.s32 @!p0 $0x2  }
0x1a2: {  	_ =	swait.ge @!p0 [sflag:s0], s1  }
0x1a3: {  	s1 =	ssub.s32 @!p0 $0x0, s1;
	[sflag:s0] =	ssyncset.done @!p0 $0x0  }
0x1a4: {  	[sflag:s0] =	ssyncadd.s32 @!p0 s1  }
0x1a5: {  	[bflag:$0x3] =	sbarrier.arrive $0xFFFF  }
0x1a6: {  	_ =	shalt  }

// kernel: kernel.5.cloned.1.call-start
scs
__scs_entry_jumppad:
0x0: {  	(pc) =	sbr.rel $0x88, $3  }
0x1: {  	(tag) =	ssettag $0x0;
	lr =	simm.s32 $0x1  }
0x2: {  	[smem:$0x3F88] =	sst lr;
	_ =	strace $0xD0000000  }
0x3: {  	_ = 	snop  }
0x4: {  	_ = 	snop  }
0x5: {  	_ = 	snop  }
0x6: {  	_ = 	snop  }
0x7: {  	_ = 	snop  }
__scs_overlays_trampoline_lowered:
0x8: {  	[smem:$0x3F97] =	sst s0  }
0x9: {  	[smem:$0x3F98] =	sst s1  }
0xa: {  	[smem:$0x3F99] =	sst s2  }
0xb: {  	[smem:$0x3F9A] =	sst s3  }
0xc: {  	[smem:$0x3F9B] =	sst s4  }
0xd: {  	[smem:$0x3F9C] =	sst s5  }
0xe: {  	[smem:$0x3F9D] =	sst s6  }
0xf: {  	[smem:$0x3F9E] =	sst s7  }
0x10: {  	[smem:$0x3F9F] =	sst s8  }
0x11: {  	[smem:$0x3FA0] =	sst s9;
	s0 =	simm.s32 @!p0 $0x0  }
0x12: {  	s1 =	sld [smem:$0x3F86];
	s0 =	simm.s32 @p0 $0x1  }
0x13: {  	[smem:$0x3FA1] =	sst s0;
	s0 =	simm.s32 @!p1 $0x0  }
0x14: {  	s2 =	sld [smem:$0x3F85];
	s0 =	simm.s32 @p1 $0x1  }
0x15: {  	[smem:$0x3FA2] =	sst s0;
	s0 =	simm.s32 @!p2 $0x0  }
0x16: {  	s3 =	sld [smem:$0x3FDB];
	s0 =	simm.s32 @p2 $0x1  }
0x17: {  	s4 =	simm.s32 $0x1BF5;
	[smem:$0x3FA4] =	sst s0  }
0x18: {  	s0 =	sld [smem:$0x3F87];
	_ =	swait.ge [sflag:s4], $0x0  }
0x19: {  	s7 =	sld [smem:$0x3F88]  }
0x1a: {  	s8 =	sadd.s32 $0xFFFFE003, lr  }
0x1b: {  	s9 =	sadd.s32 $0xFFFFFEF7, lr;
	s5 =	simm.s32 $0xFFFFFFFF;
	p2 =	slt.u32 s8, $0xFFFFF086  }
0x1c: {  	p1 =	slt.u32 s9, $0xF7A;
	s5 =	simm.s32 @!p2 $0x0  }
0x1d: {  	s5 =	simm.s32 @p1 $0x1;
	p0 =	seq.s32 s7, s2  }
0x1e: {  	s7 =	smul.u32 @!p0 $0xF7A, s2;
	p2 =	seq.s32 @!p0 s5, $0x0  }
0x1f: {  	s9 =	smul.u32 $0xF7A, s1;
	s8 =	simm.s32 @!p0 $0x1BF5;
	p2 =	por !p2, p0  }
0x20: {  	[sflag:s8] =	ssyncset.s32 @!p0 $0xFFFFF086;
	s6 =	sadd.s32 @!p0 s3, s7;
	s7 =	simm.s32 @!p0 $0x108  }
0x21: {  	s3 =	sadd.s32 s3, s9;
	s6 =	sadd.s32 @!p0 $0x88, s6;
	s7 =	simm.s32 @p2 $0x1082  }
0x22: {  	[simem:s7], [sflag:s8] =	dma.local @!p0 [hbm:s6], $0xF7A  }
0x23: {  	s9 =	sor.u32 $0xD0000000, s2;
	s6 =	simm.s32 $0x108;
	_ =	swait.ge @!p0 [sflag:s8], $0x0  }
0x24: {  	s3 =	sadd.s32 $0x88, s3;
	s6 =	simm.s32 @!p1 $0x1082;
	[sflag:s4] =	ssyncset.s32 $0xFFFFF086  }
0x25: {  	[simem:s6], [sflag:s4] =	dma.local [hbm:s3], $0xF7A  }
0x26: {  	[smem:$0x3F88] =	sst s1;
	(tag) =	ssettag s2;
	_ =	strace s9  }
0x27: {  	s1 =	sld [smem:$0x3F98]  }
0x28: {  	s2 =	sld [smem:$0x3F99]  }
0x29: {  	s4 =	sld [smem:$0x3F9B]  }
0x2a: {  	p0 =	seq.s32 s5, $0x0;
	s5 =	sld [smem:$0x3F9C]  }
0x2b: {  	s6 =	sld [smem:$0x3F9D]  }
0x2c: {  	s7 =	sld [smem:$0x3F9E]  }
0x2d: {  	s3 =	simm.s32 $0x108;
	s8 =	sld [smem:$0x3F9F]  }
0x2e: {  	s3 =	simm.s32 @!p0 $0x1082;
	s9 =	sld [smem:$0x3FA0]  }
0x2f: {  	lr =	sadd.s32 s0, s3;
	s0 =	sld [smem:$0x3F97]  }
0x30: {  	s3 =	sld [smem:$0x3F9A]  }
0x31: {  	[smem:$0x3FA3] =	sst s10  }
0x32: {  	s10 =	sld [smem:$0x3FA1];
	_ =	sdelay $0x3  }
0x33: {  	p0 =	seq.s32 s10, $0x1;
	s10 =	sld [smem:$0x3FA3];
	_ =	sdelay $0x3  }
0x34: {  	[smem:$0x3FA3] =	sst s10  }
0x35: {  	s10 =	sld [smem:$0x3FA2];
	_ =	sdelay $0x3  }
0x36: {  	p1 =	seq.s32 s10, $0x1;
	s10 =	sld [smem:$0x3FA3];
	_ =	sdelay $0x3  }
0x37: {  	[smem:$0x3FA3] =	sst s10  }
0x38: {  	s10 =	sld [smem:$0x3FA4]  }
0x39: {  	_ = 	snop;
	(pc) =	sbr.ind lr, $3  }
0x3a: {  	_ = 	snop  }
0x3b: {  	_ = 	snop  }
0x3c: {  	p2 =	seq.s32 s10, $0x1;
	s10 =	sld [smem:$0x3FA3]  }
0x3d: {  	_ =	shalt  }
0x3e: {  	_ =	shalt  }
0x3f: {  	_ =	shalt  }
0x40: {  	_ =	shalt  }
0x41: {  	_ =	shalt  }
0x42: {  	_ =	shalt  }
0x43: {  	_ =	shalt  }
0x44: {  	_ =	shalt  }
0x45: {  	_ =	shalt  }
0x46: {  	_ =	shalt  }
0x47: {  	_ =	shalt  }
0x48: {  	_ =	shalt  }
0x49: {  	_ =	shalt  }
0x4a: {  	_ =	shalt  }
0x4b: {  	_ =	shalt  }
0x4c: {  	_ =	shalt  }
0x4d: {  	_ =	shalt  }
0x4e: {  	_ =	shalt  }
0x4f: {  	_ =	shalt  }
0x50: {  	_ =	shalt  }
0x51: {  	_ =	shalt  }
0x52: {  	_ =	shalt  }
0x53: {  	_ =	shalt  }
0x54: {  	_ =	shalt  }
0x55: {  	_ =	shalt  }
0x56: {  	_ =	shalt  }
0x57: {  	_ =	shalt  }
0x58: {  	_ =	shalt  }
0x59: {  	_ =	shalt  }
0x5a: {  	_ =	shalt  }
0x5b: {  	_ =	shalt  }
0x5c: {  	_ =	shalt  }
0x5d: {  	_ =	shalt  }
0x5e: {  	_ =	shalt  }
0x5f: {  	_ =	shalt  }
0x60: {  	_ =	shalt  }
0x61: {  	_ =	shalt  }
0x62: {  	_ =	shalt  }
0x63: {  	_ =	shalt  }
0x64: {  	_ =	shalt  }
0x65: {  	_ =	shalt  }
0x66: {  	_ =	shalt  }
0x67: {  	_ =	shalt  }
0x68: {  	_ =	shalt  }
0x69: {  	_ =	shalt  }
0x6a: {  	_ =	shalt  }
0x6b: {  	_ =	shalt  }
0x6c: {  	_ =	shalt  }
0x6d: {  	_ =	shalt  }
0x6e: {  	_ =	shalt  }
0x6f: {  	_ =	shalt  }
0x70: {  	_ =	shalt  }
0x71: {  	_ =	shalt  }
0x72: {  	_ =	shalt  }
0x73: {  	_ =	shalt  }
0x74: {  	_ =	shalt  }
0x75: {  	_ =	shalt  }
0x76: {  	_ =	shalt  }
0x77: {  	_ =	shalt  }
0x78: {  	_ =	shalt  }
0x79: {  	_ =	shalt  }
0x7a: {  	_ =	shalt  }
0x7b: {  	_ =	shalt  }
0x7c: {  	_ =	shalt  }
0x7d: {  	_ =	shalt  }
0x7e: {  	_ =	shalt  }
0x7f: {  	_ =	shalt  }
0x80: {  	_ =	shalt  }
0x81: {  	_ =	shalt  }
0x82: {  	_ =	shalt  }
0x83: {  	_ =	shalt  }
0x84: {  	_ =	shalt  }
0x85: {  	_ =	shalt  }
0x86: {  	_ =	shalt  }
0x87: {  	_ =	shalt  }
.Lfunc_end0:
.L_simem_size_0:
called_computation.2_lowered:
.L_overlay_start_0:
0x88: {  	s2 =	sld [smem:$0x3FD9]  }
0x89: {  	s3 =	sld [smem:$0x3FFE];
	_ =	sdelay $0x1  }
0x8a: {  	s1 =	srdreg.scid  }
0x8b: {  	s0 =	sand.u32 $0x1, s1  }
0x8c: {  	s17 =	sshll.u32 s0, $0xA;
	s2 =	sadd.s32 s3, s2  }
0x8d: {  	s2 =	sadd.s32 s2, s17  }
0x8e: {  	[smem:$0x3FAF] =	sst s2  }
0x8f: {  	_ = 	snop  }
0x90: {  	(tm) =	ssettm $0x1  }
0x91: {  	s18 =	sld [smem:$0x3FFB];
	_ =	sdelay $0x3  }
0x92: {  	_ =	strace s18  }
0x93: {  	s2 =	sld [smem:$0x3FFC];
	_ =	sdelay $0x3  }
0x94: {  	_ =	strace s2  }
0x95: {  	s2 =	sld [smem:$0x3FFD];
	_ =	sdelay $0x3  }
0x96: {  	_ =	strace s2  }
0x97: {  	_ =	strace $0x8FFFFFFF  }
0x98: {  	s19 =	sld [smem:$0x3FDB];
	_ =	sdelay $0x1  }
0x99: {  	s20 =	simm.s32 $_scs_section_size  }
0x9a: {  	s4 =	simm.s32 $_size__tile_overlayer_lowered;
	s5 =	simm.s32 $_tile_overlayer_lowered  }
0x9b: {  	s6 =	simm.s32 $0x1BFF;
	s21 =	sshll.u32 s5, $0x1;
	s3 =	sadd.s32 s20, s19  }
0x9c: {  	s22 =	simm.s32 $0x0;
	s4 =	sshll.u32 s4, $0x1;
	s5 =	sadd.s32 s21, s3  }
0x9d: {  	[timem:s22], [sflag:s6] =	dma.local [hbm:s5], s4  }
0x9e: {  	_ =	swait.ge [sflag:s6], s4  }
0x9f: {  	s4 =	ssub.s32 $0x0, s4;
	[sflag:s6] =	ssyncset.done $0x0  }
0xa0: {  	[sflag:s6] =	ssyncadd.s32 s4;
	_ =	sdelay $0x1  }
0xa1: {  	s23 =	simm.s32 $0x1B8B  }
0xa2: {  	_ =	swait.ge [sflag:s23], $0x1  }
0xa3: {  	[sflag:s23] =	ssyncset.done $0x0  }
0xa4: {  	[sflag:s23] =	ssyncadd.s32 $0xFFFFFFFF  }
0xa5: {  	s4 =	sld [smem:$0x0]  }
0xa6: {  	s5 =	sand.u32 $0xFFFFFFFE, s1  }
0xa7: {  	p0 =	sne.s32 s1, s5  }
0xa8: {  	s5 =	sshll.u32 @p0 s5, $0xE  }
0xa9: {  	s5 =	sadd.s32 @p0 $0x11B8D, s5;
	s6 =	sshll.u32 @p0 s4, $0x11  }
0xaa: {  	s5 =	sor.u32 @p0 s6, s5  }
0xab: {  	[sflag:s5] =	ssyncadd.remote.s32 @p0 $0x1;
	_ =	sdelay $0x1  }
0xac: {  	s5 =	simm.s32 @p0 $0x1B8D  }
0xad: {  	_ =	swait.eq @p0 [sflag:s5], $0x1  }
0xae: {  	[sflag:s5] =	ssyncadd.s32 @p0 $0xFFFFFFFF  }
0xaf: {  	s6 =	sshll.u32 @!p0 s1, $0xE  }
0xb0: {  	s6 =	sor.u32 @!p0 $0x4000, s6;
	s5 =	simm.s32 @!p0 $0x1B8D  }
0xb1: {  	s4 =	sshll.u32 @!p0 s4, $0x11;
	s6 =	sadd.s32 @!p0 $0x11B8D, s6;
	_ =	swait.eq @!p0 [sflag:s5], $0x1  }
0xb2: {  	s4 =	sor.u32 @!p0 s4, s6;
	[sflag:s5] =	ssyncadd.s32 @!p0 $0xFFFFFFFF  }
0xb3: {  	s25 =	simm.s32 $0x1B8E;
	s24 =	sld [smem:$0x3FFE];
	[sflag:s4] =	ssyncadd.remote.s32 @!p0 $0x1  }
0xb4: {  	s26 =	simm.s32 $execute0_lowered;
	[smem:$0x3FD2] =	sst s25  }
0xb5: {  	s5 =	sshll.u32 s26, $0x1;
	_ =	strace $0x8000004C;
	[dreg:$0x1] =	wrdreg $0xFFFFFFFF  }
0xb6: {  	s28 =	simm.s32 $_size_execute0_lowered;
	s3 =	sadd.s32 s3, s5;
	[dreg:$0x0] =	wrdreg $0x0  }
0xb7: {  	s5 =	sshll.u32 s28, $0x1;
	[dreg:$0x2] =	wrdreg s3  }
0xb8: {  	[dreg:$0x3] =	wrdreg s5  }
0xb9: {  	[dreg:$0x4] =	wrdreg $0xC0  }
0xba: {  	_ =	task [dreg:s22], $0x5FFFF  }
0xbb: {  	[dreg:$0x1] =	wrdreg $0xFFFFFFFF  }
0xbc: {  	[dreg:$0x0] =	wrdreg $0x60  }
0xbd: {  	[dreg:$0x2] =	wrdreg s24  }
0xbe: {  	[dreg:$0x3] =	wrdreg $0xA  }
0xbf: {  	_ =	task.clear_ibuf [dreg:s22], $0x4FFFF;
	_ =	strace $0x9000004C  }
0xc0: {  	s29 =	simm.s32 $0xA;
	_ =	strace $0x8000004E  }
0xc1: {  	_ =	swait.ge [sflag:s29], $0x1  }
0xc2: {  	[sflag:s29] =	ssyncadd.s32 $0xFFFFFFFF  }
0xc3: {  	_ =	strace $0x9000004E  }
0xc4: {  	_ =	sfence  }
0xc5: {  	s30 =	sld [smem:$0x0];
	_ =	sdelay $0x2  }
0xc6: {  	s31 =	sshll.u32 s1, $0xD;
	s1 =	sshrl.u32 s1, $0x2  }
0xc7: {  	s4 =	sand.u32 $0x4000, s31;
	s1 =	sadd.s32 s1, s30  }
0xc8: {  	s0 =	sor.u32 s4, s0;
	s1 =	sshll.u32 s1, $0x11  }
0xc9: {  	s0 =	sor.u32 s1, s0  }
0xca: {  	s0 =	sadd.s32 $0x8F2B, s0  }
0xcb: {  	[sflag:s0] =	ssyncadd.remote.s32 $0x1  }
0xcc: {  	_ =	sfence.sel $0xFFFF  }
0xcd: {  	[dreg:$0x0] =	wrdreg $0xFFFFFFFF;
	(pc) =	sbr.abs _section_cstart, $3  }
0xce: {  	[dreg:$0x1] =	wrdreg $0xFFFFFFFF  }
0xcf: {  	_ =	task.clear_ibuf [dreg:s22], $0x2FFFF;
	_ =	strace $0x9FFFFFFF  }
0xd0: {  	(tm) =	ssettm $0x7FFFFFFF  }
0xd1: {  	_ =	shalt  }
tec
execute0_lowered:
.L_overlay_start_1:
0x0: {  	(tag) =	ssettag $0x1  }
0x1: {  	v0 =	vimm.s32 $0xEFCDAB89;
	s4 =	rddreg [dreg:$0x0]  }
0x2: {  	v1 =	vimm.s32 $0x67452301;
	v2 =	vimm.s32 $0xDCFE98BA;
	s0 =	rddreg [dreg:$0x1];
	s3 =	srdreg.scid;
	v3 =	vimm.s32 $0x54761032  }
0x3: {  	s2 =	simm.s32 $0x0;
	s1 =	stileid.u32;
	v4 =	vimm.s32 $0xBA98FEDC;
	v5 =	vimm.s32 $0x32107654;
	v6 =	vimm.s32 $0xFEDCBA98;
	s12 =	simm.s32 $0x1  }
0x4: {  	v7 =	vimm.s32 $0x76543210;
	s13 =	simm.s32 $0x400;
	s14 =	simm.s32 $0x800;
	s15 =	simm.s32 $0xC00;
	v0 =	vunpack.c.l.s4.s8 v0;
	v1 =	vunpack.c.l.s4.s8 v1  }
0x5: {  	s16 =	simm.s32 $0x1000;
	s17 =	simm.s32 $0x1C00;
	s18 =	simm.s32 $0x1400;
	v2 =	vunpack.c.l.s4.s8 v2;
	v3 =	vunpack.c.l.s4.s8 v3;
	v4 =	vunpack.c.l.s4.s8 v4  }
0x6: {  	s19 =	simm.s32 $0x1800;
	s20 =	simm.s32 $0x0;
	s3 =	sand.u32 $0x1, s3;
	v5 =	vunpack.c.l.s4.s8 v5;
	v6 =	vunpack.c.l.s4.s8 v6;
	v7 =	vunpack.c.l.s4.s8 v7  }
0x7: {  	[smem:$0x7FF] =	sst s2;
	s6 =	sshll.u32 s1, $0x7;
	s5 =	sshll.u32 s3, $0xB;
	v0 =	vunpack.c.0.s8.s32 v0;
	v1 =	vunpack.c.0.s8.s32 v1;
	v2 =	vunpack.c.0.s8.s32 v2  }
0x8: {  	_ =	strace $0x8000004D;
	s30 =	ssub.s32 $0x2, s3;
	s5 =	sor.u32 s6, s5;
	v3 =	vunpack.c.0.s8.s32 v3;
	v4 =	vunpack.c.0.s8.s32 v4;
	v5 =	vunpack.c.0.s8.s32 v5  }
0x9: {  	s3 =	sadd.s32 $0x12A00, s4;
	s31 =	sshrl.u32 s30, $0x1;
	s10 =	sadd.s32 s5, s4;
	v0 =	vcombine.low v1, v0;
	v1 =	vunpack.c.0.s8.s32 v6  }
0xa: {  	s11 =	ssub.s32 s30, s31;
	s4 =	sadd.s32 $0xFA00, s10;
	s5 =	sadd.s32 $0xEA00, s10;
	v2 =	vcombine.low v3, v2;
	v3 =	vcombine.low v5, v4;
	v4 =	vunpack.c.0.s8.s32 v7  }
0xb: {  	s6 =	sadd.s32 $0xDA00, s10;
	s7 =	sadd.s32 $0xCA00, s10;
	s8 =	sadd.s32 $0xBA00, s10;
	v0 =	vand.u32 $0xF, v0;
	v5 =	vand.u32 $0xF, v1  }
0xc: {  	s9 =	sadd.s32 $0x1C00, s10;
	s10 =	sadd.s32 $0x2C00, s10;
	s11 =	smax.u32 s11, $0x1;
	v1 =	vand.u32 $0xF, v2;
	v2 =	vand.u32 $0xF, v3;
	v3 =	vcombine.low v5, v4  }
.LBB2_1:
0xd: {  	[tilespmem:s2], [sflag:$0x1] =	stream.linear.gather [hbm4b:s4+s2], $0x400, $0x38;
	[tilespmem:$0x4400] =	vst v63  }
0xe: {  	_ =	swait.ge [sflag:s12], $0x400  }
0xf: {  	[sflag:s12] =	ssyncset.done $0x0  }
0x10: {  	[sflag:s12] =	ssyncadd.s32 $0xFFFFFC00  }
0x11: {  	[tilespmem:s13], [sflag:$0x1] =	stream.linear.gather [hbm4b:s5+s2], $0x400, $0x38;
	[tilespmem:$0x4400] =	vst v63  }
0x12: {  	_ =	swait.ge [sflag:s12], $0x400  }
0x13: {  	[sflag:s12] =	ssyncset.done $0x0  }
0x14: {  	[sflag:s12] =	ssyncadd.s32 $0xFFFFFC00  }
0x15: {  	[tilespmem:s14], [sflag:$0x1] =	stream.linear.gather [hbm4b:s6+s2], $0x400, $0x38;
	[tilespmem:$0x4400] =	vst v63  }
0x16: {  	_ =	swait.ge [sflag:s12], $0x400  }
0x17: {  	[sflag:s12] =	ssyncset.done $0x0  }
0x18: {  	[sflag:s12] =	ssyncadd.s32 $0xFFFFFC00  }
0x19: {  	[tilespmem:s15], [sflag:$0x1] =	stream.linear.gather [hbm4b:s7+s2], $0x400, $0x38;
	[tilespmem:$0x4400] =	vst v63  }
0x1a: {  	_ =	swait.ge [sflag:s12], $0x400  }
0x1b: {  	[sflag:s12] =	ssyncset.done $0x0  }
0x1c: {  	[sflag:s12] =	ssyncadd.s32 $0xFFFFFC00  }
0x1d: {  	[tilespmem:s16], [sflag:$0x1] =	stream.linear.gather [hbm4b:s8+s2], $0x400, $0x38;
	[tilespmem:$0x4400] =	vst v63  }
0x1e: {  	_ =	swait.ge [sflag:s12], $0x400  }
0x1f: {  	[sflag:s12] =	ssyncset.done $0x0  }
0x20: {  	[sflag:s12] =	ssyncadd.s32 $0xFFFFFC00  }
0x21: {  	[tilespmem:s17], [sflag:$0x1] =	stream.linear.gather [hbm4b:s3+s2], $0x2800, $0x38;
	[tilespmem:$0x4400] =	vst v63  }
0x22: {  	_ =	swait.ge [sflag:s12], $0x2800  }
0x23: {  	[sflag:s12] =	ssyncset.done $0x0  }
0x24: {  	s21 =	simm.s32 $0x0;
	[sflag:s12] =	ssyncadd.s32 $0xFFFFD800  }
.LBB2_2:
0x25: {  	v9 =	vld [tilespmem:$0x1C00]  }
0x26: {  	v10 =	vld [tilespmem:$0x2600]  }
0x27: {  	v11 =	vld [tilespmem:$0x1C80]  }
0x28: {  	v12 =	vld [tilespmem:$0x2680]  }
0x29: {  	v13 =	vld [tilespmem:$0x1D00]  }
0x2a: {  	v14 =	vld [tilespmem:$0x2700]  }
0x2b: {  	v15 =	vld [tilespmem:$0x1D80]  }
0x2c: {  	v16 =	vld [tilespmem:$0x2780]  }
0x2d: {  	v17 =	vld [tilespmem:$0x1E00]  }
0x2e: {  	v18 =	vld [tilespmem:$0x2800]  }
0x2f: {  	v19 =	vld [tilespmem:$0x1E80]  }
0x30: {  	v20 =	vld [tilespmem:$0x2880]  }
0x31: {  	v21 =	vld [tilespmem:$0x1F00]  }
0x32: {  	v22 =	vld [tilespmem:$0x2900]  }
0x33: {  	v23 =	vld [tilespmem:$0x1F80]  }
0x34: {  	v24 =	vld [tilespmem:$0x2980]  }
0x35: {  	v25 =	vld [tilespmem:$0x2000]  }
0x36: {  	v26 =	vld [tilespmem:$0x2A00]  }
0x37: {  	v27 =	vld [tilespmem:$0x2080]  }
0x38: {  	v28 =	vld [tilespmem:$0x2A80]  }
0x39: {  	s22 =	sshra.s32 s21, $0x2;
	v35 =	vld [tilespmem:$0x2100]  }
0x3a: {  	v8 =	vld [tilespmem:s22+$0x0]  }
0x3b: {  	v7 =	vld [tilespmem:s22+$0x400]  }
0x3c: {  	v6 =	vld [tilespmem:s22+$0x800]  }
0x3d: {  	v5 =	vld [tilespmem:s22+$0xC00]  }
0x3e: {  	v4 =	vld [tilespmem:s22+$0x1000]  }
0x3f: {  	v29 =	vld [tilespmem:$0x2B00]  }
0x40: {  	v37 =	vld [tilespmem:$0x2180];
	v9 =	vsub.f32 v8, v9;
	v11 =	vsub.f32 v7, v11  }
0x41: {  	v30 =	vld [tilespmem:$0x2B80];
	v34 =	vsub.f32 v6, v13;
	v19 =	vsub.f32 v8, v19  }
0x42: {  	v40 =	vld [tilespmem:$0x2200];
	v15 =	vsub.f32 v5, v15;
	v39 =	vsub.f32 v7, v21  }
0x43: {  	v56 =	vld [tilespmem:$0x2400];
	v17 =	vsub.f32 v4, v17;
	v43 =	vsub.f32 v6, v23;
	v10 =	vmul.f32 v10, v9  }
0x44: {  	v41 =	vld [tilespmem:$0x2C00];
	v49 =	vsub.f32 v5, v25;
	v33 =	vmul.f32 v12, v11;
	v36 =	vmul.f32 v14, v34  }
0x45: {  	v44 =	vld [tilespmem:$0x2280];
	v13 =	vsub.f32 v8, v35;
	v20 =	vmul.f32 v20, v19;
	v16 =	vmul.f32 v16, v15  }
0x46: {  	v47 =	vld [tilespmem:$0x2C80];
	v59 =	vsub.f32 v4, v27;
	v42 =	vmul.f32 v22, v39;
	v45 =	vmul.f32 v18, v17  }
0x47: {  	v50 =	vld [tilespmem:$0x2300];
	v48 =	vmul.f32 v24, v43;
	v53 =	vmul.f32 v26, v49  }
0x48: {  	v52 =	vld [tilespmem:$0x2380];
	v32 =	vsub.f32 v7, v56;
	v55 =	vmul.f32 v29, v13;
	v63 =	vmul.f32 v28, v59  }
0x49: {  	v58 =	vld [tilespmem:$0x2D00];
	v14 =	vsub.f32 v7, v37;
	v9 =	vmul.f32 v10, v9;
	v10 =	vmul.f32 v33, v11  }
0x4a: {  	v60 =	vld [tilespmem:$0x2E00];
	v12 =	vsub.f32 v6, v40;
	v38 =	vmul.f32 v36, v34;
	v19 =	vmul.f32 v20, v19  }
0x4b: {  	v54 =	vld [tilespmem:$0x2D80];
	v22 =	vsub.f32 v5, v44;
	v15 =	vmul.f32 v16, v15;
	v51 =	vmul.f32 v45, v17  }
0x4c: {  	v62 =	vld [tilespmem:$0x2480];
	v40 =	vsub.f32 v4, v50;
	v11 =	vmul.f32 v48, v43;
	v57 =	vmul.f32 v53, v49  }
0x4d: {  	v37 =	vld [tilespmem:$0x2580];
	v13 =	vmul.f32 v55, v13;
	v61 =	vmul.f32 v30, v14;
	v16 =	vsub.f32 v8, v52  }
0x4e: {  	v33 =	vld [tilespmem:$0x2500];
	v23 =	vmul.f32 v63, v59;
	v20 =	vmul.f32 v41, v12;
	v9 =	vadd.f32 $0.0e+00, v9  }
0x4f: {  	v30 =	vld [tilespmem:$0x2E80];
	v36 =	vmul.f32 v60, v32;
	v17 =	vmul.f32 v58, v40;
	v46 =	vadd.f32 $0.0e+00, v19  }
0x50: {  	v34 =	vld [tilespmem:$0x2F00];
	v31 =	vmul.f32 v54, v16;
	v9 =	vadd.f32 v10, v9;
	v10 =	vmul.f32 v42, v39  }
0x51: {  	v13 =	vadd.f32 $0.0e+00, v13;
	v12 =	vmul.f32 v20, v12;
	v44 =	vmul.f32 v17, v40  }
0x52: {  	v35 =	vmul.f32 v31, v16;
	v39 =	vsub.f32 v6, v62;
	v10 =	vadd.f32 v10, v46  }
0x53: {  	v21 =	vsub.f32 v5, v33;
	v9 =	vadd.f32 v38, v9;
	v38 =	vmul.f32 v47, v22  }
0x54: {  	v41 =	vld [tilespmem:$0x2F80];
	v42 =	vmul.f32 v30, v39;
	v10 =	vadd.f32 v11, v10;
	v11 =	vmul.f32 v61, v14  }
0x55: {  	v43 =	vmul.f32 v34, v21;
	v9 =	vadd.f32 v15, v9;
	v15 =	vsub.f32 v4, v37  }
0x56: {  	v14 =	vmul.f32 v36, v32;
	v11 =	vadd.f32 v11, v13;
	v13 =	vadd.f32 $0.0e+00, v35  }
0x57: {  	v16 =	vmul.f32 v38, v22;
	v9 =	vadd.f32 v51, v9;
	v10 =	vadd.f32 v57, v10  }
0x58: {  	v11 =	vadd.f32 v12, v11;
	v13 =	vadd.f32 v14, v13;
	v12 =	vmul.f32 v42, v39  }
0x59: {  	v45 =	vmul.f32 v43, v21;
	v46 =	vmul.f32 v41, v15;
	v10 =	vadd.f32 v23, v10  }
0x5a: {  	v9 =	vmul.f32 $-5.000000000e-01, v9;
	v11 =	vadd.f32 v16, v11;
	v12 =	vadd.f32 v12, v13  }
0x5b: {  	v47 =	vmul.f32 v46, v15;
	v10 =	vmul.f32 $-5.000000000e-01, v10  }
0x5c: {  	v9 =	vmul.f32 $1.442695020e+00, v9;
	v11 =	vadd.f32 v44, v11;
	v12 =	vadd.f32 v45, v12  }
0x5d: {  	v10 =	vmul.f32 $1.442695020e+00, v10  }
0x5e: {  	(erf) = vpow2.f32 v9;
	v48 =	vmul.f32 $-5.000000000e-01, v11;
	v49 =	vadd.f32 v47, v12  }
0x5f: {  	(erf) = vpow2.f32 v10  }
0x60: {  	v9 =	vmul.f32 $1.442695020e+00, v48;
	v50 =	vmul.f32 $-5.000000000e-01, v49;
	_ =	sdelay $0x1  }
0x61: {  	(erf) = vpow2.f32 v9;
	v51 =	vmul.f32 $1.442695020e+00, v50;
	_ =	sdelay $0x1  }
0x62: {  	(erf) = vpow2.f32 v51;
	_ =	sdelay $0x2  }
0x63: {  	v52 =	vpop (erf)  }
0x64: {  	v9 =	vadd.f32 $0.0e+00, v52  }
0x65: {  	v53 =	vpop (erf)  }
0x66: {  	v9 =	vadd.f32 v53, v9  }
0x67: {  	v54 =	vpop (erf)  }
0x68: {  	v9 =	vadd.f32 v54, v9  }
0x69: {  	v55 =	vpop (erf)  }
0x6a: {  	v9 =	vadd.f32 v55, v9;
	_ =	sdelay $0x1  }
0x6b: {  	v10 =	vperm.xlane v9, v0;
	_ =	sdelay $0x1  }
0x6c: {  	v10 =	vmax.f32 v9, v10  }
0x6d: {  	v56 =	vperm.xlane v10, v1;
	_ =	sdelay $0x1  }
0x6e: {  	v10 =	vmax.f32 v10, v56  }
0x6f: {  	v11 =	vperm.xlane v10, v2;
	_ =	sdelay $0x1  }
0x70: {  	v10 =	vmax.f32 v10, v11  }
0x71: {  	v11 =	vperm.xlane v10, v3;
	_ =	sdelay $0x1  }
0x72: {  	v10 =	vmax.f32 v10, v11  }
0x73: {  	v9 =	vsub.f32 v9, v10;
	_ =	sdelay $0x1  }
0x74: {  	v9 =	vmul.f32 $1.442695020e+00, v9;
	_ =	sdelay $0x1  }
0x75: {  	(erf) = vpow2.f32 v9;
	_ =	sdelay $0x8  }
0x76: {  	v9 =	vpop (erf)  }
0x77: {  	v57 =	vperm.xlane v9, v0;
	_ =	sdelay $0x1  }
0x78: {  	v10 =	vadd.f32 v9, v57;
	_ =	sdelay $0x1  }
0x79: {  	v58 =	vperm.xlane v10, v1;
	_ =	sdelay $0x1  }
0x7a: {  	v10 =	vadd.f32 v10, v58;
	_ =	sdelay $0x1  }
0x7b: {  	v11 =	vperm.xlane v10, v2;
	_ =	sdelay $0x1  }
0x7c: {  	v10 =	vadd.f32 v10, v11;
	_ =	sdelay $0x1  }
0x7d: {  	v11 =	vperm.xlane v10, v3;
	_ =	sdelay $0x1  }
0x7e: {  	v10 =	vadd.f32 v10, v11;
	_ =	sdelay $0x1  }
0x7f: {  	(erf) = vrcp.f32 v10;
	_ =	sdelay $0x8  }
0x80: {  	v10 =	vpop (erf)  }
0x81: {  	v9 =	vmul.f32 v10, v9;
	_ =	sdelay $0x1  }
0x82: {  	[tilespmem:s22+$0x1400] =	vst v9  }
0x83: {  	v9 =	vld [tilespmem:$0x3000]  }
0x84: {  	v59 =	vld [tilespmem:$0x3A00]  }
0x85: {  	v60 =	vld [tilespmem:$0x3080]  }
0x86: {  	v61 =	vld [tilespmem:$0x3A80]  }
0x87: {  	v62 =	vld [tilespmem:$0x3100]  }
0x88: {  	v63 =	vld [tilespmem:$0x3B00]  }
0x89: {  	v32 =	vld [tilespmem:$0x3180]  }
0x8a: {  	v33 =	vld [tilespmem:$0x3B80]  }
0x8b: {  	v34 =	vld [tilespmem:$0x3200]  }
0x8c: {  	v35 =	vld [tilespmem:$0x3C00]  }
0x8d: {  	v36 =	vld [tilespmem:$0x3280]  }
0x8e: {  	v37 =	vld [tilespmem:$0x3C80]  }
0x8f: {  	v38 =	vld [tilespmem:$0x3300]  }
0x90: {  	v39 =	vld [tilespmem:$0x3D00]  }
0x91: {  	v40 =	vld [tilespmem:$0x3380]  }
0x92: {  	v41 =	vld [tilespmem:$0x3D80]  }
0x93: {  	v42 =	vld [tilespmem:$0x3400]  }
0x94: {  	v43 =	vld [tilespmem:$0x3E00]  }
0x95: {  	v44 =	vld [tilespmem:$0x3480]  }
0x96: {  	v45 =	vld [tilespmem:$0x3E80]  }
0x97: {  	v46 =	vld [tilespmem:$0x3500]  }
0x98: {  	v50 =	vld [tilespmem:$0x3580]  }
0x99: {  	v47 =	vld [tilespmem:$0x3F00];
	v9 =	vsub.f32 v8, v9;
	v11 =	vsub.f32 v7, v60  }
0x9a: {  	v51 =	vld [tilespmem:$0x3F80];
	v13 =	vsub.f32 v6, v62;
	v19 =	vsub.f32 v8, v36  }
0x9b: {  	v54 =	vld [tilespmem:$0x3600];
	v49 =	vsub.f32 v5, v32;
	v21 =	vsub.f32 v7, v38;
	v10 =	vmul.f32 v59, v9  }
0x9c: {  	v57 =	vld [tilespmem:$0x4000];
	v17 =	vsub.f32 v4, v34;
	v12 =	vmul.f32 v61, v11;
	v48 =	vmul.f32 v63, v13  }
0x9d: {  	v31 =	vld [tilespmem:$0x3700];
	v15 =	vsub.f32 v7, v50;
	v20 =	vmul.f32 v37, v19;
	v53 =	vmul.f32 v33, v49  }
0x9e: {  	v60 =	vld [tilespmem:$0x3680];
	v56 =	vmul.f32 v39, v21;
	v32 =	vmul.f32 v35, v17  }
0x9f: {  	v38 =	vld [tilespmem:$0x3800];
	v63 =	vsub.f32 v5, v42;
	v42 =	vmul.f32 v51, v15;
	v9 =	vmul.f32 v10, v9  }
0xa0: {  	v36 =	vld [tilespmem:$0x4180];
	v59 =	vsub.f32 v6, v40;
	v11 =	vmul.f32 v12, v11;
	v52 =	vmul.f32 v48, v13  }
0xa1: {  	v61 =	vld [tilespmem:$0x4080];
	v35 =	vsub.f32 v8, v46;
	v55 =	vmul.f32 v20, v19;
	v58 =	vmul.f32 v53, v49  }
0xa2: {  	v33 =	vld [tilespmem:$0x3780];
	v37 =	vsub.f32 v4, v44;
	v19 =	vmul.f32 v56, v21;
	v62 =	vmul.f32 v41, v59  }
0xa3: {  	v34 =	vmul.f32 v43, v63;
	v40 =	vmul.f32 v47, v35;
	v43 =	vld [tilespmem:$0x4200];
	v13 =	vsub.f32 v6, v54  }
0xa4: {  	v10 =	vmul.f32 v45, v37;
	v45 =	vld [tilespmem:$0x3880];
	v54 =	vsub.f32 v4, v31;
	v7 =	vsub.f32 v7, v38  }
0xa5: {  	v48 =	vld [tilespmem:$0x3900];
	v14 =	vsub.f32 v5, v60;
	v9 =	vadd.f32 $0.0e+00, v9;
	v12 =	vmul.f32 v62, v59  }
0xa6: {  	v41 =	vld [tilespmem:$0x4100];
	v16 =	vadd.f32 $0.0e+00, v55;
	v39 =	vmul.f32 v34, v63;
	v44 =	vmul.f32 v40, v35  }
0xa7: {  	v10 =	vmul.f32 v10, v37;
	v8 =	vsub.f32 v8, v33;
	v9 =	vadd.f32 v11, v9  }
0xa8: {  	v50 =	vld [tilespmem:$0x4300];
	v49 =	vmul.f32 v57, v13;
	v53 =	vmul.f32 v61, v14;
	v16 =	vadd.f32 v19, v16  }
0xa9: {  	v46 =	vld [tilespmem:$0x4280];
	v11 =	vmul.f32 v32, v17;
	v47 =	vmul.f32 v36, v8;
	v9 =	vadd.f32 v52, v9  }
0xaa: {  	v51 =	vmul.f32 v43, v7;
	v6 =	vsub.f32 v6, v45;
	v5 =	vsub.f32 v5, v48  }
0xab: {  	v57 =	vmul.f32 v41, v54;
	v12 =	vadd.f32 v12, v16;
	v9 =	vadd.f32 v58, v9  }
0xac: {  	v16 =	vadd.f32 $0.0e+00, v44;
	v52 =	vld [tilespmem:$0x3980];
	v8 =	vmul.f32 v47, v8;
	v7 =	vmul.f32 v51, v7  }
0xad: {  	v12 =	vadd.f32 v39, v12;
	v9 =	vadd.f32 v11, v9;
	v11 =	vmul.f32 v42, v15  }
0xae: {  	v55 =	vld [tilespmem:$0x4380];
	v56 =	vmul.f32 v46, v6;
	v58 =	vmul.f32 v50, v5;
	v8 =	vadd.f32 $0.0e+00, v8  }
0xaf: {  	v10 =	vadd.f32 v10, v12;
	v12 =	vmul.f32 v49, v13;
	v11 =	vadd.f32 v11, v16  }
0xb0: {  	v6 =	vmul.f32 v56, v6;
	v13 =	vmul.f32 v53, v14;
	v7 =	vadd.f32 v7, v8  }
0xb1: {  	v5 =	vmul.f32 v58, v5;
	v4 =	vsub.f32 v4, v52;
	v11 =	vadd.f32 v12, v11  }
0xb2: {  	v8 =	vmul.f32 v57, v54;
	v9 =	vmul.f32 $-5.000000000e-01, v9  }
0xb3: {  	v6 =	vadd.f32 v6, v7;
	v59 =	vmul.f32 v55, v4;
	v11 =	vadd.f32 v13, v11  }
0xb4: {  	v10 =	vmul.f32 $-5.000000000e-01, v10;
	v9 =	vmul.f32 $1.442695020e+00, v9  }
0xb5: {  	v5 =	vadd.f32 v5, v6;
	v4 =	vmul.f32 v59, v4;
	v8 =	vadd.f32 v8, v11  }
0xb6: {  	v60 =	vmul.f32 $1.442695020e+00, v10  }
0xb7: {  	(erf) = vpow2.f32 v9;
	v4 =	vadd.f32 v4, v5;
	v61 =	vmul.f32 $-5.000000000e-01, v8  }
0xb8: {  	(erf) = vpow2.f32 v60  }
0xb9: {  	v4 =	vmul.f32 $-5.000000000e-01, v4;
	v5 =	vmul.f32 $1.442695020e+00, v61;
	_ =	sdelay $0x1  }
0xba: {  	v4 =	vmul.f32 $1.442695020e+00, v4;
	(erf) = vpow2.f32 v5;
	_ =	sdelay $0x1  }
0xbb: {  	(erf) = vpow2.f32 v4;
	_ =	sdelay $0x2  }
0xbc: {  	v4 =	vpop (erf)  }
0xbd: {  	v4 =	vadd.f32 $0.0e+00, v4  }
0xbe: {  	v5 =	vpop (erf)  }
0xbf: {  	v4 =	vadd.f32 v5, v4  }
0xc0: {  	v5 =	vpop (erf)  }
0xc1: {  	v4 =	vadd.f32 v5, v4  }
0xc2: {  	v5 =	vpop (erf)  }
0xc3: {  	v4 =	vadd.f32 v5, v4;
	_ =	sdelay $0x1  }
0xc4: {  	v5 =	vperm.xlane v4, v0;
	_ =	sdelay $0x1  }
0xc5: {  	v5 =	vmax.f32 v4, v5  }
0xc6: {  	v62 =	vperm.xlane v5, v1;
	_ =	sdelay $0x1  }
0xc7: {  	v5 =	vmax.f32 v5, v62  }
0xc8: {  	v6 =	vperm.xlane v5, v2;
	_ =	sdelay $0x1  }
0xc9: {  	v5 =	vmax.f32 v5, v6  }
0xca: {  	v6 =	vperm.xlane v5, v3;
	_ =	sdelay $0x1  }
0xcb: {  	v5 =	vmax.f32 v5, v6  }
0xcc: {  	v4 =	vsub.f32 v4, v5;
	_ =	sdelay $0x1  }
0xcd: {  	v4 =	vmul.f32 $1.442695020e+00, v4;
	_ =	sdelay $0x1  }
0xce: {  	(erf) = vpow2.f32 v4;
	_ =	sdelay $0x8  }
0xcf: {  	v4 =	vpop (erf)  }
0xd0: {  	v5 =	vperm.xlane v4, v0;
	_ =	sdelay $0x1  }
0xd1: {  	v5 =	vadd.f32 v4, v5;
	_ =	sdelay $0x1  }
0xd2: {  	v63 =	vperm.xlane v5, v1;
	_ =	sdelay $0x1  }
0xd3: {  	v5 =	vadd.f32 v5, v63;
	_ =	sdelay $0x1  }
0xd4: {  	v6 =	vperm.xlane v5, v2;
	_ =	sdelay $0x1  }
0xd5: {  	v5 =	vadd.f32 v5, v6;
	_ =	sdelay $0x1  }
0xd6: {  	v6 =	vperm.xlane v5, v3;
	_ =	sdelay $0x1  }
0xd7: {  	v5 =	vadd.f32 v5, v6;
	_ =	sdelay $0x1  }
0xd8: {  	(erf) = vrcp.f32 v5;
	_ =	sdelay $0x6  }
0xd9: {  	p0 =	sne.s32 s21, $0xFC0  }
.Ltmp0:
0xda: {  	_ = 	snop;
	(pc) =	sbr.rel @p0 .LBB2_2-.Ltmp0, $3  }
0xdb: {  	v5 =	vpop (erf)  }
0xdc: {  	v4 =	vmul.f32 v5, v4;
	_ =	sdelay $0x1  }
0xdd: {  	s21 =	sadd.s32 $0x40, s21;
	[tilespmem:s22+$0x1800] =	vst v4  }
0xde: {  	[hbm4b:s9+s2] =	stream.linear.scatter [tilespmem:s18], [sflag:$0x1], $0x400, $0x38;
	[tilespmem:$0x4400] =	vst v63  }
0xdf: {  	s20 =	sadd.s32 $0x1, s20;
	_ =	swait.ge [sflag:s12], $0x400  }
0xe0: {  	p0 =	sne.s32 s20, s11;
	[sflag:s12] =	ssyncset.done $0x0  }
.Ltmp1:
0xe1: {  	[sflag:s12] =	ssyncadd.s32 $0xFFFFFC00;
	(pc) =	sbr.rel @p0 .LBB2_1-.Ltmp1, $4  }
0xe2: {  	[hbm4b:s10+s2] =	stream.linear.scatter [tilespmem:s19], [sflag:$0x1], $0x400, $0x38;
	[tilespmem:$0x4400] =	vst v63  }
0xe3: {  	_ =	swait.ge [sflag:s12], $0x400  }
0xe4: {  	[sflag:s12] =	ssyncset.done $0x0  }
0xe5: {  	[sflag:s12] =	ssyncadd.s32 $0xFFFFFC00  }
0xe6: {  	_ =	sfence.sel $0x180000  }
0xe7: {  	[bflag:$0x0] =	sbarrier.arrive $0xFFFF  }
0xe8: {  	p0 =	sne.s32 s1, $0x0;
	_ =	strace $0x9000004D  }
0xe9: {  	s0 =	sadd.s32 @!p0 $0x100000, s0;
	[bflag:$0x2] =	sbarrier.arrive $0xFFFF  }
0xea: {  	[sflag:s0] =	ssyncadd.tile.s32 @!p0 $0x1;
	_ =	shalt  }
.Lfunc_end2:
_tile_overlayer_lowered:
.L_overlay_start_2:
0xeb: {  	(tag) =	ssettag $0x2  }
0xec: {  	s0 =	rddreg [dreg:$0x0];
	s2 =	stileid.u32  }
0xed: {  	s1 =	rddreg [dreg:$0x1];
	p0 =	sne.s32 s2, $0x0  }
0xee: {  	s3 =	rddreg [dreg:$0x2];
	[bflag:$0x3] =	sbarrier.arrive $0xFFFF;
	s2 =	simm.s32 @!p0 $0x1C01  }
0xef: {  	[timem:s3], [sflag:s2] =	dma.local @!p0 [hbm:s0], s1  }
0xf0: {  	s0 =	simm.s32 @!p0 $0x1  }
0xf1: {  	_ =	swait.ge @!p0 [sflag:s0], s1  }
0xf2: {  	s1 =	ssub.s32 @!p0 $0x0, s1;
	[sflag:s0] =	ssyncset.done @!p0 $0x0  }
0xf3: {  	[sflag:s0] =	ssyncadd.s32 @!p0 s1  }
0xf4: {  	[bflag:$0x3] =	sbarrier.arrive $0xFFFF  }
0xf5: {  	_ =	shalt  }

// kernel: kernel.8.cloned.1.call-start
scs
__scs_entry_jumppad:
0x0: {  	(pc) =	sbr.rel $0x88, $3  }
0x1: {  	(tag) =	ssettag $0x0;
	lr =	simm.s32 $0x1  }
0x2: {  	[smem:$0x3F88] =	sst lr;
	_ =	strace $0xD0000000  }
0x3: {  	_ = 	snop  }
0x4: {  	_ = 	snop  }
0x5: {  	_ = 	snop  }
0x6: {  	_ = 	snop  }
0x7: {  	_ = 	snop  }
__scs_overlays_trampoline_lowered:
0x8: {  	[smem:$0x3F97] =	sst s0  }
0x9: {  	[smem:$0x3F98] =	sst s1  }
0xa: {  	[smem:$0x3F99] =	sst s2  }
0xb: {  	[smem:$0x3F9A] =	sst s3  }
0xc: {  	[smem:$0x3F9B] =	sst s4  }
0xd: {  	[smem:$0x3F9C] =	sst s5  }
0xe: {  	[smem:$0x3F9D] =	sst s6  }
0xf: {  	[smem:$0x3F9E] =	sst s7  }
0x10: {  	[smem:$0x3F9F] =	sst s8  }
0x11: {  	[smem:$0x3FA0] =	sst s9;
	s0 =	simm.s32 @!p0 $0x0  }
0x12: {  	s1 =	sld [smem:$0x3F86];
	s0 =	simm.s32 @p0 $0x1  }
0x13: {  	[smem:$0x3FA1] =	sst s0;
	s0 =	simm.s32 @!p1 $0x0  }
0x14: {  	s2 =	sld [smem:$0x3F85];
	s0 =	simm.s32 @p1 $0x1  }
0x15: {  	[smem:$0x3FA2] =	sst s0;
	s0 =	simm.s32 @!p2 $0x0  }
0x16: {  	s3 =	sld [smem:$0x3FDB];
	s0 =	simm.s32 @p2 $0x1  }
0x17: {  	s4 =	simm.s32 $0x1BF5;
	[smem:$0x3FA4] =	sst s0  }
0x18: {  	s0 =	sld [smem:$0x3F87];
	_ =	swait.ge [sflag:s4], $0x0  }
0x19: {  	s7 =	sld [smem:$0x3F88]  }
0x1a: {  	s8 =	sadd.s32 $0xFFFFE003, lr  }
0x1b: {  	s9 =	sadd.s32 $0xFFFFFEF7, lr;
	s5 =	simm.s32 $0xFFFFFFFF;
	p2 =	slt.u32 s8, $0xFFFFF086  }
0x1c: {  	p1 =	slt.u32 s9, $0xF7A;
	s5 =	simm.s32 @!p2 $0x0  }
0x1d: {  	s5 =	simm.s32 @p1 $0x1;
	p0 =	seq.s32 s7, s2  }
0x1e: {  	s7 =	smul.u32 @!p0 $0xF7A, s2;
	p2 =	seq.s32 @!p0 s5, $0x0  }
0x1f: {  	s9 =	smul.u32 $0xF7A, s1;
	s8 =	simm.s32 @!p0 $0x1BF5;
	p2 =	por !p2, p0  }
0x20: {  	[sflag:s8] =	ssyncset.s32 @!p0 $0xFFFFF086;
	s6 =	sadd.s32 @!p0 s3, s7;
	s7 =	simm.s32 @!p0 $0x108  }
0x21: {  	s3 =	sadd.s32 s3, s9;
	s6 =	sadd.s32 @!p0 $0x88, s6;
	s7 =	simm.s32 @p2 $0x1082  }
0x22: {  	[simem:s7], [sflag:s8] =	dma.local @!p0 [hbm:s6], $0xF7A  }
0x23: {  	s9 =	sor.u32 $0xD0000000, s2;
	s6 =	simm.s32 $0x108;
	_ =	swait.ge @!p0 [sflag:s8], $0x0  }
0x24: {  	s3 =	sadd.s32 $0x88, s3;
	s6 =	simm.s32 @!p1 $0x1082;
	[sflag:s4] =	ssyncset.s32 $0xFFFFF086  }
0x25: {  	[simem:s6], [sflag:s4] =	dma.local [hbm:s3], $0xF7A  }
0x26: {  	[smem:$0x3F88] =	sst s1;
	(tag) =	ssettag s2;
	_ =	strace s9  }
0x27: {  	s1 =	sld [smem:$0x3F98]  }
0x28: {  	s2 =	sld [smem:$0x3F99]  }
0x29: {  	s4 =	sld [smem:$0x3F9B]  }
0x2a: {  	p0 =	seq.s32 s5, $0x0;
	s5 =	sld [smem:$0x3F9C]  }
0x2b: {  	s6 =	sld [smem:$0x3F9D]  }
0x2c: {  	s7 =	sld [smem:$0x3F9E]  }
0x2d: {  	s3 =	simm.s32 $0x108;
	s8 =	sld [smem:$0x3F9F]  }
0x2e: {  	s3 =	simm.s32 @!p0 $0x1082;
	s9 =	sld [smem:$0x3FA0]  }
0x2f: {  	lr =	sadd.s32 s0, s3;
	s0 =	sld [smem:$0x3F97]  }
0x30: {  	s3 =	sld [smem:$0x3F9A]  }
0x31: {  	[smem:$0x3FA3] =	sst s10  }
0x32: {  	s10 =	sld [smem:$0x3FA1];
	_ =	sdelay $0x3  }
0x33: {  	p0 =	seq.s32 s10, $0x1;
	s10 =	sld [smem:$0x3FA3];
	_ =	sdelay $0x3  }
0x34: {  	[smem:$0x3FA3] =	sst s10  }
0x35: {  	s10 =	sld [smem:$0x3FA2];
	_ =	sdelay $0x3  }
0x36: {  	p1 =	seq.s32 s10, $0x1;
	s10 =	sld [smem:$0x3FA3];
	_ =	sdelay $0x3  }
0x37: {  	[smem:$0x3FA3] =	sst s10  }
0x38: {  	s10 =	sld [smem:$0x3FA4]  }
0x39: {  	_ = 	snop;
	(pc) =	sbr.ind lr, $3  }
0x3a: {  	_ = 	snop  }
0x3b: {  	_ = 	snop  }
0x3c: {  	p2 =	seq.s32 s10, $0x1;
	s10 =	sld [smem:$0x3FA3]  }
0x3d: {  	_ =	shalt  }
0x3e: {  	_ =	shalt  }
0x3f: {  	_ =	shalt  }
0x40: {  	_ =	shalt  }
0x41: {  	_ =	shalt  }
0x42: {  	_ =	shalt  }
0x43: {  	_ =	shalt  }
0x44: {  	_ =	shalt  }
0x45: {  	_ =	shalt  }
0x46: {  	_ =	shalt  }
0x47: {  	_ =	shalt  }
0x48: {  	_ =	shalt  }
0x49: {  	_ =	shalt  }
0x4a: {  	_ =	shalt  }
0x4b: {  	_ =	shalt  }
0x4c: {  	_ =	shalt  }
0x4d: {  	_ =	shalt  }
0x4e: {  	_ =	shalt  }
0x4f: {  	_ =	shalt  }
0x50: {  	_ =	shalt  }
0x51: {  	_ =	shalt  }
0x52: {  	_ =	shalt  }
0x53: {  	_ =	shalt  }
0x54: {  	_ =	shalt  }
0x55: {  	_ =	shalt  }
0x56: {  	_ =	shalt  }
0x57: {  	_ =	shalt  }
0x58: {  	_ =	shalt  }
0x59: {  	_ =	shalt  }
0x5a: {  	_ =	shalt  }
0x5b: {  	_ =	shalt  }
0x5c: {  	_ =	shalt  }
0x5d: {  	_ =	shalt  }
0x5e: {  	_ =	shalt  }
0x5f: {  	_ =	shalt  }
0x60: {  	_ =	shalt  }
0x61: {  	_ =	shalt  }
0x62: {  	_ =	shalt  }
0x63: {  	_ =	shalt  }
0x64: {  	_ =	shalt  }
0x65: {  	_ =	shalt  }
0x66: {  	_ =	shalt  }
0x67: {  	_ =	shalt  }
0x68: {  	_ =	shalt  }
0x69: {  	_ =	shalt  }
0x6a: {  	_ =	shalt  }
0x6b: {  	_ =	shalt  }
0x6c: {  	_ =	shalt  }
0x6d: {  	_ =	shalt  }
0x6e: {  	_ =	shalt  }
0x6f: {  	_ =	shalt  }
0x70: {  	_ =	shalt  }
0x71: {  	_ =	shalt  }
0x72: {  	_ =	shalt  }
0x73: {  	_ =	shalt  }
0x74: {  	_ =	shalt  }
0x75: {  	_ =	shalt  }
0x76: {  	_ =	shalt  }
0x77: {  	_ =	shalt  }
0x78: {  	_ =	shalt  }
0x79: {  	_ =	shalt  }
0x7a: {  	_ =	shalt  }
0x7b: {  	_ =	shalt  }
0x7c: {  	_ =	shalt  }
0x7d: {  	_ =	shalt  }
0x7e: {  	_ =	shalt  }
0x7f: {  	_ =	shalt  }
0x80: {  	_ =	shalt  }
0x81: {  	_ =	shalt  }
0x82: {  	_ =	shalt  }
0x83: {  	_ =	shalt  }
0x84: {  	_ =	shalt  }
0x85: {  	_ =	shalt  }
0x86: {  	_ =	shalt  }
0x87: {  	_ =	shalt  }
.Lfunc_end0:
.L_simem_size_0:
called_computation.3_lowered:
.L_overlay_start_0:
0x88: {  	s2 =	sld [smem:$0x3FD9]  }
0x89: {  	s3 =	sld [smem:$0x3FFE];
	_ =	sdelay $0x1  }
0x8a: {  	s1 =	srdreg.scid  }
0x8b: {  	s0 =	sand.u32 $0x1, s1  }
0x8c: {  	s17 =	sshll.u32 s0, $0xA;
	s2 =	sadd.s32 s3, s2  }
0x8d: {  	s2 =	sadd.s32 s2, s17  }
0x8e: {  	[smem:$0x3FAF] =	sst s2  }
0x8f: {  	_ = 	snop  }
0x90: {  	s2 =	sld [smem:$0x3FC7];
	(tm) =	ssettm $0x1  }
0x91: {  	s18 =	sld [smem:$0x3FFB];
	_ =	sdelay $0x3  }
0x92: {  	_ =	strace s18  }
0x93: {  	s3 =	sld [smem:$0x3FFC];
	_ =	sdelay $0x3  }
0x94: {  	_ =	strace s3  }
0x95: {  	s3 =	sld [smem:$0x3FFD];
	_ =	sdelay $0x3  }
0x96: {  	_ =	strace s3  }
0x97: {  	_ =	strace $0x8FFFFFFF  }
0x98: {  	s19 =	sld [smem:$0x3FDB];
	_ =	sdelay $0x1  }
0x99: {  	s4 =	simm.s32 $_scs_section_size  }
0x9a: {  	s5 =	simm.s32 $_size__tile_overlayer_lowered;
	s6 =	simm.s32 $_tile_overlayer_lowered  }
0x9b: {  	s22 =	simm.s32 $0x1BFF;
	s21 =	sshll.u32 s6, $0x1;
	s3 =	sadd.s32 s4, s19  }
0x9c: {  	s7 =	simm.s32 $0x0;
	s20 =	sshll.u32 s5, $0x1;
	s5 =	sadd.s32 s21, s3  }
0x9d: {  	[timem:s7], [sflag:s22] =	dma.local [hbm:s5], s20  }
0x9e: {  	_ =	swait.ge [sflag:s22], s20  }
0x9f: {  	s4 =	ssub.s32 $0x0, s20;
	[sflag:s22] =	ssyncset.done $0x0  }
0xa0: {  	[sflag:s22] =	ssyncadd.s32 s4;
	_ =	sdelay $0x1  }
0xa1: {  	s23 =	simm.s32 $0x1B8B  }
0xa2: {  	_ =	swait.ge [sflag:s23], $0x1  }
0xa3: {  	[sflag:s23] =	ssyncset.done $0x0  }
0xa4: {  	s25 =	simm.s32 $0x1B8E;
	s24 =	sld [smem:$0x3FFE];
	[sflag:s23] =	ssyncadd.s32 $0xFFFFFFFF  }
0xa5: {  	s26 =	simm.s32 $execute0_lowered;
	[smem:$0x3FD2] =	sst s25  }
0xa6: {  	s5 =	sshll.u32 s26, $0x1;
	_ =	strace $0x8000004F;
	[dreg:$0x1] =	wrdreg $0xFFFFFFFF  }
0xa7: {  	s28 =	simm.s32 $_size_execute0_lowered;
	s3 =	sadd.s32 s3, s5;
	[dreg:$0x0] =	wrdreg $0x0  }
0xa8: {  	s5 =	sshll.u32 s28, $0x1;
	[dreg:$0x2] =	wrdreg s3  }
0xa9: {  	[dreg:$0x3] =	wrdreg s5  }
0xaa: {  	[dreg:$0x4] =	wrdreg $0xC0  }
0xab: {  	_ =	task [dreg:s7], $0x5FFFF  }
0xac: {  	[dreg:$0x1] =	wrdreg $0xFFFFFFFF  }
0xad: {  	[dreg:$0x0] =	wrdreg $0x60  }
0xae: {  	[dreg:$0x2] =	wrdreg s2  }
0xaf: {  	[dreg:$0x3] =	wrdreg s24  }
0xb0: {  	[dreg:$0x4] =	wrdreg $0x118000  }
0xb1: {  	[dreg:$0x5] =	wrdreg $0x9  }
0xb2: {  	_ =	task.clear_ibuf [dreg:s7], $0x6FFFF;
	_ =	strace $0x9000004F  }
0xb3: {  	s29 =	simm.s32 $0x9;
	_ =	strace $0x80000051  }
0xb4: {  	_ =	swait.ge [sflag:s29], $0x1  }
0xb5: {  	[sflag:s29] =	ssyncadd.s32 $0xFFFFFFFF  }
0xb6: {  	_ =	strace $0x90000051  }
0xb7: {  	_ =	sfence  }
0xb8: {  	s30 =	sld [smem:$0x0];
	_ =	sdelay $0x2  }
0xb9: {  	s31 =	sshll.u32 s1, $0xD;
	s1 =	sshrl.u32 s1, $0x2  }
0xba: {  	s3 =	sand.u32 $0x4000, s31;
	s1 =	sadd.s32 s1, s30  }
0xbb: {  	s0 =	sor.u32 s3, s0;
	s1 =	sshll.u32 s1, $0x11  }
0xbc: {  	s0 =	sor.u32 s1, s0  }
0xbd: {  	s0 =	sadd.s32 $0x8F2B, s0  }
0xbe: {  	[sflag:s0] =	ssyncadd.remote.s32 $0x1  }
0xbf: {  	_ =	sfence.sel $0xFFFF  }
0xc0: {  	[dreg:$0x0] =	wrdreg $0xFFFFFFFF;
	(pc) =	sbr.abs _section_cstart, $3  }
0xc1: {  	[dreg:$0x1] =	wrdreg $0xFFFFFFFF  }
0xc2: {  	_ =	task.clear_ibuf [dreg:s7], $0x2FFFF;
	_ =	strace $0x9FFFFFFF  }
0xc3: {  	(tm) =	ssettm $0x7FFFFFFF  }
tec
execute0_lowered:
.L_overlay_start_1:
0x0: {  	(tag) =	ssettag $0x1  }
0x1: {  	s6 =	rddreg [dreg:$0x0]  }
0x2: {  	s7 =	rddreg [dreg:$0x1]  }
0x3: {  	s2 =	rddreg [dreg:$0x2]  }
0x4: {  	s0 =	rddreg [dreg:$0x3]  }
0x5: {  	s4 =	srdreg.scid;
	s3 =	simm.s32 $0x0;
	s1 =	stileid.u32  }
0x6: {  	s14 =	simm.s32 $0x1000;
	s15 =	simm.s32 $0x1400;
	s16 =	simm.s32 $0x200  }
0x7: {  	s17 =	simm.s32 $0x800;
	s18 =	simm.s32 $0x1800;
	s19 =	simm.s32 $0x1  }
0x8: {  	s20 =	simm.s32 $0x400;
	s21 =	simm.s32 $0xA00;
	s22 =	simm.s32 $0x600  }
0x9: {  	s8 =	sand.u32 $0x1, s4;
	[smem:$0x7FF] =	sst s3;
	s5 =	sshll.u32 s1, $0x7  }
0xa: {  	s31 =	sshll.u32 s1, $0xE;
	s24 =	sshll.u32 s1, $0xB;
	s4 =	sshll.u32 s8, $0xB  }
0xb: {  	_ =	strace $0x80000050;
	s11 =	ssub.s32 $0x2, s8;
	s8 =	sshll.u32 s8, $0xF  }
0xc: {  	v0 =	vimm.s32 $0x0;
	s9 =	sor.u32 s5, s4;
	s4 =	sadd.s32 $0x93A00, s7;
	s5 =	sadd.s32 $0x4C00, s7  }
0xd: {  	v1 =	vimm.s32 $0x1;
	v2 =	vimm.s32 $0x2;
	v3 =	vimm.s32 $0x3;
	s12 =	sshrl.u32 s11, $0x1;
	s13 =	sadd.s32 s8, s7;
	s10 =	sadd.s32 s9, s7  }
0xe: {  	v4 =	vimm.s32 $0x4;
	v5 =	vimm.s32 $0x5;
	v6 =	vimm.s32 $0x6;
	s11 =	ssub.s32 s11, s12;
	s6 =	sadd.s32 s6, s9;
	s23 =	sadd.s32 $0x11A00, s13  }
0xf: {  	v7 =	vimm.s32 $0x7;
	v8 =	vimm.s32 $0x8;
	v9 =	vimm.s32 $0x9;
	s12 =	simm.s32 $0x2;
	s13 =	simm.s32 $0xC00;
	s7 =	sadd.s32 $0x1C00, s10  }
0x10: {  	v10 =	vimm.s32 $0xA;
	v11 =	vimm.s32 $0xB;
	v12 =	vimm.s32 $0xC;
	s8 =	sadd.s32 $0x10A00, s10;
	s9 =	sadd.s32 $0x3C00, s10;
	s10 =	sadd.s32 s31, s2  }
0x11: {  	v13 =	vimm.s32 $0xD;
	v14 =	vimm.s32 $0xE;
	v15 =	vimm.s32 $0xF;
	s11 =	smax.u32 s11, $0x1;
	s23 =	sadd.s32 s24, s23;
	s24 =	simm.s32 $0x0  }
.LBB2_1:
0x12: {  	[tilespmem:s3], [sflag:$0x2] =	stream.linear.gather [hbm4b:s6+s3], $0x400, $0x38;
	[tilespmem:$0x15800] =	vst v63  }
0x13: {  	_ =	swait.ge [sflag:s12], $0x400  }
0x14: {  	[sflag:s12] =	ssyncset.done $0x0  }
0x15: {  	[sflag:s12] =	ssyncadd.s32 $0xFFFFFC00  }
0x16: {  	[tilespmem:s13], [sflag:$0x2] =	stream.linear.gather [hbm4b:s7+s3], $0x400, $0x38;
	[tilespmem:$0x15800] =	vst v63  }
0x17: {  	_ =	swait.ge [sflag:s12], $0x400  }
0x18: {  	[sflag:s12] =	ssyncset.done $0x0  }
0x19: {  	[sflag:s12] =	ssyncadd.s32 $0xFFFFFC00  }
0x1a: {  	[tilespmem:s14], [sflag:$0x2] =	stream.linear.gather [hbm4b:s8+s3], $0x400, $0x38;
	[tilespmem:$0x15800] =	vst v63  }
0x1b: {  	_ =	swait.ge [sflag:s12], $0x400  }
0x1c: {  	[sflag:s12] =	ssyncset.done $0x0  }
0x1d: {  	[sflag:s12] =	ssyncadd.s32 $0xFFFFFC00  }
0x1e: {  	[tilespmem:s15], [sflag:$0x2] =	stream.linear.gather [hbm4b:s9+s3], $0x400, $0x38;
	[tilespmem:$0x15800] =	vst v63  }
0x1f: {  	_ =	swait.ge [sflag:s12], $0x400  }
0x20: {  	[sflag:s12] =	ssyncset.done $0x0  }
0x21: {  	s25 =	simm.s32 $0x0;
	[sflag:s12] =	ssyncadd.s32 $0xFFFFFC00  }
0x22: {  	v16 =	vld [tilespmem:s25+$0x1000]  }
0x23: {  	v17 =	vld [tilespmem:s25+$0x1400];
	_ =	sdelay $0x1  }
0x24: {  	v18 =	vld [tilespmem:s25+$0xC00];
	_ =	sdelay $0x2  }
0x25: {  	v17 =	vadd.f32 v17, v16  }
0x26: {  	s26 =	simm.s32 $0x10  }
0x27: {  	s28 =	simm.s32 $0x80;
	v16 =	vld [tilespmem:s26+$0x1000];
	v17 =	vmul.f32 v17, v18  }
.LBB2_2:
0x28: {  	p0 =	sne.s32 s28, $0xFC0;
	v18 =	vld [tilespmem:s26+$0x1400]  }
0x29: {  	[tilespmem:s25+$0xC00] =	vst v17;
	s25 =	smov.u32 s26  }
0x2a: {  	v17 =	vld [tilespmem:s25+$0xC00]  }
.Ltmp0:
0x2b: {  	(pc) =	sbr.rel @p0 .LBB2_2-.Ltmp0, $4  }
0x2c: {  	_ = 	snop  }
0x2d: {  	v18 =	vadd.f32 v18, v16  }
0x2e: {  	s26 =	sshra.s32 s28, $0x2  }
0x2f: {  	s28 =	sadd.s32 $0x40, s28;
	v16 =	vld [tilespmem:s26+$0x1000];
	v17 =	vmul.f32 v18, v17  }
0x30: {  	v18 =	vld [tilespmem:s26+$0x1400]  }
0x31: {  	[tilespmem:s25+$0xC00] =	vst v17  }
0x32: {  	v17 =	vld [tilespmem:s26+$0xC00];
	_ =	sdelay $0x2  }
0x33: {  	v16 =	vadd.f32 v18, v16;
	_ =	sdelay $0x1  }
0x34: {  	v16 =	vmul.f32 v16, v17;
	_ =	sdelay $0x1  }
0x35: {  	[tilespmem:s26+$0xC00] =	vst v16;
	s26 =	simm.s32 $0x0  }
0x36: {  	v16 =	vld [tilespmem:s26+$0x0]  }
0x37: {  	s28 =	simm.s32 $0x40;
	s25 =	simm.s32 $0x0  }
.LBB2_4:
0x38: {  	p0 =	sne.s32 s28, $0x7C0  }
.Ltmp1:
0x39: {  	_ = 	snop;
	(pc) =	sbr.rel @p0 .LBB2_4-.Ltmp1, $4  }
0x3a: {  	_ = 	snop  }
0x3b: {  	s29 =	sshra.s32 s28, $0x2;
	s28 =	sadd.s32 $0x40, s28;
	v17 =	vshrl.u32 v16, $0xB;
	v18 =	vand.u32 $0x7FF, v16  }
0x3c: {  	v16 =	vld [tilespmem:s29+$0x0];
	[tilespmem:s26+$0x800] =	vst v18  }
0x3d: {  	[tilespmem:s26+$0x400] =	vst v17;
	s26 =	smov.u32 s29  }
0x3e: {  	_ =	sdelay $0x2  }
0x3f: {  	v17 =	vand.u32 $0x7FF, v16  }
0x40: {  	v16 =	vshrl.u32 v16, $0xB;
	[tilespmem:s26+$0x800] =	vst v17  }
0x41: {  	s25 =	sand.u32 $0x1F0, s25;
	[tilespmem:s26+$0x400] =	vst v16  }
0x42: {  	v16 =	vld [tilespmem:s25+$0x200];
	_ =	sdelay $0x4  }
0x43: {  	s26 =	simm.s32 $0x600;
	v17 =	vshrl.u32 v16, $0xB  }
0x44: {  	s28 =	simm.s32 $0x10;
	s25 =	simm.s32 $0xA00;
	v16 =	vand.u32 $0x7FF, v16;
	[tilespmem:s26+$0x0] =	vst v17  }
0x45: {  	s28 =	sand.u32 $0x1F0, s28;
	[tilespmem:s25+$0x0] =	vst v16  }
0x46: {  	v16 =	vld [tilespmem:s28+$0x200];
	s28 =	simm.s32 $0x20  }
.LBB2_6:
0x47: {  	p0 =	sne.s32 s28, $0x1F0;
	_ =	sdelay $0x2  }
.Ltmp2:
0x48: {  	(pc) =	sbr.rel @p0 .LBB2_6-.Ltmp2, $4  }
0x49: {  	s26 =	sadd.s32 $0x10, s26;
	v17 =	vshrl.u32 v16, $0xB;
	v16 =	vand.u32 $0x7FF, v16  }
0x4a: {  	s25 =	sadd.s32 $0x10, s25;
	[tilespmem:s26+$0x0] =	vst v17  }
0x4b: {  	s29 =	sand.u32 $0x1F0, s28;
	[tilespmem:s25+$0x0] =	vst v16  }
0x4c: {  	s28 =	sadd.s32 $0x10, s28;
	v16 =	vld [tilespmem:s29+$0x200]  }
0x4d: {  	_ =	sdelay $0x3  }
0x4e: {  	s26 =	sadd.s32 $0x10, s26;
	v17 =	vshrl.u32 v16, $0xB  }
0x4f: {  	s25 =	sadd.s32 $0x10, s25;
	s31 =	sshll.u32 s1, $0x6;
	v16 =	vand.u32 $0x7FF, v16;
	[tilespmem:s26+$0x0] =	vst v17  }
0x50: {  	s26 =	sshrl.u32 s10, $0x3;
	[tilespmem:s25+$0x0] =	vst v16;
	s25 =	sor.u32 $0x1C02, s31  }
0x51: {  	[spmem:s26], [sflag:s25] =	dma.local [hbm:s5], $0x800  }
0x52: {  	_ =	swait.ge [sflag:s12], $0x800  }
0x53: {  	[sflag:s12] =	ssyncset.done $0x0  }
0x54: {  	[sflag:s12] =	ssyncadd.s32 $0xFFFFF800  }
0x55: {  	[bflag:$0x0] =	sbarrier.arrive $0xFFFF  }
0x56: {  	[tilespmem:s18], [sflag:$0x1] =	stream.indirect.gather [hbm4b:s4+s16], $0x80, s17, s16, $0xb8;
	[tilespmem:$0x15800] =	vst v63  }
0x57: {  	_ =	swait.ge [sflag:s19], $0x10000  }
0x58: {  	[sflag:s19] =	ssyncset.done $0x0  }
0x59: {  	s28 =	simm.s32 $0x1C00;
	[sflag:s19] =	ssyncadd.s32 $0xFFFF0000  }
0x5a: {  	v21 =	vld [tilespmem:s28+$0xFFFFFE80]  }
0x5b: {  	v16 =	vld [tilespmem:s28+$0xFFFFFD80]  }
0x5c: {  	v19 =	vld [tilespmem:s28+$0xFFFFFFC0]  }
0x5d: {  	v22 =	vld [tilespmem:s28+$0xFFFFFF40]  }
0x5e: {  	v23 =	vld [tilespmem:s28+$0x200]  }
0x5f: {  	v26 =	vld [tilespmem:s28+$0xFFFFFC40]  }
0x60: {  	v30 =	vld [tilespmem:s28+$0x380]  }
0x61: {  	v25 =	vld [tilespmem:s28+$0xFFFFFD00]  }
0x62: {  	s29 =	simm.s32 $0x0;
	v18 =	vld [tilespmem:s28+$0xFFFFFE40]  }
0x63: {  	v17 =	vld [tilespmem:s29+$0xC00]  }
0x64: {  	v24 =	vld [tilespmem:s28+$0xFFFFFF00]  }
0x65: {  	v28 =	vld [tilespmem:s28+$0xFFFFFC00]  }
0x66: {  	v27 =	vld [tilespmem:s28+$0x340]  }
0x67: {  	v37 =	vld [tilespmem:s28+$0x300]  }
0x68: {  	v35 =	vld [tilespmem:s28+$0x240];
	v33 =	vperm.xlane v17, v0;
	v20 =	vperm.xlane v17, v15  }
0x69: {  	v36 =	vld [tilespmem:s28+$0xFFFFFD40];
	v34 =	vperm.xlane v17, v2;
	v31 =	vperm.xlane v17, v14  }
0x6a: {  	v32 =	vld [tilespmem:s28+$0x2C0];
	v29 =	vperm.xlane v17, v12;
	v39 =	vmul.f32 v28, v33  }
0x6b: {  	s30 =	simm.s32 $0x1C00;
	s29 =	simm.s32 $0x40;
	v28 =	vperm.xlane v17, v13;
	v38 =	vmul.f32 v25, v34;
	v25 =	vld [tilespmem:s28+$0x180]  }
.LBB2_8:
0x6c: {  	p0 =	sne.s32 s29, $0x7C0  }
0x6d: {  	[tilespmem:s28+$0xFFFFFC00] =	vst v39;
	v39 =	vld [tilespmem:s28+$0xFFFFFEC0];
	v37 =	vmul.f32 v37, v31;
	v30 =	vmul.f32 v30, v20;
	s30 =	sadd.s32 $0x800, s30;
	s31 =	smov.u32 s29;
	s29 =	sadd.s32 $0x40, s29  }
0x6e: {  	[tilespmem:s28+$0xFFFFFD00] =	vst v38;
	v38 =	vperm.xlane v17, v10;
	v35 =	vmul.f32 v35, v29;
	v40 =	vld [tilespmem:s28+$0x280]  }
0x6f: {  	v26 =	vmul.f32 v26, v33;
	v33 =	vmul.f32 v36, v34;
	v34 =	vld [tilespmem:s28+$0x1C0];
	[tilespmem:s28+$0x380] =	vst v30  }
0x70: {  	v30 =	vperm.xlane v17, v5;
	v36 =	vld [tilespmem:s28+$0xFFFFFF80];
	v32 =	vmul.f32 v32, v28;
	[tilespmem:s28+$0x300] =	vst v37  }
0x71: {  	v27 =	vmul.f32 v27, v31;
	[tilespmem:s28+$0xFFFFFC40] =	vst v26;
	v26 =	vperm.xlane v17, v6;
	v37 =	vld [tilespmem:s28+$0x100]  }
0x72: {  	v41 =	vperm.xlane v17, v11;
	v21 =	vmul.f32 v21, v30;
	v31 =	vld [tilespmem:s28+$0xFFFFFC80];
	[tilespmem:s28+$0x240] =	vst v35  }
0x73: {  	[tilespmem:s28+$0xFFFFFD40] =	vst v33;
	v33 =	vperm.xlane v17, v9;
	v35 =	vld [tilespmem:s28+$0x80];
	v28 =	vmul.f32 v40, v28  }
0x74: {  	v30 =	vmul.f32 v39, v30;
	v39 =	vld [tilespmem:s28+$0x140];
	v34 =	vmul.f32 v34, v41;
	[tilespmem:s28+$0x340] =	vst v27  }
0x75: {  	v23 =	vmul.f32 v23, v29;
	v27 =	vperm.xlane v17, v7;
	v40 =	vld [tilespmem:s28+$0xC0];
	[tilespmem:s28+$0x280] =	vst v28  }
0x76: {  	v24 =	vmul.f32 v24, v26;
	v28 =	vperm.xlane v17, v3;
	v29 =	vld [tilespmem:s28+$0x0];
	[tilespmem:s28+$0x1C0] =	vst v34  }
0x77: {  	v25 =	vmul.f32 v25, v41;
	v22 =	vmul.f32 v22, v26;
	v26 =	vld [tilespmem:s28+$0x40];
	[tilespmem:s28+$0x200] =	vst v23  }
0x78: {  	v34 =	vperm.xlane v17, v8;
	v37 =	vmul.f32 v37, v38;
	v23 =	vld [tilespmem:s28+$0xFFFFFCC0];
	[tilespmem:s28+$0x2C0] =	vst v32  }
0x79: {  	v32 =	vperm.xlane v17, v1;
	v41 =	vld [tilespmem:s28+$0xFFFFFDC0];
	[tilespmem:s28+$0xFFFFFF40] =	vst v22;
	v38 =	vmul.f32 v39, v38  }
0x7a: {  	v19 =	vmul.f32 v19, v27;
	v22 =	vmul.f32 v36, v27;
	[tilespmem:s28+$0xFFFFFF00] =	vst v24;
	v24 =	vld [tilespmem:s28+$0x3C0]  }
0x7b: {  	v36 =	vmul.f32 v40, v33;
	v27 =	vld [tilespmem:s28+$0xFFFFFE00];
	[tilespmem:s28+$0xFFFFFE80] =	vst v21;
	v29 =	vmul.f32 v29, v34  }
0x7c: {  	v21 =	vld [tilespmem:s30+$0xFFFFFE80];
	[tilespmem:s28+$0xFFFFFFC0] =	vst v19;
	v34 =	vmul.f32 v26, v34;
	v26 =	vmul.f32 v35, v33  }
0x7d: {  	v19 =	vmul.f32 v31, v32;
	v31 =	vmul.f32 v23, v32;
	[tilespmem:s28+$0x180] =	vst v25  }
0x7e: {  	v16 =	vmul.f32 v16, v28;
	v23 =	vmul.f32 v41, v28;
	[tilespmem:s28+$0xFFFFFEC0] =	vst v30  }
0x7f: {  	v17 =	vperm.xlane v17, v4;
	[tilespmem:s28+$0xFFFFFC80] =	vst v19;
	v19 =	vmul.f32 v24, v20  }
0x80: {  	[tilespmem:s28+$0xFFFFFD80] =	vst v16  }
0x81: {  	v20 =	vmul.f32 v27, v17;
	v16 =	vmul.f32 v18, v17;
	[tilespmem:s28+$0x100] =	vst v37  }
0x82: {  	[tilespmem:s28+$0xFFFFFF80] =	vst v22  }
0x83: {  	[tilespmem:s28+$0x3C0] =	vst v19  }
0x84: {  	[tilespmem:s28+$0xFFFFFE40] =	vst v16  }
0x85: {  	v16 =	vld [tilespmem:s30+$0xFFFFFD80];
	[tilespmem:s28+$0xFFFFFDC0] =	vst v23  }
0x86: {  	v19 =	vld [tilespmem:s30+$0xFFFFFFC0];
	[tilespmem:s28+$0x80] =	vst v26  }
0x87: {  	v22 =	vld [tilespmem:s30+$0xFFFFFF40];
	[tilespmem:s28+$0xC0] =	vst v36  }
0x88: {  	v23 =	vld [tilespmem:s30+$0x200];
	[tilespmem:s28+$0xFFFFFE00] =	vst v20  }
0x89: {  	v26 =	vld [tilespmem:s30+$0xFFFFFC40];
	[tilespmem:s28+$0x140] =	vst v38  }
0x8a: {  	v30 =	vld [tilespmem:s30+$0x380];
	[tilespmem:s28+$0x0] =	vst v29  }
0x8b: {  	v25 =	vld [tilespmem:s30+$0xFFFFFD00];
	[tilespmem:s28+$0xFFFFFCC0] =	vst v31  }
0x8c: {  	s31 =	sshra.s32 s31, $0x2;
	v18 =	vld [tilespmem:s30+$0xFFFFFE40];
	[tilespmem:s28+$0x40] =	vst v34;
	s28 =	smov.u32 s30  }
0x8d: {  	v17 =	vld [tilespmem:s31+$0xC00]  }
0x8e: {  	v24 =	vld [tilespmem:s30+$0xFFFFFF00]  }
0x8f: {  	v28 =	vld [tilespmem:s30+$0xFFFFFC00]  }
0x90: {  	v27 =	vld [tilespmem:s30+$0x340]  }
.Ltmp3:
0x91: {  	v37 =	vld [tilespmem:s30+$0x300];
	(pc) =	sbr.rel @p0 .LBB2_8-.Ltmp3, $4  }
0x92: {  	v33 =	vperm.xlane v17, v0;
	v35 =	vld [tilespmem:s30+$0x240];
	v20 =	vperm.xlane v17, v15  }
0x93: {  	v34 =	vperm.xlane v17, v2;
	v31 =	vperm.xlane v17, v14;
	v36 =	vld [tilespmem:s30+$0xFFFFFD40]  }
0x94: {  	v39 =	vmul.f32 v28, v33;
	v28 =	vperm.xlane v17, v13;
	v32 =	vld [tilespmem:s30+$0x2C0]  }
0x95: {  	v29 =	vperm.xlane v17, v12;
	v38 =	vmul.f32 v25, v34;
	v25 =	vld [tilespmem:s30+$0x180]  }
0x96: {  	[tilespmem:s28+$0xFFFFFC00] =	vst v39;
	v30 =	vmul.f32 v30, v20  }
0x97: {  	v37 =	vmul.f32 v37, v31;
	[tilespmem:s28+$0xFFFFFD00] =	vst v38  }
0x98: {  	v26 =	vmul.f32 v26, v33;
	[tilespmem:s28+$0x380] =	vst v30  }
0x99: {  	v62 =	vld [tilespmem:s28+$0x280];
	v23 =	vmul.f32 v23, v29;
	[tilespmem:s28+$0x300] =	vst v37  }
0x9a: {  	v63 =	vld [tilespmem:s28+$0x1C0];
	v30 =	vmul.f32 v35, v29;
	v34 =	vmul.f32 v36, v34;
	[tilespmem:s28+$0xFFFFFC40] =	vst v26  }
0x9b: {  	v26 =	vmul.f32 v27, v31;
	v27 =	vperm.xlane v17, v11;
	[tilespmem:s28+$0x200] =	vst v23  }
0x9c: {  	[tilespmem:s28+$0x240] =	vst v30  }
0x9d: {  	[tilespmem:s28+$0xFFFFFD40] =	vst v34;
	v25 =	vmul.f32 v25, v27  }
0x9e: {  	[tilespmem:s28+$0x340] =	vst v26;
	v30 =	vmul.f32 v62, v28  }
0x9f: {  	v23 =	vld [tilespmem:s28+$0xFFFFFC80];
	v26 =	vperm.xlane v17, v6;
	v31 =	vmul.f32 v63, v27;
	[tilespmem:s28+$0x180] =	vst v25  }
0xa0: {  	v28 =	vmul.f32 v32, v28;
	[tilespmem:s28+$0x280] =	vst v30  }
0xa1: {  	v27 =	vperm.xlane v17, v3;
	v22 =	vmul.f32 v22, v26;
	[tilespmem:s28+$0x1C0] =	vst v31  }
0xa2: {  	v29 =	vld [tilespmem:s28+$0xFFFFFEC0];
	v24 =	vmul.f32 v24, v26;
	v26 =	vperm.xlane v17, v1;
	[tilespmem:s28+$0x2C0] =	vst v28  }
0xa3: {  	v25 =	vld [tilespmem:s28+$0xFFFFFDC0];
	v30 =	vperm.xlane v17, v5;
	v16 =	vmul.f32 v16, v27;
	[tilespmem:s28+$0xFFFFFF40] =	vst v22  }
0xa4: {  	v31 =	vperm.xlane v17, v7;
	v28 =	vld [tilespmem:s28+$0x3C0];
	[tilespmem:s28+$0xFFFFFF00] =	vst v24;
	v23 =	vmul.f32 v23, v26  }
0xa5: {  	v22 =	vld [tilespmem:s28+$0x100];
	v21 =	vmul.f32 v21, v30;
	[tilespmem:s28+$0xFFFFFD80] =	vst v16  }
0xa6: {  	v24 =	vld [tilespmem:s28+$0xFFFFFF80];
	v19 =	vmul.f32 v19, v31;
	[tilespmem:s28+$0xFFFFFC80] =	vst v23  }
0xa7: {  	[tilespmem:s28+$0xFFFFFE80] =	vst v21;
	v21 =	vmul.f32 v29, v30  }
0xa8: {  	v16 =	vld [tilespmem:s28+$0xFFFFFE00];
	[tilespmem:s28+$0xFFFFFFC0] =	vst v19;
	v19 =	vperm.xlane v17, v10;
	v25 =	vmul.f32 v25, v27  }
0xa9: {  	v20 =	vmul.f32 v28, v20;
	v28 =	vld [tilespmem:s28+$0x140];
	[tilespmem:s28+$0xFFFFFEC0] =	vst v21  }
0xaa: {  	v29 =	vperm.xlane v17, v4;
	v21 =	vld [tilespmem:s28+$0x80];
	v22 =	vmul.f32 v22, v19;
	[tilespmem:s28+$0xFFFFFDC0] =	vst v25  }
0xab: {  	v23 =	vld [tilespmem:s28+$0xC0];
	v24 =	vmul.f32 v24, v31;
	[tilespmem:s28+$0x3C0] =	vst v20  }
0xac: {  	v18 =	vmul.f32 v18, v29;
	v20 =	vld [tilespmem:s28+$0xFFFFFCC0];
	[tilespmem:s28+$0x100] =	vst v22  }
0xad: {  	v16 =	vmul.f32 v16, v29;
	v22 =	vperm.xlane v17, v9;
	[tilespmem:s28+$0xFFFFFF80] =	vst v24;
	v24 =	vld [tilespmem:s28+$0x0]  }
0xae: {  	[tilespmem:s28+$0xFFFFFE40] =	vst v18;
	v18 =	vld [tilespmem:s28+$0x40];
	v19 =	vmul.f32 v28, v19  }
0xaf: {  	[tilespmem:s28+$0xFFFFFE00] =	vst v16;
	v21 =	vmul.f32 v21, v22  }
0xb0: {  	v17 =	vperm.xlane v17, v8;
	v22 =	vmul.f32 v23, v22;
	[tilespmem:s28+$0x140] =	vst v19  }
0xb1: {  	v16 =	vmul.f32 v20, v26;
	[tilespmem:s28+$0x80] =	vst v21  }
0xb2: {  	[tilespmem:s28+$0xC0] =	vst v22;
	v21 =	vmul.f32 v24, v17  }
0xb3: {  	v17 =	vmul.f32 v18, v17;
	[tilespmem:s28+$0xFFFFFCC0] =	vst v16  }
0xb4: {  	[tilespmem:s28+$0x0] =	vst v21  }
0xb5: {  	[tilespmem:s28+$0x40] =	vst v17  }
0xb6: {  	[spmem:s2] =	stream.indirect.scatter.add.f32 [tilespmem:s18], [sflag:$0x2], $0x80, s20, s16, $0xb8;
	[tilespmem:$0x15800] =	vst v63  }
0xb7: {  	_ =	swait.ge [sflag:s12], $0x10000  }
0xb8: {  	[sflag:s12] =	ssyncset.done $0x0  }
0xb9: {  	[sflag:s12] =	ssyncadd.s32 $0xFFFF0000  }
0xba: {  	[tilespmem:s18], [sflag:$0x1] =	stream.indirect.gather [hbm4b:s4+s16], $0x80, s21, s16, $0xb8;
	[tilespmem:$0x15800] =	vst v63  }
0xbb: {  	_ =	swait.ge [sflag:s19], $0x10000  }
0xbc: {  	[sflag:s19] =	ssyncset.done $0x0  }
0xbd: {  	s28 =	simm.s32 $0x1C00;
	[sflag:s19] =	ssyncadd.s32 $0xFFFF0000  }
0xbe: {  	v21 =	vld [tilespmem:s28+$0xFFFFFE80]  }
0xbf: {  	v16 =	vld [tilespmem:s28+$0xFFFFFD80]  }
0xc0: {  	v19 =	vld [tilespmem:s28+$0xFFFFFFC0]  }
0xc1: {  	v22 =	vld [tilespmem:s28+$0xFFFFFF40]  }
0xc2: {  	v23 =	vld [tilespmem:s28+$0x200]  }
0xc3: {  	v26 =	vld [tilespmem:s28+$0xFFFFFC40]  }
0xc4: {  	v30 =	vld [tilespmem:s28+$0x380]  }
0xc5: {  	s29 =	simm.s32 $0x0;
	v25 =	vld [tilespmem:s28+$0xFFFFFD00]  }
0xc6: {  	s29 =	sand.u32 $0x1F0, s29;
	v18 =	vld [tilespmem:s28+$0xFFFFFE40]  }
0xc7: {  	v17 =	vld [tilespmem:s29+$0xE00]  }
0xc8: {  	v24 =	vld [tilespmem:s28+$0xFFFFFF00]  }
0xc9: {  	v28 =	vld [tilespmem:s28+$0xFFFFFC00]  }
0xca: {  	v27 =	vld [tilespmem:s28+$0x340]  }
0xcb: {  	v37 =	vld [tilespmem:s28+$0x300]  }
0xcc: {  	v35 =	vld [tilespmem:s28+$0x240];
	v33 =	vperm.xlane v17, v0;
	v20 =	vperm.xlane v17, v15  }
0xcd: {  	v36 =	vld [tilespmem:s28+$0xFFFFFD40];
	v34 =	vperm.xlane v17, v2;
	v31 =	vperm.xlane v17, v14  }
0xce: {  	v32 =	vld [tilespmem:s28+$0x2C0];
	v29 =	vperm.xlane v17, v12;
	v39 =	vmul.f32 v28, v33  }
0xcf: {  	s30 =	simm.s32 $0x1C00;
	s29 =	simm.s32 $0x10;
	v28 =	vperm.xlane v17, v13;
	v38 =	vmul.f32 v25, v34;
	v25 =	vld [tilespmem:s28+$0x180]  }
.LBB2_10:
0xd0: {  	p0 =	sne.s32 s29, $0x1F0  }
0xd1: {  	[tilespmem:s28+$0xFFFFFC00] =	vst v39;
	v39 =	vld [tilespmem:s28+$0xFFFFFEC0];
	v37 =	vmul.f32 v37, v31;
	v30 =	vmul.f32 v30, v20;
	s30 =	sadd.s32 $0x800, s30;
	s31 =	smov.u32 s29;
	s29 =	sadd.s32 $0x10, s29  }
0xd2: {  	[tilespmem:s28+$0xFFFFFD00] =	vst v38;
	v38 =	vperm.xlane v17, v10;
	v35 =	vmul.f32 v35, v29;
	v40 =	vld [tilespmem:s28+$0x280]  }
0xd3: {  	v26 =	vmul.f32 v26, v33;
	v33 =	vmul.f32 v36, v34;
	v34 =	vld [tilespmem:s28+$0x1C0];
	[tilespmem:s28+$0x380] =	vst v30  }
0xd4: {  	v30 =	vperm.xlane v17, v5;
	v36 =	vld [tilespmem:s28+$0xFFFFFF80];
	v32 =	vmul.f32 v32, v28;
	[tilespmem:s28+$0x300] =	vst v37  }
0xd5: {  	v27 =	vmul.f32 v27, v31;
	[tilespmem:s28+$0xFFFFFC40] =	vst v26;
	v26 =	vperm.xlane v17, v6;
	v37 =	vld [tilespmem:s28+$0x100]  }
0xd6: {  	v41 =	vperm.xlane v17, v11;
	v21 =	vmul.f32 v21, v30;
	v31 =	vld [tilespmem:s28+$0xFFFFFC80];
	[tilespmem:s28+$0x240] =	vst v35  }
0xd7: {  	[tilespmem:s28+$0xFFFFFD40] =	vst v33;
	v33 =	vperm.xlane v17, v9;
	v35 =	vld [tilespmem:s28+$0x80];
	v28 =	vmul.f32 v40, v28  }
0xd8: {  	v30 =	vmul.f32 v39, v30;
	v39 =	vld [tilespmem:s28+$0x140];
	v34 =	vmul.f32 v34, v41;
	[tilespmem:s28+$0x340] =	vst v27  }
0xd9: {  	v23 =	vmul.f32 v23, v29;
	v27 =	vperm.xlane v17, v7;
	v40 =	vld [tilespmem:s28+$0xC0];
	[tilespmem:s28+$0x280] =	vst v28  }
0xda: {  	v24 =	vmul.f32 v24, v26;
	v28 =	vperm.xlane v17, v3;
	v29 =	vld [tilespmem:s28+$0x0];
	[tilespmem:s28+$0x1C0] =	vst v34  }
0xdb: {  	v25 =	vmul.f32 v25, v41;
	v22 =	vmul.f32 v22, v26;
	v26 =	vld [tilespmem:s28+$0x40];
	[tilespmem:s28+$0x200] =	vst v23  }
0xdc: {  	v34 =	vperm.xlane v17, v8;
	v37 =	vmul.f32 v37, v38;
	v23 =	vld [tilespmem:s28+$0xFFFFFCC0];
	[tilespmem:s28+$0x2C0] =	vst v32  }
0xdd: {  	v32 =	vperm.xlane v17, v1;
	v41 =	vld [tilespmem:s28+$0xFFFFFDC0];
	[tilespmem:s28+$0xFFFFFF40] =	vst v22;
	v38 =	vmul.f32 v39, v38  }
0xde: {  	v19 =	vmul.f32 v19, v27;
	v22 =	vmul.f32 v36, v27;
	[tilespmem:s28+$0xFFFFFF00] =	vst v24;
	v24 =	vld [tilespmem:s28+$0x3C0]  }
0xdf: {  	v36 =	vmul.f32 v40, v33;
	v27 =	vld [tilespmem:s28+$0xFFFFFE00];
	[tilespmem:s28+$0xFFFFFE80] =	vst v21;
	v29 =	vmul.f32 v29, v34  }
0xe0: {  	v21 =	vld [tilespmem:s30+$0xFFFFFE80];
	[tilespmem:s28+$0xFFFFFFC0] =	vst v19;
	v34 =	vmul.f32 v26, v34;
	v26 =	vmul.f32 v35, v33  }
0xe1: {  	v19 =	vmul.f32 v31, v32;
	v31 =	vmul.f32 v23, v32;
	[tilespmem:s28+$0x180] =	vst v25  }
0xe2: {  	v16 =	vmul.f32 v16, v28;
	v23 =	vmul.f32 v41, v28;
	[tilespmem:s28+$0xFFFFFEC0] =	vst v30  }
0xe3: {  	v17 =	vperm.xlane v17, v4;
	[tilespmem:s28+$0xFFFFFC80] =	vst v19;
	v19 =	vmul.f32 v24, v20  }
0xe4: {  	[tilespmem:s28+$0xFFFFFD80] =	vst v16  }
0xe5: {  	v20 =	vmul.f32 v27, v17;
	v16 =	vmul.f32 v18, v17;
	[tilespmem:s28+$0x100] =	vst v37  }
0xe6: {  	[tilespmem:s28+$0xFFFFFF80] =	vst v22  }
0xe7: {  	[tilespmem:s28+$0x3C0] =	vst v19  }
0xe8: {  	[tilespmem:s28+$0xFFFFFE40] =	vst v16  }
0xe9: {  	v16 =	vld [tilespmem:s30+$0xFFFFFD80];
	[tilespmem:s28+$0xFFFFFDC0] =	vst v23  }
0xea: {  	v19 =	vld [tilespmem:s30+$0xFFFFFFC0];
	[tilespmem:s28+$0x80] =	vst v26  }
0xeb: {  	v22 =	vld [tilespmem:s30+$0xFFFFFF40];
	[tilespmem:s28+$0xC0] =	vst v36  }
0xec: {  	v23 =	vld [tilespmem:s30+$0x200];
	[tilespmem:s28+$0xFFFFFE00] =	vst v20  }
0xed: {  	v26 =	vld [tilespmem:s30+$0xFFFFFC40];
	[tilespmem:s28+$0x140] =	vst v38  }
0xee: {  	v30 =	vld [tilespmem:s30+$0x380];
	[tilespmem:s28+$0x0] =	vst v29  }
0xef: {  	v25 =	vld [tilespmem:s30+$0xFFFFFD00];
	[tilespmem:s28+$0xFFFFFCC0] =	vst v31  }
0xf0: {  	s31 =	sand.u32 $0x1F0, s31;
	v18 =	vld [tilespmem:s30+$0xFFFFFE40];
	[tilespmem:s28+$0x40] =	vst v34;
	s28 =	smov.u32 s30  }
0xf1: {  	v17 =	vld [tilespmem:s31+$0xE00]  }
0xf2: {  	v24 =	vld [tilespmem:s30+$0xFFFFFF00]  }
0xf3: {  	v28 =	vld [tilespmem:s30+$0xFFFFFC00]  }
0xf4: {  	v27 =	vld [tilespmem:s30+$0x340]  }
.Ltmp4:
0xf5: {  	v37 =	vld [tilespmem:s30+$0x300];
	(pc) =	sbr.rel @p0 .LBB2_10-.Ltmp4, $4  }
0xf6: {  	v33 =	vperm.xlane v17, v0;
	v35 =	vld [tilespmem:s30+$0x240];
	v20 =	vperm.xlane v17, v15  }
0xf7: {  	v34 =	vperm.xlane v17, v2;
	v31 =	vperm.xlane v17, v14;
	v36 =	vld [tilespmem:s30+$0xFFFFFD40]  }
0xf8: {  	v39 =	vmul.f32 v28, v33;
	v28 =	vperm.xlane v17, v13;
	v32 =	vld [tilespmem:s30+$0x2C0]  }
0xf9: {  	v29 =	vperm.xlane v17, v12;
	v38 =	vmul.f32 v25, v34;
	v25 =	vld [tilespmem:s30+$0x180]  }
0xfa: {  	[tilespmem:s28+$0xFFFFFC00] =	vst v39;
	v30 =	vmul.f32 v30, v20  }
0xfb: {  	v37 =	vmul.f32 v37, v31;
	[tilespmem:s28+$0xFFFFFD00] =	vst v38  }
0xfc: {  	v26 =	vmul.f32 v26, v33;
	[tilespmem:s28+$0x380] =	vst v30  }
0xfd: {  	v63 =	vmul.f32 v35, v29;
	[tilespmem:s28+$0x300] =	vst v37  }
0xfe: {  	v23 =	vmul.f32 v23, v29;
	[tilespmem:s28+$0xFFFFFC40] =	vst v26  }
0xff: {  	v40 =	vperm.xlane v17, v6;
	v34 =	vmul.f32 v36, v34;
	[tilespmem:s28+$0x240] =	vst v63  }
0x100: {  	v36 =	vmul.f32 v27, v31;
	[tilespmem:s28+$0x200] =	vst v23  }
0x101: {  	v43 =	vperm.xlane v17, v5;
	v22 =	vmul.f32 v22, v40;
	[tilespmem:s28+$0xFFFFFD40] =	vst v34  }
0x102: {  	v45 =	vperm.xlane v17, v7;
	v24 =	vmul.f32 v24, v40;
	[tilespmem:s28+$0x340] =	vst v36  }
0x103: {  	v50 =	vperm.xlane v17, v3;
	v21 =	vmul.f32 v21, v43;
	[tilespmem:s28+$0xFFFFFF40] =	vst v22  }
0x104: {  	v61 =	vld [tilespmem:s28+$0x280];
	v56 =	vperm.xlane v17, v4;
	v19 =	vmul.f32 v19, v45;
	[tilespmem:s28+$0xFFFFFF00] =	vst v24  }
0x105: {  	v62 =	vld [tilespmem:s28+$0x1C0];
	v16 =	vmul.f32 v16, v50;
	[tilespmem:s28+$0xFFFFFE80] =	vst v21  }
0x106: {  	v42 =	vld [tilespmem:s28+$0xFFFFFEC0];
	v37 =	vperm.xlane v17, v11;
	v18 =	vmul.f32 v18, v56;
	[tilespmem:s28+$0xFFFFFFC0] =	vst v19  }
0x107: {  	v44 =	vld [tilespmem:s28+$0xFFFFFC80];
	v41 =	vmul.f32 v32, v28;
	[tilespmem:s28+$0xFFFFFD80] =	vst v16  }
0x108: {  	v46 =	vld [tilespmem:s28+$0x100];
	v25 =	vmul.f32 v25, v37;
	[tilespmem:s28+$0xFFFFFE40] =	vst v18  }
0x109: {  	v47 =	vld [tilespmem:s28+$0xFFFFFF80];
	v38 =	vmul.f32 v61, v28;
	[tilespmem:s28+$0x2C0] =	vst v41  }
0x10a: {  	v48 =	vperm.xlane v17, v1;
	v51 =	vld [tilespmem:s28+$0x3C0];
	v39 =	vmul.f32 v62, v37;
	[tilespmem:s28+$0x180] =	vst v25  }
0x10b: {  	v52 =	vperm.xlane v17, v10;
	v54 =	vld [tilespmem:s28+$0x80];
	v49 =	vmul.f32 v42, v43;
	[tilespmem:s28+$0x280] =	vst v38  }
0x10c: {  	v59 =	vld [tilespmem:s28+$0x140];
	v23 =	vmul.f32 v44, v48;
	[tilespmem:s28+$0x1C0] =	vst v39  }
0x10d: {  	v60 =	vld [tilespmem:s28+$0x0];
	v22 =	vmul.f32 v46, v52;
	[tilespmem:s28+$0xFFFFFEC0] =	vst v49  }
0x10e: {  	v53 =	vld [tilespmem:s28+$0xFFFFFDC0];
	v58 =	vperm.xlane v17, v9;
	v24 =	vmul.f32 v47, v45;
	[tilespmem:s28+$0xFFFFFC80] =	vst v23  }
0x10f: {  	v55 =	vld [tilespmem:s28+$0xC0];
	v57 =	vmul.f32 v51, v20;
	[tilespmem:s28+$0x100] =	vst v22  }
0x110: {  	v17 =	vperm.xlane v17, v8;
	v16 =	vld [tilespmem:s28+$0xFFFFFE00];
	v21 =	vmul.f32 v54, v58;
	[tilespmem:s28+$0xFFFFFF80] =	vst v24  }
0x111: {  	v62 =	vld [tilespmem:s28+$0x40];
	v19 =	vmul.f32 v59, v52;
	[tilespmem:s28+$0x3C0] =	vst v57  }
0x112: {  	v61 =	vld [tilespmem:s28+$0xFFFFFCC0];
	v63 =	vmul.f32 v60, v17;
	[tilespmem:s28+$0x80] =	vst v21  }
0x113: {  	v25 =	vmul.f32 v53, v50;
	[tilespmem:s28+$0x140] =	vst v19  }
0x114: {  	v22 =	vmul.f32 v55, v58;
	[tilespmem:s28+$0x0] =	vst v63  }
0x115: {  	[tilespmem:s28+$0xFFFFFDC0] =	vst v25;
	v16 =	vmul.f32 v16, v56  }
0x116: {  	[tilespmem:s28+$0xC0] =	vst v22;
	v17 =	vmul.f32 v62, v17  }
0x117: {  	[tilespmem:s28+$0xFFFFFE00] =	vst v16;
	v16 =	vmul.f32 v61, v48  }
0x118: {  	[tilespmem:s28+$0x40] =	vst v17  }
0x119: {  	[tilespmem:s28+$0xFFFFFCC0] =	vst v16  }
0x11a: {  	[spmem:s2] =	stream.indirect.scatter.add.f32 [tilespmem:s18], [sflag:$0x2], $0x80, s22, s16, $0xb8;
	[tilespmem:$0x15800] =	vst v63  }
0x11b: {  	_ =	swait.ge [sflag:s12], $0x10000  }
0x11c: {  	s24 =	sadd.s32 $0x1, s24;
	[sflag:s12] =	ssyncset.done $0x0  }
0x11d: {  	p0 =	sne.s32 s24, s11;
	[sflag:s12] =	ssyncadd.s32 $0xFFFF0000  }
.Ltmp5:
0x11e: {  	[bflag:$0x0] =	sbarrier.arrive $0xFFFF;
	(pc) =	sbr.rel @p0 .LBB2_1-.Ltmp5, $4  }
0x11f: {  	[hbm:s23], [sflag:s25] =	dma.local [spmem:s26], $0x800  }
0x120: {  	_ =	swait.ge [sflag:s12], $0x800  }
0x121: {  	[sflag:s12] =	ssyncset.done $0x0  }
0x122: {  	[sflag:s12] =	ssyncadd.s32 $0xFFFFF800  }
0x123: {  	_ =	sfence.sel $0x180000  }
0x124: {  	[bflag:$0x0] =	sbarrier.arrive $0xFFFF  }
0x125: {  	p0 =	sne.s32 s1, $0x0;
	_ =	strace $0x90000050  }
0x126: {  	s0 =	sadd.s32 @!p0 $0x100000, s0;
	[bflag:$0x2] =	sbarrier.arrive $0xFFFF  }
0x127: {  	[sflag:s0] =	ssyncadd.tile.s32 @!p0 $0x1;
	_ =	shalt  }
.Lfunc_end2:
_tile_overlayer_lowered:
.L_overlay_start_2:
0x128: {  	(tag) =	ssettag $0x2  }
0x129: {  	s0 =	rddreg [dreg:$0x0];
	s2 =	stileid.u32  }
0x12a: {  	s1 =	rddreg [dreg:$0x1];
	p0 =	sne.s32 s2, $0x0  }
0x12b: {  	s3 =	rddreg [dreg:$0x2];
	[bflag:$0x3] =	sbarrier.arrive $0xFFFF;
	s2 =	simm.s32 @!p0 $0x1C02  }
0x12c: {  	[timem:s3], [sflag:s2] =	dma.local @!p0 [hbm:s0], s1  }
0x12d: {  	s0 =	simm.s32 @!p0 $0x2  }
0x12e: {  	_ =	swait.ge @!p0 [sflag:s0], s1  }
0x12f: {  	s1 =	ssub.s32 @!p0 $0x0, s1;
	[sflag:s0] =	ssyncset.done @!p0 $0x0  }
0x130: {  	[sflag:s0] =	ssyncadd.s32 @!p0 s1  }
0x131: {  	[bflag:$0x3] =	sbarrier.arrive $0xFFFF  }
0x132: {  	_ =	shalt  }

// kernel: scatter_offload_async_start
scs
__scs_entry_jumppad:
0x0: {  	(pc) =	sbr.rel $0x88, $3  }
0x1: {  	(tag) =	ssettag $0x0;
	lr =	simm.s32 $0x1  }
0x2: {  	[smem:$0x3F88] =	sst lr;
	_ =	strace $0xD0000000  }
0x3: {  	_ = 	snop  }
0x4: {  	_ = 	snop  }
0x5: {  	_ = 	snop  }
0x6: {  	_ = 	snop  }
0x7: {  	_ = 	snop  }
__scs_overlays_trampoline_lowered:
0x8: {  	[smem:$0x3F97] =	sst s0  }
0x9: {  	[smem:$0x3F98] =	sst s1  }
0xa: {  	[smem:$0x3F99] =	sst s2  }
0xb: {  	[smem:$0x3F9A] =	sst s3  }
0xc: {  	[smem:$0x3F9B] =	sst s4  }
0xd: {  	[smem:$0x3F9C] =	sst s5  }
0xe: {  	[smem:$0x3F9D] =	sst s6  }
0xf: {  	[smem:$0x3F9E] =	sst s7  }
0x10: {  	[smem:$0x3F9F] =	sst s8  }
0x11: {  	[smem:$0x3FA0] =	sst s9;
	s0 =	simm.s32 @!p0 $0x0  }
0x12: {  	s1 =	sld [smem:$0x3F86];
	s0 =	simm.s32 @p0 $0x1  }
0x13: {  	[smem:$0x3FA1] =	sst s0;
	s0 =	simm.s32 @!p1 $0x0  }
0x14: {  	s2 =	sld [smem:$0x3F85];
	s0 =	simm.s32 @p1 $0x1  }
0x15: {  	[smem:$0x3FA2] =	sst s0;
	s0 =	simm.s32 @!p2 $0x0  }
0x16: {  	s3 =	sld [smem:$0x3FDB];
	s0 =	simm.s32 @p2 $0x1  }
0x17: {  	s4 =	simm.s32 $0x1BF5;
	[smem:$0x3FA4] =	sst s0  }
0x18: {  	s0 =	sld [smem:$0x3F87];
	_ =	swait.ge [sflag:s4], $0x0  }
0x19: {  	s7 =	sld [smem:$0x3F88]  }
0x1a: {  	s8 =	sadd.s32 $0xFFFFE003, lr  }
0x1b: {  	s9 =	sadd.s32 $0xFFFFFEF7, lr;
	s5 =	simm.s32 $0xFFFFFFFF;
	p2 =	slt.u32 s8, $0xFFFFF086  }
0x1c: {  	p1 =	slt.u32 s9, $0xF7A;
	s5 =	simm.s32 @!p2 $0x0  }
0x1d: {  	s5 =	simm.s32 @p1 $0x1;
	p0 =	seq.s32 s7, s2  }
0x1e: {  	s7 =	smul.u32 @!p0 $0xF7A, s2;
	p2 =	seq.s32 @!p0 s5, $0x0  }
0x1f: {  	s9 =	smul.u32 $0xF7A, s1;
	s8 =	simm.s32 @!p0 $0x1BF5;
	p2 =	por !p2, p0  }
0x20: {  	[sflag:s8] =	ssyncset.s32 @!p0 $0xFFFFF086;
	s6 =	sadd.s32 @!p0 s3, s7;
	s7 =	simm.s32 @!p0 $0x108  }
0x21: {  	s3 =	sadd.s32 s3, s9;
	s6 =	sadd.s32 @!p0 $0x88, s6;
	s7 =	simm.s32 @p2 $0x1082  }
0x22: {  	[simem:s7], [sflag:s8] =	dma.local @!p0 [hbm:s6], $0xF7A  }
0x23: {  	s9 =	sor.u32 $0xD0000000, s2;
	s6 =	simm.s32 $0x108;
	_ =	swait.ge @!p0 [sflag:s8], $0x0  }
0x24: {  	s3 =	sadd.s32 $0x88, s3;
	s6 =	simm.s32 @!p1 $0x1082;
	[sflag:s4] =	ssyncset.s32 $0xFFFFF086  }
0x25: {  	[simem:s6], [sflag:s4] =	dma.local [hbm:s3], $0xF7A  }
0x26: {  	[smem:$0x3F88] =	sst s1;
	(tag) =	ssettag s2;
	_ =	strace s9  }
0x27: {  	s1 =	sld [smem:$0x3F98]  }
0x28: {  	s2 =	sld [smem:$0x3F99]  }
0x29: {  	s4 =	sld [smem:$0x3F9B]  }
0x2a: {  	p0 =	seq.s32 s5, $0x0;
	s5 =	sld [smem:$0x3F9C]  }
0x2b: {  	s6 =	sld [smem:$0x3F9D]  }
0x2c: {  	s7 =	sld [smem:$0x3F9E]  }
0x2d: {  	s3 =	simm.s32 $0x108;
	s8 =	sld [smem:$0x3F9F]  }
0x2e: {  	s3 =	simm.s32 @!p0 $0x1082;
	s9 =	sld [smem:$0x3FA0]  }
0x2f: {  	lr =	sadd.s32 s0, s3;
	s0 =	sld [smem:$0x3F97]  }
0x30: {  	s3 =	sld [smem:$0x3F9A]  }
0x31: {  	[smem:$0x3FA3] =	sst s10  }
0x32: {  	s10 =	sld [smem:$0x3FA1];
	_ =	sdelay $0x3  }
0x33: {  	p0 =	seq.s32 s10, $0x1;
	s10 =	sld [smem:$0x3FA3];
	_ =	sdelay $0x3  }
0x34: {  	[smem:$0x3FA3] =	sst s10  }
0x35: {  	s10 =	sld [smem:$0x3FA2];
	_ =	sdelay $0x3  }
0x36: {  	p1 =	seq.s32 s10, $0x1;
	s10 =	sld [smem:$0x3FA3];
	_ =	sdelay $0x3  }
0x37: {  	[smem:$0x3FA3] =	sst s10  }
0x38: {  	s10 =	sld [smem:$0x3FA4]  }
0x39: {  	_ = 	snop;
	(pc) =	sbr.ind lr, $3  }
0x3a: {  	_ = 	snop  }
0x3b: {  	_ = 	snop  }
0x3c: {  	p2 =	seq.s32 s10, $0x1;
	s10 =	sld [smem:$0x3FA3]  }
0x3d: {  	_ =	shalt  }
0x3e: {  	_ =	shalt  }
0x3f: {  	_ =	shalt  }
0x40: {  	_ =	shalt  }
0x41: {  	_ =	shalt  }
0x42: {  	_ =	shalt  }
0x43: {  	_ =	shalt  }
0x44: {  	_ =	shalt  }
0x45: {  	_ =	shalt  }
0x46: {  	_ =	shalt  }
0x47: {  	_ =	shalt  }
0x48: {  	_ =	shalt  }
0x49: {  	_ =	shalt  }
0x4a: {  	_ =	shalt  }
0x4b: {  	_ =	shalt  }
0x4c: {  	_ =	shalt  }
0x4d: {  	_ =	shalt  }
0x4e: {  	_ =	shalt  }
0x4f: {  	_ =	shalt  }
0x50: {  	_ =	shalt  }
0x51: {  	_ =	shalt  }
0x52: {  	_ =	shalt  }
0x53: {  	_ =	shalt  }
0x54: {  	_ =	shalt  }
0x55: {  	_ =	shalt  }
0x56: {  	_ =	shalt  }
0x57: {  	_ =	shalt  }
0x58: {  	_ =	shalt  }
0x59: {  	_ =	shalt  }
0x5a: {  	_ =	shalt  }
0x5b: {  	_ =	shalt  }
0x5c: {  	_ =	shalt  }
0x5d: {  	_ =	shalt  }
0x5e: {  	_ =	shalt  }
0x5f: {  	_ =	shalt  }
0x60: {  	_ =	shalt  }
0x61: {  	_ =	shalt  }
0x62: {  	_ =	shalt  }
0x63: {  	_ =	shalt  }
0x64: {  	_ =	shalt  }
0x65: {  	_ =	shalt  }
0x66: {  	_ =	shalt  }
0x67: {  	_ =	shalt  }
0x68: {  	_ =	shalt  }
0x69: {  	_ =	shalt  }
0x6a: {  	_ =	shalt  }
0x6b: {  	_ =	shalt  }
0x6c: {  	_ =	shalt  }
0x6d: {  	_ =	shalt  }
0x6e: {  	_ =	shalt  }
0x6f: {  	_ =	shalt  }
0x70: {  	_ =	shalt  }
0x71: {  	_ =	shalt  }
0x72: {  	_ =	shalt  }
0x73: {  	_ =	shalt  }
0x74: {  	_ =	shalt  }
0x75: {  	_ =	shalt  }
0x76: {  	_ =	shalt  }
0x77: {  	_ =	shalt  }
0x78: {  	_ =	shalt  }
0x79: {  	_ =	shalt  }
0x7a: {  	_ =	shalt  }
0x7b: {  	_ =	shalt  }
0x7c: {  	_ =	shalt  }
0x7d: {  	_ =	shalt  }
0x7e: {  	_ =	shalt  }
0x7f: {  	_ =	shalt  }
0x80: {  	_ =	shalt  }
0x81: {  	_ =	shalt  }
0x82: {  	_ =	shalt  }
0x83: {  	_ =	shalt  }
0x84: {  	_ =	shalt  }
0x85: {  	_ =	shalt  }
0x86: {  	_ =	shalt  }
0x87: {  	_ =	shalt  }
.Lfunc_end0:
.L_simem_size_0:
called_computation_lowered:
.L_overlay_start_0:
0x88: {  	s0 =	sld [smem:$0x3FD9]  }
0x89: {  	s1 =	sld [smem:$0x3FFE];
	_ =	sdelay $0x3  }
0x8a: {  	s0 =	sadd.s32 s1, s0  }
0x8b: {  	[smem:$0x3FAF] =	sst s0  }
0x8c: {  	_ = 	snop  }
0x8d: {  	(tm) =	ssettm $0x1  }
0x8e: {  	s15 =	sld [smem:$0x3FFB];
	_ =	sdelay $0x3  }
0x8f: {  	_ =	strace s15  }
0x90: {  	s0 =	sld [smem:$0x3FFC];
	_ =	sdelay $0x3  }
0x91: {  	_ =	strace s0  }
0x92: {  	s0 =	sld [smem:$0x3FFD];
	_ =	sdelay $0x3  }
0x93: {  	_ =	strace s0  }
0x94: {  	_ =	strace $0x8FFFFFFF  }
0x95: {  	s16 =	sld [smem:$0x3FDB];
	_ =	sdelay $0x1  }
0x96: {  	s17 =	simm.s32 $_scs_section_size  }
0x97: {  	s2 =	simm.s32 $_size__tile_overlayer_lowered;
	s3 =	simm.s32 $_tile_overlayer_lowered  }
0x98: {  	s20 =	simm.s32 $0x1BFF;
	s19 =	sshll.u32 s3, $0x1;
	s0 =	sadd.s32 s17, s16  }
0x99: {  	s4 =	simm.s32 $0x0;
	s18 =	sshll.u32 s2, $0x1;
	s2 =	sadd.s32 s19, s0  }
0x9a: {  	[timem:s4], [sflag:s20] =	dma.local [hbm:s2], s18  }
0x9b: {  	_ =	swait.ge [sflag:s20], s18  }
0x9c: {  	s1 =	ssub.s32 $0x0, s18;
	[sflag:s20] =	ssyncset.done $0x0  }
0x9d: {  	[sflag:s20] =	ssyncadd.s32 s1;
	_ =	sdelay $0x1  }
0x9e: {  	s21 =	simm.s32 $0x1B8B  }
0x9f: {  	_ =	swait.ge [sflag:s21], $0x1  }
0xa0: {  	[sflag:s21] =	ssyncset.done $0x0  }
0xa1: {  	s23 =	simm.s32 $0x1B8E;
	s22 =	sld [smem:$0x3FFE];
	[sflag:s21] =	ssyncadd.s32 $0xFFFFFFFF  }
0xa2: {  	s24 =	simm.s32 $execute0_lowered;
	[smem:$0x3FD2] =	sst s23  }
0xa3: {  	s2 =	sshll.u32 s24, $0x1;
	_ =	strace $0x80000046;
	[dreg:$0x1] =	wrdreg $0xFFFFFFFF  }
0xa4: {  	s25 =	simm.s32 $_size_execute0_lowered;
	s0 =	sadd.s32 s0, s2;
	[dreg:$0x0] =	wrdreg $0x0  }
0xa5: {  	s2 =	sshll.u32 s25, $0x1;
	[dreg:$0x2] =	wrdreg s0  }
0xa6: {  	[dreg:$0x3] =	wrdreg s2  }
0xa7: {  	[dreg:$0x4] =	wrdreg $0xC0  }
0xa8: {  	_ =	task [dreg:s4], $0x5FFFF  }
0xa9: {  	[dreg:$0x1] =	wrdreg $0xFFFFFFFF  }
0xaa: {  	[dreg:$0x0] =	wrdreg $0x60  }
0xab: {  	[dreg:$0x2] =	wrdreg s22  }
0xac: {  	[dreg:$0x3] =	wrdreg $0x9  }
0xad: {  	_ =	task.clear_ibuf [dreg:s4], $0x4FFFF;
	_ =	strace $0x90000046  }
0xae: {  	s26 =	simm.s32 $0x9;
	_ =	strace $0x80000048  }
0xaf: {  	_ =	swait.ge [sflag:s26], $0x1  }
0xb0: {  	[sflag:s26] =	ssyncadd.s32 $0xFFFFFFFF  }
0xb1: {  	_ =	strace $0x90000048  }
0xb2: {  	_ =	sfence  }
0xb3: {  	s28 =	sld [smem:$0x0];
	_ =	sdelay $0x1  }
0xb4: {  	s29 =	srdreg.scid  }
0xb5: {  	s30 =	sshll.u32 s29, $0xD;
	s31 =	sshrl.u32 s29, $0x2  }
0xb6: {  	s1 =	sand.u32 $0x1, s29;
	s2 =	sand.u32 $0x4000, s30;
	s0 =	sadd.s32 s31, s28  }
0xb7: {  	s1 =	sor.u32 s2, s1;
	s0 =	sshll.u32 s0, $0x11  }
0xb8: {  	s0 =	sor.u32 s0, s1  }
0xb9: {  	s0 =	sadd.s32 $0x8F2B, s0  }
0xba: {  	[sflag:s0] =	ssyncadd.remote.s32 $0x1  }
0xbb: {  	_ =	sfence.sel $0xFFFF  }
0xbc: {  	[dreg:$0x0] =	wrdreg $0xFFFFFFFF;
	(pc) =	sbr.abs _section_cstart, $3  }
0xbd: {  	[dreg:$0x1] =	wrdreg $0xFFFFFFFF  }
0xbe: {  	_ =	task.clear_ibuf [dreg:s4], $0x2FFFF;
	_ =	strace $0x9FFFFFFF  }
0xbf: {  	(tm) =	ssettm $0x7FFFFFFF  }
tec
execute0_lowered:
.L_overlay_start_1:
0x0: {  	(tag) =	ssettag $0x1  }
0x1: {  	s0 =	rddreg [dreg:$0x0];
	_ =	strace $0x80000047;
	s3 =	simm.s32 $0x1  }
0x2: {  	v1 =	vimm.s32 $0xFFFFFFFF;
	[sflag:s3] =	ssyncpa.u1 $0x0  }
0x3: {  	[tilespmem:$0x10] =	vst v1  }
0x4: {  	v0 =	vimm.s32 $0x80000000;
	[tilespmem:$0x20] =	vst v1  }
0x5: {  	[tilespmem:$0x30] =	vst v0  }
0x6: {  	s2 =	simm.s32 $0x2;
	s6 =	simm.s32 $0x7;
	[tilespmem:$0x40] =	vst v0  }
0x7: {  	s26 =	stileid.u32;
	s7 =	simm.s32 $0x8;
	s31 =	simm.s32 $0x9;
	[tilespmem:$0x50] =	vst v0  }
0x8: {  	s14 =	simm.s32 $0x0;
	s15 =	simm.s32 $0x100;
	s19 =	simm.s32 $0x4900;
	[tilespmem:$0x60] =	vst v1  }
0x9: {  	s20 =	simm.s32 $0xF;
	s21 =	simm.s32 $0x50;
	s22 =	simm.s32 $0x20FF;
	[tilespmem:$0x70] =	vst v1  }
0xa: {  	s23 =	simm.s32 $0x20;
	s24 =	simm.s32 $0x30;
	s25 =	simm.s32 $0x40FF;
	[tilespmem:$0x80] =	vst v1  }
0xb: {  	s30 =	simm.s32 $0x0;
	s29 =	simm.s32 $0x0;
	s1 =	sadd.s32 $0x13A00, s0;
	v1 =	vimm.s32 $0x0;
	[tilespmem:$0xB0] =	vst v0  }
.Ltmp0:
0xc: {  	s4 =	sadd.s32 $0x11A00, s0;
	s5 =	sadd.s32 $0x12A00, s0;
	[tilespmem:$0x90] =	vst v1;
	(pc) =	sbr.rel .LBB2_1-.Ltmp0, $4  }
0xd: {  	s8 =	sshll.u32 s26, $0xB;
	s10 =	sshll.u32 s26, $0x1;
	[tilespmem:$0xA0] =	vst v1;
	[sflag:s2] =	ssyncpa.u1 $0x0  }
0xe: {  	s12 =	sshllo.u32 s26, $0x1;
	s26 =	simm.s32 $0x80;
	[sflag:s6] =	ssyncpa.u1 $0x0  }
0xf: {  	vm0 =	vmmov $0xffff;
	v2 =	vlaneseq.u32;
	s9 =	sadd.s32 $0x800, s8;
	s11 =	sor.u32 $0x81, s10;
	[sflag:s7] =	ssyncpa.u1 $0x0  }
0x10: {  	vm1 =	vmxor vm1, vm1;
	vm2 =	vmmov $0x1;
	vm3 =	vcmask $0x3F3C;
	s13 =	sor.u32 $0x80, s10;
	s28 =	smov.u32 s8;
	[sflag:s31] =	ssyncpa.u1 $0x0  }
.LBB2_3:
0x11: {  	s0 =	sshrl.u32 s28, $0x3  }
0x12: {  	s2 =	sand.u32 $0x7, s28;
	s0 =	sadd.s32 s4, s0  }
0x13: {  	[tilespmem:s15], [sflag:$0x7] =	stream.linear.gather [hbm4b:s0+s2], $0x800, $0x38;
	[tilespmem:$0x4920] =	vst v63  }
.LBB2_4:
0x14: {  	s0 =	sadd.s32 $0x800, s28  }
0x15: {  	s2 =	smov.u32 s8;
	s29 =	sadd.s32 $0x1, s29;
	p0 =	slt.s32 s0, s9  }
0x16: {  	s2 =	smov.u32 @p0 s0;
	p0 =	sne.s32 s29, $0x4  }
.Ltmp1:
0x17: {  	_ = 	snop;
	(pc) =	sbr.rel @!p0 .LBB2_13-.Ltmp1, $2  }
0x18: {  	_ =	sdelay $0x2  }
0x19: {  	s30 =	smov.u32 s28;
	s28 =	smov.u32 s2  }
.LBB2_1:
0x1a: {  	p0 =	sgt.s32 s29, $0x1  }
.Ltmp2:
0x1b: {  	_ = 	snop;
	(pc) =	sbr.rel @p0 .LBB2_11-.Ltmp2, $1  }
0x1c: {  	_ =	sdelay $0x3  }
0x1d: {  	p0 =	seq.s32 s29, $0x0  }
.Ltmp3:
0x1e: {  	_ = 	snop;
	(pc) =	sbr.rel @p0 .LBB2_3-.Ltmp3, $1  }
0x1f: {  	_ =	sdelay $0x3  }
0x20: {  	_ =	swait.ge [sflag:s6], $0x800  }
0x21: {  	[sflag:s6] =	ssyncset.done $0x0  }
0x22: {  	[sflag:s6] =	ssyncadd.s32 $0xFFFFF800;
	(ifvalue) =	ssetifvalue $0xFFFFFFFF;
	v3 =	vld.msk [tilespmem:s15+$0x0 ss:$0x1], $0xffff;
	_ =	sdelay $0x4  }
0x23: {  	v4 =	vperm.xlane v3, v1  }
0x24: {  	vm4 =	vlt.u32 v3, $0x400000  }
0x25: {  	v3 =	vnsel vm4, $0xFFFFFFFE, v3;
	vm4 =	vlt.u32 v4, $0x400000  }
0x26: {  	[tilespmem:$0x70] =	vst v3;
	v3 =	vnsel vm4, $0xFFFFFFFE, v4  }
0x27: {  	s17 =	simm.s32 $0x8F0;
	[tilespmem:$0x80] =	vst v3  }
0x28: {  	v3 =	vld.msk [tilespmem:s17+$0x0 ss:$0x1], $0xffff;
	_ =	sdelay $0x4  }
0x29: {  	(xrf1) =	vunique.msk.u32 $0xffff, v3;
	_ =	sdelay $0xd  }
0x2a: {  	v4 =	vimm.s32 $0xFFFFFFFF;
	v5, _, _ =	vpop (xrf1)  }
0x2b: {  	vm5 =	vne.s32 v3, v4;
	vm4 =	veq.s32 v5, v2  }
0x2c: {  	vm6 =	vlt.u32 v3, $0x400000;
	vm4 =	vmand vm5, vm4  }
0x2d: {  	vm4 =	vmand vm6, vm4  }
0x2e: {  	v4 =	vnsel vm4, $0xFFFFFFFF, v3;
	_ =	sdelay $0x3  }
0x2f: {  	s0 =	simm.s32 $0x20F0;
	(ifvalue) =	ssetifvalue $0xFFFFFFFF  }
0x30: {  	v3 =	vperm.xlane v3, v1;
	[tilespmem:s0], [sflag:$0x8] =	stream.indirect_vreg.gather [hbm4b:s1+s14], $0x1, v4, vm0, $0x4038;
	v4 =	vnsel vm6, $0xFFFFFFFE, v4;
	[tilespmem:$0x4920] =	vst v63  }
0x31: {  	s2 =	simm.s32 $0x0;
	s16 =	simm.s32 $0x8E0;
	[tilespmem:s17+$0x0] =	vst v4  }
.LBB2_6:
0x32: {  	v4 =	vld.msk [tilespmem:s16+$0x0 ss:$0x1], $0xffff;
	s2 =	sadd.s32 $0x10, s2;
	v5 =	vmov v3;
	s17 =	smov.u32 s16  }
0x33: {  	p0 =	slt.u32 s2, $0x7F0;
	_ =	sdelay $0x4  }
0x34: {  	v3 =	vperm.xlane v4, v1;
	(xrf1) =	vunique.msk.u32 $0xffff, v4;
	_ =	sdelay $0xd  }
0x35: {  	v6, _, _ =	vpop (xrf1)  }
0x36: {  	vm5 =	vne.s32 v4, v5;
	vm4 =	veq.s32 v6, v2  }
0x37: {  	vm6 =	vlt.u32 v4, $0x400000;
	vm4 =	vmand vm5, vm4  }
0x38: {  	vm4 =	vmand vm6, vm4  }
0x39: {  	v4 =	vnsel vm4, $0xFFFFFFFF, v4  }
.Ltmp4:
0x3a: {  	v5 =	vnsel vm6, $0xFFFFFFFE, v4;
	(pc) =	sbr.rel @p0 .LBB2_6-.Ltmp4, $3  }
0x3b: {  	_ =	sdelay $0x1  }
0x3c: {  	s16 =	sadd.s32 $0xFFFFFFF0, s16;
	s0 =	sadd.s32 $0xFFFFFFF0, s0;
	(ifvalue) =	ssetifvalue $0xFFFFFFFF  }
0x3d: {  	[tilespmem:s0], [sflag:$0x8] =	stream.indirect_vreg.gather [hbm4b:s1+s14], $0x1, v4, vm0, $0x4038;
	[tilespmem:s17+$0x0] =	vst v5  }
.Ltmp5:
0x3e: {  	(pc) =	sbr.rel .LBB2_4-.Ltmp5, $4  }
0x3f: {  	_ = 	snop  }
0x40: {  	s0 =	sshrl.u32 s30, $0x3  }
0x41: {  	s2 =	simm.s32 $0x2900;
	s0 =	sadd.s32 s5, s0  }
0x42: {  	[tilespmem:s2], [sflag:$0x8] =	stream.linear.gather [hbm:s0], $0x800, $0x38;
	[tilespmem:$0x4920] =	vst v63  }
.LBB2_11:
0x43: {  	p0 =	seq.s32 s29, $0x2  }
.Ltmp6:
0x44: {  	_ = 	snop;
	(pc) =	sbr.rel @!p0 .LBB2_12-.Ltmp6, $1  }
0x45: {  	_ =	sdelay $0x3  }
0x46: {  	_ =	swait.ge [sflag:s7], $0x1000  }
0x47: {  	[sflag:s7] =	ssyncset.done $0x0  }
0x48: {  	s0 =	simm.s32 $0x8FF;
	[sflag:s7] =	ssyncadd.s32 $0xFFFFF000  }
0x49: {  	[spmem:s11] =	stream.linear.scatter [tilespmem:s0], [sflag:$0x1], $0x1, $0x38;
	[tilespmem:$0x4920] =	vst v63  }
0x4a: {  	_ =	swait.ge [sflag:s3], $0x1  }
0x4b: {  	[sflag:s3] =	ssyncset.done $0x0  }
0x4c: {  	[sflag:s3] =	ssyncadd.s32 $0xFFFFFFFF  }
0x4d: {  	v4 =	vld [tilespmem:$0x10]  }
0x4e: {  	v5 =	vld [tilespmem:$0x70]  }
0x4f: {  	v3 =	vld [tilespmem:$0x80];
	_ =	sdelay $0x2  }
0x50: {  	(v2sf) =	vpush v4, $0x0  }
0x51: {  	(v2sf) =	vpush v5, $0x0  }
0x52: {  	(v2sf) =	vpush v3, $0x0;
	_ =	sdelay $0xc  }
0x53: {  	s18 =	spop (v2sf)  }
0x54: {  	s2 =	spop (v2sf)  }
0x55: {  	s30 =	spop (v2sf)  }
0x56: {  	p0 =	seq.s32 s18, s2;
	p1 =	seq.s32 s30, s18  }
0x57: {  	p1 =	por p0, p1  }
0x58: {  	s2 =	simm.s32 $0x10;
	v4 =	vpsel p1, $0xFFFFFFFF, v4  }
0x59: {  	[tilespmem:s2+$0x0] =	vst.msk $0x1, v4  }
0x5a: {  	v4 =	vld [tilespmem:$0x30]  }
0x5b: {  	v5 =	vld [tilespmem:$0x2900]  }
0x5c: {  	v6 =	vld [tilespmem:$0x40];
	_ =	sdelay $0x3  }
0x5d: {  	vm4 =	vmmov vm1;
	vm6 =	vmmov vm2;
	vm5 =	vgt.s32 v4, v5  }
0x5e: {  	s16 =	simm.s32 $0x2900;
	vm4 =	vmmov @p0 vm2;
	v5 =	vsel vm5, v4, v5;
	vm5 =	vgt.s32 v4, v6  }
0x5f: {  	vm6 =	vmmov @p1 vm1;
	v4 =	vsel vm5, v4, v6;
	[tilespmem:s16+$0x0] =	vst.msk vm4, v5  }
0x60: {  	[tilespmem:s19+$0x0] =	vst.msk vm6, v4  }
0x61: {  	v4 =	vld [tilespmem:$0x20F0];
	_ =	sdelay $0x4  }
0x62: {  	v4 =	vshift.insert v4, v1, s20;
	_ =	sdelay $0x1  }
0x63: {  	v5 =	vimm.s32 $0x80000000;
	[tilespmem:s21+$0x0] =	vst.msk $0x1, v4  }
0x64: {  	[tilespmem:s22+$0x0] =	vst.msk $0x1, v5  }
0x65: {  	v4 =	vld [tilespmem:$0x8F0];
	_ =	sdelay $0x4  }
0x66: {  	v4 =	vshift.insert v4, v1, s20;
	_ =	sdelay $0x1  }
0x67: {  	[tilespmem:s23+$0x0] =	vst.msk $0x1, v4  }
0x68: {  	v6 =	vld [tilespmem:s16+$0x0]  }
0x69: {  	s17 =	simm.s32 $0x100  }
0x6a: {  	v7 =	vld [tilespmem:s17+$0x0];
	_ =	sdelay $0x2  }
0x6b: {  	vm4 =	vgt.s32 v6, v5  }
0x6c: {  	v5 =	vsel vm4, v6, v5  }
0x6d: {  	vm4 =	vne.s32 v7, $0xFFFFFFFF;
	v5 =	vxor.u32 $0x80000000, v5  }
0x6e: {  	(xrf0) =	vmax.seg.scan.u32 vm4, v5  }
0x6f: {  	s18 =	simm.s32 $0x1900  }
0x70: {  	v8 =	vld [tilespmem:s18+$0x0]  }
0x71: {  	v6 =	vld [tilespmem:$0xA0];
	_ =	sdelay $0x2  }
0x72: {  	v5 =	vperm.xlane v4, v1;
	v9, _, _ =	vpop (xrf0)  }
0x73: {  	vm6 =	veq.s32 v7, v3;
	v9 =	vxor.u32 $0x80000000, v9  }
0x74: {  	vm8 =	veq.s32 v7, v5;
	vm5 =	veq.s32 v6, $0x1;
	vm7 =	vgt.s32 v9, v8  }
0x75: {  	vm8 =	vmor vm8, vm6;
	v6 =	vsel vm7, v9, v8;
	vm7 =	vgt.u32 v7, $0xFFFFFFFD  }
0x76: {  	v10 =	vld [tilespmem:$0x90];
	vm9 =	vmand vm4, vm3;
	vm4 =	vmor vm5, vm6;
	vm5 =	vmor vm8, vm7  }
0x77: {  	v8 =	vsel vm5, $0xFFFFFFFF, v7;
	_ =	sdelay $0x1  }
0x78: {  	s31 =	simm.s32 $0x3900  }
0x79: {  	s0 =	simm.s32 $0x0;
	s2 =	simm.s32 $0x2910;
	s16 =	simm.s32 $0x110;
	v11 =	vsel vm9, $0x80000000, v9;
	v6 =	vsel vm6, v9, v6  }
0x7a: {  	s17 =	simm.s32 $0x3910;
	s18 =	simm.s32 $0x1910;
	[tilespmem:s31+$0x0] =	vst v6;
	v6 =	vsel vm6, v9, v10;
	v7 =	vshift.insert v11, v0, s20;
	(ifvalue) =	ssetifvalue $0xFFFFFFFF  }
.LBB2_9:
0x7b: {  	[hbm4b:s1+s14] =	stream.indirect_vreg.scatter [tilespmem:s31], [sflag:$0x2], $0x1, v8, vm0, $0x4038;
	[tilespmem:$0x4920] =	vst v63  }
0x7c: {  	s0 =	sadd.s32 $0x10, s0;
	s31 =	smov.u32 s17;
	v8 =	vld [tilespmem:s2+$0x0]  }
0x7d: {  	p0 =	slt.u32 s0, $0x7F0  }
0x7e: {  	v9 =	vld [tilespmem:s16+$0x0];
	_ =	sdelay $0x2  }
0x7f: {  	vm5 =	vgt.s32 v8, v7  }
0x80: {  	v7 =	vsel vm5, v8, v7  }
0x81: {  	vm5 =	vne.s32 v9, $0xFFFFFFFF;
	v7 =	vxor.u32 $0x80000000, v7  }
0x82: {  	(xrf0) =	vmax.seg.scan.u32 vm5, v7;
	_ =	sdelay $0x2  }
0x83: {  	v7 =	vld [tilespmem:s18+$0x0];
	_ =	sdelay $0x1  }
0x84: {  	vm6 =	veq.s32 v9, v3;
	vm7 =	veq.s32 v9, v5  }
0x85: {  	vm8 =	vgt.u32 v9, $0xFFFFFFFD;
	vm4 =	vmor vm4, vm6;
	vm7 =	vmor vm7, vm6;
	v8, _, _ =	vpop (xrf0)  }
0x86: {  	vm5 =	vmand vm5, vm3;
	vm7 =	vmor vm7, vm8;
	v10 =	vxor.u32 $0x80000000, v8  }
.Ltmp7:
0x87: {  	v8 =	vsel vm7, $0xFFFFFFFF, v9;
	vm7 =	vgt.s32 v10, v7;
	v9 =	vsel vm5, $0x80000000, v10;
	(pc) =	sbr.rel @p0 .LBB2_9-.Ltmp7, $4  }
0x88: {  	v6 =	vsel vm6, v10, v6;
	v11 =	vsel vm7, v10, v7;
	v7 =	vshift.insert v9, v0, s20  }
0x89: {  	v9 =	vsel vm6, v10, v11  }
0x8a: {  	s2 =	sadd.s32 $0x10, s2;
	s16 =	sadd.s32 $0x10, s16;
	[tilespmem:s17+$0x0] =	vst v9  }
0x8b: {  	s18 =	sadd.s32 $0x10, s18;
	s17 =	sadd.s32 $0x10, s17;
	(ifvalue) =	ssetifvalue $0xFFFFFFFF  }
0x8c: {  	_ =	sdelay $0x3  }
0x8d: {  	[hbm4b:s1+s14] =	stream.indirect_vreg.scatter [tilespmem:s31], [sflag:$0x2], $0x1, v8, vm0, $0x4038;
	[tilespmem:$0x4920] =	vst v63  }
0x8e: {  	v3 =	vld [tilespmem:$0x40F0];
	_ =	sdelay $0x4  }
0x8f: {  	v3 =	vshift.insert v3, v1, s20;
	_ =	sdelay $0x1  }
0x90: {  	[tilespmem:s24+$0x0] =	vst.msk $0x1, v3  }
0x91: {  	v3 =	vsel vm4, $0x1, v1;
	[tilespmem:$0x90] =	vst v6  }
0x92: {  	[tilespmem:$0xA0] =	vst v3  }
0x93: {  	[spmem:s12] =	stream.linear.scatter [tilespmem:s25], [sflag:$0x1], $0x1, $0x38;
	[tilespmem:$0x4920] =	vst v63  }
0x94: {  	v3 =	vmctz.xlane vm4;
	_ =	swait.ge [sflag:s3], $0x1  }
0x95: {  	(v2sf) =	vpush v4, $0x0  }
0x96: {  	(v2sf) =	vpush v3, $0x0;
	_ =	sdelay $0xd  }
0x97: {  	s0 =	spop (v2sf)  }
0x98: {  	s2 =	spop (v2sf)  }
0x99: {  	[sflag:s3] =	ssyncset.done $0x0;
	p0 =	sne.s32 s30, s0;
	p1 =	slt.s32 s2, $0xF  }
0x9a: {  	[sflag:s3] =	ssyncadd.s32 $0xFFFFFFFF;
	v3 =	vimm.s32 @!p0 $0xFFFFFFFF;
	s2 =	simm.s32 @!p1 $0xF  }
0x9b: {  	[tilespmem:$0x80] =	vst @!p0 v3;
	s31 =	sadd.s32 $0x90, s2  }
0x9c: {  	[spmem:s10] =	stream.linear.scatter [tilespmem:s31], [sflag:$0x1], $0x1, $0x38;
	[tilespmem:$0x4920] =	vst v63  }
0x9d: {  	_ =	swait.ge [sflag:s3], $0x1  }
0x9e: {  	[sflag:s3] =	ssyncset.done $0x0  }
0x9f: {  	[sflag:s3] =	ssyncadd.s32 $0xFFFFFFFF  }
0xa0: {  	[spmem:s13] =	stream.linear.scatter [tilespmem:s26], [sflag:$0x1], $0x1, $0x38;
	[tilespmem:$0x4920] =	vst v63  }
0xa1: {  	_ =	swait.ge [sflag:s3], $0x1  }
0xa2: {  	[sflag:s3] =	ssyncset.done $0x0  }
0xa3: {  	[sflag:s3] =	ssyncadd.s32 $0xFFFFFFFF;
	(ifvalue) =	ssetifvalue $0xFFFFFFFF;
	v3 =	vld [tilespmem:$0x10];
	_ =	sdelay $0x3  }
.Ltmp8:
0xa4: {  	_ = 	snop;
	(pc) =	sbr.rel .LBB2_4-.Ltmp8, $3  }
0xa5: {  	_ =	sdelay $0x1  }
0xa6: {  	(ifvalue) =	ssetifvalue $0xFFFFFFFF  }
0xa7: {  	[hbm4b:s1+s14] =	stream.indirect_vreg.scatter [tilespmem:s19], [sflag:$0x9], $0x1, v3, vm0, $0x4038;
	[tilespmem:$0x4920] =	vst v63  }
.LBB2_12:
0xa8: {  	s0 =	simm.s32 $0x2  }
0xa9: {  	_ =	swait.ge [sflag:s0], $0x800  }
0xaa: {  	[sflag:s0] =	ssyncset.done $0x0  }
0xab: {  	s31 =	simm.s32 $0x9;
	[sflag:s0] =	ssyncadd.s32 $0xFFFFF800  }
0xac: {  	_ =	swait.ge [sflag:s31], $0x10  }
0xad: {  	[sflag:s31] =	ssyncset.done $0x0  }
0xae: {  	[sflag:s31] =	ssyncadd.s32 $0xFFFFFFF0  }
.LBB2_13:
0xaf: {  	_ =	sfence.sel $0x180000  }
0xb0: {  	s0 =	simm.s32 $0x7;
	[bflag:$0x0] =	sbarrier.arrive $0xFFFF  }
0xb1: {  	s26 =	simm.s32 $0x8;
	[sflag:s0] =	ssyncpa.u1 $0x1  }
0xb2: {  	s28 =	simm.s32 $0x9;
	[sflag:s26] =	ssyncpa.u1 $0x1  }
0xb3: {  	[sflag:s28] =	ssyncpa.u1 $0x1  }
0xb4: {  	_ =	sfence.stream.spmem  }
0xb5: {  	s29 =	simm.s32 $0x3;
	[bflag:$0x0] =	sbarrier.arrive $0xFFFF  }
0xb6: {  	s30 =	simm.s32 $0x4;
	[sflag:s29] =	ssyncpa.u1 $0x1  }
0xb7: {  	s31 =	simm.s32 $0x3C;
	s2 =	stileid.u32;
	[sflag:s30] =	ssyncpa.u1 $0x1  }
0xb8: {  	p0 =	sne.s32 s2, $0x0;
	[sflag:s31] =	ssyncpa.u1 $0x1  }
0xb9: {  	s0 =	simm.s32 @p0 $0x1;
	_ =	sfence @p0  }
0xba: {  	[sflag:s0] =	ssyncpa.u1 @p0 $0x1;
	s0 =	simm.s32 @p0 $0x2  }
0xbb: {  	[sflag:s0] =	ssyncpa.u1 @p0 $0x1  }
0xbc: {  	_ =	strace @p0 $0x90000047  }
0xbd: {  	[bflag:$0x2] =	sbarrier.arrive @p0 $0xFFFF  }
0xbe: {  	_ =	shalt @p0  }
.LBB2_14:
0xbf: {  	_ =	sfence.stream.spmem;
	s0 =	simm.s32 $0x5  }
0xc0: {  	s2 =	simm.s32 $0x80;
	s3 =	simm.s32 $0xC0;
	[sflag:s0] =	ssyncpa.u1 $0x0  }
0xc1: {  	[tilespmem:s3], [sflag:$0x5] =	stream.linear.gather [spmem:s2], $0x20, $0x38;
	[tilespmem:$0x4920] =	vst v63  }
0xc2: {  	s30 =	simm.s32 $0xE0;
	s2 =	simm.s32 $0x0  }
0xc3: {  	[tilespmem:s30], [sflag:$0x5] =	stream.linear.gather [spmem:s2], $0x20, $0x38;
	[tilespmem:$0x4920] =	vst v63  }
.Ltmp9:
0xc4: {  	_ = 	snop;
	(pc) =	sbr.rel .LBB2_15-.Ltmp9, $4  }
0xc5: {  	_ =	swait.ge [sflag:s0], $0x40  }
0xc6: {  	[sflag:s0] =	ssyncset.done $0x0  }
0xc7: {  	s31 =	simm.s32 $0x6;
	[sflag:s0] =	ssyncadd.s32 $0xFFFFFFC0  }
0xc8: {  	s3 =	simm.s32 $0x0;
	[sflag:s31] =	ssyncpa.u1 $0x0  }
.LBB2_20:
0xc9: {  	p0 =	sgt.u32 s4, $0x3FFFFF  }
0xca: {  	s0 =	sshrl.u32 @!p0 s4, $0x3  }
0xcb: {  	s4 =	sand.u32 @!p0 $0x7, s4;
	s5 =	simm.s32 @!p0 $0xB0;
	s0 =	sadd.s32 @!p0 s1, s0  }
0xcc: {  	[tilespmem:s5], [sflag:$0x6] =	stream.linear.gather @!p0 [hbm4b:s0+s4], $0x1, $0x38;
	[tilespmem:$0x4920] =	vst v63  }
0xcd: {  	s0 =	simm.s32 @!p0 $0x6  }
0xce: {  	_ =	swait.ge @!p0 [sflag:s0], $0x1  }
0xcf: {  	[sflag:s0] =	ssyncset.done @!p0 $0x0  }
0xd0: {  	[sflag:s0] =	ssyncadd.s32 @!p0 $0xFFFFFFFF  }
0xd1: {  	v1 =	vld.msk @!p0 [tilespmem:$0xB0], $0x1  }
0xd2: {  	v2 =	vld.msk @!p0 [tilespmem:s3+$0xE0], $0x1;
	_ =	sdelay $0x4  }
0xd3: {  	vm0 =	vgt.s32 @!p0 v2, v1  }
0xd4: {  	v1 =	vsel @!p0 vm0, v2, v1  }
0xd5: {  	[tilespmem:s3+$0xE0] =	vst.msk @!p0 $0x1, v1  }
0xd6: {  	[tilespmem:s2+$0xC0] =	vst.msk $0x1, v0  }
0xd7: {  	v0 =	vld.msk [tilespmem:s3+$0xE0], $0x1;
	_ =	sdelay $0x4  }
0xd8: {  	[tilespmem:s2+$0xE0] =	vst.msk $0x1, v0;
	s2 =	sadd.s32 $0x1, s2  }
.LBB2_22:
0xd9: {  	s3 =	sadd.s32 $0x1, s3  }
0xda: {  	p0 =	sne.s32 s3, $0x20  }
.Ltmp10:
0xdb: {  	_ = 	snop;
	(pc) =	sbr.rel @!p0 .LBB2_23-.Ltmp10, $1  }
0xdc: {  	_ =	sdelay $0x3  }
.LBB2_15:
0xdd: {  	v0 =	vld.msk [tilespmem:s3+$0xC0], $0x1;
	_ =	sdelay $0x4  }
0xde: {  	(v2sf) =	vpush v0, $0x0;
	_ =	sdelay $0xe  }
0xdf: {  	s4 =	spop (v2sf)  }
0xe0: {  	p0 =	seq.s32 s4, $0xFFFFFFFF  }
.Ltmp11:
0xe1: {  	_ = 	snop;
	(pc) =	sbr.rel @p0 .LBB2_22-.Ltmp11, $1  }
0xe2: {  	_ =	sdelay $0x3  }
0xe3: {  	p0 =	slt.s32 s2, $0x1  }
.Ltmp12:
0xe4: {  	_ = 	snop;
	(pc) =	sbr.rel @p0 .LBB2_20-.Ltmp12, $1  }
0xe5: {  	_ =	sdelay $0x3  }
0xe6: {  	s0 =	simm.s32 $0xC0;
	p0 =	por $0x0, $0x0  }
0xe7: {  	v1 =	vld.msk @!p0 [tilespmem:s0+$0x0], $0x1;
	_ =	sdelay $0x4  }
0xe8: {  	(v2sf) =	vpush @!p0 v1, $0x0;
	_ =	sdelay $0xd  }
0xe9: {  	p2 =	sne.s32 s2, $0x1  }
.Ltmp13:
0xea: {  	s5 =	spop @!p0 (v2sf);
	(pc) =	sbr.rel @!p2 .LBB2_19-.Ltmp13, $4  }
0xeb: {  	p1 =	seq.s32 @!p0 s4, s5  }
0xec: {  	s5 =	simm.s32 $0x0;
	p1 =	por !p1, p0  }
0xed: {  	s7 =	simm.s32 $0xFFFFFFFF;
	s5 =	simm.s32 @p1 $0xFFFFFFFF  }
0xee: {  	s6 =	simm.s32 $0x1;
	s5 =	smov.u32 @p0 s7  }
.LBB2_18:
0xef: {  	s7 =	smov.u32 s5;
	p0 =	sne.s32 s5, $0xFFFFFFFF  }
0xf0: {  	s0 =	sadd.s32 $0x1, s0;
	s5 =	smov.u32 s6;
	s6 =	sadd.s32 $0x1, s6  }
0xf1: {  	p1 =	sne.s32 s2, s6;
	v1 =	vld.msk @!p0 [tilespmem:s0+$0x0], $0x1;
	_ =	sdelay $0x4  }
0xf2: {  	(v2sf) =	vpush @!p0 v1, $0x0;
	_ =	sdelay $0xe  }
.Ltmp14:
0xf3: {  	s8 =	spop @!p0 (v2sf);
	(pc) =	sbr.rel @p1 .LBB2_18-.Ltmp14, $4  }
0xf4: {  	p2 =	seq.s32 @!p0 s4, s8  }
0xf5: {  	p2 =	por !p2, p0  }
0xf6: {  	s5 =	simm.s32 @p2 $0xFFFFFFFF  }
0xf7: {  	s5 =	smov.u32 @p0 s7  }
.LBB2_19:
0xf8: {  	p0 =	sne.s32 s5, $0xFFFFFFFF  }
.Ltmp15:
0xf9: {  	_ = 	snop;
	(pc) =	sbr.rel @!p0 .LBB2_20-.Ltmp15, $1  }
0xfa: {  	_ =	sdelay $0x3  }
0xfb: {  	v0 =	vld.msk [tilespmem:s3+$0xE0], $0x1  }
0xfc: {  	v1 =	vld.msk [tilespmem:s5+$0xE0], $0x1;
	_ =	sdelay $0x2  }
.Ltmp16:
0xfd: {  	_ = 	snop;
	(pc) =	sbr.rel .LBB2_22-.Ltmp16, $4  }
0xfe: {  	_ = 	snop  }
0xff: {  	vm0 =	vgt.s32 v1, v0  }
0x100: {  	v0 =	vsel vm0, v1, v0  }
0x101: {  	[tilespmem:s5+$0xE0] =	vst.msk $0x1, v0  }
.LBB2_23:
0x102: {  	p0 =	slt.s32 s2, $0x1  }
.Ltmp17:
0x103: {  	_ = 	snop;
	(pc) =	sbr.rel @p0 .LBB2_27-.Ltmp17, $3  }
0x104: {  	_ =	sdelay $0x1  }
0x105: {  	s0 =	simm.s32 $0x6  }
0x106: {  	[sflag:s0] =	ssyncpa.u1 $0x1;
	s0 =	simm.s32 $0x0  }
0x107: {  	s3 =	simm.s32 $0xC0  }
0x108: {  	v0 =	vld.msk [tilespmem:s3+$0x0], $0x1;
	_ =	sdelay $0x4  }
0x109: {  	(v2sf) =	vpush v0, $0x0;
	_ =	sdelay $0xe  }
0x10a: {  	s2 =	sadd.s32 $0xFFFFFFFF, s2;
	s4 =	spop (v2sf)  }
0x10b: {  	p1 =	sne.s32 s2, $0x0;
	p0 =	sgt.u32 s4, $0x3FFFFF  }
.Ltmp18:
0x10c: {  	s5 =	sshrl.u32 @!p0 s4, $0x3;
	(pc) =	sbr.rel @!p1 .LBB2_26-.Ltmp18, $4  }
0x10d: {  	s3 =	simm.s32 $0xE0;
	s4 =	sand.u32 @!p0 $0x7, s4;
	s5 =	sadd.s32 @!p0 s1, s5  }
0x10e: {  	[hbm4b:s5+s4] =	stream.linear.scatter @!p0 [tilespmem:s3], [sflag:$0x5], $0x1, $0x38;
	[tilespmem:$0x4920] =	vst v63  }
0x10f: {  	s5 =	simm.s32 $0x0  }
0x110: {  	s4 =	simm.s32 $0xC1;
	s5 =	simm.s32 @!p0 $0x4  }
.LBB2_25:
0x111: {  	v0 =	vld.msk [tilespmem:s4+$0x0], $0x1;
	s2 =	sadd.s32 $0xFFFFFFFF, s2;
	s0 =	sadd.s32 s0, s5  }
0x112: {  	p0 =	sne.s32 s2, $0x0;
	_ =	sdelay $0x3  }
0x113: {  	(v2sf) =	vpush v0, $0x0;
	_ =	sdelay $0xe  }
.Ltmp19:
0x114: {  	s6 =	spop (v2sf);
	(pc) =	sbr.rel @p0 .LBB2_25-.Ltmp19, $4  }
0x115: {  	s5 =	simm.s32 $0x0;
	p1 =	sgt.u32 s6, $0x3FFFFF  }
0x116: {  	s3 =	sadd.s32 $0x1, s3;
	s5 =	simm.s32 @!p1 $0x4;
	s7 =	sshrl.u32 @!p1 s6, $0x3  }
0x117: {  	s4 =	sadd.s32 $0x1, s4;
	s6 =	sand.u32 @!p1 $0x7, s6;
	s7 =	sadd.s32 @!p1 s1, s7  }
0x118: {  	[hbm4b:s7+s6] =	stream.linear.scatter @!p1 [tilespmem:s3], [sflag:$0x5], $0x1, $0x38;
	[tilespmem:$0x4920] =	vst v63  }
.LBB2_26:
0x119: {  	s0 =	sadd.s32 s0, s5  }
0x11a: {  	s0 =	sshrl.u32 s0, $0x2  }
.LBB2_27:
0x11b: {  	s1 =	simm.s32 $0x5  }
0x11c: {  	_ =	swait.ge [sflag:s1], s0  }
0x11d: {  	s28 =	ssub.s32 $0x0, s0;
	[sflag:s1] =	ssyncset.done $0x0  }
0x11e: {  	[sflag:s1] =	ssyncadd.s32 s28  }
0x11f: {  	[sflag:s1] =	ssyncpa.u1 $0x1  }
0x120: {  	s29 =	simm.s32 $0x1;
	_ =	sfence  }
0x121: {  	s30 =	simm.s32 $0x2;
	[sflag:s29] =	ssyncpa.u1 $0x1  }
0x122: {  	[sflag:s30] =	ssyncpa.u1 $0x1  }
0x123: {  	_ =	strace $0x90000047  }
0x124: {  	[bflag:$0x2] =	sbarrier.arrive $0xFFFF  }
0x125: {  	s31 =	rddreg [dreg:$0x1]  }
0x126: {  	s0 =	sadd.s32 $0x100000, s31  }
0x127: {  	[sflag:s0] =	ssyncadd.tile.s32 $0x1;
	_ =	shalt  }
.Lfunc_end2:
_tile_overlayer_lowered:
.L_overlay_start_2:
0x128: {  	(tag) =	ssettag $0x2  }
0x129: {  	s0 =	rddreg [dreg:$0x0];
	s2 =	stileid.u32  }
0x12a: {  	s1 =	rddreg [dreg:$0x1];
	p0 =	sne.s32 s2, $0x0  }
0x12b: {  	s3 =	rddreg [dreg:$0x2];
	[bflag:$0x3] =	sbarrier.arrive $0xFFFF;
	s2 =	simm.s32 @!p0 $0x1C01  }
0x12c: {  	[timem:s3], [sflag:s2] =	dma.local @!p0 [hbm:s0], s1  }
0x12d: {  	s0 =	simm.s32 @!p0 $0x1  }
0x12e: {  	_ =	swait.ge @!p0 [sflag:s0], s1  }
0x12f: {  	s1 =	ssub.s32 @!p0 $0x0, s1;
	[sflag:s0] =	ssyncset.done @!p0 $0x0  }
0x130: {  	[sflag:s0] =	ssyncadd.s32 @!p0 s1  }
0x131: {  	[bflag:$0x3] =	sbarrier.arrive $0xFFFF  }
0x132: {  	_ =	shalt  }

</sc_bundles>
